<compile_context>
chip_gen: v7x
topology: tpu7x:2x2x1
jax: 0.10.2.dev20260603
libtpu: 0.0.44.dev20260713+nightly
codegen_flags: <defaults>
</compile_context>

<pallas_src>
import jax
import jax.numpy as jnp
from jax import lax
from jax.experimental import pallas as pl
from jax.experimental.pallas import tpu as pltpu
from jax.experimental.pallas import tpu_sc as plsc

K = 8
B = 100000
PROJ_DIM = 32
EMB_DIM = 32
HIDDEN = 128
BATCH = 16384

NC = 2
NS = 16
NW = NC * NS
L = 16
HB = 8192
UNROLL = 8


def _sc_gather_sum(tab_hbm, bkt_hbm, zt_hbm, v_ref, bidx_v, z_v, sem):
    c = lax.axis_index("c")
    s = lax.axis_index("s")
    j = s * NC + c

    for k in range(K):
        pltpu.sync_copy(tab_hbm.at[k, j], v_ref)
        for h in range(BATCH // HB):
            pltpu.sync_copy(bkt_hbm.at[k, pl.ds(h * HB, HB)], bidx_v)

            def gather_body(g0, _, k=k, h=h):
                for u in range(UNROLL):
                    g = g0 * UNROLL + u
                    idx = bidx_v[pl.ds(g * L, L)]
                    vals = plsc.load_gather(v_ref, [idx])
                    zsl = pl.ds(h * HB + g * L, L)
                    if k == 0:
                        z_v[zsl] = vals
                    else:
                        z_v[zsl] = z_v[zsl] + vals
                return 0

            lax.fori_loop(0, HB // L // UNROLL, gather_body, 0)

    pltpu.sync_copy(z_v, zt_hbm.at[j])


@jax.jit
def _gather_sum(tables_t, buckets_t):
    mesh = plsc.VectorSubcoreMesh(
        core_axis_name="c", subcore_axis_name="s", num_cores=NC, num_subcores=NS
    )
    return pl.kernel(
        _sc_gather_sum,
        out_type=jax.ShapeDtypeStruct((PROJ_DIM, BATCH), jnp.float32),
        mesh=mesh,
        scratch_types=[
            pltpu.VMEM((B,), jnp.float32),
            pltpu.VMEM((HB,), jnp.int32),
            pltpu.VMEM((BATCH,), jnp.float32),
            pltpu.SemaphoreType.DMA,
        ],
        compiler_params=pltpu.CompilerParams(
            use_tc_tiling_on_sc=True, needs_layout_passes=False
        ),
    )(tables_t, buckets_t)


TB = 2048


def _mlp_body(zt_ref, w1_ref, b1_ref, w2_ref, b2_ref, o_ref):
    h = lax.dot_general(
        zt_ref[...], w1_ref[...], (((0,), (0,)), ((), ())),
        preferred_element_type=jnp.float32,
    )
    h = jnp.maximum(h + b1_ref[...], 0.0)
    o = jnp.dot(h, w2_ref[...], preferred_element_type=jnp.float32)
    o_ref[...] = o + b2_ref[...]


@jax.jit
def _mlp(zt, W1, b1, W2, b2):
    return pl.pallas_call(
        _mlp_body,
        grid=(BATCH // TB,),
        in_specs=[
            pl.BlockSpec((PROJ_DIM, TB), lambda i: (0, i)),
            pl.BlockSpec((PROJ_DIM, HIDDEN), lambda i: (0, 0)),
            pl.BlockSpec((1, HIDDEN), lambda i: (0, 0)),
            pl.BlockSpec((HIDDEN, EMB_DIM), lambda i: (0, 0)),
            pl.BlockSpec((1, EMB_DIM), lambda i: (0, 0)),
        ],
        out_specs=pl.BlockSpec((TB, EMB_DIM), lambda i: (i, 0)),
        out_shape=jax.ShapeDtypeStruct((BATCH, EMB_DIM), jnp.float32),
    )(zt, W1, b1.reshape(1, HIDDEN), W2, b2.reshape(1, EMB_DIM))


def kernel(buckets, tables, W1, b1, W2, b2):
    tables_t = tables.transpose(0, 2, 1)
    buckets_t = buckets.T
    zt = _gather_sum(tables_t, buckets_t)
    return _mlp(zt, W1, b1, W2, b2)

# --- scband reference (transcript-rebuilt; emitter-appended) ---
"""Pipeline reference for scband-dhe-9938554323127 (READ-ONLY COPY).

The authoritative reference and input builder live on the scoring server;
editing this copy changes nothing except your own understanding.
"""

import jax, jax.numpy as jnp
import numpy as np

K = 8
B = 100000
PROJ_DIM = 32
EMB_DIM = 32
HIDDEN = 128
BATCH = 16384


def setup_inputs(seed: int = 0) -> dict:
    key = jax.random.key(seed)
    k_idx, k_tab, k_w1, k_b1, k_w2, k_b2 = jax.random.split(key, 6)
    buckets = jax.random.randint(k_idx, (BATCH, K), 0, B, dtype=jnp.int64 if jax.config.read('jax_enable_x64') else jnp.int32)
    buckets = buckets.astype(jnp.int32)
    # K hash embedding tables stacked: [K, B, proj_dim]
    tables = jax.random.normal(k_tab, (K, B, PROJ_DIM), dtype=jnp.float32) * 0.02
    # MLP params (torch Linear stored as [out,in]; we store [in,out] for x @ W)
    W1 = jax.random.normal(k_w1, (PROJ_DIM, HIDDEN), dtype=jnp.float32) * (1.0 / np.sqrt(PROJ_DIM))
    b1 = jnp.zeros((HIDDEN,), dtype=jnp.float32)
    W2 = jax.random.normal(k_w2, (HIDDEN, EMB_DIM), dtype=jnp.float32) * (1.0 / np.sqrt(HIDDEN))
    b2 = jnp.zeros((EMB_DIM,), dtype=jnp.float32)
    return {"buckets": buckets, "tables": tables, "W1": W1, "b1": b1, "W2": W2, "b2": b2}


def reference(buckets, tables, W1, b1, W2, b2):
    # z = sum_k hash_embeds[k](buckets[:, k])
    z = jnp.zeros((buckets.shape[0], PROJ_DIM), dtype=jnp.float32)
    for k in range(K):
        z = z + jnp.take(tables[k], buckets[:, k], axis=0)
    # MLP: Linear -> ReLU -> Linear
    h = jax.nn.relu(z @ W1 + b1)
    out = h @ W2 + b2
    return out

if __name__ == "__main__":
    import jax
    _d = setup_inputs()
    print(jax.jit(kernel)(*tuple(_d.values())))

</pallas_src>

<mosaic_0001>
#map = affine_map<(d0, d1) -> (0, 0, 0)>
#map1 = affine_map<(d0, d1) -> (0, 0)>
module attributes {stable_mosaic.version = 14 : i64} {
  func.func @_sc_gather_sum(%arg0: i32, %arg1: i32, %arg2: memref<8x32x100000xf32, #tpu.memory_space<hbm>>, %arg3: memref<8x16384xi32, #tpu.memory_space<hbm>>, %arg4: memref<32x16384xf32, #tpu.memory_space<hbm>>, %arg5: memref<100000xf32, #tpu.memory_space<vmem>>, %arg6: memref<8192xi32, #tpu.memory_space<vmem>>, %arg7: memref<16384xf32, #tpu.memory_space<vmem>>, %arg8: memref<!tpu.dma_semaphore, #tpu.memory_space<semaphore_mem>>) attributes {dimension_semantics = [#tpu.dimension_semantics<core_parallel>, #tpu.dimension_semantics<subcore_parallel>], iteration_bounds = array<i64: 2, 16>, scalar_prefetch = 0 : i64, scratch_operands = 4 : i64, tpu.core_type = #tpu.core_type<sc_vector_subcore>, window_params = [{transform_indices = #map}, {transform_indices = #map1}, {transform_indices = #map1}]} {
    %mul3A = arith.constant 2 : i32
    %mul3A_0 = arith.muli %arg1, %mul3A : i32
    %add3A = arith.addi %mul3A_0, %arg0 : i32
    %run_scoped3A = arith.constant 0 : i32
    "tpu.region"() ({
      %run_scoped3A_135 = tpu.sem_alloc : memref<!tpu.dma_semaphore, #tpu.memory_space<semaphore_mem>>
      %dma_start3A = arith.constant 0 : i32
      %dma_start3A_136 = tpu.memref_slice %arg2[%run_scoped3A, %add3A, %dma_start3A] : memref<8x32x100000xf32, #tpu.memory_space<hbm>> -> memref<1x1x100000xf32, #tpu.memory_space<hbm>>
      %dma_start3A_137 = tpu.memref_squeeze %dma_start3A_136 : memref<1x1x100000xf32, #tpu.memory_space<hbm>> -> memref<100000xf32, #tpu.memory_space<hbm>>
      %dma_start3A_138 = arith.constant 0 : i32
      %dma_start3A_139 = tpu.memref_slice %arg2[%run_scoped3A, %add3A, %dma_start3A_138] : memref<8x32x100000xf32, #tpu.memory_space<hbm>> -> memref<1x1x100000xf32, #tpu.memory_space<hbm>>
      %dma_start3A_140 = tpu.memref_squeeze %dma_start3A_139 : memref<1x1x100000xf32, #tpu.memory_space<hbm>> -> memref<100000xf32, #tpu.memory_space<hbm>>
      tpu.enqueue_dma source(%dma_start3A_140 : memref<100000xf32, #tpu.memory_space<hbm>>) target(%arg5 : memref<100000xf32, #tpu.memory_space<vmem>>) target_semaphore(%run_scoped3A_135 : memref<!tpu.dma_semaphore, #tpu.memory_space<semaphore_mem>>)
      %dma_wait3A = arith.constant 0 : i32
      %dma_wait3A_141 = tpu.memref_slice %arg2[%run_scoped3A, %add3A, %dma_wait3A] : memref<8x32x100000xf32, #tpu.memory_space<hbm>> -> memref<1x1x100000xf32, #tpu.memory_space<hbm>>
      %dma_wait3A_142 = tpu.memref_squeeze %dma_wait3A_141 : memref<1x1x100000xf32, #tpu.memory_space<hbm>> -> memref<100000xf32, #tpu.memory_space<hbm>>
      %dma_wait3A_143 = arith.constant 0 : i32
      %dma_wait3A_144 = tpu.memref_slice %arg2[%run_scoped3A, %add3A, %dma_wait3A_143] : memref<8x32x100000xf32, #tpu.memory_space<hbm>> -> memref<1x1x100000xf32, #tpu.memory_space<hbm>>
      %dma_wait3A_145 = tpu.memref_squeeze %dma_wait3A_144 : memref<1x1x100000xf32, #tpu.memory_space<hbm>> -> memref<100000xf32, #tpu.memory_space<hbm>>
      tpu.wait_dma2 semaphore(%run_scoped3A_135 : memref<!tpu.dma_semaphore, #tpu.memory_space<semaphore_mem>>) src(%dma_wait3A_145 : memref<100000xf32, #tpu.memory_space<hbm>>) dst(%arg5 : memref<100000xf32, #tpu.memory_space<vmem>>)
      tpu.yield
    }) : () -> ()
    %run_scoped3A_1 = arith.constant 0 : i32
    "tpu.region"() ({
      %run_scoped3A_135 = tpu.sem_alloc : memref<!tpu.dma_semaphore, #tpu.memory_space<semaphore_mem>>
      %dma_start3A = arith.constant 0 : i32
      %dma_start3A_136 = tpu.memref_slice %arg3[%run_scoped3A_1, %dma_start3A] : memref<8x16384xi32, #tpu.memory_space<hbm>> -> memref<1x8192xi32, #tpu.memory_space<hbm>>
      %dma_start3A_137 = tpu.memref_squeeze %dma_start3A_136 : memref<1x8192xi32, #tpu.memory_space<hbm>> -> memref<8192xi32, #tpu.memory_space<hbm>>
      %dma_start3A_138 = arith.constant 0 : i32
      %dma_start3A_139 = tpu.memref_slice %arg3[%run_scoped3A_1, %dma_start3A_138] : memref<8x16384xi32, #tpu.memory_space<hbm>> -> memref<1x8192xi32, #tpu.memory_space<hbm>>
      %dma_start3A_140 = tpu.memref_squeeze %dma_start3A_139 : memref<1x8192xi32, #tpu.memory_space<hbm>> -> memref<8192xi32, #tpu.memory_space<hbm>>
      tpu.enqueue_dma source(%dma_start3A_140 : memref<8192xi32, #tpu.memory_space<hbm>>) target(%arg6 : memref<8192xi32, #tpu.memory_space<vmem>>) target_semaphore(%run_scoped3A_135 : memref<!tpu.dma_semaphore, #tpu.memory_space<semaphore_mem>>)
      %dma_wait3A = arith.constant 0 : i32
      %dma_wait3A_141 = tpu.memref_slice %arg3[%run_scoped3A_1, %dma_wait3A] : memref<8x16384xi32, #tpu.memory_space<hbm>> -> memref<1x8192xi32, #tpu.memory_space<hbm>>
      %dma_wait3A_142 = tpu.memref_squeeze %dma_wait3A_141 : memref<1x8192xi32, #tpu.memory_space<hbm>> -> memref<8192xi32, #tpu.memory_space<hbm>>
      %dma_wait3A_143 = arith.constant 0 : i32
      %dma_wait3A_144 = tpu.memref_slice %arg3[%run_scoped3A_1, %dma_wait3A_143] : memref<8x16384xi32, #tpu.memory_space<hbm>> -> memref<1x8192xi32, #tpu.memory_space<hbm>>
      %dma_wait3A_145 = tpu.memref_squeeze %dma_wait3A_144 : memref<1x8192xi32, #tpu.memory_space<hbm>> -> memref<8192xi32, #tpu.memory_space<hbm>>
      tpu.wait_dma2 semaphore(%run_scoped3A_135 : memref<!tpu.dma_semaphore, #tpu.memory_space<semaphore_mem>>) src(%dma_wait3A_145 : memref<8192xi32, #tpu.memory_space<hbm>>) dst(%arg6 : memref<8192xi32, #tpu.memory_space<vmem>>)
      tpu.yield
    }) : () -> ()
    %scan3A = arith.constant 0 : i32
    %scan3A_2 = arith.constant 0 : i32
    %scan3A_3 = arith.constant 64 : i32
    %scan3A_4 = arith.addi %scan3A_2, %scan3A_3 : i32
    %scan3A_5 = arith.constant 1 : i32
    %scan3A_6 = scf.for %scan3A_135 = %scan3A_2 to %scan3A_4 step %scan3A_5 iter_args(%scan3A_136 = %scan3A) -> (i32)  : i32 {
      %mul3A_137 = arith.constant 8 : i32
      %mul3A_138 = arith.muli %scan3A_135, %mul3A_137 : i32
      %add3A_139 = arith.constant 0 : i32
      %add3A_140 = arith.addi %mul3A_138, %add3A_139 : i32
      %mul3A_141 = arith.constant 16 : i32
      %mul3A_142 = arith.muli %add3A_140, %mul3A_141 : i32
      %get3A = arith.index_cast %mul3A_142 : i32 to index
      %get3A_143 = tpu.vector_load %arg6[%get3A] {strides = array<i32>} : memref<8192xi32, #tpu.memory_space<vmem>>, vector<16xi32>,
      %gather3A = tpu.vector_load_idx %arg5[%get3A_143] : memref<100000xf32, #tpu.memory_space<vmem>>[vector<16xi32>], vector<16xf32>,
      %mul3A_144 = arith.constant 16 : i32
      %mul3A_145 = arith.muli %add3A_140, %mul3A_144 : i32
      %add3A_146 = arith.constant 0 : i32
      %add3A_147 = arith.addi %add3A_146, %mul3A_145 : i32
      %swap3A = arith.index_cast %add3A_147 : i32 to index
      %swap3A_148 = tpu.vector_load %arg7[%swap3A] {strides = array<i32>} : memref<16384xf32, #tpu.memory_space<vmem>>, vector<16xf32>,
      tpu.vector_store %arg7[%swap3A], %gather3A {strides = array<i32>} : memref<16384xf32, #tpu.memory_space<vmem>>, vector<16xf32>,
      %mul3A_149 = arith.constant 8 : i32
      %mul3A_150 = arith.muli %scan3A_135, %mul3A_149 : i32
      %add3A_151 = arith.constant 1 : i32
      %add3A_152 = arith.addi %mul3A_150, %add3A_151 : i32
      %mul3A_153 = arith.constant 16 : i32
      %mul3A_154 = arith.muli %add3A_152, %mul3A_153 : i32
      %get3A_155 = arith.index_cast %mul3A_154 : i32 to index
      %get3A_156 = tpu.vector_load %arg6[%get3A_155] {strides = array<i32>} : memref<8192xi32, #tpu.memory_space<vmem>>, vector<16xi32>,
      %gather3A_157 = tpu.vector_load_idx %arg5[%get3A_156] : memref<100000xf32, #tpu.memory_space<vmem>>[vector<16xi32>], vector<16xf32>,
      %mul3A_158 = arith.constant 16 : i32
      %mul3A_159 = arith.muli %add3A_152, %mul3A_158 : i32
      %add3A_160 = arith.constant 0 : i32
      %add3A_161 = arith.addi %add3A_160, %mul3A_159 : i32
      %swap3A_162 = arith.index_cast %add3A_161 : i32 to index
      %swap3A_163 = tpu.vector_load %arg7[%swap3A_162] {strides = array<i32>} : memref<16384xf32, #tpu.memory_space<vmem>>, vector<16xf32>,
      tpu.vector_store %arg7[%swap3A_162], %gather3A_157 {strides = array<i32>} : memref<16384xf32, #tpu.memory_space<vmem>>, vector<16xf32>,
      %mul3A_164 = arith.constant 8 : i32
      %mul3A_165 = arith.muli %scan3A_135, %mul3A_164 : i32
      %add3A_166 = arith.constant 2 : i32
      %add3A_167 = arith.addi %mul3A_165, %add3A_166 : i32
      %mul3A_168 = arith.constant 16 : i32
      %mul3A_169 = arith.muli %add3A_167, %mul3A_168 : i32
      %get3A_170 = arith.index_cast %mul3A_169 : i32 to index
      %get3A_171 = tpu.vector_load %arg6[%get3A_170] {strides = array<i32>} : memref<8192xi32, #tpu.memory_space<vmem>>, vector<16xi32>,
      %gather3A_172 = tpu.vector_load_idx %arg5[%get3A_171] : memref<100000xf32, #tpu.memory_space<vmem>>[vector<16xi32>], vector<16xf32>,
      %mul3A_173 = arith.constant 16 : i32
      %mul3A_174 = arith.muli %add3A_167, %mul3A_173 : i32
      %add3A_175 = arith.constant 0 : i32
      %add3A_176 = arith.addi %add3A_175, %mul3A_174 : i32
      %swap3A_177 = arith.index_cast %add3A_176 : i32 to index
      %swap3A_178 = tpu.vector_load %arg7[%swap3A_177] {strides = array<i32>} : memref<16384xf32, #tpu.memory_space<vmem>>, vector<16xf32>,
      tpu.vector_store %arg7[%swap3A_177], %gather3A_172 {strides = array<i32>} : memref<16384xf32, #tpu.memory_space<vmem>>, vector<16xf32>,
      %mul3A_179 = arith.constant 8 : i32
      %mul3A_180 = arith.muli %scan3A_135, %mul3A_179 : i32
      %add3A_181 = arith.constant 3 : i32
      %add3A_182 = arith.addi %mul3A_180, %add3A_181 : i32
      %mul3A_183 = arith.constant 16 : i32
      %mul3A_184 = arith.muli %add3A_182, %mul3A_183 : i32
      %get3A_185 = arith.index_cast %mul3A_184 : i32 to index
      %get3A_186 = tpu.vector_load %arg6[%get3A_185] {strides = array<i32>} : memref<8192xi32, #tpu.memory_space<vmem>>, vector<16xi32>,
      %gather3A_187 = tpu.vector_load_idx %arg5[%get3A_186] : memref<100000xf32, #tpu.memory_space<vmem>>[vector<16xi32>], vector<16xf32>,
      %mul3A_188 = arith.constant 16 : i32
      %mul3A_189 = arith.muli %add3A_182, %mul3A_188 : i32
      %add3A_190 = arith.constant 0 : i32
      %add3A_191 = arith.addi %add3A_190, %mul3A_189 : i32
      %swap3A_192 = arith.index_cast %add3A_191 : i32 to index
      %swap3A_193 = tpu.vector_load %arg7[%swap3A_192] {strides = array<i32>} : memref<16384xf32, #tpu.memory_space<vmem>>, vector<16xf32>,
      tpu.vector_store %arg7[%swap3A_192], %gather3A_187 {strides = array<i32>} : memref<16384xf32, #tpu.memory_space<vmem>>, vector<16xf32>,
      %mul3A_194 = arith.constant 8 : i32
      %mul3A_195 = arith.muli %scan3A_135, %mul3A_194 : i32
      %add3A_196 = arith.constant 4 : i32
      %add3A_197 = arith.addi %mul3A_195, %add3A_196 : i32
      %mul3A_198 = arith.constant 16 : i32
      %mul3A_199 = arith.muli %add3A_197, %mul3A_198 : i32
      %get3A_200 = arith.index_cast %mul3A_199 : i32 to index
      %get3A_201 = tpu.vector_load %arg6[%get3A_200] {strides = array<i32>} : memref<8192xi32, #tpu.memory_space<vmem>>, vector<16xi32>,
      %gather3A_202 = tpu.vector_load_idx %arg5[%get3A_201] : memref<100000xf32, #tpu.memory_space<vmem>>[vector<16xi32>], vector<16xf32>,
      %mul3A_203 = arith.constant 16 : i32
      %mul3A_204 = arith.muli %add3A_197, %mul3A_203 : i32
      %add3A_205 = arith.constant 0 : i32
      %add3A_206 = arith.addi %add3A_205, %mul3A_204 : i32
      %swap3A_207 = arith.index_cast %add3A_206 : i32 to index
      %swap3A_208 = tpu.vector_load %arg7[%swap3A_207] {strides = array<i32>} : memref<16384xf32, #tpu.memory_space<vmem>>, vector<16xf32>,
      tpu.vector_store %arg7[%swap3A_207], %gather3A_202 {strides = array<i32>} : memref<16384xf32, #tpu.memory_space<vmem>>, vector<16xf32>,
      %mul3A_209 = arith.constant 8 : i32
      %mul3A_210 = arith.muli %scan3A_135, %mul3A_209 : i32
      %add3A_211 = arith.constant 5 : i32
      %add3A_212 = arith.addi %mul3A_210, %add3A_211 : i32
      %mul3A_213 = arith.constant 16 : i32
      %mul3A_214 = arith.muli %add3A_212, %mul3A_213 : i32
      %get3A_215 = arith.index_cast %mul3A_214 : i32 to index
      %get3A_216 = tpu.vector_load %arg6[%get3A_215] {strides = array<i32>} : memref<8192xi32, #tpu.memory_space<vmem>>, vector<16xi32>,
      %gather3A_217 = tpu.vector_load_idx %arg5[%get3A_216] : memref<100000xf32, #tpu.memory_space<vmem>>[vector<16xi32>], vector<16xf32>,
      %mul3A_218 = arith.constant 16 : i32
      %mul3A_219 = arith.muli %add3A_212, %mul3A_218 : i32
      %add3A_220 = arith.constant 0 : i32
      %add3A_221 = arith.addi %add3A_220, %mul3A_219 : i32
      %swap3A_222 = arith.index_cast %add3A_221 : i32 to index
      %swap3A_223 = tpu.vector_load %arg7[%swap3A_222] {strides = array<i32>} : memref<16384xf32, #tpu.memory_space<vmem>>, vector<16xf32>,
      tpu.vector_store %arg7[%swap3A_222], %gather3A_217 {strides = array<i32>} : memref<16384xf32, #tpu.memory_space<vmem>>, vector<16xf32>,
      %mul3A_224 = arith.constant 8 : i32
      %mul3A_225 = arith.muli %scan3A_135, %mul3A_224 : i32
      %add3A_226 = arith.constant 6 : i32
      %add3A_227 = arith.addi %mul3A_225, %add3A_226 : i32
      %mul3A_228 = arith.constant 16 : i32
      %mul3A_229 = arith.muli %add3A_227, %mul3A_228 : i32
      %get3A_230 = arith.index_cast %mul3A_229 : i32 to index
      %get3A_231 = tpu.vector_load %arg6[%get3A_230] {strides = array<i32>} : memref<8192xi32, #tpu.memory_space<vmem>>, vector<16xi32>,
      %gather3A_232 = tpu.vector_load_idx %arg5[%get3A_231] : memref<100000xf32, #tpu.memory_space<vmem>>[vector<16xi32>], vector<16xf32>,
      %mul3A_233 = arith.constant 16 : i32
      %mul3A_234 = arith.muli %add3A_227, %mul3A_233 : i32
      %add3A_235 = arith.constant 0 : i32
      %add3A_236 = arith.addi %add3A_235, %mul3A_234 : i32
      %swap3A_237 = arith.index_cast %add3A_236 : i32 to index
      %swap3A_238 = tpu.vector_load %arg7[%swap3A_237] {strides = array<i32>} : memref<16384xf32, #tpu.memory_space<vmem>>, vector<16xf32>,
      tpu.vector_store %arg7[%swap3A_237], %gather3A_232 {strides = array<i32>} : memref<16384xf32, #tpu.memory_space<vmem>>, vector<16xf32>,
      %mul3A_239 = arith.constant 8 : i32
      %mul3A_240 = arith.muli %scan3A_135, %mul3A_239 : i32
      %add3A_241 = arith.constant 7 : i32
      %add3A_242 = arith.addi %mul3A_240, %add3A_241 : i32
      %mul3A_243 = arith.constant 16 : i32
      %mul3A_244 = arith.muli %add3A_242, %mul3A_243 : i32
      %get3A_245 = arith.index_cast %mul3A_244 : i32 to index
      %get3A_246 = tpu.vector_load %arg6[%get3A_245] {strides = array<i32>} : memref<8192xi32, #tpu.memory_space<vmem>>, vector<16xi32>,
      %gather3A_247 = tpu.vector_load_idx %arg5[%get3A_246] : memref<100000xf32, #tpu.memory_space<vmem>>[vector<16xi32>], vector<16xf32>,
      %mul3A_248 = arith.constant 16 : i32
      %mul3A_249 = arith.muli %add3A_242, %mul3A_248 : i32
      %add3A_250 = arith.constant 0 : i32
      %add3A_251 = arith.addi %add3A_250, %mul3A_249 : i32
      %swap3A_252 = arith.index_cast %add3A_251 : i32 to index
      %swap3A_253 = tpu.vector_load %arg7[%swap3A_252] {strides = array<i32>} : memref<16384xf32, #tpu.memory_space<vmem>>, vector<16xf32>,
      tpu.vector_store %arg7[%swap3A_252], %gather3A_247 {strides = array<i32>} : memref<16384xf32, #tpu.memory_space<vmem>>, vector<16xf32>,
      %scan3A_254 = arith.constant 0 : i32
      scf.yield %scan3A_254 : i32
    }
    %scan3A_7 = arith.constant 64 : i32
    %run_scoped3A_8 = arith.constant 0 : i32
    "tpu.region"() ({
      %run_scoped3A_135 = tpu.sem_alloc : memref<!tpu.dma_semaphore, #tpu.memory_space<semaphore_mem>>
      %dma_start3A = arith.constant 8192 : i32
      %dma_start3A_136 = tpu.memref_slice %arg3[%run_scoped3A_8, %dma_start3A] : memref<8x16384xi32, #tpu.memory_space<hbm>> -> memref<1x8192xi32, #tpu.memory_space<hbm>>
      %dma_start3A_137 = tpu.memref_squeeze %dma_start3A_136 : memref<1x8192xi32, #tpu.memory_space<hbm>> -> memref<8192xi32, #tpu.memory_space<hbm>>
      %dma_start3A_138 = arith.constant 8192 : i32
      %dma_start3A_139 = tpu.memref_slice %arg3[%run_scoped3A_8, %dma_start3A_138] : memref<8x16384xi32, #tpu.memory_space<hbm>> -> memref<1x8192xi32, #tpu.memory_space<hbm>>
      %dma_start3A_140 = tpu.memref_squeeze %dma_start3A_139 : memref<1x8192xi32, #tpu.memory_space<hbm>> -> memref<8192xi32, #tpu.memory_space<hbm>>
      tpu.enqueue_dma source(%dma_start3A_140 : memref<8192xi32, #tpu.memory_space<hbm>>) target(%arg6 : memref<8192xi32, #tpu.memory_space<vmem>>) target_semaphore(%run_scoped3A_135 : memref<!tpu.dma_semaphore, #tpu.memory_space<semaphore_mem>>)
      %dma_wait3A = arith.constant 8192 : i32
      %dma_wait3A_141 = tpu.memref_slice %arg3[%run_scoped3A_8, %dma_wait3A] : memref<8x16384xi32, #tpu.memory_space<hbm>> -> memref<1x8192xi32, #tpu.memory_space<hbm>>
      %dma_wait3A_142 = tpu.memref_squeeze %dma_wait3A_141 : memref<1x8192xi32, #tpu.memory_space<hbm>> -> memref<8192xi32, #tpu.memory_space<hbm>>
      %dma_wait3A_143 = arith.constant 8192 : i32
      %dma_wait3A_144 = tpu.memref_slice %arg3[%run_scoped3A_8, %dma_wait3A_143] : memref<8x16384xi32, #tpu.memory_space<hbm>> -> memref<1x8192xi32, #tpu.memory_space<hbm>>
      %dma_wait3A_145 = tpu.memref_squeeze %dma_wait3A_144 : memref<1x8192xi32, #tpu.memory_space<hbm>> -> memref<8192xi32, #tpu.memory_space<hbm>>
      tpu.wait_dma2 semaphore(%run_scoped3A_135 : memref<!tpu.dma_semaphore, #tpu.memory_space<semaphore_mem>>) src(%dma_wait3A_145 : memref<8192xi32, #tpu.memory_space<hbm>>) dst(%arg6 : memref<8192xi32, #tpu.memory_space<vmem>>)
      tpu.yield
    }) : () -> ()
    %scan3A_9 = arith.constant 0 : i32
    %scan3A_10 = arith.constant 0 : i32
    %scan3A_11 = arith.constant 64 : i32
    %scan3A_12 = arith.addi %scan3A_10, %scan3A_11 : i32
    %scan3A_13 = arith.constant 1 : i32
    %scan3A_14 = scf.for %scan3A_135 = %scan3A_10 to %scan3A_12 step %scan3A_13 iter_args(%scan3A_136 = %scan3A_9) -> (i32)  : i32 {
      %mul3A_137 = arith.constant 8 : i32
      %mul3A_138 = arith.muli %scan3A_135, %mul3A_137 : i32
      %add3A_139 = arith.constant 0 : i32
      %add3A_140 = arith.addi %mul3A_138, %add3A_139 : i32
      %mul3A_141 = arith.constant 16 : i32
      %mul3A_142 = arith.muli %add3A_140, %mul3A_141 : i32
      %get3A = arith.index_cast %mul3A_142 : i32 to index
      %get3A_143 = tpu.vector_load %arg6[%get3A] {strides = array<i32>} : memref<8192xi32, #tpu.memory_space<vmem>>, vector<16xi32>,
      %gather3A = tpu.vector_load_idx %arg5[%get3A_143] : memref<100000xf32, #tpu.memory_space<vmem>>[vector<16xi32>], vector<16xf32>,
      %mul3A_144 = arith.constant 16 : i32
      %mul3A_145 = arith.muli %add3A_140, %mul3A_144 : i32
      %add3A_146 = arith.constant 8192 : i32
      %add3A_147 = arith.addi %add3A_146, %mul3A_145 : i32
      %swap3A = arith.index_cast %add3A_147 : i32 to index
      %swap3A_148 = tpu.vector_load %arg7[%swap3A] {strides = array<i32>} : memref<16384xf32, #tpu.memory_space<vmem>>, vector<16xf32>,
      tpu.vector_store %arg7[%swap3A], %gather3A {strides = array<i32>} : memref<16384xf32, #tpu.memory_space<vmem>>, vector<16xf32>,
      %mul3A_149 = arith.constant 8 : i32
      %mul3A_150 = arith.muli %scan3A_135, %mul3A_149 : i32
      %add3A_151 = arith.constant 1 : i32
      %add3A_152 = arith.addi %mul3A_150, %add3A_151 : i32
      %mul3A_153 = arith.constant 16 : i32
      %mul3A_154 = arith.muli %add3A_152, %mul3A_153 : i32
      %get3A_155 = arith.index_cast %mul3A_154 : i32 to index
      %get3A_156 = tpu.vector_load %arg6[%get3A_155] {strides = array<i32>} : memref<8192xi32, #tpu.memory_space<vmem>>, vector<16xi32>,
      %gather3A_157 = tpu.vector_load_idx %arg5[%get3A_156] : memref<100000xf32, #tpu.memory_space<vmem>>[vector<16xi32>], vector<16xf32>,
      %mul3A_158 = arith.constant 16 : i32
      %mul3A_159 = arith.muli %add3A_152, %mul3A_158 : i32
      %add3A_160 = arith.constant 8192 : i32
      %add3A_161 = arith.addi %add3A_160, %mul3A_159 : i32
      %swap3A_162 = arith.index_cast %add3A_161 : i32 to index
      %swap3A_163 = tpu.vector_load %arg7[%swap3A_162] {strides = array<i32>} : memref<16384xf32, #tpu.memory_space<vmem>>, vector<16xf32>,
      tpu.vector_store %arg7[%swap3A_162], %gather3A_157 {strides = array<i32>} : memref<16384xf32, #tpu.memory_space<vmem>>, vector<16xf32>,
      %mul3A_164 = arith.constant 8 : i32
      %mul3A_165 = arith.muli %scan3A_135, %mul3A_164 : i32
      %add3A_166 = arith.constant 2 : i32
      %add3A_167 = arith.addi %mul3A_165, %add3A_166 : i32
      %mul3A_168 = arith.constant 16 : i32
      %mul3A_169 = arith.muli %add3A_167, %mul3A_168 : i32
      %get3A_170 = arith.index_cast %mul3A_169 : i32 to index
      %get3A_171 = tpu.vector_load %arg6[%get3A_170] {strides = array<i32>} : memref<8192xi32, #tpu.memory_space<vmem>>, vector<16xi32>,
      %gather3A_172 = tpu.vector_load_idx %arg5[%get3A_171] : memref<100000xf32, #tpu.memory_space<vmem>>[vector<16xi32>], vector<16xf32>,
      %mul3A_173 = arith.constant 16 : i32
      %mul3A_174 = arith.muli %add3A_167, %mul3A_173 : i32
      %add3A_175 = arith.constant 8192 : i32
      %add3A_176 = arith.addi %add3A_175, %mul3A_174 : i32
      %swap3A_177 = arith.index_cast %add3A_176 : i32 to index
      %swap3A_178 = tpu.vector_load %arg7[%swap3A_177] {strides = array<i32>} : memref<16384xf32, #tpu.memory_space<vmem>>, vector<16xf32>,
      tpu.vector_store %arg7[%swap3A_177], %gather3A_172 {strides = array<i32>} : memref<16384xf32, #tpu.memory_space<vmem>>, vector<16xf32>,
      %mul3A_179 = arith.constant 8 : i32
      %mul3A_180 = arith.muli %scan3A_135, %mul3A_179 : i32
      %add3A_181 = arith.constant 3 : i32
      %add3A_182 = arith.addi %mul3A_180, %add3A_181 : i32
      %mul3A_183 = arith.constant 16 : i32
      %mul3A_184 = arith.muli %add3A_182, %mul3A_183 : i32
      %get3A_185 = arith.index_cast %mul3A_184 : i32 to index
      %get3A_186 = tpu.vector_load %arg6[%get3A_185] {strides = array<i32>} : memref<8192xi32, #tpu.memory_space<vmem>>, vector<16xi32>,
      %gather3A_187 = tpu.vector_load_idx %arg5[%get3A_186] : memref<100000xf32, #tpu.memory_space<vmem>>[vector<16xi32>], vector<16xf32>,
      %mul3A_188 = arith.constant 16 : i32
      %mul3A_189 = arith.muli %add3A_182, %mul3A_188 : i32
      %add3A_190 = arith.constant 8192 : i32
      %add3A_191 = arith.addi %add3A_190, %mul3A_189 : i32
      %swap3A_192 = arith.index_cast %add3A_191 : i32 to index
      %swap3A_193 = tpu.vector_load %arg7[%swap3A_192] {strides = array<i32>} : memref<16384xf32, #tpu.memory_space<vmem>>, vector<16xf32>,
      tpu.vector_store %arg7[%swap3A_192], %gather3A_187 {strides = array<i32>} : memref<16384xf32, #tpu.memory_space<vmem>>, vector<16xf32>,
      %mul3A_194 = arith.constant 8 : i32
      %mul3A_195 = arith.muli %scan3A_135, %mul3A_194 : i32
      %add3A_196 = arith.constant 4 : i32
      %add3A_197 = arith.addi %mul3A_195, %add3A_196 : i32
      %mul3A_198 = arith.constant 16 : i32
      %mul3A_199 = arith.muli %add3A_197, %mul3A_198 : i32
      %get3A_200 = arith.index_cast %mul3A_199 : i32 to index
      %get3A_201 = tpu.vector_load %arg6[%get3A_200] {strides = array<i32>} : memref<8192xi32, #tpu.memory_space<vmem>>, vector<16xi32>,
      %gather3A_202 = tpu.vector_load_idx %arg5[%get3A_201] : memref<100000xf32, #tpu.memory_space<vmem>>[vector<16xi32>], vector<16xf32>,
      %mul3A_203 = arith.constant 16 : i32
      %mul3A_204 = arith.muli %add3A_197, %mul3A_203 : i32
      %add3A_205 = arith.constant 8192 : i32
      %add3A_206 = arith.addi %add3A_205, %mul3A_204 : i32
      %swap3A_207 = arith.index_cast %add3A_206 : i32 to index
      %swap3A_208 = tpu.vector_load %arg7[%swap3A_207] {strides = array<i32>} : memref<16384xf32, #tpu.memory_space<vmem>>, vector<16xf32>,
      tpu.vector_store %arg7[%swap3A_207], %gather3A_202 {strides = array<i32>} : memref<16384xf32, #tpu.memory_space<vmem>>, vector<16xf32>,
      %mul3A_209 = arith.constant 8 : i32
      %mul3A_210 = arith.muli %scan3A_135, %mul3A_209 : i32
      %add3A_211 = arith.constant 5 : i32
      %add3A_212 = arith.addi %mul3A_210, %add3A_211 : i32
      %mul3A_213 = arith.constant 16 : i32
      %mul3A_214 = arith.muli %add3A_212, %mul3A_213 : i32
      %get3A_215 = arith.index_cast %mul3A_214 : i32 to index
      %get3A_216 = tpu.vector_load %arg6[%get3A_215] {strides = array<i32>} : memref<8192xi32, #tpu.memory_space<vmem>>, vector<16xi32>,
      %gather3A_217 = tpu.vector_load_idx %arg5[%get3A_216] : memref<100000xf32, #tpu.memory_space<vmem>>[vector<16xi32>], vector<16xf32>,
      %mul3A_218 = arith.constant 16 : i32
      %mul3A_219 = arith.muli %add3A_212, %mul3A_218 : i32
      %add3A_220 = arith.constant 8192 : i32
      %add3A_221 = arith.addi %add3A_220, %mul3A_219 : i32
      %swap3A_222 = arith.index_cast %add3A_221 : i32 to index
      %swap3A_223 = tpu.vector_load %arg7[%swap3A_222] {strides = array<i32>} : memref<16384xf32, #tpu.memory_space<vmem>>, vector<16xf32>,
      tpu.vector_store %arg7[%swap3A_222], %gather3A_217 {strides = array<i32>} : memref<16384xf32, #tpu.memory_space<vmem>>, vector<16xf32>,
      %mul3A_224 = arith.constant 8 : i32
      %mul3A_225 = arith.muli %scan3A_135, %mul3A_224 : i32
      %add3A_226 = arith.constant 6 : i32
      %add3A_227 = arith.addi %mul3A_225, %add3A_226 : i32
      %mul3A_228 = arith.constant 16 : i32
      %mul3A_229 = arith.muli %add3A_227, %mul3A_228 : i32
      %get3A_230 = arith.index_cast %mul3A_229 : i32 to index
      %get3A_231 = tpu.vector_load %arg6[%get3A_230] {strides = array<i32>} : memref<8192xi32, #tpu.memory_space<vmem>>, vector<16xi32>,
      %gather3A_232 = tpu.vector_load_idx %arg5[%get3A_231] : memref<100000xf32, #tpu.memory_space<vmem>>[vector<16xi32>], vector<16xf32>,
      %mul3A_233 = arith.constant 16 : i32
      %mul3A_234 = arith.muli %add3A_227, %mul3A_233 : i32
      %add3A_235 = arith.constant 8192 : i32
      %add3A_236 = arith.addi %add3A_235, %mul3A_234 : i32
      %swap3A_237 = arith.index_cast %add3A_236 : i32 to index
      %swap3A_238 = tpu.vector_load %arg7[%swap3A_237] {strides = array<i32>} : memref<16384xf32, #tpu.memory_space<vmem>>, vector<16xf32>,
      tpu.vector_store %arg7[%swap3A_237], %gather3A_232 {strides = array<i32>} : memref<16384xf32, #tpu.memory_space<vmem>>, vector<16xf32>,
      %mul3A_239 = arith.constant 8 : i32
      %mul3A_240 = arith.muli %scan3A_135, %mul3A_239 : i32
      %add3A_241 = arith.constant 7 : i32
      %add3A_242 = arith.addi %mul3A_240, %add3A_241 : i32
      %mul3A_243 = arith.constant 16 : i32
      %mul3A_244 = arith.muli %add3A_242, %mul3A_243 : i32
      %get3A_245 = arith.index_cast %mul3A_244 : i32 to index
      %get3A_246 = tpu.vector_load %arg6[%get3A_245] {strides = array<i32>} : memref<8192xi32, #tpu.memory_space<vmem>>, vector<16xi32>,
      %gather3A_247 = tpu.vector_load_idx %arg5[%get3A_246] : memref<100000xf32, #tpu.memory_space<vmem>>[vector<16xi32>], vector<16xf32>,
      %mul3A_248 = arith.constant 16 : i32
      %mul3A_249 = arith.muli %add3A_242, %mul3A_248 : i32
      %add3A_250 = arith.constant 8192 : i32
      %add3A_251 = arith.addi %add3A_250, %mul3A_249 : i32
      %swap3A_252 = arith.index_cast %add3A_251 : i32 to index
      %swap3A_253 = tpu.vector_load %arg7[%swap3A_252] {strides = array<i32>} : memref<16384xf32, #tpu.memory_space<vmem>>, vector<16xf32>,
      tpu.vector_store %arg7[%swap3A_252], %gather3A_247 {strides = array<i32>} : memref<16384xf32, #tpu.memory_space<vmem>>, vector<16xf32>,
      %scan3A_254 = arith.constant 0 : i32
      scf.yield %scan3A_254 : i32
    }
    %scan3A_15 = arith.constant 64 : i32
    %run_scoped3A_16 = arith.constant 1 : i32
    "tpu.region"() ({
      %run_scoped3A_135 = tpu.sem_alloc : memref<!tpu.dma_semaphore, #tpu.memory_space<semaphore_mem>>
      %dma_start3A = arith.constant 0 : i32
      %dma_start3A_136 = tpu.memref_slice %arg2[%run_scoped3A_16, %add3A, %dma_start3A] : memref<8x32x100000xf32, #tpu.memory_space<hbm>> -> memref<1x1x100000xf32, #tpu.memory_space<hbm>>
      %dma_start3A_137 = tpu.memref_squeeze %dma_start3A_136 : memref<1x1x100000xf32, #tpu.memory_space<hbm>> -> memref<100000xf32, #tpu.memory_space<hbm>>
      %dma_start3A_138 = arith.constant 0 : i32
      %dma_start3A_139 = tpu.memref_slice %arg2[%run_scoped3A_16, %add3A, %dma_start3A_138] : memref<8x32x100000xf32, #tpu.memory_space<hbm>> -> memref<1x1x100000xf32, #tpu.memory_space<hbm>>
      %dma_start3A_140 = tpu.memref_squeeze %dma_start3A_139 : memref<1x1x100000xf32, #tpu.memory_space<hbm>> -> memref<100000xf32, #tpu.memory_space<hbm>>
      tpu.enqueue_dma source(%dma_start3A_140 : memref<100000xf32, #tpu.memory_space<hbm>>) target(%arg5 : memref<100000xf32, #tpu.memory_space<vmem>>) target_semaphore(%run_scoped3A_135 : memref<!tpu.dma_semaphore, #tpu.memory_space<semaphore_mem>>)
      %dma_wait3A = arith.constant 0 : i32
      %dma_wait3A_141 = tpu.memref_slice %arg2[%run_scoped3A_16, %add3A, %dma_wait3A] : memref<8x32x100000xf32, #tpu.memory_space<hbm>> -> memref<1x1x100000xf32, #tpu.memory_space<hbm>>
      %dma_wait3A_142 = tpu.memref_squeeze %dma_wait3A_141 : memref<1x1x100000xf32, #tpu.memory_space<hbm>> -> memref<100000xf32, #tpu.memory_space<hbm>>
      %dma_wait3A_143 = arith.constant 0 : i32
      %dma_wait3A_144 = tpu.memref_slice %arg2[%run_scoped3A_16, %add3A, %dma_wait3A_143] : memref<8x32x100000xf32, #tpu.memory_space<hbm>> -> memref<1x1x100000xf32, #tpu.memory_space<hbm>>
      %dma_wait3A_145 = tpu.memref_squeeze %dma_wait3A_144 : memref<1x1x100000xf32, #tpu.memory_space<hbm>> -> memref<100000xf32, #tpu.memory_space<hbm>>
      tpu.wait_dma2 semaphore(%run_scoped3A_135 : memref<!tpu.dma_semaphore, #tpu.memory_space<semaphore_mem>>) src(%dma_wait3A_145 : memref<100000xf32, #tpu.memory_space<hbm>>) dst(%arg5 : memref<100000xf32, #tpu.memory_space<vmem>>)
      tpu.yield
    }) : () -> ()
    %run_scoped3A_17 = arith.constant 1 : i32
    "tpu.region"() ({
      %run_scoped3A_135 = tpu.sem_alloc : memref<!tpu.dma_semaphore, #tpu.memory_space<semaphore_mem>>
      %dma_start3A = arith.constant 0 : i32
      %dma_start3A_136 = tpu.memref_slice %arg3[%run_scoped3A_17, %dma_start3A] : memref<8x16384xi32, #tpu.memory_space<hbm>> -> memref<1x8192xi32, #tpu.memory_space<hbm>>
      %dma_start3A_137 = tpu.memref_squeeze %dma_start3A_136 : memref<1x8192xi32, #tpu.memory_space<hbm>> -> memref<8192xi32, #tpu.memory_space<hbm>>
      %dma_start3A_138 = arith.constant 0 : i32
      %dma_start3A_139 = tpu.memref_slice %arg3[%run_scoped3A_17, %dma_start3A_138] : memref<8x16384xi32, #tpu.memory_space<hbm>> -> memref<1x8192xi32, #tpu.memory_space<hbm>>
      %dma_start3A_140 = tpu.memref_squeeze %dma_start3A_139 : memref<1x8192xi32, #tpu.memory_space<hbm>> -> memref<8192xi32, #tpu.memory_space<hbm>>
      tpu.enqueue_dma source(%dma_start3A_140 : memref<8192xi32, #tpu.memory_space<hbm>>) target(%arg6 : memref<8192xi32, #tpu.memory_space<vmem>>) target_semaphore(%run_scoped3A_135 : memref<!tpu.dma_semaphore, #tpu.memory_space<semaphore_mem>>)
      %dma_wait3A = arith.constant 0 : i32
      %dma_wait3A_141 = tpu.memref_slice %arg3[%run_scoped3A_17, %dma_wait3A] : memref<8x16384xi32, #tpu.memory_space<hbm>> -> memref<1x8192xi32, #tpu.memory_space<hbm>>
      %dma_wait3A_142 = tpu.memref_squeeze %dma_wait3A_141 : memref<1x8192xi32, #tpu.memory_space<hbm>> -> memref<8192xi32, #tpu.memory_space<hbm>>
      %dma_wait3A_143 = arith.constant 0 : i32
      %dma_wait3A_144 = tpu.memref_slice %arg3[%run_scoped3A_17, %dma_wait3A_143] : memref<8x16384xi32, #tpu.memory_space<hbm>> -> memref<1x8192xi32, #tpu.memory_space<hbm>>
      %dma_wait3A_145 = tpu.memref_squeeze %dma_wait3A_144 : memref<1x8192xi32, #tpu.memory_space<hbm>> -> memref<8192xi32, #tpu.memory_space<hbm>>
      tpu.wait_dma2 semaphore(%run_scoped3A_135 : memref<!tpu.dma_semaphore, #tpu.memory_space<semaphore_mem>>) src(%dma_wait3A_145 : memref<8192xi32, #tpu.memory_space<hbm>>) dst(%arg6 : memref<8192xi32, #tpu.memory_space<vmem>>)
      tpu.yield
    }) : () -> ()
    %scan3A_18 = arith.constant 0 : i32
    %scan3A_19 = arith.constant 0 : i32
    %scan3A_20 = arith.constant 64 : i32
    %scan3A_21 = arith.addi %scan3A_19, %scan3A_20 : i32
    %scan3A_22 = arith.constant 1 : i32
    %scan3A_23 = scf.for %scan3A_135 = %scan3A_19 to %scan3A_21 step %scan3A_22 iter_args(%scan3A_136 = %scan3A_18) -> (i32)  : i32 {
      %mul3A_137 = arith.constant 8 : i32
      %mul3A_138 = arith.muli %scan3A_135, %mul3A_137 : i32
      %add3A_139 = arith.constant 0 : i32
      %add3A_140 = arith.addi %mul3A_138, %add3A_139 : i32
      %mul3A_141 = arith.constant 16 : i32
      %mul3A_142 = arith.muli %add3A_140, %mul3A_141 : i32
      %get3A = arith.index_cast %mul3A_142 : i32 to index
      %get3A_143 = tpu.vector_load %arg6[%get3A] {strides = array<i32>} : memref<8192xi32, #tpu.memory_space<vmem>>, vector<16xi32>,
      %gather3A = tpu.vector_load_idx %arg5[%get3A_143] : memref<100000xf32, #tpu.memory_space<vmem>>[vector<16xi32>], vector<16xf32>,
      %mul3A_144 = arith.constant 16 : i32
      %mul3A_145 = arith.muli %add3A_140, %mul3A_144 : i32
      %add3A_146 = arith.constant 0 : i32
      %add3A_147 = arith.addi %add3A_146, %mul3A_145 : i32
      %get3A_148 = arith.index_cast %add3A_147 : i32 to index
      %get3A_149 = tpu.vector_load %arg7[%get3A_148] {strides = array<i32>} : memref<16384xf32, #tpu.memory_space<vmem>>, vector<16xf32>,
      %add3A_150 = arith.addf %get3A_149, %gather3A : vector<16xf32>
      %swap3A = arith.index_cast %add3A_147 : i32 to index
      %swap3A_151 = tpu.vector_load %arg7[%swap3A] {strides = array<i32>} : memref<16384xf32, #tpu.memory_space<vmem>>, vector<16xf32>,
      tpu.vector_store %arg7[%swap3A], %add3A_150 {strides = array<i32>} : memref<16384xf32, #tpu.memory_space<vmem>>, vector<16xf32>,
      %mul3A_152 = arith.constant 8 : i32
      %mul3A_153 = arith.muli %scan3A_135, %mul3A_152 : i32
      %add3A_154 = arith.constant 1 : i32
      %add3A_155 = arith.addi %mul3A_153, %add3A_154 : i32
      %mul3A_156 = arith.constant 16 : i32
      %mul3A_157 = arith.muli %add3A_155, %mul3A_156 : i32
      %get3A_158 = arith.index_cast %mul3A_157 : i32 to index
      %get3A_159 = tpu.vector_load %arg6[%get3A_158] {strides = array<i32>} : memref<8192xi32, #tpu.memory_space<vmem>>, vector<16xi32>,
      %gather3A_160 = tpu.vector_load_idx %arg5[%get3A_159] : memref<100000xf32, #tpu.memory_space<vmem>>[vector<16xi32>], vector<16xf32>,
      %mul3A_161 = arith.constant 16 : i32
      %mul3A_162 = arith.muli %add3A_155, %mul3A_161 : i32
      %add3A_163 = arith.constant 0 : i32
      %add3A_164 = arith.addi %add3A_163, %mul3A_162 : i32
      %get3A_165 = arith.index_cast %add3A_164 : i32 to index
      %get3A_166 = tpu.vector_load %arg7[%get3A_165] {strides = array<i32>} : memref<16384xf32, #tpu.memory_space<vmem>>, vector<16xf32>,
      %add3A_167 = arith.addf %get3A_166, %gather3A_160 : vector<16xf32>
      %swap3A_168 = arith.index_cast %add3A_164 : i32 to index
      %swap3A_169 = tpu.vector_load %arg7[%swap3A_168] {strides = array<i32>} : memref<16384xf32, #tpu.memory_space<vmem>>, vector<16xf32>,
      tpu.vector_store %arg7[%swap3A_168], %add3A_167 {strides = array<i32>} : memref<16384xf32, #tpu.memory_space<vmem>>, vector<16xf32>,
      %mul3A_170 = arith.constant 8 : i32
      %mul3A_171 = arith.muli %scan3A_135, %mul3A_170 : i32
      %add3A_172 = arith.constant 2 : i32
      %add3A_173 = arith.addi %mul3A_171, %add3A_172 : i32
      %mul3A_174 = arith.constant 16 : i32
      %mul3A_175 = arith.muli %add3A_173, %mul3A_174 : i32
      %get3A_176 = arith.index_cast %mul3A_175 : i32 to index
      %get3A_177 = tpu.vector_load %arg6[%get3A_176] {strides = array<i32>} : memref<8192xi32, #tpu.memory_space<vmem>>, vector<16xi32>,
      %gather3A_178 = tpu.vector_load_idx %arg5[%get3A_177] : memref<100000xf32, #tpu.memory_space<vmem>>[vector<16xi32>], vector<16xf32>,
      %mul3A_179 = arith.constant 16 : i32
      %mul3A_180 = arith.muli %add3A_173, %mul3A_179 : i32
      %add3A_181 = arith.constant 0 : i32
      %add3A_182 = arith.addi %add3A_181, %mul3A_180 : i32
      %get3A_183 = arith.index_cast %add3A_182 : i32 to index
      %get3A_184 = tpu.vector_load %arg7[%get3A_183] {strides = array<i32>} : memref<16384xf32, #tpu.memory_space<vmem>>, vector<16xf32>,
      %add3A_185 = arith.addf %get3A_184, %gather3A_178 : vector<16xf32>
      %swap3A_186 = arith.index_cast %add3A_182 : i32 to index
      %swap3A_187 = tpu.vector_load %arg7[%swap3A_186] {strides = array<i32>} : memref<16384xf32, #tpu.memory_space<vmem>>, vector<16xf32>,
      tpu.vector_store %arg7[%swap3A_186], %add3A_185 {strides = array<i32>} : memref<16384xf32, #tpu.memory_space<vmem>>, vector<16xf32>,
      %mul3A_188 = arith.constant 8 : i32
      %mul3A_189 = arith.muli %scan3A_135, %mul3A_188 : i32
      %add3A_190 = arith.constant 3 : i32
      %add3A_191 = arith.addi %mul3A_189, %add3A_190 : i32
      %mul3A_192 = arith.constant 16 : i32
      %mul3A_193 = arith.muli %add3A_191, %mul3A_192 : i32
      %get3A_194 = arith.index_cast %mul3A_193 : i32 to index
      %get3A_195 = tpu.vector_load %arg6[%get3A_194] {strides = array<i32>} : memref<8192xi32, #tpu.memory_space<vmem>>, vector<16xi32>,
      %gather3A_196 = tpu.vector_load_idx %arg5[%get3A_195] : memref<100000xf32, #tpu.memory_space<vmem>>[vector<16xi32>], vector<16xf32>,
      %mul3A_197 = arith.constant 16 : i32
      %mul3A_198 = arith.muli %add3A_191, %mul3A_197 : i32
      %add3A_199 = arith.constant 0 : i32
      %add3A_200 = arith.addi %add3A_199, %mul3A_198 : i32
      %get3A_201 = arith.index_cast %add3A_200 : i32 to index
      %get3A_202 = tpu.vector_load %arg7[%get3A_201] {strides = array<i32>} : memref<16384xf32, #tpu.memory_space<vmem>>, vector<16xf32>,
      %add3A_203 = arith.addf %get3A_202, %gather3A_196 : vector<16xf32>
      %swap3A_204 = arith.index_cast %add3A_200 : i32 to index
      %swap3A_205 = tpu.vector_load %arg7[%swap3A_204] {strides = array<i32>} : memref<16384xf32, #tpu.memory_space<vmem>>, vector<16xf32>,
      tpu.vector_store %arg7[%swap3A_204], %add3A_203 {strides = array<i32>} : memref<16384xf32, #tpu.memory_space<vmem>>, vector<16xf32>,
      %mul3A_206 = arith.constant 8 : i32
      %mul3A_207 = arith.muli %scan3A_135, %mul3A_206 : i32
      %add3A_208 = arith.constant 4 : i32
      %add3A_209 = arith.addi %mul3A_207, %add3A_208 : i32
      %mul3A_210 = arith.constant 16 : i32
      %mul3A_211 = arith.muli %add3A_209, %mul3A_210 : i32
      %get3A_212 = arith.index_cast %mul3A_211 : i32 to index
      %get3A_213 = tpu.vector_load %arg6[%get3A_212] {strides = array<i32>} : memref<8192xi32, #tpu.memory_space<vmem>>, vector<16xi32>,
      %gather3A_214 = tpu.vector_load_idx %arg5[%get3A_213] : memref<100000xf32, #tpu.memory_space<vmem>>[vector<16xi32>], vector<16xf32>,
      %mul3A_215 = arith.constant 16 : i32
      %mul3A_216 = arith.muli %add3A_209, %mul3A_215 : i32
      %add3A_217 = arith.constant 0 : i32
      %add3A_218 = arith.addi %add3A_217, %mul3A_216 : i32
      %get3A_219 = arith.index_cast %add3A_218 : i32 to index
      %get3A_220 = tpu.vector_load %arg7[%get3A_219] {strides = array<i32>} : memref<16384xf32, #tpu.memory_space<vmem>>, vector<16xf32>,
      %add3A_221 = arith.addf %get3A_220, %gather3A_214 : vector<16xf32>
      %swap3A_222 = arith.index_cast %add3A_218 : i32 to index
      %swap3A_223 = tpu.vector_load %arg7[%swap3A_222] {strides = array<i32>} : memref<16384xf32, #tpu.memory_space<vmem>>, vector<16xf32>,
      tpu.vector_store %arg7[%swap3A_222], %add3A_221 {strides = array<i32>} : memref<16384xf32, #tpu.memory_space<vmem>>, vector<16xf32>,
      %mul3A_224 = arith.constant 8 : i32
      %mul3A_225 = arith.muli %scan3A_135, %mul3A_224 : i32
      %add3A_226 = arith.constant 5 : i32
      %add3A_227 = arith.addi %mul3A_225, %add3A_226 : i32
      %mul3A_228 = arith.constant 16 : i32
      %mul3A_229 = arith.muli %add3A_227, %mul3A_228 : i32
      %get3A_230 = arith.index_cast %mul3A_229 : i32 to index
      %get3A_231 = tpu.vector_load %arg6[%get3A_230] {strides = array<i32>} : memref<8192xi32, #tpu.memory_space<vmem>>, vector<16xi32>,
      %gather3A_232 = tpu.vector_load_idx %arg5[%get3A_231] : memref<100000xf32, #tpu.memory_space<vmem>>[vector<16xi32>], vector<16xf32>,
      %mul3A_233 = arith.constant 16 : i32
      %mul3A_234 = arith.muli %add3A_227, %mul3A_233 : i32
      %add3A_235 = arith.constant 0 : i32
      %add3A_236 = arith.addi %add3A_235, %mul3A_234 : i32
      %get3A_237 = arith.index_cast %add3A_236 : i32 to index
      %get3A_238 = tpu.vector_load %arg7[%get3A_237] {strides = array<i32>} : memref<16384xf32, #tpu.memory_space<vmem>>, vector<16xf32>,
      %add3A_239 = arith.addf %get3A_238, %gather3A_232 : vector<16xf32>
      %swap3A_240 = arith.index_cast %add3A_236 : i32 to index
      %swap3A_241 = tpu.vector_load %arg7[%swap3A_240] {strides = array<i32>} : memref<16384xf32, #tpu.memory_space<vmem>>, vector<16xf32>,
      tpu.vector_store %arg7[%swap3A_240], %add3A_239 {strides = array<i32>} : memref<16384xf32, #tpu.memory_space<vmem>>, vector<16xf32>,
      %mul3A_242 = arith.constant 8 : i32
      %mul3A_243 = arith.muli %scan3A_135, %mul3A_242 : i32
      %add3A_244 = arith.constant 6 : i32
      %add3A_245 = arith.addi %mul3A_243, %add3A_244 : i32
      %mul3A_246 = arith.constant 16 : i32
      %mul3A_247 = arith.muli %add3A_245, %mul3A_246 : i32
      %get3A_248 = arith.index_cast %mul3A_247 : i32 to index
      %get3A_249 = tpu.vector_load %arg6[%get3A_248] {strides = array<i32>} : memref<8192xi32, #tpu.memory_space<vmem>>, vector<16xi32>,
      %gather3A_250 = tpu.vector_load_idx %arg5[%get3A_249] : memref<100000xf32, #tpu.memory_space<vmem>>[vector<16xi32>], vector<16xf32>,
      %mul3A_251 = arith.constant 16 : i32
      %mul3A_252 = arith.muli %add3A_245, %mul3A_251 : i32
      %add3A_253 = arith.constant 0 : i32
      %add3A_254 = arith.addi %add3A_253, %mul3A_252 : i32
      %get3A_255 = arith.index_cast %add3A_254 : i32 to index
      %get3A_256 = tpu.vector_load %arg7[%get3A_255] {strides = array<i32>} : memref<16384xf32, #tpu.memory_space<vmem>>, vector<16xf32>,
      %add3A_257 = arith.addf %get3A_256, %gather3A_250 : vector<16xf32>
      %swap3A_258 = arith.index_cast %add3A_254 : i32 to index
      %swap3A_259 = tpu.vector_load %arg7[%swap3A_258] {strides = array<i32>} : memref<16384xf32, #tpu.memory_space<vmem>>, vector<16xf32>,
      tpu.vector_store %arg7[%swap3A_258], %add3A_257 {strides = array<i32>} : memref<16384xf32, #tpu.memory_space<vmem>>, vector<16xf32>,
      %mul3A_260 = arith.constant 8 : i32
      %mul3A_261 = arith.muli %scan3A_135, %mul3A_260 : i32
      %add3A_262 = arith.constant 7 : i32
      %add3A_263 = arith.addi %mul3A_261, %add3A_262 : i32
      %mul3A_264 = arith.constant 16 : i32
      %mul3A_265 = arith.muli %add3A_263, %mul3A_264 : i32
      %get3A_266 = arith.index_cast %mul3A_265 : i32 to index
      %get3A_267 = tpu.vector_load %arg6[%get3A_266] {strides = array<i32>} : memref<8192xi32, #tpu.memory_space<vmem>>, vector<16xi32>,
      %gather3A_268 = tpu.vector_load_idx %arg5[%get3A_267] : memref<100000xf32, #tpu.memory_space<vmem>>[vector<16xi32>], vector<16xf32>,
      %mul3A_269 = arith.constant 16 : i32
      %mul3A_270 = arith.muli %add3A_263, %mul3A_269 : i32
      %add3A_271 = arith.constant 0 : i32
      %add3A_272 = arith.addi %add3A_271, %mul3A_270 : i32
      %get3A_273 = arith.index_cast %add3A_272 : i32 to index
      %get3A_274 = tpu.vector_load %arg7[%get3A_273] {strides = array<i32>} : memref<16384xf32, #tpu.memory_space<vmem>>, vector<16xf32>,
      %add3A_275 = arith.addf %get3A_274, %gather3A_268 : vector<16xf32>
      %swap3A_276 = arith.index_cast %add3A_272 : i32 to index
      %swap3A_277 = tpu.vector_load %arg7[%swap3A_276] {strides = array<i32>} : memref<16384xf32, #tpu.memory_space<vmem>>, vector<16xf32>,
      tpu.vector_store %arg7[%swap3A_276], %add3A_275 {strides = array<i32>} : memref<16384xf32, #tpu.memory_space<vmem>>, vector<16xf32>,
      %scan3A_278 = arith.constant 0 : i32
      scf.yield %scan3A_278 : i32
    }
    %scan3A_24 = arith.constant 64 : i32
    %run_scoped3A_25 = arith.constant 1 : i32
    "tpu.region"() ({
      %run_scoped3A_135 = tpu.sem_alloc : memref<!tpu.dma_semaphore, #tpu.memory_space<semaphore_mem>>
      %dma_start3A = arith.constant 8192 : i32
      %dma_start3A_136 = tpu.memref_slice %arg3[%run_scoped3A_25, %dma_start3A] : memref<8x16384xi32, #tpu.memory_space<hbm>> -> memref<1x8192xi32, #tpu.memory_space<hbm>>
      %dma_start3A_137 = tpu.memref_squeeze %dma_start3A_136 : memref<1x8192xi32, #tpu.memory_space<hbm>> -> memref<8192xi32, #tpu.memory_space<hbm>>
      %dma_start3A_138 = arith.constant 8192 : i32
      %dma_start3A_139 = tpu.memref_slice %arg3[%run_scoped3A_25, %dma_start3A_138] : memref<8x16384xi32, #tpu.memory_space<hbm>> -> memref<1x8192xi32, #tpu.memory_space<hbm>>
      %dma_start3A_140 = tpu.memref_squeeze %dma_start3A_139 : memref<1x8192xi32, #tpu.memory_space<hbm>> -> memref<8192xi32, #tpu.memory_space<hbm>>
      tpu.enqueue_dma source(%dma_start3A_140 : memref<8192xi32, #tpu.memory_space<hbm>>) target(%arg6 : memref<8192xi32, #tpu.memory_space<vmem>>) target_semaphore(%run_scoped3A_135 : memref<!tpu.dma_semaphore, #tpu.memory_space<semaphore_mem>>)
      %dma_wait3A = arith.constant 8192 : i32
      %dma_wait3A_141 = tpu.memref_slice %arg3[%run_scoped3A_25, %dma_wait3A] : memref<8x16384xi32, #tpu.memory_space<hbm>> -> memref<1x8192xi32, #tpu.memory_space<hbm>>
      %dma_wait3A_142 = tpu.memref_squeeze %dma_wait3A_141 : memref<1x8192xi32, #tpu.memory_space<hbm>> -> memref<8192xi32, #tpu.memory_space<hbm>>
      %dma_wait3A_143 = arith.constant 8192 : i32
      %dma_wait3A_144 = tpu.memref_slice %arg3[%run_scoped3A_25, %dma_wait3A_143] : memref<8x16384xi32, #tpu.memory_space<hbm>> -> memref<1x8192xi32, #tpu.memory_space<hbm>>
      %dma_wait3A_145 = tpu.memref_squeeze %dma_wait3A_144 : memref<1x8192xi32, #tpu.memory_space<hbm>> -> memref<8192xi32, #tpu.memory_space<hbm>>
      tpu.wait_dma2 semaphore(%run_scoped3A_135 : memref<!tpu.dma_semaphore, #tpu.memory_space<semaphore_mem>>) src(%dma_wait3A_145 : memref<8192xi32, #tpu.memory_space<hbm>>) dst(%arg6 : memref<8192xi32, #tpu.memory_space<vmem>>)
      tpu.yield
    }) : () -> ()
    %scan3A_26 = arith.constant 0 : i32
    %scan3A_27 = arith.constant 0 : i32
    %scan3A_28 = arith.constant 64 : i32
    %scan3A_29 = arith.addi %scan3A_27, %scan3A_28 : i32
    %scan3A_30 = arith.constant 1 : i32
    %scan3A_31 = scf.for %scan3A_135 = %scan3A_27 to %scan3A_29 step %scan3A_30 iter_args(%scan3A_136 = %scan3A_26) -> (i32)  : i32 {
      %mul3A_137 = arith.constant 8 : i32
      %mul3A_138 = arith.muli %scan3A_135, %mul3A_137 : i32
      %add3A_139 = arith.constant 0 : i32
      %add3A_140 = arith.addi %mul3A_138, %add3A_139 : i32
      %mul3A_141 = arith.constant 16 : i32
      %mul3A_142 = arith.muli %add3A_140, %mul3A_141 : i32
      %get3A = arith.index_cast %mul3A_142 : i32 to index
      %get3A_143 = tpu.vector_load %arg6[%get3A] {strides = array<i32>} : memref<8192xi32, #tpu.memory_space<vmem>>, vector<16xi32>,
      %gather3A = tpu.vector_load_idx %arg5[%get3A_143] : memref<100000xf32, #tpu.memory_space<vmem>>[vector<16xi32>], vector<16xf32>,
      %mul3A_144 = arith.constant 16 : i32
      %mul3A_145 = arith.muli %add3A_140, %mul3A_144 : i32
      %add3A_146 = arith.constant 8192 : i32
      %add3A_147 = arith.addi %add3A_146, %mul3A_145 : i32
      %get3A_148 = arith.index_cast %add3A_147 : i32 to index
      %get3A_149 = tpu.vector_load %arg7[%get3A_148] {strides = array<i32>} : memref<16384xf32, #tpu.memory_space<vmem>>, vector<16xf32>,
      %add3A_150 = arith.addf %get3A_149, %gather3A : vector<16xf32>
      %swap3A = arith.index_cast %add3A_147 : i32 to index
      %swap3A_151 = tpu.vector_load %arg7[%swap3A] {strides = array<i32>} : memref<16384xf32, #tpu.memory_space<vmem>>, vector<16xf32>,
      tpu.vector_store %arg7[%swap3A], %add3A_150 {strides = array<i32>} : memref<16384xf32, #tpu.memory_space<vmem>>, vector<16xf32>,
      %mul3A_152 = arith.constant 8 : i32
      %mul3A_153 = arith.muli %scan3A_135, %mul3A_152 : i32
      %add3A_154 = arith.constant 1 : i32
      %add3A_155 = arith.addi %mul3A_153, %add3A_154 : i32
      %mul3A_156 = arith.constant 16 : i32
      %mul3A_157 = arith.muli %add3A_155, %mul3A_156 : i32
      %get3A_158 = arith.index_cast %mul3A_157 : i32 to index
      %get3A_159 = tpu.vector_load %arg6[%get3A_158] {strides = array<i32>} : memref<8192xi32, #tpu.memory_space<vmem>>, vector<16xi32>,
      %gather3A_160 = tpu.vector_load_idx %arg5[%get3A_159] : memref<100000xf32, #tpu.memory_space<vmem>>[vector<16xi32>], vector<16xf32>,
      %mul3A_161 = arith.constant 16 : i32
      %mul3A_162 = arith.muli %add3A_155, %mul3A_161 : i32
      %add3A_163 = arith.constant 8192 : i32
      %add3A_164 = arith.addi %add3A_163, %mul3A_162 : i32
      %get3A_165 = arith.index_cast %add3A_164 : i32 to index
      %get3A_166 = tpu.vector_load %arg7[%get3A_165] {strides = array<i32>} : memref<16384xf32, #tpu.memory_space<vmem>>, vector<16xf32>,
      %add3A_167 = arith.addf %get3A_166, %gather3A_160 : vector<16xf32>
      %swap3A_168 = arith.index_cast %add3A_164 : i32 to index
      %swap3A_169 = tpu.vector_load %arg7[%swap3A_168] {strides = array<i32>} : memref<16384xf32, #tpu.memory_space<vmem>>, vector<16xf32>,
      tpu.vector_store %arg7[%swap3A_168], %add3A_167 {strides = array<i32>} : memref<16384xf32, #tpu.memory_space<vmem>>, vector<16xf32>,
      %mul3A_170 = arith.constant 8 : i32
      %mul3A_171 = arith.muli %scan3A_135, %mul3A_170 : i32
      %add3A_172 = arith.constant 2 : i32
      %add3A_173 = arith.addi %mul3A_171, %add3A_172 : i32
      %mul3A_174 = arith.constant 16 : i32
      %mul3A_175 = arith.muli %add3A_173, %mul3A_174 : i32
      %get3A_176 = arith.index_cast %mul3A_175 : i32 to index
      %get3A_177 = tpu.vector_load %arg6[%get3A_176] {strides = array<i32>} : memref<8192xi32, #tpu.memory_space<vmem>>, vector<16xi32>,
      %gather3A_178 = tpu.vector_load_idx %arg5[%get3A_177] : memref<100000xf32, #tpu.memory_space<vmem>>[vector<16xi32>], vector<16xf32>,
      %mul3A_179 = arith.constant 16 : i32
      %mul3A_180 = arith.muli %add3A_173, %mul3A_179 : i32
      %add3A_181 = arith.constant 8192 : i32
      %add3A_182 = arith.addi %add3A_181, %mul3A_180 : i32
      %get3A_183 = arith.index_cast %add3A_182 : i32 to index
      %get3A_184 = tpu.vector_load %arg7[%get3A_183] {strides = array<i32>} : memref<16384xf32, #tpu.memory_space<vmem>>, vector<16xf32>,
      %add3A_185 = arith.addf %get3A_184, %gather3A_178 : vector<16xf32>
      %swap3A_186 = arith.index_cast %add3A_182 : i32 to index
      %swap3A_187 = tpu.vector_load %arg7[%swap3A_186] {strides = array<i32>} : memref<16384xf32, #tpu.memory_space<vmem>>, vector<16xf32>,
      tpu.vector_store %arg7[%swap3A_186], %add3A_185 {strides = array<i32>} : memref<16384xf32, #tpu.memory_space<vmem>>, vector<16xf32>,
      %mul3A_188 = arith.constant 8 : i32
      %mul3A_189 = arith.muli %scan3A_135, %mul3A_188 : i32
      %add3A_190 = arith.constant 3 : i32
      %add3A_191 = arith.addi %mul3A_189, %add3A_190 : i32
      %mul3A_192 = arith.constant 16 : i32
      %mul3A_193 = arith.muli %add3A_191, %mul3A_192 : i32
      %get3A_194 = arith.index_cast %mul3A_193 : i32 to index
      %get3A_195 = tpu.vector_load %arg6[%get3A_194] {strides = array<i32>} : memref<8192xi32, #tpu.memory_space<vmem>>, vector<16xi32>,
      %gather3A_196 = tpu.vector_load_idx %arg5[%get3A_195] : memref<100000xf32, #tpu.memory_space<vmem>>[vector<16xi32>], vector<16xf32>,
      %mul3A_197 = arith.constant 16 : i32
      %mul3A_198 = arith.muli %add3A_191, %mul3A_197 : i32
      %add3A_199 = arith.constant 8192 : i32
      %add3A_200 = arith.addi %add3A_199, %mul3A_198 : i32
      %get3A_201 = arith.index_cast %add3A_200 : i32 to index
      %get3A_202 = tpu.vector_load %arg7[%get3A_201] {strides = array<i32>} : memref<16384xf32, #tpu.memory_space<vmem>>, vector<16xf32>,
      %add3A_203 = arith.addf %get3A_202, %gather3A_196 : vector<16xf32>
      %swap3A_204 = arith.index_cast %add3A_200 : i32 to index
      %swap3A_205 = tpu.vector_load %arg7[%swap3A_204] {strides = array<i32>} : memref<16384xf32, #tpu.memory_space<vmem>>, vector<16xf32>,
      tpu.vector_store %arg7[%swap3A_204], %add3A_203 {strides = array<i32>} : memref<16384xf32, #tpu.memory_space<vmem>>, vector<16xf32>,
      %mul3A_206 = arith.constant 8 : i32
      %mul3A_207 = arith.muli %scan3A_135, %mul3A_206 : i32
      %add3A_208 = arith.constant 4 : i32
      %add3A_209 = arith.addi %mul3A_207, %add3A_208 : i32
      %mul3A_210 = arith.constant 16 : i32
      %mul3A_211 = arith.muli %add3A_209, %mul3A_210 : i32
      %get3A_212 = arith.index_cast %mul3A_211 : i32 to index
      %get3A_213 = tpu.vector_load %arg6[%get3A_212] {strides = array<i32>} : memref<8192xi32, #tpu.memory_space<vmem>>, vector<16xi32>,
      %gather3A_214 = tpu.vector_load_idx %arg5[%get3A_213] : memref<100000xf32, #tpu.memory_space<vmem>>[vector<16xi32>], vector<16xf32>,
      %mul3A_215 = arith.constant 16 : i32
      %mul3A_216 = arith.muli %add3A_209, %mul3A_215 : i32
      %add3A_217 = arith.constant 8192 : i32
      %add3A_218 = arith.addi %add3A_217, %mul3A_216 : i32
      %get3A_219 = arith.index_cast %add3A_218 : i32 to index
      %get3A_220 = tpu.vector_load %arg7[%get3A_219] {strides = array<i32>} : memref<16384xf32, #tpu.memory_space<vmem>>, vector<16xf32>,
      %add3A_221 = arith.addf %get3A_220, %gather3A_214 : vector<16xf32>
      %swap3A_222 = arith.index_cast %add3A_218 : i32 to index
      %swap3A_223 = tpu.vector_load %arg7[%swap3A_222] {strides = array<i32>} : memref<16384xf32, #tpu.memory_space<vmem>>, vector<16xf32>,
      tpu.vector_store %arg7[%swap3A_222], %add3A_221 {strides = array<i32>} : memref<16384xf32, #tpu.memory_space<vmem>>, vector<16xf32>,
      %mul3A_224 = arith.constant 8 : i32
      %mul3A_225 = arith.muli %scan3A_135, %mul3A_224 : i32
      %add3A_226 = arith.constant 5 : i32
      %add3A_227 = arith.addi %mul3A_225, %add3A_226 : i32
      %mul3A_228 = arith.constant 16 : i32
      %mul3A_229 = arith.muli %add3A_227, %mul3A_228 : i32
      %get3A_230 = arith.index_cast %mul3A_229 : i32 to index
      %get3A_231 = tpu.vector_load %arg6[%get3A_230] {strides = array<i32>} : memref<8192xi32, #tpu.memory_space<vmem>>, vector<16xi32>,
      %gather3A_232 = tpu.vector_load_idx %arg5[%get3A_231] : memref<100000xf32, #tpu.memory_space<vmem>>[vector<16xi32>], vector<16xf32>,
      %mul3A_233 = arith.constant 16 : i32
      %mul3A_234 = arith.muli %add3A_227, %mul3A_233 : i32
      %add3A_235 = arith.constant 8192 : i32
      %add3A_236 = arith.addi %add3A_235, %mul3A_234 : i32
      %get3A_237 = arith.index_cast %add3A_236 : i32 to index
      %get3A_238 = tpu.vector_load %arg7[%get3A_237] {strides = array<i32>} : memref<16384xf32, #tpu.memory_space<vmem>>, vector<16xf32>,
      %add3A_239 = arith.addf %get3A_238, %gather3A_232 : vector<16xf32>
      %swap3A_240 = arith.index_cast %add3A_236 : i32 to index
      %swap3A_241 = tpu.vector_load %arg7[%swap3A_240] {strides = array<i32>} : memref<16384xf32, #tpu.memory_space<vmem>>, vector<16xf32>,
      tpu.vector_store %arg7[%swap3A_240], %add3A_239 {strides = array<i32>} : memref<16384xf32, #tpu.memory_space<vmem>>, vector<16xf32>,
      %mul3A_242 = arith.constant 8 : i32
      %mul3A_243 = arith.muli %scan3A_135, %mul3A_242 : i32
      %add3A_244 = arith.constant 6 : i32
      %add3A_245 = arith.addi %mul3A_243, %add3A_244 : i32
      %mul3A_246 = arith.constant 16 : i32
      %mul3A_247 = arith.muli %add3A_245, %mul3A_246 : i32
      %get3A_248 = arith.index_cast %mul3A_247 : i32 to index
      %get3A_249 = tpu.vector_load %arg6[%get3A_248] {strides = array<i32>} : memref<8192xi32, #tpu.memory_space<vmem>>, vector<16xi32>,
      %gather3A_250 = tpu.vector_load_idx %arg5[%get3A_249] : memref<100000xf32, #tpu.memory_space<vmem>>[vector<16xi32>], vector<16xf32>,
      %mul3A_251 = arith.constant 16 : i32
      %mul3A_252 = arith.muli %add3A_245, %mul3A_251 : i32
      %add3A_253 = arith.constant 8192 : i32
      %add3A_254 = arith.addi %add3A_253, %mul3A_252 : i32
      %get3A_255 = arith.index_cast %add3A_254 : i32 to index
      %get3A_256 = tpu.vector_load %arg7[%get3A_255] {strides = array<i32>} : memref<16384xf32, #tpu.memory_space<vmem>>, vector<16xf32>,
      %add3A_257 = arith.addf %get3A_256, %gather3A_250 : vector<16xf32>
      %swap3A_258 = arith.index_cast %add3A_254 : i32 to index
      %swap3A_259 = tpu.vector_load %arg7[%swap3A_258] {strides = array<i32>} : memref<16384xf32, #tpu.memory_space<vmem>>, vector<16xf32>,
      tpu.vector_store %arg7[%swap3A_258], %add3A_257 {strides = array<i32>} : memref<16384xf32, #tpu.memory_space<vmem>>, vector<16xf32>,
      %mul3A_260 = arith.constant 8 : i32
      %mul3A_261 = arith.muli %scan3A_135, %mul3A_260 : i32
      %add3A_262 = arith.constant 7 : i32
      %add3A_263 = arith.addi %mul3A_261, %add3A_262 : i32
      %mul3A_264 = arith.constant 16 : i32
      %mul3A_265 = arith.muli %add3A_263, %mul3A_264 : i32
      %get3A_266 = arith.index_cast %mul3A_265 : i32 to index
      %get3A_267 = tpu.vector_load %arg6[%get3A_266] {strides = array<i32>} : memref<8192xi32, #tpu.memory_space<vmem>>, vector<16xi32>,
      %gather3A_268 = tpu.vector_load_idx %arg5[%get3A_267] : memref<100000xf32, #tpu.memory_space<vmem>>[vector<16xi32>], vector<16xf32>,
      %mul3A_269 = arith.constant 16 : i32
      %mul3A_270 = arith.muli %add3A_263, %mul3A_269 : i32
      %add3A_271 = arith.constant 8192 : i32
      %add3A_272 = arith.addi %add3A_271, %mul3A_270 : i32
      %get3A_273 = arith.index_cast %add3A_272 : i32 to index
      %get3A_274 = tpu.vector_load %arg7[%get3A_273] {strides = array<i32>} : memref<16384xf32, #tpu.memory_space<vmem>>, vector<16xf32>,
      %add3A_275 = arith.addf %get3A_274, %gather3A_268 : vector<16xf32>
      %swap3A_276 = arith.index_cast %add3A_272 : i32 to index
      %swap3A_277 = tpu.vector_load %arg7[%swap3A_276] {strides = array<i32>} : memref<16384xf32, #tpu.memory_space<vmem>>, vector<16xf32>,
      tpu.vector_store %arg7[%swap3A_276], %add3A_275 {strides = array<i32>} : memref<16384xf32, #tpu.memory_space<vmem>>, vector<16xf32>,
      %scan3A_278 = arith.constant 0 : i32
      scf.yield %scan3A_278 : i32
    }
    %scan3A_32 = arith.constant 64 : i32
    %run_scoped3A_33 = arith.constant 2 : i32
    "tpu.region"() ({
      %run_scoped3A_135 = tpu.sem_alloc : memref<!tpu.dma_semaphore, #tpu.memory_space<semaphore_mem>>
      %dma_start3A = arith.constant 0 : i32
      %dma_start3A_136 = tpu.memref_slice %arg2[%run_scoped3A_33, %add3A, %dma_start3A] : memref<8x32x100000xf32, #tpu.memory_space<hbm>> -> memref<1x1x100000xf32, #tpu.memory_space<hbm>>
      %dma_start3A_137 = tpu.memref_squeeze %dma_start3A_136 : memref<1x1x100000xf32, #tpu.memory_space<hbm>> -> memref<100000xf32, #tpu.memory_space<hbm>>
      %dma_start3A_138 = arith.constant 0 : i32
      %dma_start3A_139 = tpu.memref_slice %arg2[%run_scoped3A_33, %add3A, %dma_start3A_138] : memref<8x32x100000xf32, #tpu.memory_space<hbm>> -> memref<1x1x100000xf32, #tpu.memory_space<hbm>>
      %dma_start3A_140 = tpu.memref_squeeze %dma_start3A_139 : memref<1x1x100000xf32, #tpu.memory_space<hbm>> -> memref<100000xf32, #tpu.memory_space<hbm>>
      tpu.enqueue_dma source(%dma_start3A_140 : memref<100000xf32, #tpu.memory_space<hbm>>) target(%arg5 : memref<100000xf32, #tpu.memory_space<vmem>>) target_semaphore(%run_scoped3A_135 : memref<!tpu.dma_semaphore, #tpu.memory_space<semaphore_mem>>)
      %dma_wait3A = arith.constant 0 : i32
      %dma_wait3A_141 = tpu.memref_slice %arg2[%run_scoped3A_33, %add3A, %dma_wait3A] : memref<8x32x100000xf32, #tpu.memory_space<hbm>> -> memref<1x1x100000xf32, #tpu.memory_space<hbm>>
      %dma_wait3A_142 = tpu.memref_squeeze %dma_wait3A_141 : memref<1x1x100000xf32, #tpu.memory_space<hbm>> -> memref<100000xf32, #tpu.memory_space<hbm>>
      %dma_wait3A_143 = arith.constant 0 : i32
      %dma_wait3A_144 = tpu.memref_slice %arg2[%run_scoped3A_33, %add3A, %dma_wait3A_143] : memref<8x32x100000xf32, #tpu.memory_space<hbm>> -> memref<1x1x100000xf32, #tpu.memory_space<hbm>>
      %dma_wait3A_145 = tpu.memref_squeeze %dma_wait3A_144 : memref<1x1x100000xf32, #tpu.memory_space<hbm>> -> memref<100000xf32, #tpu.memory_space<hbm>>
      tpu.wait_dma2 semaphore(%run_scoped3A_135 : memref<!tpu.dma_semaphore, #tpu.memory_space<semaphore_mem>>) src(%dma_wait3A_145 : memref<100000xf32, #tpu.memory_space<hbm>>) dst(%arg5 : memref<100000xf32, #tpu.memory_space<vmem>>)
      tpu.yield
    }) : () -> ()
    %run_scoped3A_34 = arith.constant 2 : i32
    "tpu.region"() ({
      %run_scoped3A_135 = tpu.sem_alloc : memref<!tpu.dma_semaphore, #tpu.memory_space<semaphore_mem>>
      %dma_start3A = arith.constant 0 : i32
      %dma_start3A_136 = tpu.memref_slice %arg3[%run_scoped3A_34, %dma_start3A] : memref<8x16384xi32, #tpu.memory_space<hbm>> -> memref<1x8192xi32, #tpu.memory_space<hbm>>
      %dma_start3A_137 = tpu.memref_squeeze %dma_start3A_136 : memref<1x8192xi32, #tpu.memory_space<hbm>> -> memref<8192xi32, #tpu.memory_space<hbm>>
      %dma_start3A_138 = arith.constant 0 : i32
      %dma_start3A_139 = tpu.memref_slice %arg3[%run_scoped3A_34, %dma_start3A_138] : memref<8x16384xi32, #tpu.memory_space<hbm>> -> memref<1x8192xi32, #tpu.memory_space<hbm>>
      %dma_start3A_140 = tpu.memref_squeeze %dma_start3A_139 : memref<1x8192xi32, #tpu.memory_space<hbm>> -> memref<8192xi32, #tpu.memory_space<hbm>>
      tpu.enqueue_dma source(%dma_start3A_140 : memref<8192xi32, #tpu.memory_space<hbm>>) target(%arg6 : memref<8192xi32, #tpu.memory_space<vmem>>) target_semaphore(%run_scoped3A_135 : memref<!tpu.dma_semaphore, #tpu.memory_space<semaphore_mem>>)
      %dma_wait3A = arith.constant 0 : i32
      %dma_wait3A_141 = tpu.memref_slice %arg3[%run_scoped3A_34, %dma_wait3A] : memref<8x16384xi32, #tpu.memory_space<hbm>> -> memref<1x8192xi32, #tpu.memory_space<hbm>>
      %dma_wait3A_142 = tpu.memref_squeeze %dma_wait3A_141 : memref<1x8192xi32, #tpu.memory_space<hbm>> -> memref<8192xi32, #tpu.memory_space<hbm>>
      %dma_wait3A_143 = arith.constant 0 : i32
      %dma_wait3A_144 = tpu.memref_slice %arg3[%run_scoped3A_34, %dma_wait3A_143] : memref<8x16384xi32, #tpu.memory_space<hbm>> -> memref<1x8192xi32, #tpu.memory_space<hbm>>
      %dma_wait3A_145 = tpu.memref_squeeze %dma_wait3A_144 : memref<1x8192xi32, #tpu.memory_space<hbm>> -> memref<8192xi32, #tpu.memory_space<hbm>>
      tpu.wait_dma2 semaphore(%run_scoped3A_135 : memref<!tpu.dma_semaphore, #tpu.memory_space<semaphore_mem>>) src(%dma_wait3A_145 : memref<8192xi32, #tpu.memory_space<hbm>>) dst(%arg6 : memref<8192xi32, #tpu.memory_space<vmem>>)
      tpu.yield
    }) : () -> ()
    %scan3A_35 = arith.constant 0 : i32
    %scan3A_36 = arith.constant 0 : i32
    %scan3A_37 = arith.constant 64 : i32
    %scan3A_38 = arith.addi %scan3A_36, %scan3A_37 : i32
    %scan3A_39 = arith.constant 1 : i32
    %scan3A_40 = scf.for %scan3A_135 = %scan3A_36 to %scan3A_38 step %scan3A_39 iter_args(%scan3A_136 = %scan3A_35) -> (i32)  : i32 {
      %mul3A_137 = arith.constant 8 : i32
      %mul3A_138 = arith.muli %scan3A_135, %mul3A_137 : i32
      %add3A_139 = arith.constant 0 : i32
      %add3A_140 = arith.addi %mul3A_138, %add3A_139 : i32
      %mul3A_141 = arith.constant 16 : i32
      %mul3A_142 = arith.muli %add3A_140, %mul3A_141 : i32
      %get3A = arith.index_cast %mul3A_142 : i32 to index
      %get3A_143 = tpu.vector_load %arg6[%get3A] {strides = array<i32>} : memref<8192xi32, #tpu.memory_space<vmem>>, vector<16xi32>,
      %gather3A = tpu.vector_load_idx %arg5[%get3A_143] : memref<100000xf32, #tpu.memory_space<vmem>>[vector<16xi32>], vector<16xf32>,
      %mul3A_144 = arith.constant 16 : i32
      %mul3A_145 = arith.muli %add3A_140, %mul3A_144 : i32
      %add3A_146 = arith.constant 0 : i32
      %add3A_147 = arith.addi %add3A_146, %mul3A_145 : i32
      %get3A_148 = arith.index_cast %add3A_147 : i32 to index
      %get3A_149 = tpu.vector_load %arg7[%get3A_148] {strides = array<i32>} : memref<16384xf32, #tpu.memory_space<vmem>>, vector<16xf32>,
      %add3A_150 = arith.addf %get3A_149, %gather3A : vector<16xf32>
      %swap3A = arith.index_cast %add3A_147 : i32 to index
      %swap3A_151 = tpu.vector_load %arg7[%swap3A] {strides = array<i32>} : memref<16384xf32, #tpu.memory_space<vmem>>, vector<16xf32>,
      tpu.vector_store %arg7[%swap3A], %add3A_150 {strides = array<i32>} : memref<16384xf32, #tpu.memory_space<vmem>>, vector<16xf32>,
      %mul3A_152 = arith.constant 8 : i32
      %mul3A_153 = arith.muli %scan3A_135, %mul3A_152 : i32
      %add3A_154 = arith.constant 1 : i32
      %add3A_155 = arith.addi %mul3A_153, %add3A_154 : i32
      %mul3A_156 = arith.constant 16 : i32
      %mul3A_157 = arith.muli %add3A_155, %mul3A_156 : i32
      %get3A_158 = arith.index_cast %mul3A_157 : i32 to index
      %get3A_159 = tpu.vector_load %arg6[%get3A_158] {strides = array<i32>} : memref<8192xi32, #tpu.memory_space<vmem>>, vector<16xi32>,
      %gather3A_160 = tpu.vector_load_idx %arg5[%get3A_159] : memref<100000xf32, #tpu.memory_space<vmem>>[vector<16xi32>], vector<16xf32>,
      %mul3A_161 = arith.constant 16 : i32
      %mul3A_162 = arith.muli %add3A_155, %mul3A_161 : i32
      %add3A_163 = arith.constant 0 : i32
      %add3A_164 = arith.addi %add3A_163, %mul3A_162 : i32
      %get3A_165 = arith.index_cast %add3A_164 : i32 to index
      %get3A_166 = tpu.vector_load %arg7[%get3A_165] {strides = array<i32>} : memref<16384xf32, #tpu.memory_space<vmem>>, vector<16xf32>,
      %add3A_167 = arith.addf %get3A_166, %gather3A_160 : vector<16xf32>
      %swap3A_168 = arith.index_cast %add3A_164 : i32 to index
      %swap3A_169 = tpu.vector_load %arg7[%swap3A_168] {strides = array<i32>} : memref<16384xf32, #tpu.memory_space<vmem>>, vector<16xf32>,
      tpu.vector_store %arg7[%swap3A_168], %add3A_167 {strides = array<i32>} : memref<16384xf32, #tpu.memory_space<vmem>>, vector<16xf32>,
      %mul3A_170 = arith.constant 8 : i32
      %mul3A_171 = arith.muli %scan3A_135, %mul3A_170 : i32
      %add3A_172 = arith.constant 2 : i32
      %add3A_173 = arith.addi %mul3A_171, %add3A_172 : i32
      %mul3A_174 = arith.constant 16 : i32
      %mul3A_175 = arith.muli %add3A_173, %mul3A_174 : i32
      %get3A_176 = arith.index_cast %mul3A_175 : i32 to index
      %get3A_177 = tpu.vector_load %arg6[%get3A_176] {strides = array<i32>} : memref<8192xi32, #tpu.memory_space<vmem>>, vector<16xi32>,
      %gather3A_178 = tpu.vector_load_idx %arg5[%get3A_177] : memref<100000xf32, #tpu.memory_space<vmem>>[vector<16xi32>], vector<16xf32>,
      %mul3A_179 = arith.constant 16 : i32
      %mul3A_180 = arith.muli %add3A_173, %mul3A_179 : i32
      %add3A_181 = arith.constant 0 : i32
      %add3A_182 = arith.addi %add3A_181, %mul3A_180 : i32
      %get3A_183 = arith.index_cast %add3A_182 : i32 to index
      %get3A_184 = tpu.vector_load %arg7[%get3A_183] {strides = array<i32>} : memref<16384xf32, #tpu.memory_space<vmem>>, vector<16xf32>,
      %add3A_185 = arith.addf %get3A_184, %gather3A_178 : vector<16xf32>
      %swap3A_186 = arith.index_cast %add3A_182 : i32 to index
      %swap3A_187 = tpu.vector_load %arg7[%swap3A_186] {strides = array<i32>} : memref<16384xf32, #tpu.memory_space<vmem>>, vector<16xf32>,
      tpu.vector_store %arg7[%swap3A_186], %add3A_185 {strides = array<i32>} : memref<16384xf32, #tpu.memory_space<vmem>>, vector<16xf32>,
      %mul3A_188 = arith.constant 8 : i32
      %mul3A_189 = arith.muli %scan3A_135, %mul3A_188 : i32
      %add3A_190 = arith.constant 3 : i32
      %add3A_191 = arith.addi %mul3A_189, %add3A_190 : i32
      %mul3A_192 = arith.constant 16 : i32
      %mul3A_193 = arith.muli %add3A_191, %mul3A_192 : i32
      %get3A_194 = arith.index_cast %mul3A_193 : i32 to index
      %get3A_195 = tpu.vector_load %arg6[%get3A_194] {strides = array<i32>} : memref<8192xi32, #tpu.memory_space<vmem>>, vector<16xi32>,
      %gather3A_196 = tpu.vector_load_idx %arg5[%get3A_195] : memref<100000xf32, #tpu.memory_space<vmem>>[vector<16xi32>], vector<16xf32>,
      %mul3A_197 = arith.constant 16 : i32
      %mul3A_198 = arith.muli %add3A_191, %mul3A_197 : i32
      %add3A_199 = arith.constant 0 : i32
      %add3A_200 = arith.addi %add3A_199, %mul3A_198 : i32
      %get3A_201 = arith.index_cast %add3A_200 : i32 to index
      %get3A_202 = tpu.vector_load %arg7[%get3A_201] {strides = array<i32>} : memref<16384xf32, #tpu.memory_space<vmem>>, vector<16xf32>,
      %add3A_203 = arith.addf %get3A_202, %gather3A_196 : vector<16xf32>
      %swap3A_204 = arith.index_cast %add3A_200 : i32 to index
      %swap3A_205 = tpu.vector_load %arg7[%swap3A_204] {strides = array<i32>} : memref<16384xf32, #tpu.memory_space<vmem>>, vector<16xf32>,
      tpu.vector_store %arg7[%swap3A_204], %add3A_203 {strides = array<i32>} : memref<16384xf32, #tpu.memory_space<vmem>>, vector<16xf32>,
      %mul3A_206 = arith.constant 8 : i32
      %mul3A_207 = arith.muli %scan3A_135, %mul3A_206 : i32
      %add3A_208 = arith.constant 4 : i32
      %add3A_209 = arith.addi %mul3A_207, %add3A_208 : i32
      %mul3A_210 = arith.constant 16 : i32
      %mul3A_211 = arith.muli %add3A_209, %mul3A_210 : i32
      %get3A_212 = arith.index_cast %mul3A_211 : i32 to index
      %get3A_213 = tpu.vector_load %arg6[%get3A_212] {strides = array<i32>} : memref<8192xi32, #tpu.memory_space<vmem>>, vector<16xi32>,
      %gather3A_214 = tpu.vector_load_idx %arg5[%get3A_213] : memref<100000xf32, #tpu.memory_space<vmem>>[vector<16xi32>], vector<16xf32>,
      %mul3A_215 = arith.constant 16 : i32
      %mul3A_216 = arith.muli %add3A_209, %mul3A_215 : i32
      %add3A_217 = arith.constant 0 : i32
      %add3A_218 = arith.addi %add3A_217, %mul3A_216 : i32
      %get3A_219 = arith.index_cast %add3A_218 : i32 to index
      %get3A_220 = tpu.vector_load %arg7[%get3A_219] {strides = array<i32>} : memref<16384xf32, #tpu.memory_space<vmem>>, vector<16xf32>,
      %add3A_221 = arith.addf %get3A_220, %gather3A_214 : vector<16xf32>
      %swap3A_222 = arith.index_cast %add3A_218 : i32 to index
      %swap3A_223 = tpu.vector_load %arg7[%swap3A_222] {strides = array<i32>} : memref<16384xf32, #tpu.memory_space<vmem>>, vector<16xf32>,
      tpu.vector_store %arg7[%swap3A_222], %add3A_221 {strides = array<i32>} : memref<16384xf32, #tpu.memory_space<vmem>>, vector<16xf32>,
      %mul3A_224 = arith.constant 8 : i32
      %mul3A_225 = arith.muli %scan3A_135, %mul3A_224 : i32
      %add3A_226 = arith.constant 5 : i32
      %add3A_227 = arith.addi %mul3A_225, %add3A_226 : i32
      %mul3A_228 = arith.constant 16 : i32
      %mul3A_229 = arith.muli %add3A_227, %mul3A_228 : i32
      %get3A_230 = arith.index_cast %mul3A_229 : i32 to index
      %get3A_231 = tpu.vector_load %arg6[%get3A_230] {strides = array<i32>} : memref<8192xi32, #tpu.memory_space<vmem>>, vector<16xi32>,
      %gather3A_232 = tpu.vector_load_idx %arg5[%get3A_231] : memref<100000xf32, #tpu.memory_space<vmem>>[vector<16xi32>], vector<16xf32>,
      %mul3A_233 = arith.constant 16 : i32
      %mul3A_234 = arith.muli %add3A_227, %mul3A_233 : i32
      %add3A_235 = arith.constant 0 : i32
      %add3A_236 = arith.addi %add3A_235, %mul3A_234 : i32
      %get3A_237 = arith.index_cast %add3A_236 : i32 to index
      %get3A_238 = tpu.vector_load %arg7[%get3A_237] {strides = array<i32>} : memref<16384xf32, #tpu.memory_space<vmem>>, vector<16xf32>,
      %add3A_239 = arith.addf %get3A_238, %gather3A_232 : vector<16xf32>
      %swap3A_240 = arith.index_cast %add3A_236 : i32 to index
      %swap3A_241 = tpu.vector_load %arg7[%swap3A_240] {strides = array<i32>} : memref<16384xf32, #tpu.memory_space<vmem>>, vector<16xf32>,
      tpu.vector_store %arg7[%swap3A_240], %add3A_239 {strides = array<i32>} : memref<16384xf32, #tpu.memory_space<vmem>>, vector<16xf32>,
      %mul3A_242 = arith.constant 8 : i32
      %mul3A_243 = arith.muli %scan3A_135, %mul3A_242 : i32
      %add3A_244 = arith.constant 6 : i32
      %add3A_245 = arith.addi %mul3A_243, %add3A_244 : i32
      %mul3A_246 = arith.constant 16 : i32
      %mul3A_247 = arith.muli %add3A_245, %mul3A_246 : i32
      %get3A_248 = arith.index_cast %mul3A_247 : i32 to index
      %get3A_249 = tpu.vector_load %arg6[%get3A_248] {strides = array<i32>} : memref<8192xi32, #tpu.memory_space<vmem>>, vector<16xi32>,
      %gather3A_250 = tpu.vector_load_idx %arg5[%get3A_249] : memref<100000xf32, #tpu.memory_space<vmem>>[vector<16xi32>], vector<16xf32>,
      %mul3A_251 = arith.constant 16 : i32
      %mul3A_252 = arith.muli %add3A_245, %mul3A_251 : i32
      %add3A_253 = arith.constant 0 : i32
      %add3A_254 = arith.addi %add3A_253, %mul3A_252 : i32
      %get3A_255 = arith.index_cast %add3A_254 : i32 to index
      %get3A_256 = tpu.vector_load %arg7[%get3A_255] {strides = array<i32>} : memref<16384xf32, #tpu.memory_space<vmem>>, vector<16xf32>,
      %add3A_257 = arith.addf %get3A_256, %gather3A_250 : vector<16xf32>
      %swap3A_258 = arith.index_cast %add3A_254 : i32 to index
      %swap3A_259 = tpu.vector_load %arg7[%swap3A_258] {strides = array<i32>} : memref<16384xf32, #tpu.memory_space<vmem>>, vector<16xf32>,
      tpu.vector_store %arg7[%swap3A_258], %add3A_257 {strides = array<i32>} : memref<16384xf32, #tpu.memory_space<vmem>>, vector<16xf32>,
      %mul3A_260 = arith.constant 8 : i32
      %mul3A_261 = arith.muli %scan3A_135, %mul3A_260 : i32
      %add3A_262 = arith.constant 7 : i32
      %add3A_263 = arith.addi %mul3A_261, %add3A_262 : i32
      %mul3A_264 = arith.constant 16 : i32
      %mul3A_265 = arith.muli %add3A_263, %mul3A_264 : i32
      %get3A_266 = arith.index_cast %mul3A_265 : i32 to index
      %get3A_267 = tpu.vector_load %arg6[%get3A_266] {strides = array<i32>} : memref<8192xi32, #tpu.memory_space<vmem>>, vector<16xi32>,
      %gather3A_268 = tpu.vector_load_idx %arg5[%get3A_267] : memref<100000xf32, #tpu.memory_space<vmem>>[vector<16xi32>], vector<16xf32>,
      %mul3A_269 = arith.constant 16 : i32
      %mul3A_270 = arith.muli %add3A_263, %mul3A_269 : i32
      %add3A_271 = arith.constant 0 : i32
      %add3A_272 = arith.addi %add3A_271, %mul3A_270 : i32
      %get3A_273 = arith.index_cast %add3A_272 : i32 to index
      %get3A_274 = tpu.vector_load %arg7[%get3A_273] {strides = array<i32>} : memref<16384xf32, #tpu.memory_space<vmem>>, vector<16xf32>,
      %add3A_275 = arith.addf %get3A_274, %gather3A_268 : vector<16xf32>
      %swap3A_276 = arith.index_cast %add3A_272 : i32 to index
      %swap3A_277 = tpu.vector_load %arg7[%swap3A_276] {strides = array<i32>} : memref<16384xf32, #tpu.memory_space<vmem>>, vector<16xf32>,
      tpu.vector_store %arg7[%swap3A_276], %add3A_275 {strides = array<i32>} : memref<16384xf32, #tpu.memory_space<vmem>>, vector<16xf32>,
      %scan3A_278 = arith.constant 0 : i32
      scf.yield %scan3A_278 : i32
    }
    %scan3A_41 = arith.constant 64 : i32
    %run_scoped3A_42 = arith.constant 2 : i32
    "tpu.region"() ({
      %run_scoped3A_135 = tpu.sem_alloc : memref<!tpu.dma_semaphore, #tpu.memory_space<semaphore_mem>>
      %dma_start3A = arith.constant 8192 : i32
      %dma_start3A_136 = tpu.memref_slice %arg3[%run_scoped3A_42, %dma_start3A] : memref<8x16384xi32, #tpu.memory_space<hbm>> -> memref<1x8192xi32, #tpu.memory_space<hbm>>
      %dma_start3A_137 = tpu.memref_squeeze %dma_start3A_136 : memref<1x8192xi32, #tpu.memory_space<hbm>> -> memref<8192xi32, #tpu.memory_space<hbm>>
      %dma_start3A_138 = arith.constant 8192 : i32
      %dma_start3A_139 = tpu.memref_slice %arg3[%run_scoped3A_42, %dma_start3A_138] : memref<8x16384xi32, #tpu.memory_space<hbm>> -> memref<1x8192xi32, #tpu.memory_space<hbm>>
      %dma_start3A_140 = tpu.memref_squeeze %dma_start3A_139 : memref<1x8192xi32, #tpu.memory_space<hbm>> -> memref<8192xi32, #tpu.memory_space<hbm>>
      tpu.enqueue_dma source(%dma_start3A_140 : memref<8192xi32, #tpu.memory_space<hbm>>) target(%arg6 : memref<8192xi32, #tpu.memory_space<vmem>>) target_semaphore(%run_scoped3A_135 : memref<!tpu.dma_semaphore, #tpu.memory_space<semaphore_mem>>)
      %dma_wait3A = arith.constant 8192 : i32
      %dma_wait3A_141 = tpu.memref_slice %arg3[%run_scoped3A_42, %dma_wait3A] : memref<8x16384xi32, #tpu.memory_space<hbm>> -> memref<1x8192xi32, #tpu.memory_space<hbm>>
      %dma_wait3A_142 = tpu.memref_squeeze %dma_wait3A_141 : memref<1x8192xi32, #tpu.memory_space<hbm>> -> memref<8192xi32, #tpu.memory_space<hbm>>
      %dma_wait3A_143 = arith.constant 8192 : i32
      %dma_wait3A_144 = tpu.memref_slice %arg3[%run_scoped3A_42, %dma_wait3A_143] : memref<8x16384xi32, #tpu.memory_space<hbm>> -> memref<1x8192xi32, #tpu.memory_space<hbm>>
      %dma_wait3A_145 = tpu.memref_squeeze %dma_wait3A_144 : memref<1x8192xi32, #tpu.memory_space<hbm>> -> memref<8192xi32, #tpu.memory_space<hbm>>
      tpu.wait_dma2 semaphore(%run_scoped3A_135 : memref<!tpu.dma_semaphore, #tpu.memory_space<semaphore_mem>>) src(%dma_wait3A_145 : memref<8192xi32, #tpu.memory_space<hbm>>) dst(%arg6 : memref<8192xi32, #tpu.memory_space<vmem>>)
      tpu.yield
    }) : () -> ()
    %scan3A_43 = arith.constant 0 : i32
    %scan3A_44 = arith.constant 0 : i32
    %scan3A_45 = arith.constant 64 : i32
    %scan3A_46 = arith.addi %scan3A_44, %scan3A_45 : i32
    %scan3A_47 = arith.constant 1 : i32
    %scan3A_48 = scf.for %scan3A_135 = %scan3A_44 to %scan3A_46 step %scan3A_47 iter_args(%scan3A_136 = %scan3A_43) -> (i32)  : i32 {
      %mul3A_137 = arith.constant 8 : i32
      %mul3A_138 = arith.muli %scan3A_135, %mul3A_137 : i32
      %add3A_139 = arith.constant 0 : i32
      %add3A_140 = arith.addi %mul3A_138, %add3A_139 : i32
      %mul3A_141 = arith.constant 16 : i32
      %mul3A_142 = arith.muli %add3A_140, %mul3A_141 : i32
      %get3A = arith.index_cast %mul3A_142 : i32 to index
      %get3A_143 = tpu.vector_load %arg6[%get3A] {strides = array<i32>} : memref<8192xi32, #tpu.memory_space<vmem>>, vector<16xi32>,
      %gather3A = tpu.vector_load_idx %arg5[%get3A_143] : memref<100000xf32, #tpu.memory_space<vmem>>[vector<16xi32>], vector<16xf32>,
      %mul3A_144 = arith.constant 16 : i32
      %mul3A_145 = arith.muli %add3A_140, %mul3A_144 : i32
      %add3A_146 = arith.constant 8192 : i32
      %add3A_147 = arith.addi %add3A_146, %mul3A_145 : i32
      %get3A_148 = arith.index_cast %add3A_147 : i32 to index
      %get3A_149 = tpu.vector_load %arg7[%get3A_148] {strides = array<i32>} : memref<16384xf32, #tpu.memory_space<vmem>>, vector<16xf32>,
      %add3A_150 = arith.addf %get3A_149, %gather3A : vector<16xf32>
      %swap3A = arith.index_cast %add3A_147 : i32 to index
      %swap3A_151 = tpu.vector_load %arg7[%swap3A] {strides = array<i32>} : memref<16384xf32, #tpu.memory_space<vmem>>, vector<16xf32>,
      tpu.vector_store %arg7[%swap3A], %add3A_150 {strides = array<i32>} : memref<16384xf32, #tpu.memory_space<vmem>>, vector<16xf32>,
      %mul3A_152 = arith.constant 8 : i32
      %mul3A_153 = arith.muli %scan3A_135, %mul3A_152 : i32
      %add3A_154 = arith.constant 1 : i32
      %add3A_155 = arith.addi %mul3A_153, %add3A_154 : i32
      %mul3A_156 = arith.constant 16 : i32
      %mul3A_157 = arith.muli %add3A_155, %mul3A_156 : i32
      %get3A_158 = arith.index_cast %mul3A_157 : i32 to index
      %get3A_159 = tpu.vector_load %arg6[%get3A_158] {strides = array<i32>} : memref<8192xi32, #tpu.memory_space<vmem>>, vector<16xi32>,
      %gather3A_160 = tpu.vector_load_idx %arg5[%get3A_159] : memref<100000xf32, #tpu.memory_space<vmem>>[vector<16xi32>], vector<16xf32>,
      %mul3A_161 = arith.constant 16 : i32
      %mul3A_162 = arith.muli %add3A_155, %mul3A_161 : i32
      %add3A_163 = arith.constant 8192 : i32
      %add3A_164 = arith.addi %add3A_163, %mul3A_162 : i32
      %get3A_165 = arith.index_cast %add3A_164 : i32 to index
      %get3A_166 = tpu.vector_load %arg7[%get3A_165] {strides = array<i32>} : memref<16384xf32, #tpu.memory_space<vmem>>, vector<16xf32>,
      %add3A_167 = arith.addf %get3A_166, %gather3A_160 : vector<16xf32>
      %swap3A_168 = arith.index_cast %add3A_164 : i32 to index
      %swap3A_169 = tpu.vector_load %arg7[%swap3A_168] {strides = array<i32>} : memref<16384xf32, #tpu.memory_space<vmem>>, vector<16xf32>,
      tpu.vector_store %arg7[%swap3A_168], %add3A_167 {strides = array<i32>} : memref<16384xf32, #tpu.memory_space<vmem>>, vector<16xf32>,
      %mul3A_170 = arith.constant 8 : i32
      %mul3A_171 = arith.muli %scan3A_135, %mul3A_170 : i32
      %add3A_172 = arith.constant 2 : i32
      %add3A_173 = arith.addi %mul3A_171, %add3A_172 : i32
      %mul3A_174 = arith.constant 16 : i32
      %mul3A_175 = arith.muli %add3A_173, %mul3A_174 : i32
      %get3A_176 = arith.index_cast %mul3A_175 : i32 to index
      %get3A_177 = tpu.vector_load %arg6[%get3A_176] {strides = array<i32>} : memref<8192xi32, #tpu.memory_space<vmem>>, vector<16xi32>,
      %gather3A_178 = tpu.vector_load_idx %arg5[%get3A_177] : memref<100000xf32, #tpu.memory_space<vmem>>[vector<16xi32>], vector<16xf32>,
      %mul3A_179 = arith.constant 16 : i32
      %mul3A_180 = arith.muli %add3A_173, %mul3A_179 : i32
      %add3A_181 = arith.constant 8192 : i32
      %add3A_182 = arith.addi %add3A_181, %mul3A_180 : i32
      %get3A_183 = arith.index_cast %add3A_182 : i32 to index
      %get3A_184 = tpu.vector_load %arg7[%get3A_183] {strides = array<i32>} : memref<16384xf32, #tpu.memory_space<vmem>>, vector<16xf32>,
      %add3A_185 = arith.addf %get3A_184, %gather3A_178 : vector<16xf32>
      %swap3A_186 = arith.index_cast %add3A_182 : i32 to index
      %swap3A_187 = tpu.vector_load %arg7[%swap3A_186] {strides = array<i32>} : memref<16384xf32, #tpu.memory_space<vmem>>, vector<16xf32>,
      tpu.vector_store %arg7[%swap3A_186], %add3A_185 {strides = array<i32>} : memref<16384xf32, #tpu.memory_space<vmem>>, vector<16xf32>,
      %mul3A_188 = arith.constant 8 : i32
      %mul3A_189 = arith.muli %scan3A_135, %mul3A_188 : i32
      %add3A_190 = arith.constant 3 : i32
      %add3A_191 = arith.addi %mul3A_189, %add3A_190 : i32
      %mul3A_192 = arith.constant 16 : i32
      %mul3A_193 = arith.muli %add3A_191, %mul3A_192 : i32
      %get3A_194 = arith.index_cast %mul3A_193 : i32 to index
      %get3A_195 = tpu.vector_load %arg6[%get3A_194] {strides = array<i32>} : memref<8192xi32, #tpu.memory_space<vmem>>, vector<16xi32>,
      %gather3A_196 = tpu.vector_load_idx %arg5[%get3A_195] : memref<100000xf32, #tpu.memory_space<vmem>>[vector<16xi32>], vector<16xf32>,
      %mul3A_197 = arith.constant 16 : i32
      %mul3A_198 = arith.muli %add3A_191, %mul3A_197 : i32
      %add3A_199 = arith.constant 8192 : i32
      %add3A_200 = arith.addi %add3A_199, %mul3A_198 : i32
      %get3A_201 = arith.index_cast %add3A_200 : i32 to index
      %get3A_202 = tpu.vector_load %arg7[%get3A_201] {strides = array<i32>} : memref<16384xf32, #tpu.memory_space<vmem>>, vector<16xf32>,
      %add3A_203 = arith.addf %get3A_202, %gather3A_196 : vector<16xf32>
      %swap3A_204 = arith.index_cast %add3A_200 : i32 to index
      %swap3A_205 = tpu.vector_load %arg7[%swap3A_204] {strides = array<i32>} : memref<16384xf32, #tpu.memory_space<vmem>>, vector<16xf32>,
      tpu.vector_store %arg7[%swap3A_204], %add3A_203 {strides = array<i32>} : memref<16384xf32, #tpu.memory_space<vmem>>, vector<16xf32>,
      %mul3A_206 = arith.constant 8 : i32
      %mul3A_207 = arith.muli %scan3A_135, %mul3A_206 : i32
      %add3A_208 = arith.constant 4 : i32
      %add3A_209 = arith.addi %mul3A_207, %add3A_208 : i32
      %mul3A_210 = arith.constant 16 : i32
      %mul3A_211 = arith.muli %add3A_209, %mul3A_210 : i32
      %get3A_212 = arith.index_cast %mul3A_211 : i32 to index
      %get3A_213 = tpu.vector_load %arg6[%get3A_212] {strides = array<i32>} : memref<8192xi32, #tpu.memory_space<vmem>>, vector<16xi32>,
      %gather3A_214 = tpu.vector_load_idx %arg5[%get3A_213] : memref<100000xf32, #tpu.memory_space<vmem>>[vector<16xi32>], vector<16xf32>,
      %mul3A_215 = arith.constant 16 : i32
      %mul3A_216 = arith.muli %add3A_209, %mul3A_215 : i32
      %add3A_217 = arith.constant 8192 : i32
      %add3A_218 = arith.addi %add3A_217, %mul3A_216 : i32
      %get3A_219 = arith.index_cast %add3A_218 : i32 to index
      %get3A_220 = tpu.vector_load %arg7[%get3A_219] {strides = array<i32>} : memref<16384xf32, #tpu.memory_space<vmem>>, vector<16xf32>,
      %add3A_221 = arith.addf %get3A_220, %gather3A_214 : vector<16xf32>
      %swap3A_222 = arith.index_cast %add3A_218 : i32 to index
      %swap3A_223 = tpu.vector_load %arg7[%swap3A_222] {strides = array<i32>} : memref<16384xf32, #tpu.memory_space<vmem>>, vector<16xf32>,
      tpu.vector_store %arg7[%swap3A_222], %add3A_221 {strides = array<i32>} : memref<16384xf32, #tpu.memory_space<vmem>>, vector<16xf32>,
      %mul3A_224 = arith.constant 8 : i32
      %mul3A_225 = arith.muli %scan3A_135, %mul3A_224 : i32
      %add3A_226 = arith.constant 5 : i32
      %add3A_227 = arith.addi %mul3A_225, %add3A_226 : i32
      %mul3A_228 = arith.constant 16 : i32
      %mul3A_229 = arith.muli %add3A_227, %mul3A_228 : i32
      %get3A_230 = arith.index_cast %mul3A_229 : i32 to index
      %get3A_231 = tpu.vector_load %arg6[%get3A_230] {strides = array<i32>} : memref<8192xi32, #tpu.memory_space<vmem>>, vector<16xi32>,
      %gather3A_232 = tpu.vector_load_idx %arg5[%get3A_231] : memref<100000xf32, #tpu.memory_space<vmem>>[vector<16xi32>], vector<16xf32>,
      %mul3A_233 = arith.constant 16 : i32
      %mul3A_234 = arith.muli %add3A_227, %mul3A_233 : i32
      %add3A_235 = arith.constant 8192 : i32
      %add3A_236 = arith.addi %add3A_235, %mul3A_234 : i32
      %get3A_237 = arith.index_cast %add3A_236 : i32 to index
      %get3A_238 = tpu.vector_load %arg7[%get3A_237] {strides = array<i32>} : memref<16384xf32, #tpu.memory_space<vmem>>, vector<16xf32>,
      %add3A_239 = arith.addf %get3A_238, %gather3A_232 : vector<16xf32>
      %swap3A_240 = arith.index_cast %add3A_236 : i32 to index
      %swap3A_241 = tpu.vector_load %arg7[%swap3A_240] {strides = array<i32>} : memref<16384xf32, #tpu.memory_space<vmem>>, vector<16xf32>,
      tpu.vector_store %arg7[%swap3A_240], %add3A_239 {strides = array<i32>} : memref<16384xf32, #tpu.memory_space<vmem>>, vector<16xf32>,
      %mul3A_242 = arith.constant 8 : i32
      %mul3A_243 = arith.muli %scan3A_135, %mul3A_242 : i32
      %add3A_244 = arith.constant 6 : i32
      %add3A_245 = arith.addi %mul3A_243, %add3A_244 : i32
      %mul3A_246 = arith.constant 16 : i32
      %mul3A_247 = arith.muli %add3A_245, %mul3A_246 : i32
      %get3A_248 = arith.index_cast %mul3A_247 : i32 to index
      %get3A_249 = tpu.vector_load %arg6[%get3A_248] {strides = array<i32>} : memref<8192xi32, #tpu.memory_space<vmem>>, vector<16xi32>,
      %gather3A_250 = tpu.vector_load_idx %arg5[%get3A_249] : memref<100000xf32, #tpu.memory_space<vmem>>[vector<16xi32>], vector<16xf32>,
      %mul3A_251 = arith.constant 16 : i32
      %mul3A_252 = arith.muli %add3A_245, %mul3A_251 : i32
      %add3A_253 = arith.constant 8192 : i32
      %add3A_254 = arith.addi %add3A_253, %mul3A_252 : i32
      %get3A_255 = arith.index_cast %add3A_254 : i32 to index
      %get3A_256 = tpu.vector_load %arg7[%get3A_255] {strides = array<i32>} : memref<16384xf32, #tpu.memory_space<vmem>>, vector<16xf32>,
      %add3A_257 = arith.addf %get3A_256, %gather3A_250 : vector<16xf32>
      %swap3A_258 = arith.index_cast %add3A_254 : i32 to index
      %swap3A_259 = tpu.vector_load %arg7[%swap3A_258] {strides = array<i32>} : memref<16384xf32, #tpu.memory_space<vmem>>, vector<16xf32>,
      tpu.vector_store %arg7[%swap3A_258], %add3A_257 {strides = array<i32>} : memref<16384xf32, #tpu.memory_space<vmem>>, vector<16xf32>,
      %mul3A_260 = arith.constant 8 : i32
      %mul3A_261 = arith.muli %scan3A_135, %mul3A_260 : i32
      %add3A_262 = arith.constant 7 : i32
      %add3A_263 = arith.addi %mul3A_261, %add3A_262 : i32
      %mul3A_264 = arith.constant 16 : i32
      %mul3A_265 = arith.muli %add3A_263, %mul3A_264 : i32
      %get3A_266 = arith.index_cast %mul3A_265 : i32 to index
      %get3A_267 = tpu.vector_load %arg6[%get3A_266] {strides = array<i32>} : memref<8192xi32, #tpu.memory_space<vmem>>, vector<16xi32>,
      %gather3A_268 = tpu.vector_load_idx %arg5[%get3A_267] : memref<100000xf32, #tpu.memory_space<vmem>>[vector<16xi32>], vector<16xf32>,
      %mul3A_269 = arith.constant 16 : i32
      %mul3A_270 = arith.muli %add3A_263, %mul3A_269 : i32
      %add3A_271 = arith.constant 8192 : i32
      %add3A_272 = arith.addi %add3A_271, %mul3A_270 : i32
      %get3A_273 = arith.index_cast %add3A_272 : i32 to index
      %get3A_274 = tpu.vector_load %arg7[%get3A_273] {strides = array<i32>} : memref<16384xf32, #tpu.memory_space<vmem>>, vector<16xf32>,
      %add3A_275 = arith.addf %get3A_274, %gather3A_268 : vector<16xf32>
      %swap3A_276 = arith.index_cast %add3A_272 : i32 to index
      %swap3A_277 = tpu.vector_load %arg7[%swap3A_276] {strides = array<i32>} : memref<16384xf32, #tpu.memory_space<vmem>>, vector<16xf32>,
      tpu.vector_store %arg7[%swap3A_276], %add3A_275 {strides = array<i32>} : memref<16384xf32, #tpu.memory_space<vmem>>, vector<16xf32>,
      %scan3A_278 = arith.constant 0 : i32
      scf.yield %scan3A_278 : i32
    }
    %scan3A_49 = arith.constant 64 : i32
    %run_scoped3A_50 = arith.constant 3 : i32
    "tpu.region"() ({
      %run_scoped3A_135 = tpu.sem_alloc : memref<!tpu.dma_semaphore, #tpu.memory_space<semaphore_mem>>
      %dma_start3A = arith.constant 0 : i32
      %dma_start3A_136 = tpu.memref_slice %arg2[%run_scoped3A_50, %add3A, %dma_start3A] : memref<8x32x100000xf32, #tpu.memory_space<hbm>> -> memref<1x1x100000xf32, #tpu.memory_space<hbm>>
      %dma_start3A_137 = tpu.memref_squeeze %dma_start3A_136 : memref<1x1x100000xf32, #tpu.memory_space<hbm>> -> memref<100000xf32, #tpu.memory_space<hbm>>
      %dma_start3A_138 = arith.constant 0 : i32
      %dma_start3A_139 = tpu.memref_slice %arg2[%run_scoped3A_50, %add3A, %dma_start3A_138] : memref<8x32x100000xf32, #tpu.memory_space<hbm>> -> memref<1x1x100000xf32, #tpu.memory_space<hbm>>
      %dma_start3A_140 = tpu.memref_squeeze %dma_start3A_139 : memref<1x1x100000xf32, #tpu.memory_space<hbm>> -> memref<100000xf32, #tpu.memory_space<hbm>>
      tpu.enqueue_dma source(%dma_start3A_140 : memref<100000xf32, #tpu.memory_space<hbm>>) target(%arg5 : memref<100000xf32, #tpu.memory_space<vmem>>) target_semaphore(%run_scoped3A_135 : memref<!tpu.dma_semaphore, #tpu.memory_space<semaphore_mem>>)
      %dma_wait3A = arith.constant 0 : i32
      %dma_wait3A_141 = tpu.memref_slice %arg2[%run_scoped3A_50, %add3A, %dma_wait3A] : memref<8x32x100000xf32, #tpu.memory_space<hbm>> -> memref<1x1x100000xf32, #tpu.memory_space<hbm>>
      %dma_wait3A_142 = tpu.memref_squeeze %dma_wait3A_141 : memref<1x1x100000xf32, #tpu.memory_space<hbm>> -> memref<100000xf32, #tpu.memory_space<hbm>>
      %dma_wait3A_143 = arith.constant 0 : i32
      %dma_wait3A_144 = tpu.memref_slice %arg2[%run_scoped3A_50, %add3A, %dma_wait3A_143] : memref<8x32x100000xf32, #tpu.memory_space<hbm>> -> memref<1x1x100000xf32, #tpu.memory_space<hbm>>
      %dma_wait3A_145 = tpu.memref_squeeze %dma_wait3A_144 : memref<1x1x100000xf32, #tpu.memory_space<hbm>> -> memref<100000xf32, #tpu.memory_space<hbm>>
      tpu.wait_dma2 semaphore(%run_scoped3A_135 : memref<!tpu.dma_semaphore, #tpu.memory_space<semaphore_mem>>) src(%dma_wait3A_145 : memref<100000xf32, #tpu.memory_space<hbm>>) dst(%arg5 : memref<100000xf32, #tpu.memory_space<vmem>>)
      tpu.yield
    }) : () -> ()
    %run_scoped3A_51 = arith.constant 3 : i32
    "tpu.region"() ({
      %run_scoped3A_135 = tpu.sem_alloc : memref<!tpu.dma_semaphore, #tpu.memory_space<semaphore_mem>>
      %dma_start3A = arith.constant 0 : i32
      %dma_start3A_136 = tpu.memref_slice %arg3[%run_scoped3A_51, %dma_start3A] : memref<8x16384xi32, #tpu.memory_space<hbm>> -> memref<1x8192xi32, #tpu.memory_space<hbm>>
      %dma_start3A_137 = tpu.memref_squeeze %dma_start3A_136 : memref<1x8192xi32, #tpu.memory_space<hbm>> -> memref<8192xi32, #tpu.memory_space<hbm>>
      %dma_start3A_138 = arith.constant 0 : i32
      %dma_start3A_139 = tpu.memref_slice %arg3[%run_scoped3A_51, %dma_start3A_138] : memref<8x16384xi32, #tpu.memory_space<hbm>> -> memref<1x8192xi32, #tpu.memory_space<hbm>>
      %dma_start3A_140 = tpu.memref_squeeze %dma_start3A_139 : memref<1x8192xi32, #tpu.memory_space<hbm>> -> memref<8192xi32, #tpu.memory_space<hbm>>
      tpu.enqueue_dma source(%dma_start3A_140 : memref<8192xi32, #tpu.memory_space<hbm>>) target(%arg6 : memref<8192xi32, #tpu.memory_space<vmem>>) target_semaphore(%run_scoped3A_135 : memref<!tpu.dma_semaphore, #tpu.memory_space<semaphore_mem>>)
      %dma_wait3A = arith.constant 0 : i32
      %dma_wait3A_141 = tpu.memref_slice %arg3[%run_scoped3A_51, %dma_wait3A] : memref<8x16384xi32, #tpu.memory_space<hbm>> -> memref<1x8192xi32, #tpu.memory_space<hbm>>
      %dma_wait3A_142 = tpu.memref_squeeze %dma_wait3A_141 : memref<1x8192xi32, #tpu.memory_space<hbm>> -> memref<8192xi32, #tpu.memory_space<hbm>>
      %dma_wait3A_143 = arith.constant 0 : i32
      %dma_wait3A_144 = tpu.memref_slice %arg3[%run_scoped3A_51, %dma_wait3A_143] : memref<8x16384xi32, #tpu.memory_space<hbm>> -> memref<1x8192xi32, #tpu.memory_space<hbm>>
      %dma_wait3A_145 = tpu.memref_squeeze %dma_wait3A_144 : memref<1x8192xi32, #tpu.memory_space<hbm>> -> memref<8192xi32, #tpu.memory_space<hbm>>
      tpu.wait_dma2 semaphore(%run_scoped3A_135 : memref<!tpu.dma_semaphore, #tpu.memory_space<semaphore_mem>>) src(%dma_wait3A_145 : memref<8192xi32, #tpu.memory_space<hbm>>) dst(%arg6 : memref<8192xi32, #tpu.memory_space<vmem>>)
      tpu.yield
    }) : () -> ()
    %scan3A_52 = arith.constant 0 : i32
    %scan3A_53 = arith.constant 0 : i32
    %scan3A_54 = arith.constant 64 : i32
    %scan3A_55 = arith.addi %scan3A_53, %scan3A_54 : i32
    %scan3A_56 = arith.constant 1 : i32
    %scan3A_57 = scf.for %scan3A_135 = %scan3A_53 to %scan3A_55 step %scan3A_56 iter_args(%scan3A_136 = %scan3A_52) -> (i32)  : i32 {
      %mul3A_137 = arith.constant 8 : i32
      %mul3A_138 = arith.muli %scan3A_135, %mul3A_137 : i32
      %add3A_139 = arith.constant 0 : i32
      %add3A_140 = arith.addi %mul3A_138, %add3A_139 : i32
      %mul3A_141 = arith.constant 16 : i32
      %mul3A_142 = arith.muli %add3A_140, %mul3A_141 : i32
      %get3A = arith.index_cast %mul3A_142 : i32 to index
      %get3A_143 = tpu.vector_load %arg6[%get3A] {strides = array<i32>} : memref<8192xi32, #tpu.memory_space<vmem>>, vector<16xi32>,
      %gather3A = tpu.vector_load_idx %arg5[%get3A_143] : memref<100000xf32, #tpu.memory_space<vmem>>[vector<16xi32>], vector<16xf32>,
      %mul3A_144 = arith.constant 16 : i32
      %mul3A_145 = arith.muli %add3A_140, %mul3A_144 : i32
      %add3A_146 = arith.constant 0 : i32
      %add3A_147 = arith.addi %add3A_146, %mul3A_145 : i32
      %get3A_148 = arith.index_cast %add3A_147 : i32 to index
      %get3A_149 = tpu.vector_load %arg7[%get3A_148] {strides = array<i32>} : memref<16384xf32, #tpu.memory_space<vmem>>, vector<16xf32>,
      %add3A_150 = arith.addf %get3A_149, %gather3A : vector<16xf32>
      %swap3A = arith.index_cast %add3A_147 : i32 to index
      %swap3A_151 = tpu.vector_load %arg7[%swap3A] {strides = array<i32>} : memref<16384xf32, #tpu.memory_space<vmem>>, vector<16xf32>,
      tpu.vector_store %arg7[%swap3A], %add3A_150 {strides = array<i32>} : memref<16384xf32, #tpu.memory_space<vmem>>, vector<16xf32>,
      %mul3A_152 = arith.constant 8 : i32
      %mul3A_153 = arith.muli %scan3A_135, %mul3A_152 : i32
      %add3A_154 = arith.constant 1 : i32
      %add3A_155 = arith.addi %mul3A_153, %add3A_154 : i32
      %mul3A_156 = arith.constant 16 : i32
      %mul3A_157 = arith.muli %add3A_155, %mul3A_156 : i32
      %get3A_158 = arith.index_cast %mul3A_157 : i32 to index
      %get3A_159 = tpu.vector_load %arg6[%get3A_158] {strides = array<i32>} : memref<8192xi32, #tpu.memory_space<vmem>>, vector<16xi32>,
      %gather3A_160 = tpu.vector_load_idx %arg5[%get3A_159] : memref<100000xf32, #tpu.memory_space<vmem>>[vector<16xi32>], vector<16xf32>,
      %mul3A_161 = arith.constant 16 : i32
      %mul3A_162 = arith.muli %add3A_155, %mul3A_161 : i32
      %add3A_163 = arith.constant 0 : i32
      %add3A_164 = arith.addi %add3A_163, %mul3A_162 : i32
      %get3A_165 = arith.index_cast %add3A_164 : i32 to index
      %get3A_166 = tpu.vector_load %arg7[%get3A_165] {strides = array<i32>} : memref<16384xf32, #tpu.memory_space<vmem>>, vector<16xf32>,
      %add3A_167 = arith.addf %get3A_166, %gather3A_160 : vector<16xf32>
      %swap3A_168 = arith.index_cast %add3A_164 : i32 to index
      %swap3A_169 = tpu.vector_load %arg7[%swap3A_168] {strides = array<i32>} : memref<16384xf32, #tpu.memory_space<vmem>>, vector<16xf32>,
      tpu.vector_store %arg7[%swap3A_168], %add3A_167 {strides = array<i32>} : memref<16384xf32, #tpu.memory_space<vmem>>, vector<16xf32>,
      %mul3A_170 = arith.constant 8 : i32
      %mul3A_171 = arith.muli %scan3A_135, %mul3A_170 : i32
      %add3A_172 = arith.constant 2 : i32
      %add3A_173 = arith.addi %mul3A_171, %add3A_172 : i32
      %mul3A_174 = arith.constant 16 : i32
      %mul3A_175 = arith.muli %add3A_173, %mul3A_174 : i32
      %get3A_176 = arith.index_cast %mul3A_175 : i32 to index
      %get3A_177 = tpu.vector_load %arg6[%get3A_176] {strides = array<i32>} : memref<8192xi32, #tpu.memory_space<vmem>>, vector<16xi32>,
      %gather3A_178 = tpu.vector_load_idx %arg5[%get3A_177] : memref<100000xf32, #tpu.memory_space<vmem>>[vector<16xi32>], vector<16xf32>,
      %mul3A_179 = arith.constant 16 : i32
      %mul3A_180 = arith.muli %add3A_173, %mul3A_179 : i32
      %add3A_181 = arith.constant 0 : i32
      %add3A_182 = arith.addi %add3A_181, %mul3A_180 : i32
      %get3A_183 = arith.index_cast %add3A_182 : i32 to index
      %get3A_184 = tpu.vector_load %arg7[%get3A_183] {strides = array<i32>} : memref<16384xf32, #tpu.memory_space<vmem>>, vector<16xf32>,
      %add3A_185 = arith.addf %get3A_184, %gather3A_178 : vector<16xf32>
      %swap3A_186 = arith.index_cast %add3A_182 : i32 to index
      %swap3A_187 = tpu.vector_load %arg7[%swap3A_186] {strides = array<i32>} : memref<16384xf32, #tpu.memory_space<vmem>>, vector<16xf32>,
      tpu.vector_store %arg7[%swap3A_186], %add3A_185 {strides = array<i32>} : memref<16384xf32, #tpu.memory_space<vmem>>, vector<16xf32>,
      %mul3A_188 = arith.constant 8 : i32
      %mul3A_189 = arith.muli %scan3A_135, %mul3A_188 : i32
      %add3A_190 = arith.constant 3 : i32
      %add3A_191 = arith.addi %mul3A_189, %add3A_190 : i32
      %mul3A_192 = arith.constant 16 : i32
      %mul3A_193 = arith.muli %add3A_191, %mul3A_192 : i32
      %get3A_194 = arith.index_cast %mul3A_193 : i32 to index
      %get3A_195 = tpu.vector_load %arg6[%get3A_194] {strides = array<i32>} : memref<8192xi32, #tpu.memory_space<vmem>>, vector<16xi32>,
      %gather3A_196 = tpu.vector_load_idx %arg5[%get3A_195] : memref<100000xf32, #tpu.memory_space<vmem>>[vector<16xi32>], vector<16xf32>,
      %mul3A_197 = arith.constant 16 : i32
      %mul3A_198 = arith.muli %add3A_191, %mul3A_197 : i32
      %add3A_199 = arith.constant 0 : i32
      %add3A_200 = arith.addi %add3A_199, %mul3A_198 : i32
      %get3A_201 = arith.index_cast %add3A_200 : i32 to index
      %get3A_202 = tpu.vector_load %arg7[%get3A_201] {strides = array<i32>} : memref<16384xf32, #tpu.memory_space<vmem>>, vector<16xf32>,
      %add3A_203 = arith.addf %get3A_202, %gather3A_196 : vector<16xf32>
      %swap3A_204 = arith.index_cast %add3A_200 : i32 to index
      %swap3A_205 = tpu.vector_load %arg7[%swap3A_204] {strides = array<i32>} : memref<16384xf32, #tpu.memory_space<vmem>>, vector<16xf32>,
      tpu.vector_store %arg7[%swap3A_204], %add3A_203 {strides = array<i32>} : memref<16384xf32, #tpu.memory_space<vmem>>, vector<16xf32>,
      %mul3A_206 = arith.constant 8 : i32
      %mul3A_207 = arith.muli %scan3A_135, %mul3A_206 : i32
      %add3A_208 = arith.constant 4 : i32
      %add3A_209 = arith.addi %mul3A_207, %add3A_208 : i32
      %mul3A_210 = arith.constant 16 : i32
      %mul3A_211 = arith.muli %add3A_209, %mul3A_210 : i32
      %get3A_212 = arith.index_cast %mul3A_211 : i32 to index
      %get3A_213 = tpu.vector_load %arg6[%get3A_212] {strides = array<i32>} : memref<8192xi32, #tpu.memory_space<vmem>>, vector<16xi32>,
      %gather3A_214 = tpu.vector_load_idx %arg5[%get3A_213] : memref<100000xf32, #tpu.memory_space<vmem>>[vector<16xi32>], vector<16xf32>,
      %mul3A_215 = arith.constant 16 : i32
      %mul3A_216 = arith.muli %add3A_209, %mul3A_215 : i32
      %add3A_217 = arith.constant 0 : i32
      %add3A_218 = arith.addi %add3A_217, %mul3A_216 : i32
      %get3A_219 = arith.index_cast %add3A_218 : i32 to index
      %get3A_220 = tpu.vector_load %arg7[%get3A_219] {strides = array<i32>} : memref<16384xf32, #tpu.memory_space<vmem>>, vector<16xf32>,
      %add3A_221 = arith.addf %get3A_220, %gather3A_214 : vector<16xf32>
      %swap3A_222 = arith.index_cast %add3A_218 : i32 to index
      %swap3A_223 = tpu.vector_load %arg7[%swap3A_222] {strides = array<i32>} : memref<16384xf32, #tpu.memory_space<vmem>>, vector<16xf32>,
      tpu.vector_store %arg7[%swap3A_222], %add3A_221 {strides = array<i32>} : memref<16384xf32, #tpu.memory_space<vmem>>, vector<16xf32>,
      %mul3A_224 = arith.constant 8 : i32
      %mul3A_225 = arith.muli %scan3A_135, %mul3A_224 : i32
      %add3A_226 = arith.constant 5 : i32
      %add3A_227 = arith.addi %mul3A_225, %add3A_226 : i32
      %mul3A_228 = arith.constant 16 : i32
      %mul3A_229 = arith.muli %add3A_227, %mul3A_228 : i32
      %get3A_230 = arith.index_cast %mul3A_229 : i32 to index
      %get3A_231 = tpu.vector_load %arg6[%get3A_230] {strides = array<i32>} : memref<8192xi32, #tpu.memory_space<vmem>>, vector<16xi32>,
      %gather3A_232 = tpu.vector_load_idx %arg5[%get3A_231] : memref<100000xf32, #tpu.memory_space<vmem>>[vector<16xi32>], vector<16xf32>,
      %mul3A_233 = arith.constant 16 : i32
      %mul3A_234 = arith.muli %add3A_227, %mul3A_233 : i32
      %add3A_235 = arith.constant 0 : i32
      %add3A_236 = arith.addi %add3A_235, %mul3A_234 : i32
      %get3A_237 = arith.index_cast %add3A_236 : i32 to index
      %get3A_238 = tpu.vector_load %arg7[%get3A_237] {strides = array<i32>} : memref<16384xf32, #tpu.memory_space<vmem>>, vector<16xf32>,
      %add3A_239 = arith.addf %get3A_238, %gather3A_232 : vector<16xf32>
      %swap3A_240 = arith.index_cast %add3A_236 : i32 to index
      %swap3A_241 = tpu.vector_load %arg7[%swap3A_240] {strides = array<i32>} : memref<16384xf32, #tpu.memory_space<vmem>>, vector<16xf32>,
      tpu.vector_store %arg7[%swap3A_240], %add3A_239 {strides = array<i32>} : memref<16384xf32, #tpu.memory_space<vmem>>, vector<16xf32>,
      %mul3A_242 = arith.constant 8 : i32
      %mul3A_243 = arith.muli %scan3A_135, %mul3A_242 : i32
      %add3A_244 = arith.constant 6 : i32
      %add3A_245 = arith.addi %mul3A_243, %add3A_244 : i32
      %mul3A_246 = arith.constant 16 : i32
      %mul3A_247 = arith.muli %add3A_245, %mul3A_246 : i32
      %get3A_248 = arith.index_cast %mul3A_247 : i32 to index
      %get3A_249 = tpu.vector_load %arg6[%get3A_248] {strides = array<i32>} : memref<8192xi32, #tpu.memory_space<vmem>>, vector<16xi32>,
      %gather3A_250 = tpu.vector_load_idx %arg5[%get3A_249] : memref<100000xf32, #tpu.memory_space<vmem>>[vector<16xi32>], vector<16xf32>,
      %mul3A_251 = arith.constant 16 : i32
      %mul3A_252 = arith.muli %add3A_245, %mul3A_251 : i32
      %add3A_253 = arith.constant 0 : i32
      %add3A_254 = arith.addi %add3A_253, %mul3A_252 : i32
      %get3A_255 = arith.index_cast %add3A_254 : i32 to index
      %get3A_256 = tpu.vector_load %arg7[%get3A_255] {strides = array<i32>} : memref<16384xf32, #tpu.memory_space<vmem>>, vector<16xf32>,
      %add3A_257 = arith.addf %get3A_256, %gather3A_250 : vector<16xf32>
      %swap3A_258 = arith.index_cast %add3A_254 : i32 to index
      %swap3A_259 = tpu.vector_load %arg7[%swap3A_258] {strides = array<i32>} : memref<16384xf32, #tpu.memory_space<vmem>>, vector<16xf32>,
      tpu.vector_store %arg7[%swap3A_258], %add3A_257 {strides = array<i32>} : memref<16384xf32, #tpu.memory_space<vmem>>, vector<16xf32>,
      %mul3A_260 = arith.constant 8 : i32
      %mul3A_261 = arith.muli %scan3A_135, %mul3A_260 : i32
      %add3A_262 = arith.constant 7 : i32
      %add3A_263 = arith.addi %mul3A_261, %add3A_262 : i32
      %mul3A_264 = arith.constant 16 : i32
      %mul3A_265 = arith.muli %add3A_263, %mul3A_264 : i32
      %get3A_266 = arith.index_cast %mul3A_265 : i32 to index
      %get3A_267 = tpu.vector_load %arg6[%get3A_266] {strides = array<i32>} : memref<8192xi32, #tpu.memory_space<vmem>>, vector<16xi32>,
      %gather3A_268 = tpu.vector_load_idx %arg5[%get3A_267] : memref<100000xf32, #tpu.memory_space<vmem>>[vector<16xi32>], vector<16xf32>,
      %mul3A_269 = arith.constant 16 : i32
      %mul3A_270 = arith.muli %add3A_263, %mul3A_269 : i32
      %add3A_271 = arith.constant 0 : i32
      %add3A_272 = arith.addi %add3A_271, %mul3A_270 : i32
      %get3A_273 = arith.index_cast %add3A_272 : i32 to index
      %get3A_274 = tpu.vector_load %arg7[%get3A_273] {strides = array<i32>} : memref<16384xf32, #tpu.memory_space<vmem>>, vector<16xf32>,
      %add3A_275 = arith.addf %get3A_274, %gather3A_268 : vector<16xf32>
      %swap3A_276 = arith.index_cast %add3A_272 : i32 to index
      %swap3A_277 = tpu.vector_load %arg7[%swap3A_276] {strides = array<i32>} : memref<16384xf32, #tpu.memory_space<vmem>>, vector<16xf32>,
      tpu.vector_store %arg7[%swap3A_276], %add3A_275 {strides = array<i32>} : memref<16384xf32, #tpu.memory_space<vmem>>, vector<16xf32>,
      %scan3A_278 = arith.constant 0 : i32
      scf.yield %scan3A_278 : i32
    }
    %scan3A_58 = arith.constant 64 : i32
    %run_scoped3A_59 = arith.constant 3 : i32
    "tpu.region"() ({
      %run_scoped3A_135 = tpu.sem_alloc : memref<!tpu.dma_semaphore, #tpu.memory_space<semaphore_mem>>
      %dma_start3A = arith.constant 8192 : i32
      %dma_start3A_136 = tpu.memref_slice %arg3[%run_scoped3A_59, %dma_start3A] : memref<8x16384xi32, #tpu.memory_space<hbm>> -> memref<1x8192xi32, #tpu.memory_space<hbm>>
      %dma_start3A_137 = tpu.memref_squeeze %dma_start3A_136 : memref<1x8192xi32, #tpu.memory_space<hbm>> -> memref<8192xi32, #tpu.memory_space<hbm>>
      %dma_start3A_138 = arith.constant 8192 : i32
      %dma_start3A_139 = tpu.memref_slice %arg3[%run_scoped3A_59, %dma_start3A_138] : memref<8x16384xi32, #tpu.memory_space<hbm>> -> memref<1x8192xi32, #tpu.memory_space<hbm>>
      %dma_start3A_140 = tpu.memref_squeeze %dma_start3A_139 : memref<1x8192xi32, #tpu.memory_space<hbm>> -> memref<8192xi32, #tpu.memory_space<hbm>>
      tpu.enqueue_dma source(%dma_start3A_140 : memref<8192xi32, #tpu.memory_space<hbm>>) target(%arg6 : memref<8192xi32, #tpu.memory_space<vmem>>) target_semaphore(%run_scoped3A_135 : memref<!tpu.dma_semaphore, #tpu.memory_space<semaphore_mem>>)
      %dma_wait3A = arith.constant 8192 : i32
      %dma_wait3A_141 = tpu.memref_slice %arg3[%run_scoped3A_59, %dma_wait3A] : memref<8x16384xi32, #tpu.memory_space<hbm>> -> memref<1x8192xi32, #tpu.memory_space<hbm>>
      %dma_wait3A_142 = tpu.memref_squeeze %dma_wait3A_141 : memref<1x8192xi32, #tpu.memory_space<hbm>> -> memref<8192xi32, #tpu.memory_space<hbm>>
      %dma_wait3A_143 = arith.constant 8192 : i32
      %dma_wait3A_144 = tpu.memref_slice %arg3[%run_scoped3A_59, %dma_wait3A_143] : memref<8x16384xi32, #tpu.memory_space<hbm>> -> memref<1x8192xi32, #tpu.memory_space<hbm>>
      %dma_wait3A_145 = tpu.memref_squeeze %dma_wait3A_144 : memref<1x8192xi32, #tpu.memory_space<hbm>> -> memref<8192xi32, #tpu.memory_space<hbm>>
      tpu.wait_dma2 semaphore(%run_scoped3A_135 : memref<!tpu.dma_semaphore, #tpu.memory_space<semaphore_mem>>) src(%dma_wait3A_145 : memref<8192xi32, #tpu.memory_space<hbm>>) dst(%arg6 : memref<8192xi32, #tpu.memory_space<vmem>>)
      tpu.yield
    }) : () -> ()
    %scan3A_60 = arith.constant 0 : i32
    %scan3A_61 = arith.constant 0 : i32
    %scan3A_62 = arith.constant 64 : i32
    %scan3A_63 = arith.addi %scan3A_61, %scan3A_62 : i32
    %scan3A_64 = arith.constant 1 : i32
    %scan3A_65 = scf.for %scan3A_135 = %scan3A_61 to %scan3A_63 step %scan3A_64 iter_args(%scan3A_136 = %scan3A_60) -> (i32)  : i32 {
      %mul3A_137 = arith.constant 8 : i32
      %mul3A_138 = arith.muli %scan3A_135, %mul3A_137 : i32
      %add3A_139 = arith.constant 0 : i32
      %add3A_140 = arith.addi %mul3A_138, %add3A_139 : i32
      %mul3A_141 = arith.constant 16 : i32
      %mul3A_142 = arith.muli %add3A_140, %mul3A_141 : i32
      %get3A = arith.index_cast %mul3A_142 : i32 to index
      %get3A_143 = tpu.vector_load %arg6[%get3A] {strides = array<i32>} : memref<8192xi32, #tpu.memory_space<vmem>>, vector<16xi32>,
      %gather3A = tpu.vector_load_idx %arg5[%get3A_143] : memref<100000xf32, #tpu.memory_space<vmem>>[vector<16xi32>], vector<16xf32>,
      %mul3A_144 = arith.constant 16 : i32
      %mul3A_145 = arith.muli %add3A_140, %mul3A_144 : i32
      %add3A_146 = arith.constant 8192 : i32
      %add3A_147 = arith.addi %add3A_146, %mul3A_145 : i32
      %get3A_148 = arith.index_cast %add3A_147 : i32 to index
      %get3A_149 = tpu.vector_load %arg7[%get3A_148] {strides = array<i32>} : memref<16384xf32, #tpu.memory_space<vmem>>, vector<16xf32>,
      %add3A_150 = arith.addf %get3A_149, %gather3A : vector<16xf32>
      %swap3A = arith.index_cast %add3A_147 : i32 to index
      %swap3A_151 = tpu.vector_load %arg7[%swap3A] {strides = array<i32>} : memref<16384xf32, #tpu.memory_space<vmem>>, vector<16xf32>,
      tpu.vector_store %arg7[%swap3A], %add3A_150 {strides = array<i32>} : memref<16384xf32, #tpu.memory_space<vmem>>, vector<16xf32>,
      %mul3A_152 = arith.constant 8 : i32
      %mul3A_153 = arith.muli %scan3A_135, %mul3A_152 : i32
      %add3A_154 = arith.constant 1 : i32
      %add3A_155 = arith.addi %mul3A_153, %add3A_154 : i32
      %mul3A_156 = arith.constant 16 : i32
      %mul3A_157 = arith.muli %add3A_155, %mul3A_156 : i32
      %get3A_158 = arith.index_cast %mul3A_157 : i32 to index
      %get3A_159 = tpu.vector_load %arg6[%get3A_158] {strides = array<i32>} : memref<8192xi32, #tpu.memory_space<vmem>>, vector<16xi32>,
      %gather3A_160 = tpu.vector_load_idx %arg5[%get3A_159] : memref<100000xf32, #tpu.memory_space<vmem>>[vector<16xi32>], vector<16xf32>,
      %mul3A_161 = arith.constant 16 : i32
      %mul3A_162 = arith.muli %add3A_155, %mul3A_161 : i32
      %add3A_163 = arith.constant 8192 : i32
      %add3A_164 = arith.addi %add3A_163, %mul3A_162 : i32
      %get3A_165 = arith.index_cast %add3A_164 : i32 to index
      %get3A_166 = tpu.vector_load %arg7[%get3A_165] {strides = array<i32>} : memref<16384xf32, #tpu.memory_space<vmem>>, vector<16xf32>,
      %add3A_167 = arith.addf %get3A_166, %gather3A_160 : vector<16xf32>
      %swap3A_168 = arith.index_cast %add3A_164 : i32 to index
      %swap3A_169 = tpu.vector_load %arg7[%swap3A_168] {strides = array<i32>} : memref<16384xf32, #tpu.memory_space<vmem>>, vector<16xf32>,
      tpu.vector_store %arg7[%swap3A_168], %add3A_167 {strides = array<i32>} : memref<16384xf32, #tpu.memory_space<vmem>>, vector<16xf32>,
      %mul3A_170 = arith.constant 8 : i32
      %mul3A_171 = arith.muli %scan3A_135, %mul3A_170 : i32
      %add3A_172 = arith.constant 2 : i32
      %add3A_173 = arith.addi %mul3A_171, %add3A_172 : i32
      %mul3A_174 = arith.constant 16 : i32
      %mul3A_175 = arith.muli %add3A_173, %mul3A_174 : i32
      %get3A_176 = arith.index_cast %mul3A_175 : i32 to index
      %get3A_177 = tpu.vector_load %arg6[%get3A_176] {strides = array<i32>} : memref<8192xi32, #tpu.memory_space<vmem>>, vector<16xi32>,
      %gather3A_178 = tpu.vector_load_idx %arg5[%get3A_177] : memref<100000xf32, #tpu.memory_space<vmem>>[vector<16xi32>], vector<16xf32>,
      %mul3A_179 = arith.constant 16 : i32
      %mul3A_180 = arith.muli %add3A_173, %mul3A_179 : i32
      %add3A_181 = arith.constant 8192 : i32
      %add3A_182 = arith.addi %add3A_181, %mul3A_180 : i32
      %get3A_183 = arith.index_cast %add3A_182 : i32 to index
      %get3A_184 = tpu.vector_load %arg7[%get3A_183] {strides = array<i32>} : memref<16384xf32, #tpu.memory_space<vmem>>, vector<16xf32>,
      %add3A_185 = arith.addf %get3A_184, %gather3A_178 : vector<16xf32>
      %swap3A_186 = arith.index_cast %add3A_182 : i32 to index
      %swap3A_187 = tpu.vector_load %arg7[%swap3A_186] {strides = array<i32>} : memref<16384xf32, #tpu.memory_space<vmem>>, vector<16xf32>,
      tpu.vector_store %arg7[%swap3A_186], %add3A_185 {strides = array<i32>} : memref<16384xf32, #tpu.memory_space<vmem>>, vector<16xf32>,
      %mul3A_188 = arith.constant 8 : i32
      %mul3A_189 = arith.muli %scan3A_135, %mul3A_188 : i32
      %add3A_190 = arith.constant 3 : i32
      %add3A_191 = arith.addi %mul3A_189, %add3A_190 : i32
      %mul3A_192 = arith.constant 16 : i32
      %mul3A_193 = arith.muli %add3A_191, %mul3A_192 : i32
      %get3A_194 = arith.index_cast %mul3A_193 : i32 to index
      %get3A_195 = tpu.vector_load %arg6[%get3A_194] {strides = array<i32>} : memref<8192xi32, #tpu.memory_space<vmem>>, vector<16xi32>,
      %gather3A_196 = tpu.vector_load_idx %arg5[%get3A_195] : memref<100000xf32, #tpu.memory_space<vmem>>[vector<16xi32>], vector<16xf32>,
      %mul3A_197 = arith.constant 16 : i32
      %mul3A_198 = arith.muli %add3A_191, %mul3A_197 : i32
      %add3A_199 = arith.constant 8192 : i32
      %add3A_200 = arith.addi %add3A_199, %mul3A_198 : i32
      %get3A_201 = arith.index_cast %add3A_200 : i32 to index
      %get3A_202 = tpu.vector_load %arg7[%get3A_201] {strides = array<i32>} : memref<16384xf32, #tpu.memory_space<vmem>>, vector<16xf32>,
      %add3A_203 = arith.addf %get3A_202, %gather3A_196 : vector<16xf32>
      %swap3A_204 = arith.index_cast %add3A_200 : i32 to index
      %swap3A_205 = tpu.vector_load %arg7[%swap3A_204] {strides = array<i32>} : memref<16384xf32, #tpu.memory_space<vmem>>, vector<16xf32>,
      tpu.vector_store %arg7[%swap3A_204], %add3A_203 {strides = array<i32>} : memref<16384xf32, #tpu.memory_space<vmem>>, vector<16xf32>,
      %mul3A_206 = arith.constant 8 : i32
      %mul3A_207 = arith.muli %scan3A_135, %mul3A_206 : i32
      %add3A_208 = arith.constant 4 : i32
      %add3A_209 = arith.addi %mul3A_207, %add3A_208 : i32
      %mul3A_210 = arith.constant 16 : i32
      %mul3A_211 = arith.muli %add3A_209, %mul3A_210 : i32
      %get3A_212 = arith.index_cast %mul3A_211 : i32 to index
      %get3A_213 = tpu.vector_load %arg6[%get3A_212] {strides = array<i32>} : memref<8192xi32, #tpu.memory_space<vmem>>, vector<16xi32>,
      %gather3A_214 = tpu.vector_load_idx %arg5[%get3A_213] : memref<100000xf32, #tpu.memory_space<vmem>>[vector<16xi32>], vector<16xf32>,
      %mul3A_215 = arith.constant 16 : i32
      %mul3A_216 = arith.muli %add3A_209, %mul3A_215 : i32
      %add3A_217 = arith.constant 8192 : i32
      %add3A_218 = arith.addi %add3A_217, %mul3A_216 : i32
      %get3A_219 = arith.index_cast %add3A_218 : i32 to index
      %get3A_220 = tpu.vector_load %arg7[%get3A_219] {strides = array<i32>} : memref<16384xf32, #tpu.memory_space<vmem>>, vector<16xf32>,
      %add3A_221 = arith.addf %get3A_220, %gather3A_214 : vector<16xf32>
      %swap3A_222 = arith.index_cast %add3A_218 : i32 to index
      %swap3A_223 = tpu.vector_load %arg7[%swap3A_222] {strides = array<i32>} : memref<16384xf32, #tpu.memory_space<vmem>>, vector<16xf32>,
      tpu.vector_store %arg7[%swap3A_222], %add3A_221 {strides = array<i32>} : memref<16384xf32, #tpu.memory_space<vmem>>, vector<16xf32>,
      %mul3A_224 = arith.constant 8 : i32
      %mul3A_225 = arith.muli %scan3A_135, %mul3A_224 : i32
      %add3A_226 = arith.constant 5 : i32
      %add3A_227 = arith.addi %mul3A_225, %add3A_226 : i32
      %mul3A_228 = arith.constant 16 : i32
      %mul3A_229 = arith.muli %add3A_227, %mul3A_228 : i32
      %get3A_230 = arith.index_cast %mul3A_229 : i32 to index
      %get3A_231 = tpu.vector_load %arg6[%get3A_230] {strides = array<i32>} : memref<8192xi32, #tpu.memory_space<vmem>>, vector<16xi32>,
      %gather3A_232 = tpu.vector_load_idx %arg5[%get3A_231] : memref<100000xf32, #tpu.memory_space<vmem>>[vector<16xi32>], vector<16xf32>,
      %mul3A_233 = arith.constant 16 : i32
      %mul3A_234 = arith.muli %add3A_227, %mul3A_233 : i32
      %add3A_235 = arith.constant 8192 : i32
      %add3A_236 = arith.addi %add3A_235, %mul3A_234 : i32
      %get3A_237 = arith.index_cast %add3A_236 : i32 to index
      %get3A_238 = tpu.vector_load %arg7[%get3A_237] {strides = array<i32>} : memref<16384xf32, #tpu.memory_space<vmem>>, vector<16xf32>,
      %add3A_239 = arith.addf %get3A_238, %gather3A_232 : vector<16xf32>
      %swap3A_240 = arith.index_cast %add3A_236 : i32 to index
      %swap3A_241 = tpu.vector_load %arg7[%swap3A_240] {strides = array<i32>} : memref<16384xf32, #tpu.memory_space<vmem>>, vector<16xf32>,
      tpu.vector_store %arg7[%swap3A_240], %add3A_239 {strides = array<i32>} : memref<16384xf32, #tpu.memory_space<vmem>>, vector<16xf32>,
      %mul3A_242 = arith.constant 8 : i32
      %mul3A_243 = arith.muli %scan3A_135, %mul3A_242 : i32
      %add3A_244 = arith.constant 6 : i32
      %add3A_245 = arith.addi %mul3A_243, %add3A_244 : i32
      %mul3A_246 = arith.constant 16 : i32
      %mul3A_247 = arith.muli %add3A_245, %mul3A_246 : i32
      %get3A_248 = arith.index_cast %mul3A_247 : i32 to index
      %get3A_249 = tpu.vector_load %arg6[%get3A_248] {strides = array<i32>} : memref<8192xi32, #tpu.memory_space<vmem>>, vector<16xi32>,
      %gather3A_250 = tpu.vector_load_idx %arg5[%get3A_249] : memref<100000xf32, #tpu.memory_space<vmem>>[vector<16xi32>], vector<16xf32>,
      %mul3A_251 = arith.constant 16 : i32
      %mul3A_252 = arith.muli %add3A_245, %mul3A_251 : i32
      %add3A_253 = arith.constant 8192 : i32
      %add3A_254 = arith.addi %add3A_253, %mul3A_252 : i32
      %get3A_255 = arith.index_cast %add3A_254 : i32 to index
      %get3A_256 = tpu.vector_load %arg7[%get3A_255] {strides = array<i32>} : memref<16384xf32, #tpu.memory_space<vmem>>, vector<16xf32>,
      %add3A_257 = arith.addf %get3A_256, %gather3A_250 : vector<16xf32>
      %swap3A_258 = arith.index_cast %add3A_254 : i32 to index
      %swap3A_259 = tpu.vector_load %arg7[%swap3A_258] {strides = array<i32>} : memref<16384xf32, #tpu.memory_space<vmem>>, vector<16xf32>,
      tpu.vector_store %arg7[%swap3A_258], %add3A_257 {strides = array<i32>} : memref<16384xf32, #tpu.memory_space<vmem>>, vector<16xf32>,
      %mul3A_260 = arith.constant 8 : i32
      %mul3A_261 = arith.muli %scan3A_135, %mul3A_260 : i32
      %add3A_262 = arith.constant 7 : i32
      %add3A_263 = arith.addi %mul3A_261, %add3A_262 : i32
      %mul3A_264 = arith.constant 16 : i32
      %mul3A_265 = arith.muli %add3A_263, %mul3A_264 : i32
      %get3A_266 = arith.index_cast %mul3A_265 : i32 to index
      %get3A_267 = tpu.vector_load %arg6[%get3A_266] {strides = array<i32>} : memref<8192xi32, #tpu.memory_space<vmem>>, vector<16xi32>,
      %gather3A_268 = tpu.vector_load_idx %arg5[%get3A_267] : memref<100000xf32, #tpu.memory_space<vmem>>[vector<16xi32>], vector<16xf32>,
      %mul3A_269 = arith.constant 16 : i32
      %mul3A_270 = arith.muli %add3A_263, %mul3A_269 : i32
      %add3A_271 = arith.constant 8192 : i32
      %add3A_272 = arith.addi %add3A_271, %mul3A_270 : i32
      %get3A_273 = arith.index_cast %add3A_272 : i32 to index
      %get3A_274 = tpu.vector_load %arg7[%get3A_273] {strides = array<i32>} : memref<16384xf32, #tpu.memory_space<vmem>>, vector<16xf32>,
      %add3A_275 = arith.addf %get3A_274, %gather3A_268 : vector<16xf32>
      %swap3A_276 = arith.index_cast %add3A_272 : i32 to index
      %swap3A_277 = tpu.vector_load %arg7[%swap3A_276] {strides = array<i32>} : memref<16384xf32, #tpu.memory_space<vmem>>, vector<16xf32>,
      tpu.vector_store %arg7[%swap3A_276], %add3A_275 {strides = array<i32>} : memref<16384xf32, #tpu.memory_space<vmem>>, vector<16xf32>,
      %scan3A_278 = arith.constant 0 : i32
      scf.yield %scan3A_278 : i32
    }
    %scan3A_66 = arith.constant 64 : i32
    %run_scoped3A_67 = arith.constant 4 : i32
    "tpu.region"() ({
      %run_scoped3A_135 = tpu.sem_alloc : memref<!tpu.dma_semaphore, #tpu.memory_space<semaphore_mem>>
      %dma_start3A = arith.constant 0 : i32
      %dma_start3A_136 = tpu.memref_slice %arg2[%run_scoped3A_67, %add3A, %dma_start3A] : memref<8x32x100000xf32, #tpu.memory_space<hbm>> -> memref<1x1x100000xf32, #tpu.memory_space<hbm>>
      %dma_start3A_137 = tpu.memref_squeeze %dma_start3A_136 : memref<1x1x100000xf32, #tpu.memory_space<hbm>> -> memref<100000xf32, #tpu.memory_space<hbm>>
      %dma_start3A_138 = arith.constant 0 : i32
      %dma_start3A_139 = tpu.memref_slice %arg2[%run_scoped3A_67, %add3A, %dma_start3A_138] : memref<8x32x100000xf32, #tpu.memory_space<hbm>> -> memref<1x1x100000xf32, #tpu.memory_space<hbm>>
      %dma_start3A_140 = tpu.memref_squeeze %dma_start3A_139 : memref<1x1x100000xf32, #tpu.memory_space<hbm>> -> memref<100000xf32, #tpu.memory_space<hbm>>
      tpu.enqueue_dma source(%dma_start3A_140 : memref<100000xf32, #tpu.memory_space<hbm>>) target(%arg5 : memref<100000xf32, #tpu.memory_space<vmem>>) target_semaphore(%run_scoped3A_135 : memref<!tpu.dma_semaphore, #tpu.memory_space<semaphore_mem>>)
      %dma_wait3A = arith.constant 0 : i32
      %dma_wait3A_141 = tpu.memref_slice %arg2[%run_scoped3A_67, %add3A, %dma_wait3A] : memref<8x32x100000xf32, #tpu.memory_space<hbm>> -> memref<1x1x100000xf32, #tpu.memory_space<hbm>>
      %dma_wait3A_142 = tpu.memref_squeeze %dma_wait3A_141 : memref<1x1x100000xf32, #tpu.memory_space<hbm>> -> memref<100000xf32, #tpu.memory_space<hbm>>
      %dma_wait3A_143 = arith.constant 0 : i32
      %dma_wait3A_144 = tpu.memref_slice %arg2[%run_scoped3A_67, %add3A, %dma_wait3A_143] : memref<8x32x100000xf32, #tpu.memory_space<hbm>> -> memref<1x1x100000xf32, #tpu.memory_space<hbm>>
      %dma_wait3A_145 = tpu.memref_squeeze %dma_wait3A_144 : memref<1x1x100000xf32, #tpu.memory_space<hbm>> -> memref<100000xf32, #tpu.memory_space<hbm>>
      tpu.wait_dma2 semaphore(%run_scoped3A_135 : memref<!tpu.dma_semaphore, #tpu.memory_space<semaphore_mem>>) src(%dma_wait3A_145 : memref<100000xf32, #tpu.memory_space<hbm>>) dst(%arg5 : memref<100000xf32, #tpu.memory_space<vmem>>)
      tpu.yield
    }) : () -> ()
    %run_scoped3A_68 = arith.constant 4 : i32
    "tpu.region"() ({
      %run_scoped3A_135 = tpu.sem_alloc : memref<!tpu.dma_semaphore, #tpu.memory_space<semaphore_mem>>
      %dma_start3A = arith.constant 0 : i32
      %dma_start3A_136 = tpu.memref_slice %arg3[%run_scoped3A_68, %dma_start3A] : memref<8x16384xi32, #tpu.memory_space<hbm>> -> memref<1x8192xi32, #tpu.memory_space<hbm>>
      %dma_start3A_137 = tpu.memref_squeeze %dma_start3A_136 : memref<1x8192xi32, #tpu.memory_space<hbm>> -> memref<8192xi32, #tpu.memory_space<hbm>>
      %dma_start3A_138 = arith.constant 0 : i32
      %dma_start3A_139 = tpu.memref_slice %arg3[%run_scoped3A_68, %dma_start3A_138] : memref<8x16384xi32, #tpu.memory_space<hbm>> -> memref<1x8192xi32, #tpu.memory_space<hbm>>
      %dma_start3A_140 = tpu.memref_squeeze %dma_start3A_139 : memref<1x8192xi32, #tpu.memory_space<hbm>> -> memref<8192xi32, #tpu.memory_space<hbm>>
      tpu.enqueue_dma source(%dma_start3A_140 : memref<8192xi32, #tpu.memory_space<hbm>>) target(%arg6 : memref<8192xi32, #tpu.memory_space<vmem>>) target_semaphore(%run_scoped3A_135 : memref<!tpu.dma_semaphore, #tpu.memory_space<semaphore_mem>>)
      %dma_wait3A = arith.constant 0 : i32
      %dma_wait3A_141 = tpu.memref_slice %arg3[%run_scoped3A_68, %dma_wait3A] : memref<8x16384xi32, #tpu.memory_space<hbm>> -> memref<1x8192xi32, #tpu.memory_space<hbm>>
      %dma_wait3A_142 = tpu.memref_squeeze %dma_wait3A_141 : memref<1x8192xi32, #tpu.memory_space<hbm>> -> memref<8192xi32, #tpu.memory_space<hbm>>
      %dma_wait3A_143 = arith.constant 0 : i32
      %dma_wait3A_144 = tpu.memref_slice %arg3[%run_scoped3A_68, %dma_wait3A_143] : memref<8x16384xi32, #tpu.memory_space<hbm>> -> memref<1x8192xi32, #tpu.memory_space<hbm>>
      %dma_wait3A_145 = tpu.memref_squeeze %dma_wait3A_144 : memref<1x8192xi32, #tpu.memory_space<hbm>> -> memref<8192xi32, #tpu.memory_space<hbm>>
      tpu.wait_dma2 semaphore(%run_scoped3A_135 : memref<!tpu.dma_semaphore, #tpu.memory_space<semaphore_mem>>) src(%dma_wait3A_145 : memref<8192xi32, #tpu.memory_space<hbm>>) dst(%arg6 : memref<8192xi32, #tpu.memory_space<vmem>>)
      tpu.yield
    }) : () -> ()
    %scan3A_69 = arith.constant 0 : i32
    %scan3A_70 = arith.constant 0 : i32
    %scan3A_71 = arith.constant 64 : i32
    %scan3A_72 = arith.addi %scan3A_70, %scan3A_71 : i32
    %scan3A_73 = arith.constant 1 : i32
    %scan3A_74 = scf.for %scan3A_135 = %scan3A_70 to %scan3A_72 step %scan3A_73 iter_args(%scan3A_136 = %scan3A_69) -> (i32)  : i32 {
      %mul3A_137 = arith.constant 8 : i32
      %mul3A_138 = arith.muli %scan3A_135, %mul3A_137 : i32
      %add3A_139 = arith.constant 0 : i32
      %add3A_140 = arith.addi %mul3A_138, %add3A_139 : i32
      %mul3A_141 = arith.constant 16 : i32
      %mul3A_142 = arith.muli %add3A_140, %mul3A_141 : i32
      %get3A = arith.index_cast %mul3A_142 : i32 to index
      %get3A_143 = tpu.vector_load %arg6[%get3A] {strides = array<i32>} : memref<8192xi32, #tpu.memory_space<vmem>>, vector<16xi32>,
      %gather3A = tpu.vector_load_idx %arg5[%get3A_143] : memref<100000xf32, #tpu.memory_space<vmem>>[vector<16xi32>], vector<16xf32>,
      %mul3A_144 = arith.constant 16 : i32
      %mul3A_145 = arith.muli %add3A_140, %mul3A_144 : i32
      %add3A_146 = arith.constant 0 : i32
      %add3A_147 = arith.addi %add3A_146, %mul3A_145 : i32
      %get3A_148 = arith.index_cast %add3A_147 : i32 to index
      %get3A_149 = tpu.vector_load %arg7[%get3A_148] {strides = array<i32>} : memref<16384xf32, #tpu.memory_space<vmem>>, vector<16xf32>,
      %add3A_150 = arith.addf %get3A_149, %gather3A : vector<16xf32>
      %swap3A = arith.index_cast %add3A_147 : i32 to index
      %swap3A_151 = tpu.vector_load %arg7[%swap3A] {strides = array<i32>} : memref<16384xf32, #tpu.memory_space<vmem>>, vector<16xf32>,
      tpu.vector_store %arg7[%swap3A], %add3A_150 {strides = array<i32>} : memref<16384xf32, #tpu.memory_space<vmem>>, vector<16xf32>,
      %mul3A_152 = arith.constant 8 : i32
      %mul3A_153 = arith.muli %scan3A_135, %mul3A_152 : i32
      %add3A_154 = arith.constant 1 : i32
      %add3A_155 = arith.addi %mul3A_153, %add3A_154 : i32
      %mul3A_156 = arith.constant 16 : i32
      %mul3A_157 = arith.muli %add3A_155, %mul3A_156 : i32
      %get3A_158 = arith.index_cast %mul3A_157 : i32 to index
      %get3A_159 = tpu.vector_load %arg6[%get3A_158] {strides = array<i32>} : memref<8192xi32, #tpu.memory_space<vmem>>, vector<16xi32>,
      %gather3A_160 = tpu.vector_load_idx %arg5[%get3A_159] : memref<100000xf32, #tpu.memory_space<vmem>>[vector<16xi32>], vector<16xf32>,
      %mul3A_161 = arith.constant 16 : i32
      %mul3A_162 = arith.muli %add3A_155, %mul3A_161 : i32
      %add3A_163 = arith.constant 0 : i32
      %add3A_164 = arith.addi %add3A_163, %mul3A_162 : i32
      %get3A_165 = arith.index_cast %add3A_164 : i32 to index
      %get3A_166 = tpu.vector_load %arg7[%get3A_165] {strides = array<i32>} : memref<16384xf32, #tpu.memory_space<vmem>>, vector<16xf32>,
      %add3A_167 = arith.addf %get3A_166, %gather3A_160 : vector<16xf32>
      %swap3A_168 = arith.index_cast %add3A_164 : i32 to index
      %swap3A_169 = tpu.vector_load %arg7[%swap3A_168] {strides = array<i32>} : memref<16384xf32, #tpu.memory_space<vmem>>, vector<16xf32>,
      tpu.vector_store %arg7[%swap3A_168], %add3A_167 {strides = array<i32>} : memref<16384xf32, #tpu.memory_space<vmem>>, vector<16xf32>,
      %mul3A_170 = arith.constant 8 : i32
      %mul3A_171 = arith.muli %scan3A_135, %mul3A_170 : i32
      %add3A_172 = arith.constant 2 : i32
      %add3A_173 = arith.addi %mul3A_171, %add3A_172 : i32
      %mul3A_174 = arith.constant 16 : i32
      %mul3A_175 = arith.muli %add3A_173, %mul3A_174 : i32
      %get3A_176 = arith.index_cast %mul3A_175 : i32 to index
      %get3A_177 = tpu.vector_load %arg6[%get3A_176] {strides = array<i32>} : memref<8192xi32, #tpu.memory_space<vmem>>, vector<16xi32>,
      %gather3A_178 = tpu.vector_load_idx %arg5[%get3A_177] : memref<100000xf32, #tpu.memory_space<vmem>>[vector<16xi32>], vector<16xf32>,
      %mul3A_179 = arith.constant 16 : i32
      %mul3A_180 = arith.muli %add3A_173, %mul3A_179 : i32
      %add3A_181 = arith.constant 0 : i32
      %add3A_182 = arith.addi %add3A_181, %mul3A_180 : i32
      %get3A_183 = arith.index_cast %add3A_182 : i32 to index
      %get3A_184 = tpu.vector_load %arg7[%get3A_183] {strides = array<i32>} : memref<16384xf32, #tpu.memory_space<vmem>>, vector<16xf32>,
      %add3A_185 = arith.addf %get3A_184, %gather3A_178 : vector<16xf32>
      %swap3A_186 = arith.index_cast %add3A_182 : i32 to index
      %swap3A_187 = tpu.vector_load %arg7[%swap3A_186] {strides = array<i32>} : memref<16384xf32, #tpu.memory_space<vmem>>, vector<16xf32>,
      tpu.vector_store %arg7[%swap3A_186], %add3A_185 {strides = array<i32>} : memref<16384xf32, #tpu.memory_space<vmem>>, vector<16xf32>,
      %mul3A_188 = arith.constant 8 : i32
      %mul3A_189 = arith.muli %scan3A_135, %mul3A_188 : i32
      %add3A_190 = arith.constant 3 : i32
      %add3A_191 = arith.addi %mul3A_189, %add3A_190 : i32
      %mul3A_192 = arith.constant 16 : i32
      %mul3A_193 = arith.muli %add3A_191, %mul3A_192 : i32
      %get3A_194 = arith.index_cast %mul3A_193 : i32 to index
      %get3A_195 = tpu.vector_load %arg6[%get3A_194] {strides = array<i32>} : memref<8192xi32, #tpu.memory_space<vmem>>, vector<16xi32>,
      %gather3A_196 = tpu.vector_load_idx %arg5[%get3A_195] : memref<100000xf32, #tpu.memory_space<vmem>>[vector<16xi32>], vector<16xf32>,
      %mul3A_197 = arith.constant 16 : i32
      %mul3A_198 = arith.muli %add3A_191, %mul3A_197 : i32
      %add3A_199 = arith.constant 0 : i32
      %add3A_200 = arith.addi %add3A_199, %mul3A_198 : i32
      %get3A_201 = arith.index_cast %add3A_200 : i32 to index
      %get3A_202 = tpu.vector_load %arg7[%get3A_201] {strides = array<i32>} : memref<16384xf32, #tpu.memory_space<vmem>>, vector<16xf32>,
      %add3A_203 = arith.addf %get3A_202, %gather3A_196 : vector<16xf32>
      %swap3A_204 = arith.index_cast %add3A_200 : i32 to index
      %swap3A_205 = tpu.vector_load %arg7[%swap3A_204] {strides = array<i32>} : memref<16384xf32, #tpu.memory_space<vmem>>, vector<16xf32>,
      tpu.vector_store %arg7[%swap3A_204], %add3A_203 {strides = array<i32>} : memref<16384xf32, #tpu.memory_space<vmem>>, vector<16xf32>,
      %mul3A_206 = arith.constant 8 : i32
      %mul3A_207 = arith.muli %scan3A_135, %mul3A_206 : i32
      %add3A_208 = arith.constant 4 : i32
      %add3A_209 = arith.addi %mul3A_207, %add3A_208 : i32
      %mul3A_210 = arith.constant 16 : i32
      %mul3A_211 = arith.muli %add3A_209, %mul3A_210 : i32
      %get3A_212 = arith.index_cast %mul3A_211 : i32 to index
      %get3A_213 = tpu.vector_load %arg6[%get3A_212] {strides = array<i32>} : memref<8192xi32, #tpu.memory_space<vmem>>, vector<16xi32>,
      %gather3A_214 = tpu.vector_load_idx %arg5[%get3A_213] : memref<100000xf32, #tpu.memory_space<vmem>>[vector<16xi32>], vector<16xf32>,
      %mul3A_215 = arith.constant 16 : i32
      %mul3A_216 = arith.muli %add3A_209, %mul3A_215 : i32
      %add3A_217 = arith.constant 0 : i32
      %add3A_218 = arith.addi %add3A_217, %mul3A_216 : i32
      %get3A_219 = arith.index_cast %add3A_218 : i32 to index
      %get3A_220 = tpu.vector_load %arg7[%get3A_219] {strides = array<i32>} : memref<16384xf32, #tpu.memory_space<vmem>>, vector<16xf32>,
      %add3A_221 = arith.addf %get3A_220, %gather3A_214 : vector<16xf32>
      %swap3A_222 = arith.index_cast %add3A_218 : i32 to index
      %swap3A_223 = tpu.vector_load %arg7[%swap3A_222] {strides = array<i32>} : memref<16384xf32, #tpu.memory_space<vmem>>, vector<16xf32>,
      tpu.vector_store %arg7[%swap3A_222], %add3A_221 {strides = array<i32>} : memref<16384xf32, #tpu.memory_space<vmem>>, vector<16xf32>,
      %mul3A_224 = arith.constant 8 : i32
      %mul3A_225 = arith.muli %scan3A_135, %mul3A_224 : i32
      %add3A_226 = arith.constant 5 : i32
      %add3A_227 = arith.addi %mul3A_225, %add3A_226 : i32
      %mul3A_228 = arith.constant 16 : i32
      %mul3A_229 = arith.muli %add3A_227, %mul3A_228 : i32
      %get3A_230 = arith.index_cast %mul3A_229 : i32 to index
      %get3A_231 = tpu.vector_load %arg6[%get3A_230] {strides = array<i32>} : memref<8192xi32, #tpu.memory_space<vmem>>, vector<16xi32>,
      %gather3A_232 = tpu.vector_load_idx %arg5[%get3A_231] : memref<100000xf32, #tpu.memory_space<vmem>>[vector<16xi32>], vector<16xf32>,
      %mul3A_233 = arith.constant 16 : i32
      %mul3A_234 = arith.muli %add3A_227, %mul3A_233 : i32
      %add3A_235 = arith.constant 0 : i32
      %add3A_236 = arith.addi %add3A_235, %mul3A_234 : i32
      %get3A_237 = arith.index_cast %add3A_236 : i32 to index
      %get3A_238 = tpu.vector_load %arg7[%get3A_237] {strides = array<i32>} : memref<16384xf32, #tpu.memory_space<vmem>>, vector<16xf32>,
      %add3A_239 = arith.addf %get3A_238, %gather3A_232 : vector<16xf32>
      %swap3A_240 = arith.index_cast %add3A_236 : i32 to index
      %swap3A_241 = tpu.vector_load %arg7[%swap3A_240] {strides = array<i32>} : memref<16384xf32, #tpu.memory_space<vmem>>, vector<16xf32>,
      tpu.vector_store %arg7[%swap3A_240], %add3A_239 {strides = array<i32>} : memref<16384xf32, #tpu.memory_space<vmem>>, vector<16xf32>,
      %mul3A_242 = arith.constant 8 : i32
      %mul3A_243 = arith.muli %scan3A_135, %mul3A_242 : i32
      %add3A_244 = arith.constant 6 : i32
      %add3A_245 = arith.addi %mul3A_243, %add3A_244 : i32
      %mul3A_246 = arith.constant 16 : i32
      %mul3A_247 = arith.muli %add3A_245, %mul3A_246 : i32
      %get3A_248 = arith.index_cast %mul3A_247 : i32 to index
      %get3A_249 = tpu.vector_load %arg6[%get3A_248] {strides = array<i32>} : memref<8192xi32, #tpu.memory_space<vmem>>, vector<16xi32>,
      %gather3A_250 = tpu.vector_load_idx %arg5[%get3A_249] : memref<100000xf32, #tpu.memory_space<vmem>>[vector<16xi32>], vector<16xf32>,
      %mul3A_251 = arith.constant 16 : i32
      %mul3A_252 = arith.muli %add3A_245, %mul3A_251 : i32
      %add3A_253 = arith.constant 0 : i32
      %add3A_254 = arith.addi %add3A_253, %mul3A_252 : i32
      %get3A_255 = arith.index_cast %add3A_254 : i32 to index
      %get3A_256 = tpu.vector_load %arg7[%get3A_255] {strides = array<i32>} : memref<16384xf32, #tpu.memory_space<vmem>>, vector<16xf32>,
      %add3A_257 = arith.addf %get3A_256, %gather3A_250 : vector<16xf32>
      %swap3A_258 = arith.index_cast %add3A_254 : i32 to index
      %swap3A_259 = tpu.vector_load %arg7[%swap3A_258] {strides = array<i32>} : memref<16384xf32, #tpu.memory_space<vmem>>, vector<16xf32>,
      tpu.vector_store %arg7[%swap3A_258], %add3A_257 {strides = array<i32>} : memref<16384xf32, #tpu.memory_space<vmem>>, vector<16xf32>,
      %mul3A_260 = arith.constant 8 : i32
      %mul3A_261 = arith.muli %scan3A_135, %mul3A_260 : i32
      %add3A_262 = arith.constant 7 : i32
      %add3A_263 = arith.addi %mul3A_261, %add3A_262 : i32
      %mul3A_264 = arith.constant 16 : i32
      %mul3A_265 = arith.muli %add3A_263, %mul3A_264 : i32
      %get3A_266 = arith.index_cast %mul3A_265 : i32 to index
      %get3A_267 = tpu.vector_load %arg6[%get3A_266] {strides = array<i32>} : memref<8192xi32, #tpu.memory_space<vmem>>, vector<16xi32>,
      %gather3A_268 = tpu.vector_load_idx %arg5[%get3A_267] : memref<100000xf32, #tpu.memory_space<vmem>>[vector<16xi32>], vector<16xf32>,
      %mul3A_269 = arith.constant 16 : i32
      %mul3A_270 = arith.muli %add3A_263, %mul3A_269 : i32
      %add3A_271 = arith.constant 0 : i32
      %add3A_272 = arith.addi %add3A_271, %mul3A_270 : i32
      %get3A_273 = arith.index_cast %add3A_272 : i32 to index
      %get3A_274 = tpu.vector_load %arg7[%get3A_273] {strides = array<i32>} : memref<16384xf32, #tpu.memory_space<vmem>>, vector<16xf32>,
      %add3A_275 = arith.addf %get3A_274, %gather3A_268 : vector<16xf32>
      %swap3A_276 = arith.index_cast %add3A_272 : i32 to index
      %swap3A_277 = tpu.vector_load %arg7[%swap3A_276] {strides = array<i32>} : memref<16384xf32, #tpu.memory_space<vmem>>, vector<16xf32>,
      tpu.vector_store %arg7[%swap3A_276], %add3A_275 {strides = array<i32>} : memref<16384xf32, #tpu.memory_space<vmem>>, vector<16xf32>,
      %scan3A_278 = arith.constant 0 : i32
      scf.yield %scan3A_278 : i32
    }
    %scan3A_75 = arith.constant 64 : i32
    %run_scoped3A_76 = arith.constant 4 : i32
    "tpu.region"() ({
      %run_scoped3A_135 = tpu.sem_alloc : memref<!tpu.dma_semaphore, #tpu.memory_space<semaphore_mem>>
      %dma_start3A = arith.constant 8192 : i32
      %dma_start3A_136 = tpu.memref_slice %arg3[%run_scoped3A_76, %dma_start3A] : memref<8x16384xi32, #tpu.memory_space<hbm>> -> memref<1x8192xi32, #tpu.memory_space<hbm>>
      %dma_start3A_137 = tpu.memref_squeeze %dma_start3A_136 : memref<1x8192xi32, #tpu.memory_space<hbm>> -> memref<8192xi32, #tpu.memory_space<hbm>>
      %dma_start3A_138 = arith.constant 8192 : i32
      %dma_start3A_139 = tpu.memref_slice %arg3[%run_scoped3A_76, %dma_start3A_138] : memref<8x16384xi32, #tpu.memory_space<hbm>> -> memref<1x8192xi32, #tpu.memory_space<hbm>>
      %dma_start3A_140 = tpu.memref_squeeze %dma_start3A_139 : memref<1x8192xi32, #tpu.memory_space<hbm>> -> memref<8192xi32, #tpu.memory_space<hbm>>
      tpu.enqueue_dma source(%dma_start3A_140 : memref<8192xi32, #tpu.memory_space<hbm>>) target(%arg6 : memref<8192xi32, #tpu.memory_space<vmem>>) target_semaphore(%run_scoped3A_135 : memref<!tpu.dma_semaphore, #tpu.memory_space<semaphore_mem>>)
      %dma_wait3A = arith.constant 8192 : i32
      %dma_wait3A_141 = tpu.memref_slice %arg3[%run_scoped3A_76, %dma_wait3A] : memref<8x16384xi32, #tpu.memory_space<hbm>> -> memref<1x8192xi32, #tpu.memory_space<hbm>>
      %dma_wait3A_142 = tpu.memref_squeeze %dma_wait3A_141 : memref<1x8192xi32, #tpu.memory_space<hbm>> -> memref<8192xi32, #tpu.memory_space<hbm>>
      %dma_wait3A_143 = arith.constant 8192 : i32
      %dma_wait3A_144 = tpu.memref_slice %arg3[%run_scoped3A_76, %dma_wait3A_143] : memref<8x16384xi32, #tpu.memory_space<hbm>> -> memref<1x8192xi32, #tpu.memory_space<hbm>>
      %dma_wait3A_145 = tpu.memref_squeeze %dma_wait3A_144 : memref<1x8192xi32, #tpu.memory_space<hbm>> -> memref<8192xi32, #tpu.memory_space<hbm>>
      tpu.wait_dma2 semaphore(%run_scoped3A_135 : memref<!tpu.dma_semaphore, #tpu.memory_space<semaphore_mem>>) src(%dma_wait3A_145 : memref<8192xi32, #tpu.memory_space<hbm>>) dst(%arg6 : memref<8192xi32, #tpu.memory_space<vmem>>)
      tpu.yield
    }) : () -> ()
    %scan3A_77 = arith.constant 0 : i32
    %scan3A_78 = arith.constant 0 : i32
    %scan3A_79 = arith.constant 64 : i32
    %scan3A_80 = arith.addi %scan3A_78, %scan3A_79 : i32
    %scan3A_81 = arith.constant 1 : i32
    %scan3A_82 = scf.for %scan3A_135 = %scan3A_78 to %scan3A_80 step %scan3A_81 iter_args(%scan3A_136 = %scan3A_77) -> (i32)  : i32 {
      %mul3A_137 = arith.constant 8 : i32
      %mul3A_138 = arith.muli %scan3A_135, %mul3A_137 : i32
      %add3A_139 = arith.constant 0 : i32
      %add3A_140 = arith.addi %mul3A_138, %add3A_139 : i32
      %mul3A_141 = arith.constant 16 : i32
      %mul3A_142 = arith.muli %add3A_140, %mul3A_141 : i32
      %get3A = arith.index_cast %mul3A_142 : i32 to index
      %get3A_143 = tpu.vector_load %arg6[%get3A] {strides = array<i32>} : memref<8192xi32, #tpu.memory_space<vmem>>, vector<16xi32>,
      %gather3A = tpu.vector_load_idx %arg5[%get3A_143] : memref<100000xf32, #tpu.memory_space<vmem>>[vector<16xi32>], vector<16xf32>,
      %mul3A_144 = arith.constant 16 : i32
      %mul3A_145 = arith.muli %add3A_140, %mul3A_144 : i32
      %add3A_146 = arith.constant 8192 : i32
      %add3A_147 = arith.addi %add3A_146, %mul3A_145 : i32
      %get3A_148 = arith.index_cast %add3A_147 : i32 to index
      %get3A_149 = tpu.vector_load %arg7[%get3A_148] {strides = array<i32>} : memref<16384xf32, #tpu.memory_space<vmem>>, vector<16xf32>,
      %add3A_150 = arith.addf %get3A_149, %gather3A : vector<16xf32>
      %swap3A = arith.index_cast %add3A_147 : i32 to index
      %swap3A_151 = tpu.vector_load %arg7[%swap3A] {strides = array<i32>} : memref<16384xf32, #tpu.memory_space<vmem>>, vector<16xf32>,
      tpu.vector_store %arg7[%swap3A], %add3A_150 {strides = array<i32>} : memref<16384xf32, #tpu.memory_space<vmem>>, vector<16xf32>,
      %mul3A_152 = arith.constant 8 : i32
      %mul3A_153 = arith.muli %scan3A_135, %mul3A_152 : i32
      %add3A_154 = arith.constant 1 : i32
      %add3A_155 = arith.addi %mul3A_153, %add3A_154 : i32
      %mul3A_156 = arith.constant 16 : i32
      %mul3A_157 = arith.muli %add3A_155, %mul3A_156 : i32
      %get3A_158 = arith.index_cast %mul3A_157 : i32 to index
      %get3A_159 = tpu.vector_load %arg6[%get3A_158] {strides = array<i32>} : memref<8192xi32, #tpu.memory_space<vmem>>, vector<16xi32>,
      %gather3A_160 = tpu.vector_load_idx %arg5[%get3A_159] : memref<100000xf32, #tpu.memory_space<vmem>>[vector<16xi32>], vector<16xf32>,
      %mul3A_161 = arith.constant 16 : i32
      %mul3A_162 = arith.muli %add3A_155, %mul3A_161 : i32
      %add3A_163 = arith.constant 8192 : i32
      %add3A_164 = arith.addi %add3A_163, %mul3A_162 : i32
      %get3A_165 = arith.index_cast %add3A_164 : i32 to index
      %get3A_166 = tpu.vector_load %arg7[%get3A_165] {strides = array<i32>} : memref<16384xf32, #tpu.memory_space<vmem>>, vector<16xf32>,
      %add3A_167 = arith.addf %get3A_166, %gather3A_160 : vector<16xf32>
      %swap3A_168 = arith.index_cast %add3A_164 : i32 to index
      %swap3A_169 = tpu.vector_load %arg7[%swap3A_168] {strides = array<i32>} : memref<16384xf32, #tpu.memory_space<vmem>>, vector<16xf32>,
      tpu.vector_store %arg7[%swap3A_168], %add3A_167 {strides = array<i32>} : memref<16384xf32, #tpu.memory_space<vmem>>, vector<16xf32>,
      %mul3A_170 = arith.constant 8 : i32
      %mul3A_171 = arith.muli %scan3A_135, %mul3A_170 : i32
      %add3A_172 = arith.constant 2 : i32
      %add3A_173 = arith.addi %mul3A_171, %add3A_172 : i32
      %mul3A_174 = arith.constant 16 : i32
      %mul3A_175 = arith.muli %add3A_173, %mul3A_174 : i32
      %get3A_176 = arith.index_cast %mul3A_175 : i32 to index
      %get3A_177 = tpu.vector_load %arg6[%get3A_176] {strides = array<i32>} : memref<8192xi32, #tpu.memory_space<vmem>>, vector<16xi32>,
      %gather3A_178 = tpu.vector_load_idx %arg5[%get3A_177] : memref<100000xf32, #tpu.memory_space<vmem>>[vector<16xi32>], vector<16xf32>,
      %mul3A_179 = arith.constant 16 : i32
      %mul3A_180 = arith.muli %add3A_173, %mul3A_179 : i32
      %add3A_181 = arith.constant 8192 : i32
      %add3A_182 = arith.addi %add3A_181, %mul3A_180 : i32
      %get3A_183 = arith.index_cast %add3A_182 : i32 to index
      %get3A_184 = tpu.vector_load %arg7[%get3A_183] {strides = array<i32>} : memref<16384xf32, #tpu.memory_space<vmem>>, vector<16xf32>,
      %add3A_185 = arith.addf %get3A_184, %gather3A_178 : vector<16xf32>
      %swap3A_186 = arith.index_cast %add3A_182 : i32 to index
      %swap3A_187 = tpu.vector_load %arg7[%swap3A_186] {strides = array<i32>} : memref<16384xf32, #tpu.memory_space<vmem>>, vector<16xf32>,
      tpu.vector_store %arg7[%swap3A_186], %add3A_185 {strides = array<i32>} : memref<16384xf32, #tpu.memory_space<vmem>>, vector<16xf32>,
      %mul3A_188 = arith.constant 8 : i32
      %mul3A_189 = arith.muli %scan3A_135, %mul3A_188 : i32
      %add3A_190 = arith.constant 3 : i32
      %add3A_191 = arith.addi %mul3A_189, %add3A_190 : i32
      %mul3A_192 = arith.constant 16 : i32
      %mul3A_193 = arith.muli %add3A_191, %mul3A_192 : i32
      %get3A_194 = arith.index_cast %mul3A_193 : i32 to index
      %get3A_195 = tpu.vector_load %arg6[%get3A_194] {strides = array<i32>} : memref<8192xi32, #tpu.memory_space<vmem>>, vector<16xi32>,
      %gather3A_196 = tpu.vector_load_idx %arg5[%get3A_195] : memref<100000xf32, #tpu.memory_space<vmem>>[vector<16xi32>], vector<16xf32>,
      %mul3A_197 = arith.constant 16 : i32
      %mul3A_198 = arith.muli %add3A_191, %mul3A_197 : i32
      %add3A_199 = arith.constant 8192 : i32
      %add3A_200 = arith.addi %add3A_199, %mul3A_198 : i32
      %get3A_201 = arith.index_cast %add3A_200 : i32 to index
      %get3A_202 = tpu.vector_load %arg7[%get3A_201] {strides = array<i32>} : memref<16384xf32, #tpu.memory_space<vmem>>, vector<16xf32>,
      %add3A_203 = arith.addf %get3A_202, %gather3A_196 : vector<16xf32>
      %swap3A_204 = arith.index_cast %add3A_200 : i32 to index
      %swap3A_205 = tpu.vector_load %arg7[%swap3A_204] {strides = array<i32>} : memref<16384xf32, #tpu.memory_space<vmem>>, vector<16xf32>,
      tpu.vector_store %arg7[%swap3A_204], %add3A_203 {strides = array<i32>} : memref<16384xf32, #tpu.memory_space<vmem>>, vector<16xf32>,
      %mul3A_206 = arith.constant 8 : i32
      %mul3A_207 = arith.muli %scan3A_135, %mul3A_206 : i32
      %add3A_208 = arith.constant 4 : i32
      %add3A_209 = arith.addi %mul3A_207, %add3A_208 : i32
      %mul3A_210 = arith.constant 16 : i32
      %mul3A_211 = arith.muli %add3A_209, %mul3A_210 : i32
      %get3A_212 = arith.index_cast %mul3A_211 : i32 to index
      %get3A_213 = tpu.vector_load %arg6[%get3A_212] {strides = array<i32>} : memref<8192xi32, #tpu.memory_space<vmem>>, vector<16xi32>,
      %gather3A_214 = tpu.vector_load_idx %arg5[%get3A_213] : memref<100000xf32, #tpu.memory_space<vmem>>[vector<16xi32>], vector<16xf32>,
      %mul3A_215 = arith.constant 16 : i32
      %mul3A_216 = arith.muli %add3A_209, %mul3A_215 : i32
      %add3A_217 = arith.constant 8192 : i32
      %add3A_218 = arith.addi %add3A_217, %mul3A_216 : i32
      %get3A_219 = arith.index_cast %add3A_218 : i32 to index
      %get3A_220 = tpu.vector_load %arg7[%get3A_219] {strides = array<i32>} : memref<16384xf32, #tpu.memory_space<vmem>>, vector<16xf32>,
      %add3A_221 = arith.addf %get3A_220, %gather3A_214 : vector<16xf32>
      %swap3A_222 = arith.index_cast %add3A_218 : i32 to index
      %swap3A_223 = tpu.vector_load %arg7[%swap3A_222] {strides = array<i32>} : memref<16384xf32, #tpu.memory_space<vmem>>, vector<16xf32>,
      tpu.vector_store %arg7[%swap3A_222], %add3A_221 {strides = array<i32>} : memref<16384xf32, #tpu.memory_space<vmem>>, vector<16xf32>,
      %mul3A_224 = arith.constant 8 : i32
      %mul3A_225 = arith.muli %scan3A_135, %mul3A_224 : i32
      %add3A_226 = arith.constant 5 : i32
      %add3A_227 = arith.addi %mul3A_225, %add3A_226 : i32
      %mul3A_228 = arith.constant 16 : i32
      %mul3A_229 = arith.muli %add3A_227, %mul3A_228 : i32
      %get3A_230 = arith.index_cast %mul3A_229 : i32 to index
      %get3A_231 = tpu.vector_load %arg6[%get3A_230] {strides = array<i32>} : memref<8192xi32, #tpu.memory_space<vmem>>, vector<16xi32>,
      %gather3A_232 = tpu.vector_load_idx %arg5[%get3A_231] : memref<100000xf32, #tpu.memory_space<vmem>>[vector<16xi32>], vector<16xf32>,
      %mul3A_233 = arith.constant 16 : i32
      %mul3A_234 = arith.muli %add3A_227, %mul3A_233 : i32
      %add3A_235 = arith.constant 8192 : i32
      %add3A_236 = arith.addi %add3A_235, %mul3A_234 : i32
      %get3A_237 = arith.index_cast %add3A_236 : i32 to index
      %get3A_238 = tpu.vector_load %arg7[%get3A_237] {strides = array<i32>} : memref<16384xf32, #tpu.memory_space<vmem>>, vector<16xf32>,
      %add3A_239 = arith.addf %get3A_238, %gather3A_232 : vector<16xf32>
      %swap3A_240 = arith.index_cast %add3A_236 : i32 to index
      %swap3A_241 = tpu.vector_load %arg7[%swap3A_240] {strides = array<i32>} : memref<16384xf32, #tpu.memory_space<vmem>>, vector<16xf32>,
      tpu.vector_store %arg7[%swap3A_240], %add3A_239 {strides = array<i32>} : memref<16384xf32, #tpu.memory_space<vmem>>, vector<16xf32>,
      %mul3A_242 = arith.constant 8 : i32
      %mul3A_243 = arith.muli %scan3A_135, %mul3A_242 : i32
      %add3A_244 = arith.constant 6 : i32
      %add3A_245 = arith.addi %mul3A_243, %add3A_244 : i32
      %mul3A_246 = arith.constant 16 : i32
      %mul3A_247 = arith.muli %add3A_245, %mul3A_246 : i32
      %get3A_248 = arith.index_cast %mul3A_247 : i32 to index
      %get3A_249 = tpu.vector_load %arg6[%get3A_248] {strides = array<i32>} : memref<8192xi32, #tpu.memory_space<vmem>>, vector<16xi32>,
      %gather3A_250 = tpu.vector_load_idx %arg5[%get3A_249] : memref<100000xf32, #tpu.memory_space<vmem>>[vector<16xi32>], vector<16xf32>,
      %mul3A_251 = arith.constant 16 : i32
      %mul3A_252 = arith.muli %add3A_245, %mul3A_251 : i32
      %add3A_253 = arith.constant 8192 : i32
      %add3A_254 = arith.addi %add3A_253, %mul3A_252 : i32
      %get3A_255 = arith.index_cast %add3A_254 : i32 to index
      %get3A_256 = tpu.vector_load %arg7[%get3A_255] {strides = array<i32>} : memref<16384xf32, #tpu.memory_space<vmem>>, vector<16xf32>,
      %add3A_257 = arith.addf %get3A_256, %gather3A_250 : vector<16xf32>
      %swap3A_258 = arith.index_cast %add3A_254 : i32 to index
      %swap3A_259 = tpu.vector_load %arg7[%swap3A_258] {strides = array<i32>} : memref<16384xf32, #tpu.memory_space<vmem>>, vector<16xf32>,
      tpu.vector_store %arg7[%swap3A_258], %add3A_257 {strides = array<i32>} : memref<16384xf32, #tpu.memory_space<vmem>>, vector<16xf32>,
      %mul3A_260 = arith.constant 8 : i32
      %mul3A_261 = arith.muli %scan3A_135, %mul3A_260 : i32
      %add3A_262 = arith.constant 7 : i32
      %add3A_263 = arith.addi %mul3A_261, %add3A_262 : i32
      %mul3A_264 = arith.constant 16 : i32
      %mul3A_265 = arith.muli %add3A_263, %mul3A_264 : i32
      %get3A_266 = arith.index_cast %mul3A_265 : i32 to index
      %get3A_267 = tpu.vector_load %arg6[%get3A_266] {strides = array<i32>} : memref<8192xi32, #tpu.memory_space<vmem>>, vector<16xi32>,
      %gather3A_268 = tpu.vector_load_idx %arg5[%get3A_267] : memref<100000xf32, #tpu.memory_space<vmem>>[vector<16xi32>], vector<16xf32>,
      %mul3A_269 = arith.constant 16 : i32
      %mul3A_270 = arith.muli %add3A_263, %mul3A_269 : i32
      %add3A_271 = arith.constant 8192 : i32
      %add3A_272 = arith.addi %add3A_271, %mul3A_270 : i32
      %get3A_273 = arith.index_cast %add3A_272 : i32 to index
      %get3A_274 = tpu.vector_load %arg7[%get3A_273] {strides = array<i32>} : memref<16384xf32, #tpu.memory_space<vmem>>, vector<16xf32>,
      %add3A_275 = arith.addf %get3A_274, %gather3A_268 : vector<16xf32>
      %swap3A_276 = arith.index_cast %add3A_272 : i32 to index
      %swap3A_277 = tpu.vector_load %arg7[%swap3A_276] {strides = array<i32>} : memref<16384xf32, #tpu.memory_space<vmem>>, vector<16xf32>,
      tpu.vector_store %arg7[%swap3A_276], %add3A_275 {strides = array<i32>} : memref<16384xf32, #tpu.memory_space<vmem>>, vector<16xf32>,
      %scan3A_278 = arith.constant 0 : i32
      scf.yield %scan3A_278 : i32
    }
    %scan3A_83 = arith.constant 64 : i32
    %run_scoped3A_84 = arith.constant 5 : i32
    "tpu.region"() ({
      %run_scoped3A_135 = tpu.sem_alloc : memref<!tpu.dma_semaphore, #tpu.memory_space<semaphore_mem>>
      %dma_start3A = arith.constant 0 : i32
      %dma_start3A_136 = tpu.memref_slice %arg2[%run_scoped3A_84, %add3A, %dma_start3A] : memref<8x32x100000xf32, #tpu.memory_space<hbm>> -> memref<1x1x100000xf32, #tpu.memory_space<hbm>>
      %dma_start3A_137 = tpu.memref_squeeze %dma_start3A_136 : memref<1x1x100000xf32, #tpu.memory_space<hbm>> -> memref<100000xf32, #tpu.memory_space<hbm>>
      %dma_start3A_138 = arith.constant 0 : i32
      %dma_start3A_139 = tpu.memref_slice %arg2[%run_scoped3A_84, %add3A, %dma_start3A_138] : memref<8x32x100000xf32, #tpu.memory_space<hbm>> -> memref<1x1x100000xf32, #tpu.memory_space<hbm>>
      %dma_start3A_140 = tpu.memref_squeeze %dma_start3A_139 : memref<1x1x100000xf32, #tpu.memory_space<hbm>> -> memref<100000xf32, #tpu.memory_space<hbm>>
      tpu.enqueue_dma source(%dma_start3A_140 : memref<100000xf32, #tpu.memory_space<hbm>>) target(%arg5 : memref<100000xf32, #tpu.memory_space<vmem>>) target_semaphore(%run_scoped3A_135 : memref<!tpu.dma_semaphore, #tpu.memory_space<semaphore_mem>>)
      %dma_wait3A = arith.constant 0 : i32
      %dma_wait3A_141 = tpu.memref_slice %arg2[%run_scoped3A_84, %add3A, %dma_wait3A] : memref<8x32x100000xf32, #tpu.memory_space<hbm>> -> memref<1x1x100000xf32, #tpu.memory_space<hbm>>
      %dma_wait3A_142 = tpu.memref_squeeze %dma_wait3A_141 : memref<1x1x100000xf32, #tpu.memory_space<hbm>> -> memref<100000xf32, #tpu.memory_space<hbm>>
      %dma_wait3A_143 = arith.constant 0 : i32
      %dma_wait3A_144 = tpu.memref_slice %arg2[%run_scoped3A_84, %add3A, %dma_wait3A_143] : memref<8x32x100000xf32, #tpu.memory_space<hbm>> -> memref<1x1x100000xf32, #tpu.memory_space<hbm>>
      %dma_wait3A_145 = tpu.memref_squeeze %dma_wait3A_144 : memref<1x1x100000xf32, #tpu.memory_space<hbm>> -> memref<100000xf32, #tpu.memory_space<hbm>>
      tpu.wait_dma2 semaphore(%run_scoped3A_135 : memref<!tpu.dma_semaphore, #tpu.memory_space<semaphore_mem>>) src(%dma_wait3A_145 : memref<100000xf32, #tpu.memory_space<hbm>>) dst(%arg5 : memref<100000xf32, #tpu.memory_space<vmem>>)
      tpu.yield
    }) : () -> ()
    %run_scoped3A_85 = arith.constant 5 : i32
    "tpu.region"() ({
      %run_scoped3A_135 = tpu.sem_alloc : memref<!tpu.dma_semaphore, #tpu.memory_space<semaphore_mem>>
      %dma_start3A = arith.constant 0 : i32
      %dma_start3A_136 = tpu.memref_slice %arg3[%run_scoped3A_85, %dma_start3A] : memref<8x16384xi32, #tpu.memory_space<hbm>> -> memref<1x8192xi32, #tpu.memory_space<hbm>>
      %dma_start3A_137 = tpu.memref_squeeze %dma_start3A_136 : memref<1x8192xi32, #tpu.memory_space<hbm>> -> memref<8192xi32, #tpu.memory_space<hbm>>
      %dma_start3A_138 = arith.constant 0 : i32
      %dma_start3A_139 = tpu.memref_slice %arg3[%run_scoped3A_85, %dma_start3A_138] : memref<8x16384xi32, #tpu.memory_space<hbm>> -> memref<1x8192xi32, #tpu.memory_space<hbm>>
      %dma_start3A_140 = tpu.memref_squeeze %dma_start3A_139 : memref<1x8192xi32, #tpu.memory_space<hbm>> -> memref<8192xi32, #tpu.memory_space<hbm>>
      tpu.enqueue_dma source(%dma_start3A_140 : memref<8192xi32, #tpu.memory_space<hbm>>) target(%arg6 : memref<8192xi32, #tpu.memory_space<vmem>>) target_semaphore(%run_scoped3A_135 : memref<!tpu.dma_semaphore, #tpu.memory_space<semaphore_mem>>)
      %dma_wait3A = arith.constant 0 : i32
      %dma_wait3A_141 = tpu.memref_slice %arg3[%run_scoped3A_85, %dma_wait3A] : memref<8x16384xi32, #tpu.memory_space<hbm>> -> memref<1x8192xi32, #tpu.memory_space<hbm>>
      %dma_wait3A_142 = tpu.memref_squeeze %dma_wait3A_141 : memref<1x8192xi32, #tpu.memory_space<hbm>> -> memref<8192xi32, #tpu.memory_space<hbm>>
      %dma_wait3A_143 = arith.constant 0 : i32
      %dma_wait3A_144 = tpu.memref_slice %arg3[%run_scoped3A_85, %dma_wait3A_143] : memref<8x16384xi32, #tpu.memory_space<hbm>> -> memref<1x8192xi32, #tpu.memory_space<hbm>>
      %dma_wait3A_145 = tpu.memref_squeeze %dma_wait3A_144 : memref<1x8192xi32, #tpu.memory_space<hbm>> -> memref<8192xi32, #tpu.memory_space<hbm>>
      tpu.wait_dma2 semaphore(%run_scoped3A_135 : memref<!tpu.dma_semaphore, #tpu.memory_space<semaphore_mem>>) src(%dma_wait3A_145 : memref<8192xi32, #tpu.memory_space<hbm>>) dst(%arg6 : memref<8192xi32, #tpu.memory_space<vmem>>)
      tpu.yield
    }) : () -> ()
    %scan3A_86 = arith.constant 0 : i32
    %scan3A_87 = arith.constant 0 : i32
    %scan3A_88 = arith.constant 64 : i32
    %scan3A_89 = arith.addi %scan3A_87, %scan3A_88 : i32
    %scan3A_90 = arith.constant 1 : i32
    %scan3A_91 = scf.for %scan3A_135 = %scan3A_87 to %scan3A_89 step %scan3A_90 iter_args(%scan3A_136 = %scan3A_86) -> (i32)  : i32 {
      %mul3A_137 = arith.constant 8 : i32
      %mul3A_138 = arith.muli %scan3A_135, %mul3A_137 : i32
      %add3A_139 = arith.constant 0 : i32
      %add3A_140 = arith.addi %mul3A_138, %add3A_139 : i32
      %mul3A_141 = arith.constant 16 : i32
      %mul3A_142 = arith.muli %add3A_140, %mul3A_141 : i32
      %get3A = arith.index_cast %mul3A_142 : i32 to index
      %get3A_143 = tpu.vector_load %arg6[%get3A] {strides = array<i32>} : memref<8192xi32, #tpu.memory_space<vmem>>, vector<16xi32>,
      %gather3A = tpu.vector_load_idx %arg5[%get3A_143] : memref<100000xf32, #tpu.memory_space<vmem>>[vector<16xi32>], vector<16xf32>,
      %mul3A_144 = arith.constant 16 : i32
      %mul3A_145 = arith.muli %add3A_140, %mul3A_144 : i32
      %add3A_146 = arith.constant 0 : i32
      %add3A_147 = arith.addi %add3A_146, %mul3A_145 : i32
      %get3A_148 = arith.index_cast %add3A_147 : i32 to index
      %get3A_149 = tpu.vector_load %arg7[%get3A_148] {strides = array<i32>} : memref<16384xf32, #tpu.memory_space<vmem>>, vector<16xf32>,
      %add3A_150 = arith.addf %get3A_149, %gather3A : vector<16xf32>
      %swap3A = arith.index_cast %add3A_147 : i32 to index
      %swap3A_151 = tpu.vector_load %arg7[%swap3A] {strides = array<i32>} : memref<16384xf32, #tpu.memory_space<vmem>>, vector<16xf32>,
      tpu.vector_store %arg7[%swap3A], %add3A_150 {strides = array<i32>} : memref<16384xf32, #tpu.memory_space<vmem>>, vector<16xf32>,
      %mul3A_152 = arith.constant 8 : i32
      %mul3A_153 = arith.muli %scan3A_135, %mul3A_152 : i32
      %add3A_154 = arith.constant 1 : i32
      %add3A_155 = arith.addi %mul3A_153, %add3A_154 : i32
      %mul3A_156 = arith.constant 16 : i32
      %mul3A_157 = arith.muli %add3A_155, %mul3A_156 : i32
      %get3A_158 = arith.index_cast %mul3A_157 : i32 to index
      %get3A_159 = tpu.vector_load %arg6[%get3A_158] {strides = array<i32>} : memref<8192xi32, #tpu.memory_space<vmem>>, vector<16xi32>,
      %gather3A_160 = tpu.vector_load_idx %arg5[%get3A_159] : memref<100000xf32, #tpu.memory_space<vmem>>[vector<16xi32>], vector<16xf32>,
      %mul3A_161 = arith.constant 16 : i32
      %mul3A_162 = arith.muli %add3A_155, %mul3A_161 : i32
      %add3A_163 = arith.constant 0 : i32
      %add3A_164 = arith.addi %add3A_163, %mul3A_162 : i32
      %get3A_165 = arith.index_cast %add3A_164 : i32 to index
      %get3A_166 = tpu.vector_load %arg7[%get3A_165] {strides = array<i32>} : memref<16384xf32, #tpu.memory_space<vmem>>, vector<16xf32>,
      %add3A_167 = arith.addf %get3A_166, %gather3A_160 : vector<16xf32>
      %swap3A_168 = arith.index_cast %add3A_164 : i32 to index
      %swap3A_169 = tpu.vector_load %arg7[%swap3A_168] {strides = array<i32>} : memref<16384xf32, #tpu.memory_space<vmem>>, vector<16xf32>,
      tpu.vector_store %arg7[%swap3A_168], %add3A_167 {strides = array<i32>} : memref<16384xf32, #tpu.memory_space<vmem>>, vector<16xf32>,
      %mul3A_170 = arith.constant 8 : i32
      %mul3A_171 = arith.muli %scan3A_135, %mul3A_170 : i32
      %add3A_172 = arith.constant 2 : i32
      %add3A_173 = arith.addi %mul3A_171, %add3A_172 : i32
      %mul3A_174 = arith.constant 16 : i32
      %mul3A_175 = arith.muli %add3A_173, %mul3A_174 : i32
      %get3A_176 = arith.index_cast %mul3A_175 : i32 to index
      %get3A_177 = tpu.vector_load %arg6[%get3A_176] {strides = array<i32>} : memref<8192xi32, #tpu.memory_space<vmem>>, vector<16xi32>,
      %gather3A_178 = tpu.vector_load_idx %arg5[%get3A_177] : memref<100000xf32, #tpu.memory_space<vmem>>[vector<16xi32>], vector<16xf32>,
      %mul3A_179 = arith.constant 16 : i32
      %mul3A_180 = arith.muli %add3A_173, %mul3A_179 : i32
      %add3A_181 = arith.constant 0 : i32
      %add3A_182 = arith.addi %add3A_181, %mul3A_180 : i32
      %get3A_183 = arith.index_cast %add3A_182 : i32 to index
      %get3A_184 = tpu.vector_load %arg7[%get3A_183] {strides = array<i32>} : memref<16384xf32, #tpu.memory_space<vmem>>, vector<16xf32>,
      %add3A_185 = arith.addf %get3A_184, %gather3A_178 : vector<16xf32>
      %swap3A_186 = arith.index_cast %add3A_182 : i32 to index
      %swap3A_187 = tpu.vector_load %arg7[%swap3A_186] {strides = array<i32>} : memref<16384xf32, #tpu.memory_space<vmem>>, vector<16xf32>,
      tpu.vector_store %arg7[%swap3A_186], %add3A_185 {strides = array<i32>} : memref<16384xf32, #tpu.memory_space<vmem>>, vector<16xf32>,
      %mul3A_188 = arith.constant 8 : i32
      %mul3A_189 = arith.muli %scan3A_135, %mul3A_188 : i32
      %add3A_190 = arith.constant 3 : i32
      %add3A_191 = arith.addi %mul3A_189, %add3A_190 : i32
      %mul3A_192 = arith.constant 16 : i32
      %mul3A_193 = arith.muli %add3A_191, %mul3A_192 : i32
      %get3A_194 = arith.index_cast %mul3A_193 : i32 to index
      %get3A_195 = tpu.vector_load %arg6[%get3A_194] {strides = array<i32>} : memref<8192xi32, #tpu.memory_space<vmem>>, vector<16xi32>,
      %gather3A_196 = tpu.vector_load_idx %arg5[%get3A_195] : memref<100000xf32, #tpu.memory_space<vmem>>[vector<16xi32>], vector<16xf32>,
      %mul3A_197 = arith.constant 16 : i32
      %mul3A_198 = arith.muli %add3A_191, %mul3A_197 : i32
      %add3A_199 = arith.constant 0 : i32
      %add3A_200 = arith.addi %add3A_199, %mul3A_198 : i32
      %get3A_201 = arith.index_cast %add3A_200 : i32 to index
      %get3A_202 = tpu.vector_load %arg7[%get3A_201] {strides = array<i32>} : memref<16384xf32, #tpu.memory_space<vmem>>, vector<16xf32>,
      %add3A_203 = arith.addf %get3A_202, %gather3A_196 : vector<16xf32>
      %swap3A_204 = arith.index_cast %add3A_200 : i32 to index
      %swap3A_205 = tpu.vector_load %arg7[%swap3A_204] {strides = array<i32>} : memref<16384xf32, #tpu.memory_space<vmem>>, vector<16xf32>,
      tpu.vector_store %arg7[%swap3A_204], %add3A_203 {strides = array<i32>} : memref<16384xf32, #tpu.memory_space<vmem>>, vector<16xf32>,
      %mul3A_206 = arith.constant 8 : i32
      %mul3A_207 = arith.muli %scan3A_135, %mul3A_206 : i32
      %add3A_208 = arith.constant 4 : i32
      %add3A_209 = arith.addi %mul3A_207, %add3A_208 : i32
      %mul3A_210 = arith.constant 16 : i32
      %mul3A_211 = arith.muli %add3A_209, %mul3A_210 : i32
      %get3A_212 = arith.index_cast %mul3A_211 : i32 to index
      %get3A_213 = tpu.vector_load %arg6[%get3A_212] {strides = array<i32>} : memref<8192xi32, #tpu.memory_space<vmem>>, vector<16xi32>,
      %gather3A_214 = tpu.vector_load_idx %arg5[%get3A_213] : memref<100000xf32, #tpu.memory_space<vmem>>[vector<16xi32>], vector<16xf32>,
      %mul3A_215 = arith.constant 16 : i32
      %mul3A_216 = arith.muli %add3A_209, %mul3A_215 : i32
      %add3A_217 = arith.constant 0 : i32
      %add3A_218 = arith.addi %add3A_217, %mul3A_216 : i32
      %get3A_219 = arith.index_cast %add3A_218 : i32 to index
      %get3A_220 = tpu.vector_load %arg7[%get3A_219] {strides = array<i32>} : memref<16384xf32, #tpu.memory_space<vmem>>, vector<16xf32>,
      %add3A_221 = arith.addf %get3A_220, %gather3A_214 : vector<16xf32>
      %swap3A_222 = arith.index_cast %add3A_218 : i32 to index
      %swap3A_223 = tpu.vector_load %arg7[%swap3A_222] {strides = array<i32>} : memref<16384xf32, #tpu.memory_space<vmem>>, vector<16xf32>,
      tpu.vector_store %arg7[%swap3A_222], %add3A_221 {strides = array<i32>} : memref<16384xf32, #tpu.memory_space<vmem>>, vector<16xf32>,
      %mul3A_224 = arith.constant 8 : i32
      %mul3A_225 = arith.muli %scan3A_135, %mul3A_224 : i32
      %add3A_226 = arith.constant 5 : i32
      %add3A_227 = arith.addi %mul3A_225, %add3A_226 : i32
      %mul3A_228 = arith.constant 16 : i32
      %mul3A_229 = arith.muli %add3A_227, %mul3A_228 : i32
      %get3A_230 = arith.index_cast %mul3A_229 : i32 to index
      %get3A_231 = tpu.vector_load %arg6[%get3A_230] {strides = array<i32>} : memref<8192xi32, #tpu.memory_space<vmem>>, vector<16xi32>,
      %gather3A_232 = tpu.vector_load_idx %arg5[%get3A_231] : memref<100000xf32, #tpu.memory_space<vmem>>[vector<16xi32>], vector<16xf32>,
      %mul3A_233 = arith.constant 16 : i32
      %mul3A_234 = arith.muli %add3A_227, %mul3A_233 : i32
      %add3A_235 = arith.constant 0 : i32
      %add3A_236 = arith.addi %add3A_235, %mul3A_234 : i32
      %get3A_237 = arith.index_cast %add3A_236 : i32 to index
      %get3A_238 = tpu.vector_load %arg7[%get3A_237] {strides = array<i32>} : memref<16384xf32, #tpu.memory_space<vmem>>, vector<16xf32>,
      %add3A_239 = arith.addf %get3A_238, %gather3A_232 : vector<16xf32>
      %swap3A_240 = arith.index_cast %add3A_236 : i32 to index
      %swap3A_241 = tpu.vector_load %arg7[%swap3A_240] {strides = array<i32>} : memref<16384xf32, #tpu.memory_space<vmem>>, vector<16xf32>,
      tpu.vector_store %arg7[%swap3A_240], %add3A_239 {strides = array<i32>} : memref<16384xf32, #tpu.memory_space<vmem>>, vector<16xf32>,
      %mul3A_242 = arith.constant 8 : i32
      %mul3A_243 = arith.muli %scan3A_135, %mul3A_242 : i32
      %add3A_244 = arith.constant 6 : i32
      %add3A_245 = arith.addi %mul3A_243, %add3A_244 : i32
      %mul3A_246 = arith.constant 16 : i32
      %mul3A_247 = arith.muli %add3A_245, %mul3A_246 : i32
      %get3A_248 = arith.index_cast %mul3A_247 : i32 to index
      %get3A_249 = tpu.vector_load %arg6[%get3A_248] {strides = array<i32>} : memref<8192xi32, #tpu.memory_space<vmem>>, vector<16xi32>,
      %gather3A_250 = tpu.vector_load_idx %arg5[%get3A_249] : memref<100000xf32, #tpu.memory_space<vmem>>[vector<16xi32>], vector<16xf32>,
      %mul3A_251 = arith.constant 16 : i32
      %mul3A_252 = arith.muli %add3A_245, %mul3A_251 : i32
      %add3A_253 = arith.constant 0 : i32
      %add3A_254 = arith.addi %add3A_253, %mul3A_252 : i32
      %get3A_255 = arith.index_cast %add3A_254 : i32 to index
      %get3A_256 = tpu.vector_load %arg7[%get3A_255] {strides = array<i32>} : memref<16384xf32, #tpu.memory_space<vmem>>, vector<16xf32>,
      %add3A_257 = arith.addf %get3A_256, %gather3A_250 : vector<16xf32>
      %swap3A_258 = arith.index_cast %add3A_254 : i32 to index
      %swap3A_259 = tpu.vector_load %arg7[%swap3A_258] {strides = array<i32>} : memref<16384xf32, #tpu.memory_space<vmem>>, vector<16xf32>,
      tpu.vector_store %arg7[%swap3A_258], %add3A_257 {strides = array<i32>} : memref<16384xf32, #tpu.memory_space<vmem>>, vector<16xf32>,
      %mul3A_260 = arith.constant 8 : i32
      %mul3A_261 = arith.muli %scan3A_135, %mul3A_260 : i32
      %add3A_262 = arith.constant 7 : i32
      %add3A_263 = arith.addi %mul3A_261, %add3A_262 : i32
      %mul3A_264 = arith.constant 16 : i32
      %mul3A_265 = arith.muli %add3A_263, %mul3A_264 : i32
      %get3A_266 = arith.index_cast %mul3A_265 : i32 to index
      %get3A_267 = tpu.vector_load %arg6[%get3A_266] {strides = array<i32>} : memref<8192xi32, #tpu.memory_space<vmem>>, vector<16xi32>,
      %gather3A_268 = tpu.vector_load_idx %arg5[%get3A_267] : memref<100000xf32, #tpu.memory_space<vmem>>[vector<16xi32>], vector<16xf32>,
      %mul3A_269 = arith.constant 16 : i32
      %mul3A_270 = arith.muli %add3A_263, %mul3A_269 : i32
      %add3A_271 = arith.constant 0 : i32
      %add3A_272 = arith.addi %add3A_271, %mul3A_270 : i32
      %get3A_273 = arith.index_cast %add3A_272 : i32 to index
      %get3A_274 = tpu.vector_load %arg7[%get3A_273] {strides = array<i32>} : memref<16384xf32, #tpu.memory_space<vmem>>, vector<16xf32>,
      %add3A_275 = arith.addf %get3A_274, %gather3A_268 : vector<16xf32>
      %swap3A_276 = arith.index_cast %add3A_272 : i32 to index
      %swap3A_277 = tpu.vector_load %arg7[%swap3A_276] {strides = array<i32>} : memref<16384xf32, #tpu.memory_space<vmem>>, vector<16xf32>,
      tpu.vector_store %arg7[%swap3A_276], %add3A_275 {strides = array<i32>} : memref<16384xf32, #tpu.memory_space<vmem>>, vector<16xf32>,
      %scan3A_278 = arith.constant 0 : i32
      scf.yield %scan3A_278 : i32
    }
    %scan3A_92 = arith.constant 64 : i32
    %run_scoped3A_93 = arith.constant 5 : i32
    "tpu.region"() ({
      %run_scoped3A_135 = tpu.sem_alloc : memref<!tpu.dma_semaphore, #tpu.memory_space<semaphore_mem>>
      %dma_start3A = arith.constant 8192 : i32
      %dma_start3A_136 = tpu.memref_slice %arg3[%run_scoped3A_93, %dma_start3A] : memref<8x16384xi32, #tpu.memory_space<hbm>> -> memref<1x8192xi32, #tpu.memory_space<hbm>>
      %dma_start3A_137 = tpu.memref_squeeze %dma_start3A_136 : memref<1x8192xi32, #tpu.memory_space<hbm>> -> memref<8192xi32, #tpu.memory_space<hbm>>
      %dma_start3A_138 = arith.constant 8192 : i32
      %dma_start3A_139 = tpu.memref_slice %arg3[%run_scoped3A_93, %dma_start3A_138] : memref<8x16384xi32, #tpu.memory_space<hbm>> -> memref<1x8192xi32, #tpu.memory_space<hbm>>
      %dma_start3A_140 = tpu.memref_squeeze %dma_start3A_139 : memref<1x8192xi32, #tpu.memory_space<hbm>> -> memref<8192xi32, #tpu.memory_space<hbm>>
      tpu.enqueue_dma source(%dma_start3A_140 : memref<8192xi32, #tpu.memory_space<hbm>>) target(%arg6 : memref<8192xi32, #tpu.memory_space<vmem>>) target_semaphore(%run_scoped3A_135 : memref<!tpu.dma_semaphore, #tpu.memory_space<semaphore_mem>>)
      %dma_wait3A = arith.constant 8192 : i32
      %dma_wait3A_141 = tpu.memref_slice %arg3[%run_scoped3A_93, %dma_wait3A] : memref<8x16384xi32, #tpu.memory_space<hbm>> -> memref<1x8192xi32, #tpu.memory_space<hbm>>
      %dma_wait3A_142 = tpu.memref_squeeze %dma_wait3A_141 : memref<1x8192xi32, #tpu.memory_space<hbm>> -> memref<8192xi32, #tpu.memory_space<hbm>>
      %dma_wait3A_143 = arith.constant 8192 : i32
      %dma_wait3A_144 = tpu.memref_slice %arg3[%run_scoped3A_93, %dma_wait3A_143] : memref<8x16384xi32, #tpu.memory_space<hbm>> -> memref<1x8192xi32, #tpu.memory_space<hbm>>
      %dma_wait3A_145 = tpu.memref_squeeze %dma_wait3A_144 : memref<1x8192xi32, #tpu.memory_space<hbm>> -> memref<8192xi32, #tpu.memory_space<hbm>>
      tpu.wait_dma2 semaphore(%run_scoped3A_135 : memref<!tpu.dma_semaphore, #tpu.memory_space<semaphore_mem>>) src(%dma_wait3A_145 : memref<8192xi32, #tpu.memory_space<hbm>>) dst(%arg6 : memref<8192xi32, #tpu.memory_space<vmem>>)
      tpu.yield
    }) : () -> ()
    %scan3A_94 = arith.constant 0 : i32
    %scan3A_95 = arith.constant 0 : i32
    %scan3A_96 = arith.constant 64 : i32
    %scan3A_97 = arith.addi %scan3A_95, %scan3A_96 : i32
    %scan3A_98 = arith.constant 1 : i32
    %scan3A_99 = scf.for %scan3A_135 = %scan3A_95 to %scan3A_97 step %scan3A_98 iter_args(%scan3A_136 = %scan3A_94) -> (i32)  : i32 {
      %mul3A_137 = arith.constant 8 : i32
      %mul3A_138 = arith.muli %scan3A_135, %mul3A_137 : i32
      %add3A_139 = arith.constant 0 : i32
      %add3A_140 = arith.addi %mul3A_138, %add3A_139 : i32
      %mul3A_141 = arith.constant 16 : i32
      %mul3A_142 = arith.muli %add3A_140, %mul3A_141 : i32
      %get3A = arith.index_cast %mul3A_142 : i32 to index
      %get3A_143 = tpu.vector_load %arg6[%get3A] {strides = array<i32>} : memref<8192xi32, #tpu.memory_space<vmem>>, vector<16xi32>,
      %gather3A = tpu.vector_load_idx %arg5[%get3A_143] : memref<100000xf32, #tpu.memory_space<vmem>>[vector<16xi32>], vector<16xf32>,
      %mul3A_144 = arith.constant 16 : i32
      %mul3A_145 = arith.muli %add3A_140, %mul3A_144 : i32
      %add3A_146 = arith.constant 8192 : i32
      %add3A_147 = arith.addi %add3A_146, %mul3A_145 : i32
      %get3A_148 = arith.index_cast %add3A_147 : i32 to index
      %get3A_149 = tpu.vector_load %arg7[%get3A_148] {strides = array<i32>} : memref<16384xf32, #tpu.memory_space<vmem>>, vector<16xf32>,
      %add3A_150 = arith.addf %get3A_149, %gather3A : vector<16xf32>
      %swap3A = arith.index_cast %add3A_147 : i32 to index
      %swap3A_151 = tpu.vector_load %arg7[%swap3A] {strides = array<i32>} : memref<16384xf32, #tpu.memory_space<vmem>>, vector<16xf32>,
      tpu.vector_store %arg7[%swap3A], %add3A_150 {strides = array<i32>} : memref<16384xf32, #tpu.memory_space<vmem>>, vector<16xf32>,
      %mul3A_152 = arith.constant 8 : i32
      %mul3A_153 = arith.muli %scan3A_135, %mul3A_152 : i32
      %add3A_154 = arith.constant 1 : i32
      %add3A_155 = arith.addi %mul3A_153, %add3A_154 : i32
      %mul3A_156 = arith.constant 16 : i32
      %mul3A_157 = arith.muli %add3A_155, %mul3A_156 : i32
      %get3A_158 = arith.index_cast %mul3A_157 : i32 to index
      %get3A_159 = tpu.vector_load %arg6[%get3A_158] {strides = array<i32>} : memref<8192xi32, #tpu.memory_space<vmem>>, vector<16xi32>,
      %gather3A_160 = tpu.vector_load_idx %arg5[%get3A_159] : memref<100000xf32, #tpu.memory_space<vmem>>[vector<16xi32>], vector<16xf32>,
      %mul3A_161 = arith.constant 16 : i32
      %mul3A_162 = arith.muli %add3A_155, %mul3A_161 : i32
      %add3A_163 = arith.constant 8192 : i32
      %add3A_164 = arith.addi %add3A_163, %mul3A_162 : i32
      %get3A_165 = arith.index_cast %add3A_164 : i32 to index
      %get3A_166 = tpu.vector_load %arg7[%get3A_165] {strides = array<i32>} : memref<16384xf32, #tpu.memory_space<vmem>>, vector<16xf32>,
      %add3A_167 = arith.addf %get3A_166, %gather3A_160 : vector<16xf32>
      %swap3A_168 = arith.index_cast %add3A_164 : i32 to index
      %swap3A_169 = tpu.vector_load %arg7[%swap3A_168] {strides = array<i32>} : memref<16384xf32, #tpu.memory_space<vmem>>, vector<16xf32>,
      tpu.vector_store %arg7[%swap3A_168], %add3A_167 {strides = array<i32>} : memref<16384xf32, #tpu.memory_space<vmem>>, vector<16xf32>,
      %mul3A_170 = arith.constant 8 : i32
      %mul3A_171 = arith.muli %scan3A_135, %mul3A_170 : i32
      %add3A_172 = arith.constant 2 : i32
      %add3A_173 = arith.addi %mul3A_171, %add3A_172 : i32
      %mul3A_174 = arith.constant 16 : i32
      %mul3A_175 = arith.muli %add3A_173, %mul3A_174 : i32
      %get3A_176 = arith.index_cast %mul3A_175 : i32 to index
      %get3A_177 = tpu.vector_load %arg6[%get3A_176] {strides = array<i32>} : memref<8192xi32, #tpu.memory_space<vmem>>, vector<16xi32>,
      %gather3A_178 = tpu.vector_load_idx %arg5[%get3A_177] : memref<100000xf32, #tpu.memory_space<vmem>>[vector<16xi32>], vector<16xf32>,
      %mul3A_179 = arith.constant 16 : i32
      %mul3A_180 = arith.muli %add3A_173, %mul3A_179 : i32
      %add3A_181 = arith.constant 8192 : i32
      %add3A_182 = arith.addi %add3A_181, %mul3A_180 : i32
      %get3A_183 = arith.index_cast %add3A_182 : i32 to index
      %get3A_184 = tpu.vector_load %arg7[%get3A_183] {strides = array<i32>} : memref<16384xf32, #tpu.memory_space<vmem>>, vector<16xf32>,
      %add3A_185 = arith.addf %get3A_184, %gather3A_178 : vector<16xf32>
      %swap3A_186 = arith.index_cast %add3A_182 : i32 to index
      %swap3A_187 = tpu.vector_load %arg7[%swap3A_186] {strides = array<i32>} : memref<16384xf32, #tpu.memory_space<vmem>>, vector<16xf32>,
      tpu.vector_store %arg7[%swap3A_186], %add3A_185 {strides = array<i32>} : memref<16384xf32, #tpu.memory_space<vmem>>, vector<16xf32>,
      %mul3A_188 = arith.constant 8 : i32
      %mul3A_189 = arith.muli %scan3A_135, %mul3A_188 : i32
      %add3A_190 = arith.constant 3 : i32
      %add3A_191 = arith.addi %mul3A_189, %add3A_190 : i32
      %mul3A_192 = arith.constant 16 : i32
      %mul3A_193 = arith.muli %add3A_191, %mul3A_192 : i32
      %get3A_194 = arith.index_cast %mul3A_193 : i32 to index
      %get3A_195 = tpu.vector_load %arg6[%get3A_194] {strides = array<i32>} : memref<8192xi32, #tpu.memory_space<vmem>>, vector<16xi32>,
      %gather3A_196 = tpu.vector_load_idx %arg5[%get3A_195] : memref<100000xf32, #tpu.memory_space<vmem>>[vector<16xi32>], vector<16xf32>,
      %mul3A_197 = arith.constant 16 : i32
      %mul3A_198 = arith.muli %add3A_191, %mul3A_197 : i32
      %add3A_199 = arith.constant 8192 : i32
      %add3A_200 = arith.addi %add3A_199, %mul3A_198 : i32
      %get3A_201 = arith.index_cast %add3A_200 : i32 to index
      %get3A_202 = tpu.vector_load %arg7[%get3A_201] {strides = array<i32>} : memref<16384xf32, #tpu.memory_space<vmem>>, vector<16xf32>,
      %add3A_203 = arith.addf %get3A_202, %gather3A_196 : vector<16xf32>
      %swap3A_204 = arith.index_cast %add3A_200 : i32 to index
      %swap3A_205 = tpu.vector_load %arg7[%swap3A_204] {strides = array<i32>} : memref<16384xf32, #tpu.memory_space<vmem>>, vector<16xf32>,
      tpu.vector_store %arg7[%swap3A_204], %add3A_203 {strides = array<i32>} : memref<16384xf32, #tpu.memory_space<vmem>>, vector<16xf32>,
      %mul3A_206 = arith.constant 8 : i32
      %mul3A_207 = arith.muli %scan3A_135, %mul3A_206 : i32
      %add3A_208 = arith.constant 4 : i32
      %add3A_209 = arith.addi %mul3A_207, %add3A_208 : i32
      %mul3A_210 = arith.constant 16 : i32
      %mul3A_211 = arith.muli %add3A_209, %mul3A_210 : i32
      %get3A_212 = arith.index_cast %mul3A_211 : i32 to index
      %get3A_213 = tpu.vector_load %arg6[%get3A_212] {strides = array<i32>} : memref<8192xi32, #tpu.memory_space<vmem>>, vector<16xi32>,
      %gather3A_214 = tpu.vector_load_idx %arg5[%get3A_213] : memref<100000xf32, #tpu.memory_space<vmem>>[vector<16xi32>], vector<16xf32>,
      %mul3A_215 = arith.constant 16 : i32
      %mul3A_216 = arith.muli %add3A_209, %mul3A_215 : i32
      %add3A_217 = arith.constant 8192 : i32
      %add3A_218 = arith.addi %add3A_217, %mul3A_216 : i32
      %get3A_219 = arith.index_cast %add3A_218 : i32 to index
      %get3A_220 = tpu.vector_load %arg7[%get3A_219] {strides = array<i32>} : memref<16384xf32, #tpu.memory_space<vmem>>, vector<16xf32>,
      %add3A_221 = arith.addf %get3A_220, %gather3A_214 : vector<16xf32>
      %swap3A_222 = arith.index_cast %add3A_218 : i32 to index
      %swap3A_223 = tpu.vector_load %arg7[%swap3A_222] {strides = array<i32>} : memref<16384xf32, #tpu.memory_space<vmem>>, vector<16xf32>,
      tpu.vector_store %arg7[%swap3A_222], %add3A_221 {strides = array<i32>} : memref<16384xf32, #tpu.memory_space<vmem>>, vector<16xf32>,
      %mul3A_224 = arith.constant 8 : i32
      %mul3A_225 = arith.muli %scan3A_135, %mul3A_224 : i32
      %add3A_226 = arith.constant 5 : i32
      %add3A_227 = arith.addi %mul3A_225, %add3A_226 : i32
      %mul3A_228 = arith.constant 16 : i32
      %mul3A_229 = arith.muli %add3A_227, %mul3A_228 : i32
      %get3A_230 = arith.index_cast %mul3A_229 : i32 to index
      %get3A_231 = tpu.vector_load %arg6[%get3A_230] {strides = array<i32>} : memref<8192xi32, #tpu.memory_space<vmem>>, vector<16xi32>,
      %gather3A_232 = tpu.vector_load_idx %arg5[%get3A_231] : memref<100000xf32, #tpu.memory_space<vmem>>[vector<16xi32>], vector<16xf32>,
      %mul3A_233 = arith.constant 16 : i32
      %mul3A_234 = arith.muli %add3A_227, %mul3A_233 : i32
      %add3A_235 = arith.constant 8192 : i32
      %add3A_236 = arith.addi %add3A_235, %mul3A_234 : i32
      %get3A_237 = arith.index_cast %add3A_236 : i32 to index
      %get3A_238 = tpu.vector_load %arg7[%get3A_237] {strides = array<i32>} : memref<16384xf32, #tpu.memory_space<vmem>>, vector<16xf32>,
      %add3A_239 = arith.addf %get3A_238, %gather3A_232 : vector<16xf32>
      %swap3A_240 = arith.index_cast %add3A_236 : i32 to index
      %swap3A_241 = tpu.vector_load %arg7[%swap3A_240] {strides = array<i32>} : memref<16384xf32, #tpu.memory_space<vmem>>, vector<16xf32>,
      tpu.vector_store %arg7[%swap3A_240], %add3A_239 {strides = array<i32>} : memref<16384xf32, #tpu.memory_space<vmem>>, vector<16xf32>,
      %mul3A_242 = arith.constant 8 : i32
      %mul3A_243 = arith.muli %scan3A_135, %mul3A_242 : i32
      %add3A_244 = arith.constant 6 : i32
      %add3A_245 = arith.addi %mul3A_243, %add3A_244 : i32
      %mul3A_246 = arith.constant 16 : i32
      %mul3A_247 = arith.muli %add3A_245, %mul3A_246 : i32
      %get3A_248 = arith.index_cast %mul3A_247 : i32 to index
      %get3A_249 = tpu.vector_load %arg6[%get3A_248] {strides = array<i32>} : memref<8192xi32, #tpu.memory_space<vmem>>, vector<16xi32>,
      %gather3A_250 = tpu.vector_load_idx %arg5[%get3A_249] : memref<100000xf32, #tpu.memory_space<vmem>>[vector<16xi32>], vector<16xf32>,
      %mul3A_251 = arith.constant 16 : i32
      %mul3A_252 = arith.muli %add3A_245, %mul3A_251 : i32
      %add3A_253 = arith.constant 8192 : i32
      %add3A_254 = arith.addi %add3A_253, %mul3A_252 : i32
      %get3A_255 = arith.index_cast %add3A_254 : i32 to index
      %get3A_256 = tpu.vector_load %arg7[%get3A_255] {strides = array<i32>} : memref<16384xf32, #tpu.memory_space<vmem>>, vector<16xf32>,
      %add3A_257 = arith.addf %get3A_256, %gather3A_250 : vector<16xf32>
      %swap3A_258 = arith.index_cast %add3A_254 : i32 to index
      %swap3A_259 = tpu.vector_load %arg7[%swap3A_258] {strides = array<i32>} : memref<16384xf32, #tpu.memory_space<vmem>>, vector<16xf32>,
      tpu.vector_store %arg7[%swap3A_258], %add3A_257 {strides = array<i32>} : memref<16384xf32, #tpu.memory_space<vmem>>, vector<16xf32>,
      %mul3A_260 = arith.constant 8 : i32
      %mul3A_261 = arith.muli %scan3A_135, %mul3A_260 : i32
      %add3A_262 = arith.constant 7 : i32
      %add3A_263 = arith.addi %mul3A_261, %add3A_262 : i32
      %mul3A_264 = arith.constant 16 : i32
      %mul3A_265 = arith.muli %add3A_263, %mul3A_264 : i32
      %get3A_266 = arith.index_cast %mul3A_265 : i32 to index
      %get3A_267 = tpu.vector_load %arg6[%get3A_266] {strides = array<i32>} : memref<8192xi32, #tpu.memory_space<vmem>>, vector<16xi32>,
      %gather3A_268 = tpu.vector_load_idx %arg5[%get3A_267] : memref<100000xf32, #tpu.memory_space<vmem>>[vector<16xi32>], vector<16xf32>,
      %mul3A_269 = arith.constant 16 : i32
      %mul3A_270 = arith.muli %add3A_263, %mul3A_269 : i32
      %add3A_271 = arith.constant 8192 : i32
      %add3A_272 = arith.addi %add3A_271, %mul3A_270 : i32
      %get3A_273 = arith.index_cast %add3A_272 : i32 to index
      %get3A_274 = tpu.vector_load %arg7[%get3A_273] {strides = array<i32>} : memref<16384xf32, #tpu.memory_space<vmem>>, vector<16xf32>,
      %add3A_275 = arith.addf %get3A_274, %gather3A_268 : vector<16xf32>
      %swap3A_276 = arith.index_cast %add3A_272 : i32 to index
      %swap3A_277 = tpu.vector_load %arg7[%swap3A_276] {strides = array<i32>} : memref<16384xf32, #tpu.memory_space<vmem>>, vector<16xf32>,
      tpu.vector_store %arg7[%swap3A_276], %add3A_275 {strides = array<i32>} : memref<16384xf32, #tpu.memory_space<vmem>>, vector<16xf32>,
      %scan3A_278 = arith.constant 0 : i32
      scf.yield %scan3A_278 : i32
    }
    %scan3A_100 = arith.constant 64 : i32
    %run_scoped3A_101 = arith.constant 6 : i32
    "tpu.region"() ({
      %run_scoped3A_135 = tpu.sem_alloc : memref<!tpu.dma_semaphore, #tpu.memory_space<semaphore_mem>>
      %dma_start3A = arith.constant 0 : i32
      %dma_start3A_136 = tpu.memref_slice %arg2[%run_scoped3A_101, %add3A, %dma_start3A] : memref<8x32x100000xf32, #tpu.memory_space<hbm>> -> memref<1x1x100000xf32, #tpu.memory_space<hbm>>
      %dma_start3A_137 = tpu.memref_squeeze %dma_start3A_136 : memref<1x1x100000xf32, #tpu.memory_space<hbm>> -> memref<100000xf32, #tpu.memory_space<hbm>>
      %dma_start3A_138 = arith.constant 0 : i32
      %dma_start3A_139 = tpu.memref_slice %arg2[%run_scoped3A_101, %add3A, %dma_start3A_138] : memref<8x32x100000xf32, #tpu.memory_space<hbm>> -> memref<1x1x100000xf32, #tpu.memory_space<hbm>>
      %dma_start3A_140 = tpu.memref_squeeze %dma_start3A_139 : memref<1x1x100000xf32, #tpu.memory_space<hbm>> -> memref<100000xf32, #tpu.memory_space<hbm>>
      tpu.enqueue_dma source(%dma_start3A_140 : memref<100000xf32, #tpu.memory_space<hbm>>) target(%arg5 : memref<100000xf32, #tpu.memory_space<vmem>>) target_semaphore(%run_scoped3A_135 : memref<!tpu.dma_semaphore, #tpu.memory_space<semaphore_mem>>)
      %dma_wait3A = arith.constant 0 : i32
      %dma_wait3A_141 = tpu.memref_slice %arg2[%run_scoped3A_101, %add3A, %dma_wait3A] : memref<8x32x100000xf32, #tpu.memory_space<hbm>> -> memref<1x1x100000xf32, #tpu.memory_space<hbm>>
      %dma_wait3A_142 = tpu.memref_squeeze %dma_wait3A_141 : memref<1x1x100000xf32, #tpu.memory_space<hbm>> -> memref<100000xf32, #tpu.memory_space<hbm>>
      %dma_wait3A_143 = arith.constant 0 : i32
      %dma_wait3A_144 = tpu.memref_slice %arg2[%run_scoped3A_101, %add3A, %dma_wait3A_143] : memref<8x32x100000xf32, #tpu.memory_space<hbm>> -> memref<1x1x100000xf32, #tpu.memory_space<hbm>>
      %dma_wait3A_145 = tpu.memref_squeeze %dma_wait3A_144 : memref<1x1x100000xf32, #tpu.memory_space<hbm>> -> memref<100000xf32, #tpu.memory_space<hbm>>
      tpu.wait_dma2 semaphore(%run_scoped3A_135 : memref<!tpu.dma_semaphore, #tpu.memory_space<semaphore_mem>>) src(%dma_wait3A_145 : memref<100000xf32, #tpu.memory_space<hbm>>) dst(%arg5 : memref<100000xf32, #tpu.memory_space<vmem>>)
      tpu.yield
    }) : () -> ()
    %run_scoped3A_102 = arith.constant 6 : i32
    "tpu.region"() ({
      %run_scoped3A_135 = tpu.sem_alloc : memref<!tpu.dma_semaphore, #tpu.memory_space<semaphore_mem>>
      %dma_start3A = arith.constant 0 : i32
      %dma_start3A_136 = tpu.memref_slice %arg3[%run_scoped3A_102, %dma_start3A] : memref<8x16384xi32, #tpu.memory_space<hbm>> -> memref<1x8192xi32, #tpu.memory_space<hbm>>
      %dma_start3A_137 = tpu.memref_squeeze %dma_start3A_136 : memref<1x8192xi32, #tpu.memory_space<hbm>> -> memref<8192xi32, #tpu.memory_space<hbm>>
      %dma_start3A_138 = arith.constant 0 : i32
      %dma_start3A_139 = tpu.memref_slice %arg3[%run_scoped3A_102, %dma_start3A_138] : memref<8x16384xi32, #tpu.memory_space<hbm>> -> memref<1x8192xi32, #tpu.memory_space<hbm>>
      %dma_start3A_140 = tpu.memref_squeeze %dma_start3A_139 : memref<1x8192xi32, #tpu.memory_space<hbm>> -> memref<8192xi32, #tpu.memory_space<hbm>>
      tpu.enqueue_dma source(%dma_start3A_140 : memref<8192xi32, #tpu.memory_space<hbm>>) target(%arg6 : memref<8192xi32, #tpu.memory_space<vmem>>) target_semaphore(%run_scoped3A_135 : memref<!tpu.dma_semaphore, #tpu.memory_space<semaphore_mem>>)
      %dma_wait3A = arith.constant 0 : i32
      %dma_wait3A_141 = tpu.memref_slice %arg3[%run_scoped3A_102, %dma_wait3A] : memref<8x16384xi32, #tpu.memory_space<hbm>> -> memref<1x8192xi32, #tpu.memory_space<hbm>>
      %dma_wait3A_142 = tpu.memref_squeeze %dma_wait3A_141 : memref<1x8192xi32, #tpu.memory_space<hbm>> -> memref<8192xi32, #tpu.memory_space<hbm>>
      %dma_wait3A_143 = arith.constant 0 : i32
      %dma_wait3A_144 = tpu.memref_slice %arg3[%run_scoped3A_102, %dma_wait3A_143] : memref<8x16384xi32, #tpu.memory_space<hbm>> -> memref<1x8192xi32, #tpu.memory_space<hbm>>
      %dma_wait3A_145 = tpu.memref_squeeze %dma_wait3A_144 : memref<1x8192xi32, #tpu.memory_space<hbm>> -> memref<8192xi32, #tpu.memory_space<hbm>>
      tpu.wait_dma2 semaphore(%run_scoped3A_135 : memref<!tpu.dma_semaphore, #tpu.memory_space<semaphore_mem>>) src(%dma_wait3A_145 : memref<8192xi32, #tpu.memory_space<hbm>>) dst(%arg6 : memref<8192xi32, #tpu.memory_space<vmem>>)
      tpu.yield
    }) : () -> ()
    %scan3A_103 = arith.constant 0 : i32
    %scan3A_104 = arith.constant 0 : i32
    %scan3A_105 = arith.constant 64 : i32
    %scan3A_106 = arith.addi %scan3A_104, %scan3A_105 : i32
    %scan3A_107 = arith.constant 1 : i32
    %scan3A_108 = scf.for %scan3A_135 = %scan3A_104 to %scan3A_106 step %scan3A_107 iter_args(%scan3A_136 = %scan3A_103) -> (i32)  : i32 {
      %mul3A_137 = arith.constant 8 : i32
      %mul3A_138 = arith.muli %scan3A_135, %mul3A_137 : i32
      %add3A_139 = arith.constant 0 : i32
      %add3A_140 = arith.addi %mul3A_138, %add3A_139 : i32
      %mul3A_141 = arith.constant 16 : i32
      %mul3A_142 = arith.muli %add3A_140, %mul3A_141 : i32
      %get3A = arith.index_cast %mul3A_142 : i32 to index
      %get3A_143 = tpu.vector_load %arg6[%get3A] {strides = array<i32>} : memref<8192xi32, #tpu.memory_space<vmem>>, vector<16xi32>,
      %gather3A = tpu.vector_load_idx %arg5[%get3A_143] : memref<100000xf32, #tpu.memory_space<vmem>>[vector<16xi32>], vector<16xf32>,
      %mul3A_144 = arith.constant 16 : i32
      %mul3A_145 = arith.muli %add3A_140, %mul3A_144 : i32
      %add3A_146 = arith.constant 0 : i32
      %add3A_147 = arith.addi %add3A_146, %mul3A_145 : i32
      %get3A_148 = arith.index_cast %add3A_147 : i32 to index
      %get3A_149 = tpu.vector_load %arg7[%get3A_148] {strides = array<i32>} : memref<16384xf32, #tpu.memory_space<vmem>>, vector<16xf32>,
      %add3A_150 = arith.addf %get3A_149, %gather3A : vector<16xf32>
      %swap3A = arith.index_cast %add3A_147 : i32 to index
      %swap3A_151 = tpu.vector_load %arg7[%swap3A] {strides = array<i32>} : memref<16384xf32, #tpu.memory_space<vmem>>, vector<16xf32>,
      tpu.vector_store %arg7[%swap3A], %add3A_150 {strides = array<i32>} : memref<16384xf32, #tpu.memory_space<vmem>>, vector<16xf32>,
      %mul3A_152 = arith.constant 8 : i32
      %mul3A_153 = arith.muli %scan3A_135, %mul3A_152 : i32
      %add3A_154 = arith.constant 1 : i32
      %add3A_155 = arith.addi %mul3A_153, %add3A_154 : i32
      %mul3A_156 = arith.constant 16 : i32
      %mul3A_157 = arith.muli %add3A_155, %mul3A_156 : i32
      %get3A_158 = arith.index_cast %mul3A_157 : i32 to index
      %get3A_159 = tpu.vector_load %arg6[%get3A_158] {strides = array<i32>} : memref<8192xi32, #tpu.memory_space<vmem>>, vector<16xi32>,
      %gather3A_160 = tpu.vector_load_idx %arg5[%get3A_159] : memref<100000xf32, #tpu.memory_space<vmem>>[vector<16xi32>], vector<16xf32>,
      %mul3A_161 = arith.constant 16 : i32
      %mul3A_162 = arith.muli %add3A_155, %mul3A_161 : i32
      %add3A_163 = arith.constant 0 : i32
      %add3A_164 = arith.addi %add3A_163, %mul3A_162 : i32
      %get3A_165 = arith.index_cast %add3A_164 : i32 to index
      %get3A_166 = tpu.vector_load %arg7[%get3A_165] {strides = array<i32>} : memref<16384xf32, #tpu.memory_space<vmem>>, vector<16xf32>,
      %add3A_167 = arith.addf %get3A_166, %gather3A_160 : vector<16xf32>
      %swap3A_168 = arith.index_cast %add3A_164 : i32 to index
      %swap3A_169 = tpu.vector_load %arg7[%swap3A_168] {strides = array<i32>} : memref<16384xf32, #tpu.memory_space<vmem>>, vector<16xf32>,
      tpu.vector_store %arg7[%swap3A_168], %add3A_167 {strides = array<i32>} : memref<16384xf32, #tpu.memory_space<vmem>>, vector<16xf32>,
      %mul3A_170 = arith.constant 8 : i32
      %mul3A_171 = arith.muli %scan3A_135, %mul3A_170 : i32
      %add3A_172 = arith.constant 2 : i32
      %add3A_173 = arith.addi %mul3A_171, %add3A_172 : i32
      %mul3A_174 = arith.constant 16 : i32
      %mul3A_175 = arith.muli %add3A_173, %mul3A_174 : i32
      %get3A_176 = arith.index_cast %mul3A_175 : i32 to index
      %get3A_177 = tpu.vector_load %arg6[%get3A_176] {strides = array<i32>} : memref<8192xi32, #tpu.memory_space<vmem>>, vector<16xi32>,
      %gather3A_178 = tpu.vector_load_idx %arg5[%get3A_177] : memref<100000xf32, #tpu.memory_space<vmem>>[vector<16xi32>], vector<16xf32>,
      %mul3A_179 = arith.constant 16 : i32
      %mul3A_180 = arith.muli %add3A_173, %mul3A_179 : i32
      %add3A_181 = arith.constant 0 : i32
      %add3A_182 = arith.addi %add3A_181, %mul3A_180 : i32
      %get3A_183 = arith.index_cast %add3A_182 : i32 to index
      %get3A_184 = tpu.vector_load %arg7[%get3A_183] {strides = array<i32>} : memref<16384xf32, #tpu.memory_space<vmem>>, vector<16xf32>,
      %add3A_185 = arith.addf %get3A_184, %gather3A_178 : vector<16xf32>
      %swap3A_186 = arith.index_cast %add3A_182 : i32 to index
      %swap3A_187 = tpu.vector_load %arg7[%swap3A_186] {strides = array<i32>} : memref<16384xf32, #tpu.memory_space<vmem>>, vector<16xf32>,
      tpu.vector_store %arg7[%swap3A_186], %add3A_185 {strides = array<i32>} : memref<16384xf32, #tpu.memory_space<vmem>>, vector<16xf32>,
      %mul3A_188 = arith.constant 8 : i32
      %mul3A_189 = arith.muli %scan3A_135, %mul3A_188 : i32
      %add3A_190 = arith.constant 3 : i32
      %add3A_191 = arith.addi %mul3A_189, %add3A_190 : i32
      %mul3A_192 = arith.constant 16 : i32
      %mul3A_193 = arith.muli %add3A_191, %mul3A_192 : i32
      %get3A_194 = arith.index_cast %mul3A_193 : i32 to index
      %get3A_195 = tpu.vector_load %arg6[%get3A_194] {strides = array<i32>} : memref<8192xi32, #tpu.memory_space<vmem>>, vector<16xi32>,
      %gather3A_196 = tpu.vector_load_idx %arg5[%get3A_195] : memref<100000xf32, #tpu.memory_space<vmem>>[vector<16xi32>], vector<16xf32>,
      %mul3A_197 = arith.constant 16 : i32
      %mul3A_198 = arith.muli %add3A_191, %mul3A_197 : i32
      %add3A_199 = arith.constant 0 : i32
      %add3A_200 = arith.addi %add3A_199, %mul3A_198 : i32
      %get3A_201 = arith.index_cast %add3A_200 : i32 to index
      %get3A_202 = tpu.vector_load %arg7[%get3A_201] {strides = array<i32>} : memref<16384xf32, #tpu.memory_space<vmem>>, vector<16xf32>,
      %add3A_203 = arith.addf %get3A_202, %gather3A_196 : vector<16xf32>
      %swap3A_204 = arith.index_cast %add3A_200 : i32 to index
      %swap3A_205 = tpu.vector_load %arg7[%swap3A_204] {strides = array<i32>} : memref<16384xf32, #tpu.memory_space<vmem>>, vector<16xf32>,
      tpu.vector_store %arg7[%swap3A_204], %add3A_203 {strides = array<i32>} : memref<16384xf32, #tpu.memory_space<vmem>>, vector<16xf32>,
      %mul3A_206 = arith.constant 8 : i32
      %mul3A_207 = arith.muli %scan3A_135, %mul3A_206 : i32
      %add3A_208 = arith.constant 4 : i32
      %add3A_209 = arith.addi %mul3A_207, %add3A_208 : i32
      %mul3A_210 = arith.constant 16 : i32
      %mul3A_211 = arith.muli %add3A_209, %mul3A_210 : i32
      %get3A_212 = arith.index_cast %mul3A_211 : i32 to index
      %get3A_213 = tpu.vector_load %arg6[%get3A_212] {strides = array<i32>} : memref<8192xi32, #tpu.memory_space<vmem>>, vector<16xi32>,
      %gather3A_214 = tpu.vector_load_idx %arg5[%get3A_213] : memref<100000xf32, #tpu.memory_space<vmem>>[vector<16xi32>], vector<16xf32>,
      %mul3A_215 = arith.constant 16 : i32
      %mul3A_216 = arith.muli %add3A_209, %mul3A_215 : i32
      %add3A_217 = arith.constant 0 : i32
      %add3A_218 = arith.addi %add3A_217, %mul3A_216 : i32
      %get3A_219 = arith.index_cast %add3A_218 : i32 to index
      %get3A_220 = tpu.vector_load %arg7[%get3A_219] {strides = array<i32>} : memref<16384xf32, #tpu.memory_space<vmem>>, vector<16xf32>,
      %add3A_221 = arith.addf %get3A_220, %gather3A_214 : vector<16xf32>
      %swap3A_222 = arith.index_cast %add3A_218 : i32 to index
      %swap3A_223 = tpu.vector_load %arg7[%swap3A_222] {strides = array<i32>} : memref<16384xf32, #tpu.memory_space<vmem>>, vector<16xf32>,
      tpu.vector_store %arg7[%swap3A_222], %add3A_221 {strides = array<i32>} : memref<16384xf32, #tpu.memory_space<vmem>>, vector<16xf32>,
      %mul3A_224 = arith.constant 8 : i32
      %mul3A_225 = arith.muli %scan3A_135, %mul3A_224 : i32
      %add3A_226 = arith.constant 5 : i32
      %add3A_227 = arith.addi %mul3A_225, %add3A_226 : i32
      %mul3A_228 = arith.constant 16 : i32
      %mul3A_229 = arith.muli %add3A_227, %mul3A_228 : i32
      %get3A_230 = arith.index_cast %mul3A_229 : i32 to index
      %get3A_231 = tpu.vector_load %arg6[%get3A_230] {strides = array<i32>} : memref<8192xi32, #tpu.memory_space<vmem>>, vector<16xi32>,
      %gather3A_232 = tpu.vector_load_idx %arg5[%get3A_231] : memref<100000xf32, #tpu.memory_space<vmem>>[vector<16xi32>], vector<16xf32>,
      %mul3A_233 = arith.constant 16 : i32
      %mul3A_234 = arith.muli %add3A_227, %mul3A_233 : i32
      %add3A_235 = arith.constant 0 : i32
      %add3A_236 = arith.addi %add3A_235, %mul3A_234 : i32
      %get3A_237 = arith.index_cast %add3A_236 : i32 to index
      %get3A_238 = tpu.vector_load %arg7[%get3A_237] {strides = array<i32>} : memref<16384xf32, #tpu.memory_space<vmem>>, vector<16xf32>,
      %add3A_239 = arith.addf %get3A_238, %gather3A_232 : vector<16xf32>
      %swap3A_240 = arith.index_cast %add3A_236 : i32 to index
      %swap3A_241 = tpu.vector_load %arg7[%swap3A_240] {strides = array<i32>} : memref<16384xf32, #tpu.memory_space<vmem>>, vector<16xf32>,
      tpu.vector_store %arg7[%swap3A_240], %add3A_239 {strides = array<i32>} : memref<16384xf32, #tpu.memory_space<vmem>>, vector<16xf32>,
      %mul3A_242 = arith.constant 8 : i32
      %mul3A_243 = arith.muli %scan3A_135, %mul3A_242 : i32
      %add3A_244 = arith.constant 6 : i32
      %add3A_245 = arith.addi %mul3A_243, %add3A_244 : i32
      %mul3A_246 = arith.constant 16 : i32
      %mul3A_247 = arith.muli %add3A_245, %mul3A_246 : i32
      %get3A_248 = arith.index_cast %mul3A_247 : i32 to index
      %get3A_249 = tpu.vector_load %arg6[%get3A_248] {strides = array<i32>} : memref<8192xi32, #tpu.memory_space<vmem>>, vector<16xi32>,
      %gather3A_250 = tpu.vector_load_idx %arg5[%get3A_249] : memref<100000xf32, #tpu.memory_space<vmem>>[vector<16xi32>], vector<16xf32>,
      %mul3A_251 = arith.constant 16 : i32
      %mul3A_252 = arith.muli %add3A_245, %mul3A_251 : i32
      %add3A_253 = arith.constant 0 : i32
      %add3A_254 = arith.addi %add3A_253, %mul3A_252 : i32
      %get3A_255 = arith.index_cast %add3A_254 : i32 to index
      %get3A_256 = tpu.vector_load %arg7[%get3A_255] {strides = array<i32>} : memref<16384xf32, #tpu.memory_space<vmem>>, vector<16xf32>,
      %add3A_257 = arith.addf %get3A_256, %gather3A_250 : vector<16xf32>
      %swap3A_258 = arith.index_cast %add3A_254 : i32 to index
      %swap3A_259 = tpu.vector_load %arg7[%swap3A_258] {strides = array<i32>} : memref<16384xf32, #tpu.memory_space<vmem>>, vector<16xf32>,
      tpu.vector_store %arg7[%swap3A_258], %add3A_257 {strides = array<i32>} : memref<16384xf32, #tpu.memory_space<vmem>>, vector<16xf32>,
      %mul3A_260 = arith.constant 8 : i32
      %mul3A_261 = arith.muli %scan3A_135, %mul3A_260 : i32
      %add3A_262 = arith.constant 7 : i32
      %add3A_263 = arith.addi %mul3A_261, %add3A_262 : i32
      %mul3A_264 = arith.constant 16 : i32
      %mul3A_265 = arith.muli %add3A_263, %mul3A_264 : i32
      %get3A_266 = arith.index_cast %mul3A_265 : i32 to index
      %get3A_267 = tpu.vector_load %arg6[%get3A_266] {strides = array<i32>} : memref<8192xi32, #tpu.memory_space<vmem>>, vector<16xi32>,
      %gather3A_268 = tpu.vector_load_idx %arg5[%get3A_267] : memref<100000xf32, #tpu.memory_space<vmem>>[vector<16xi32>], vector<16xf32>,
      %mul3A_269 = arith.constant 16 : i32
      %mul3A_270 = arith.muli %add3A_263, %mul3A_269 : i32
      %add3A_271 = arith.constant 0 : i32
      %add3A_272 = arith.addi %add3A_271, %mul3A_270 : i32
      %get3A_273 = arith.index_cast %add3A_272 : i32 to index
      %get3A_274 = tpu.vector_load %arg7[%get3A_273] {strides = array<i32>} : memref<16384xf32, #tpu.memory_space<vmem>>, vector<16xf32>,
      %add3A_275 = arith.addf %get3A_274, %gather3A_268 : vector<16xf32>
      %swap3A_276 = arith.index_cast %add3A_272 : i32 to index
      %swap3A_277 = tpu.vector_load %arg7[%swap3A_276] {strides = array<i32>} : memref<16384xf32, #tpu.memory_space<vmem>>, vector<16xf32>,
      tpu.vector_store %arg7[%swap3A_276], %add3A_275 {strides = array<i32>} : memref<16384xf32, #tpu.memory_space<vmem>>, vector<16xf32>,
      %scan3A_278 = arith.constant 0 : i32
      scf.yield %scan3A_278 : i32
    }
    %scan3A_109 = arith.constant 64 : i32
    %run_scoped3A_110 = arith.constant 6 : i32
    "tpu.region"() ({
      %run_scoped3A_135 = tpu.sem_alloc : memref<!tpu.dma_semaphore, #tpu.memory_space<semaphore_mem>>
      %dma_start3A = arith.constant 8192 : i32
      %dma_start3A_136 = tpu.memref_slice %arg3[%run_scoped3A_110, %dma_start3A] : memref<8x16384xi32, #tpu.memory_space<hbm>> -> memref<1x8192xi32, #tpu.memory_space<hbm>>
      %dma_start3A_137 = tpu.memref_squeeze %dma_start3A_136 : memref<1x8192xi32, #tpu.memory_space<hbm>> -> memref<8192xi32, #tpu.memory_space<hbm>>
      %dma_start3A_138 = arith.constant 8192 : i32
      %dma_start3A_139 = tpu.memref_slice %arg3[%run_scoped3A_110, %dma_start3A_138] : memref<8x16384xi32, #tpu.memory_space<hbm>> -> memref<1x8192xi32, #tpu.memory_space<hbm>>
      %dma_start3A_140 = tpu.memref_squeeze %dma_start3A_139 : memref<1x8192xi32, #tpu.memory_space<hbm>> -> memref<8192xi32, #tpu.memory_space<hbm>>
      tpu.enqueue_dma source(%dma_start3A_140 : memref<8192xi32, #tpu.memory_space<hbm>>) target(%arg6 : memref<8192xi32, #tpu.memory_space<vmem>>) target_semaphore(%run_scoped3A_135 : memref<!tpu.dma_semaphore, #tpu.memory_space<semaphore_mem>>)
      %dma_wait3A = arith.constant 8192 : i32
      %dma_wait3A_141 = tpu.memref_slice %arg3[%run_scoped3A_110, %dma_wait3A] : memref<8x16384xi32, #tpu.memory_space<hbm>> -> memref<1x8192xi32, #tpu.memory_space<hbm>>
      %dma_wait3A_142 = tpu.memref_squeeze %dma_wait3A_141 : memref<1x8192xi32, #tpu.memory_space<hbm>> -> memref<8192xi32, #tpu.memory_space<hbm>>
      %dma_wait3A_143 = arith.constant 8192 : i32
      %dma_wait3A_144 = tpu.memref_slice %arg3[%run_scoped3A_110, %dma_wait3A_143] : memref<8x16384xi32, #tpu.memory_space<hbm>> -> memref<1x8192xi32, #tpu.memory_space<hbm>>
      %dma_wait3A_145 = tpu.memref_squeeze %dma_wait3A_144 : memref<1x8192xi32, #tpu.memory_space<hbm>> -> memref<8192xi32, #tpu.memory_space<hbm>>
      tpu.wait_dma2 semaphore(%run_scoped3A_135 : memref<!tpu.dma_semaphore, #tpu.memory_space<semaphore_mem>>) src(%dma_wait3A_145 : memref<8192xi32, #tpu.memory_space<hbm>>) dst(%arg6 : memref<8192xi32, #tpu.memory_space<vmem>>)
      tpu.yield
    }) : () -> ()
    %scan3A_111 = arith.constant 0 : i32
    %scan3A_112 = arith.constant 0 : i32
    %scan3A_113 = arith.constant 64 : i32
    %scan3A_114 = arith.addi %scan3A_112, %scan3A_113 : i32
    %scan3A_115 = arith.constant 1 : i32
    %scan3A_116 = scf.for %scan3A_135 = %scan3A_112 to %scan3A_114 step %scan3A_115 iter_args(%scan3A_136 = %scan3A_111) -> (i32)  : i32 {
      %mul3A_137 = arith.constant 8 : i32
      %mul3A_138 = arith.muli %scan3A_135, %mul3A_137 : i32
      %add3A_139 = arith.constant 0 : i32
      %add3A_140 = arith.addi %mul3A_138, %add3A_139 : i32
      %mul3A_141 = arith.constant 16 : i32
      %mul3A_142 = arith.muli %add3A_140, %mul3A_141 : i32
      %get3A = arith.index_cast %mul3A_142 : i32 to index
      %get3A_143 = tpu.vector_load %arg6[%get3A] {strides = array<i32>} : memref<8192xi32, #tpu.memory_space<vmem>>, vector<16xi32>,
      %gather3A = tpu.vector_load_idx %arg5[%get3A_143] : memref<100000xf32, #tpu.memory_space<vmem>>[vector<16xi32>], vector<16xf32>,
      %mul3A_144 = arith.constant 16 : i32
      %mul3A_145 = arith.muli %add3A_140, %mul3A_144 : i32
      %add3A_146 = arith.constant 8192 : i32
      %add3A_147 = arith.addi %add3A_146, %mul3A_145 : i32
      %get3A_148 = arith.index_cast %add3A_147 : i32 to index
      %get3A_149 = tpu.vector_load %arg7[%get3A_148] {strides = array<i32>} : memref<16384xf32, #tpu.memory_space<vmem>>, vector<16xf32>,
      %add3A_150 = arith.addf %get3A_149, %gather3A : vector<16xf32>
      %swap3A = arith.index_cast %add3A_147 : i32 to index
      %swap3A_151 = tpu.vector_load %arg7[%swap3A] {strides = array<i32>} : memref<16384xf32, #tpu.memory_space<vmem>>, vector<16xf32>,
      tpu.vector_store %arg7[%swap3A], %add3A_150 {strides = array<i32>} : memref<16384xf32, #tpu.memory_space<vmem>>, vector<16xf32>,
      %mul3A_152 = arith.constant 8 : i32
      %mul3A_153 = arith.muli %scan3A_135, %mul3A_152 : i32
      %add3A_154 = arith.constant 1 : i32
      %add3A_155 = arith.addi %mul3A_153, %add3A_154 : i32
      %mul3A_156 = arith.constant 16 : i32
      %mul3A_157 = arith.muli %add3A_155, %mul3A_156 : i32
      %get3A_158 = arith.index_cast %mul3A_157 : i32 to index
      %get3A_159 = tpu.vector_load %arg6[%get3A_158] {strides = array<i32>} : memref<8192xi32, #tpu.memory_space<vmem>>, vector<16xi32>,
      %gather3A_160 = tpu.vector_load_idx %arg5[%get3A_159] : memref<100000xf32, #tpu.memory_space<vmem>>[vector<16xi32>], vector<16xf32>,
      %mul3A_161 = arith.constant 16 : i32
      %mul3A_162 = arith.muli %add3A_155, %mul3A_161 : i32
      %add3A_163 = arith.constant 8192 : i32
      %add3A_164 = arith.addi %add3A_163, %mul3A_162 : i32
      %get3A_165 = arith.index_cast %add3A_164 : i32 to index
      %get3A_166 = tpu.vector_load %arg7[%get3A_165] {strides = array<i32>} : memref<16384xf32, #tpu.memory_space<vmem>>, vector<16xf32>,
      %add3A_167 = arith.addf %get3A_166, %gather3A_160 : vector<16xf32>
      %swap3A_168 = arith.index_cast %add3A_164 : i32 to index
      %swap3A_169 = tpu.vector_load %arg7[%swap3A_168] {strides = array<i32>} : memref<16384xf32, #tpu.memory_space<vmem>>, vector<16xf32>,
      tpu.vector_store %arg7[%swap3A_168], %add3A_167 {strides = array<i32>} : memref<16384xf32, #tpu.memory_space<vmem>>, vector<16xf32>,
      %mul3A_170 = arith.constant 8 : i32
      %mul3A_171 = arith.muli %scan3A_135, %mul3A_170 : i32
      %add3A_172 = arith.constant 2 : i32
      %add3A_173 = arith.addi %mul3A_171, %add3A_172 : i32
      %mul3A_174 = arith.constant 16 : i32
      %mul3A_175 = arith.muli %add3A_173, %mul3A_174 : i32
      %get3A_176 = arith.index_cast %mul3A_175 : i32 to index
      %get3A_177 = tpu.vector_load %arg6[%get3A_176] {strides = array<i32>} : memref<8192xi32, #tpu.memory_space<vmem>>, vector<16xi32>,
      %gather3A_178 = tpu.vector_load_idx %arg5[%get3A_177] : memref<100000xf32, #tpu.memory_space<vmem>>[vector<16xi32>], vector<16xf32>,
      %mul3A_179 = arith.constant 16 : i32
      %mul3A_180 = arith.muli %add3A_173, %mul3A_179 : i32
      %add3A_181 = arith.constant 8192 : i32
      %add3A_182 = arith.addi %add3A_181, %mul3A_180 : i32
      %get3A_183 = arith.index_cast %add3A_182 : i32 to index
      %get3A_184 = tpu.vector_load %arg7[%get3A_183] {strides = array<i32>} : memref<16384xf32, #tpu.memory_space<vmem>>, vector<16xf32>,
      %add3A_185 = arith.addf %get3A_184, %gather3A_178 : vector<16xf32>
      %swap3A_186 = arith.index_cast %add3A_182 : i32 to index
      %swap3A_187 = tpu.vector_load %arg7[%swap3A_186] {strides = array<i32>} : memref<16384xf32, #tpu.memory_space<vmem>>, vector<16xf32>,
      tpu.vector_store %arg7[%swap3A_186], %add3A_185 {strides = array<i32>} : memref<16384xf32, #tpu.memory_space<vmem>>, vector<16xf32>,
      %mul3A_188 = arith.constant 8 : i32
      %mul3A_189 = arith.muli %scan3A_135, %mul3A_188 : i32
      %add3A_190 = arith.constant 3 : i32
      %add3A_191 = arith.addi %mul3A_189, %add3A_190 : i32
      %mul3A_192 = arith.constant 16 : i32
      %mul3A_193 = arith.muli %add3A_191, %mul3A_192 : i32
      %get3A_194 = arith.index_cast %mul3A_193 : i32 to index
      %get3A_195 = tpu.vector_load %arg6[%get3A_194] {strides = array<i32>} : memref<8192xi32, #tpu.memory_space<vmem>>, vector<16xi32>,
      %gather3A_196 = tpu.vector_load_idx %arg5[%get3A_195] : memref<100000xf32, #tpu.memory_space<vmem>>[vector<16xi32>], vector<16xf32>,
      %mul3A_197 = arith.constant 16 : i32
      %mul3A_198 = arith.muli %add3A_191, %mul3A_197 : i32
      %add3A_199 = arith.constant 8192 : i32
      %add3A_200 = arith.addi %add3A_199, %mul3A_198 : i32
      %get3A_201 = arith.index_cast %add3A_200 : i32 to index
      %get3A_202 = tpu.vector_load %arg7[%get3A_201] {strides = array<i32>} : memref<16384xf32, #tpu.memory_space<vmem>>, vector<16xf32>,
      %add3A_203 = arith.addf %get3A_202, %gather3A_196 : vector<16xf32>
      %swap3A_204 = arith.index_cast %add3A_200 : i32 to index
      %swap3A_205 = tpu.vector_load %arg7[%swap3A_204] {strides = array<i32>} : memref<16384xf32, #tpu.memory_space<vmem>>, vector<16xf32>,
      tpu.vector_store %arg7[%swap3A_204], %add3A_203 {strides = array<i32>} : memref<16384xf32, #tpu.memory_space<vmem>>, vector<16xf32>,
      %mul3A_206 = arith.constant 8 : i32
      %mul3A_207 = arith.muli %scan3A_135, %mul3A_206 : i32
      %add3A_208 = arith.constant 4 : i32
      %add3A_209 = arith.addi %mul3A_207, %add3A_208 : i32
      %mul3A_210 = arith.constant 16 : i32
      %mul3A_211 = arith.muli %add3A_209, %mul3A_210 : i32
      %get3A_212 = arith.index_cast %mul3A_211 : i32 to index
      %get3A_213 = tpu.vector_load %arg6[%get3A_212] {strides = array<i32>} : memref<8192xi32, #tpu.memory_space<vmem>>, vector<16xi32>,
      %gather3A_214 = tpu.vector_load_idx %arg5[%get3A_213] : memref<100000xf32, #tpu.memory_space<vmem>>[vector<16xi32>], vector<16xf32>,
      %mul3A_215 = arith.constant 16 : i32
      %mul3A_216 = arith.muli %add3A_209, %mul3A_215 : i32
      %add3A_217 = arith.constant 8192 : i32
      %add3A_218 = arith.addi %add3A_217, %mul3A_216 : i32
      %get3A_219 = arith.index_cast %add3A_218 : i32 to index
      %get3A_220 = tpu.vector_load %arg7[%get3A_219] {strides = array<i32>} : memref<16384xf32, #tpu.memory_space<vmem>>, vector<16xf32>,
      %add3A_221 = arith.addf %get3A_220, %gather3A_214 : vector<16xf32>
      %swap3A_222 = arith.index_cast %add3A_218 : i32 to index
      %swap3A_223 = tpu.vector_load %arg7[%swap3A_222] {strides = array<i32>} : memref<16384xf32, #tpu.memory_space<vmem>>, vector<16xf32>,
      tpu.vector_store %arg7[%swap3A_222], %add3A_221 {strides = array<i32>} : memref<16384xf32, #tpu.memory_space<vmem>>, vector<16xf32>,
      %mul3A_224 = arith.constant 8 : i32
      %mul3A_225 = arith.muli %scan3A_135, %mul3A_224 : i32
      %add3A_226 = arith.constant 5 : i32
      %add3A_227 = arith.addi %mul3A_225, %add3A_226 : i32
      %mul3A_228 = arith.constant 16 : i32
      %mul3A_229 = arith.muli %add3A_227, %mul3A_228 : i32
      %get3A_230 = arith.index_cast %mul3A_229 : i32 to index
      %get3A_231 = tpu.vector_load %arg6[%get3A_230] {strides = array<i32>} : memref<8192xi32, #tpu.memory_space<vmem>>, vector<16xi32>,
      %gather3A_232 = tpu.vector_load_idx %arg5[%get3A_231] : memref<100000xf32, #tpu.memory_space<vmem>>[vector<16xi32>], vector<16xf32>,
      %mul3A_233 = arith.constant 16 : i32
      %mul3A_234 = arith.muli %add3A_227, %mul3A_233 : i32
      %add3A_235 = arith.constant 8192 : i32
      %add3A_236 = arith.addi %add3A_235, %mul3A_234 : i32
      %get3A_237 = arith.index_cast %add3A_236 : i32 to index
      %get3A_238 = tpu.vector_load %arg7[%get3A_237] {strides = array<i32>} : memref<16384xf32, #tpu.memory_space<vmem>>, vector<16xf32>,
      %add3A_239 = arith.addf %get3A_238, %gather3A_232 : vector<16xf32>
      %swap3A_240 = arith.index_cast %add3A_236 : i32 to index
      %swap3A_241 = tpu.vector_load %arg7[%swap3A_240] {strides = array<i32>} : memref<16384xf32, #tpu.memory_space<vmem>>, vector<16xf32>,
      tpu.vector_store %arg7[%swap3A_240], %add3A_239 {strides = array<i32>} : memref<16384xf32, #tpu.memory_space<vmem>>, vector<16xf32>,
      %mul3A_242 = arith.constant 8 : i32
      %mul3A_243 = arith.muli %scan3A_135, %mul3A_242 : i32
      %add3A_244 = arith.constant 6 : i32
      %add3A_245 = arith.addi %mul3A_243, %add3A_244 : i32
      %mul3A_246 = arith.constant 16 : i32
      %mul3A_247 = arith.muli %add3A_245, %mul3A_246 : i32
      %get3A_248 = arith.index_cast %mul3A_247 : i32 to index
      %get3A_249 = tpu.vector_load %arg6[%get3A_248] {strides = array<i32>} : memref<8192xi32, #tpu.memory_space<vmem>>, vector<16xi32>,
      %gather3A_250 = tpu.vector_load_idx %arg5[%get3A_249] : memref<100000xf32, #tpu.memory_space<vmem>>[vector<16xi32>], vector<16xf32>,
      %mul3A_251 = arith.constant 16 : i32
      %mul3A_252 = arith.muli %add3A_245, %mul3A_251 : i32
      %add3A_253 = arith.constant 8192 : i32
      %add3A_254 = arith.addi %add3A_253, %mul3A_252 : i32
      %get3A_255 = arith.index_cast %add3A_254 : i32 to index
      %get3A_256 = tpu.vector_load %arg7[%get3A_255] {strides = array<i32>} : memref<16384xf32, #tpu.memory_space<vmem>>, vector<16xf32>,
      %add3A_257 = arith.addf %get3A_256, %gather3A_250 : vector<16xf32>
      %swap3A_258 = arith.index_cast %add3A_254 : i32 to index
      %swap3A_259 = tpu.vector_load %arg7[%swap3A_258] {strides = array<i32>} : memref<16384xf32, #tpu.memory_space<vmem>>, vector<16xf32>,
      tpu.vector_store %arg7[%swap3A_258], %add3A_257 {strides = array<i32>} : memref<16384xf32, #tpu.memory_space<vmem>>, vector<16xf32>,
      %mul3A_260 = arith.constant 8 : i32
      %mul3A_261 = arith.muli %scan3A_135, %mul3A_260 : i32
      %add3A_262 = arith.constant 7 : i32
      %add3A_263 = arith.addi %mul3A_261, %add3A_262 : i32
      %mul3A_264 = arith.constant 16 : i32
      %mul3A_265 = arith.muli %add3A_263, %mul3A_264 : i32
      %get3A_266 = arith.index_cast %mul3A_265 : i32 to index
      %get3A_267 = tpu.vector_load %arg6[%get3A_266] {strides = array<i32>} : memref<8192xi32, #tpu.memory_space<vmem>>, vector<16xi32>,
      %gather3A_268 = tpu.vector_load_idx %arg5[%get3A_267] : memref<100000xf32, #tpu.memory_space<vmem>>[vector<16xi32>], vector<16xf32>,
      %mul3A_269 = arith.constant 16 : i32
      %mul3A_270 = arith.muli %add3A_263, %mul3A_269 : i32
      %add3A_271 = arith.constant 8192 : i32
      %add3A_272 = arith.addi %add3A_271, %mul3A_270 : i32
      %get3A_273 = arith.index_cast %add3A_272 : i32 to index
      %get3A_274 = tpu.vector_load %arg7[%get3A_273] {strides = array<i32>} : memref<16384xf32, #tpu.memory_space<vmem>>, vector<16xf32>,
      %add3A_275 = arith.addf %get3A_274, %gather3A_268 : vector<16xf32>
      %swap3A_276 = arith.index_cast %add3A_272 : i32 to index
      %swap3A_277 = tpu.vector_load %arg7[%swap3A_276] {strides = array<i32>} : memref<16384xf32, #tpu.memory_space<vmem>>, vector<16xf32>,
      tpu.vector_store %arg7[%swap3A_276], %add3A_275 {strides = array<i32>} : memref<16384xf32, #tpu.memory_space<vmem>>, vector<16xf32>,
      %scan3A_278 = arith.constant 0 : i32
      scf.yield %scan3A_278 : i32
    }
    %scan3A_117 = arith.constant 64 : i32
    %run_scoped3A_118 = arith.constant 7 : i32
    "tpu.region"() ({
      %run_scoped3A_135 = tpu.sem_alloc : memref<!tpu.dma_semaphore, #tpu.memory_space<semaphore_mem>>
      %dma_start3A = arith.constant 0 : i32
      %dma_start3A_136 = tpu.memref_slice %arg2[%run_scoped3A_118, %add3A, %dma_start3A] : memref<8x32x100000xf32, #tpu.memory_space<hbm>> -> memref<1x1x100000xf32, #tpu.memory_space<hbm>>
      %dma_start3A_137 = tpu.memref_squeeze %dma_start3A_136 : memref<1x1x100000xf32, #tpu.memory_space<hbm>> -> memref<100000xf32, #tpu.memory_space<hbm>>
      %dma_start3A_138 = arith.constant 0 : i32
      %dma_start3A_139 = tpu.memref_slice %arg2[%run_scoped3A_118, %add3A, %dma_start3A_138] : memref<8x32x100000xf32, #tpu.memory_space<hbm>> -> memref<1x1x100000xf32, #tpu.memory_space<hbm>>
      %dma_start3A_140 = tpu.memref_squeeze %dma_start3A_139 : memref<1x1x100000xf32, #tpu.memory_space<hbm>> -> memref<100000xf32, #tpu.memory_space<hbm>>
      tpu.enqueue_dma source(%dma_start3A_140 : memref<100000xf32, #tpu.memory_space<hbm>>) target(%arg5 : memref<100000xf32, #tpu.memory_space<vmem>>) target_semaphore(%run_scoped3A_135 : memref<!tpu.dma_semaphore, #tpu.memory_space<semaphore_mem>>)
      %dma_wait3A = arith.constant 0 : i32
      %dma_wait3A_141 = tpu.memref_slice %arg2[%run_scoped3A_118, %add3A, %dma_wait3A] : memref<8x32x100000xf32, #tpu.memory_space<hbm>> -> memref<1x1x100000xf32, #tpu.memory_space<hbm>>
      %dma_wait3A_142 = tpu.memref_squeeze %dma_wait3A_141 : memref<1x1x100000xf32, #tpu.memory_space<hbm>> -> memref<100000xf32, #tpu.memory_space<hbm>>
      %dma_wait3A_143 = arith.constant 0 : i32
      %dma_wait3A_144 = tpu.memref_slice %arg2[%run_scoped3A_118, %add3A, %dma_wait3A_143] : memref<8x32x100000xf32, #tpu.memory_space<hbm>> -> memref<1x1x100000xf32, #tpu.memory_space<hbm>>
      %dma_wait3A_145 = tpu.memref_squeeze %dma_wait3A_144 : memref<1x1x100000xf32, #tpu.memory_space<hbm>> -> memref<100000xf32, #tpu.memory_space<hbm>>
      tpu.wait_dma2 semaphore(%run_scoped3A_135 : memref<!tpu.dma_semaphore, #tpu.memory_space<semaphore_mem>>) src(%dma_wait3A_145 : memref<100000xf32, #tpu.memory_space<hbm>>) dst(%arg5 : memref<100000xf32, #tpu.memory_space<vmem>>)
      tpu.yield
    }) : () -> ()
    %run_scoped3A_119 = arith.constant 7 : i32
    "tpu.region"() ({
      %run_scoped3A_135 = tpu.sem_alloc : memref<!tpu.dma_semaphore, #tpu.memory_space<semaphore_mem>>
      %dma_start3A = arith.constant 0 : i32
      %dma_start3A_136 = tpu.memref_slice %arg3[%run_scoped3A_119, %dma_start3A] : memref<8x16384xi32, #tpu.memory_space<hbm>> -> memref<1x8192xi32, #tpu.memory_space<hbm>>
      %dma_start3A_137 = tpu.memref_squeeze %dma_start3A_136 : memref<1x8192xi32, #tpu.memory_space<hbm>> -> memref<8192xi32, #tpu.memory_space<hbm>>
      %dma_start3A_138 = arith.constant 0 : i32
      %dma_start3A_139 = tpu.memref_slice %arg3[%run_scoped3A_119, %dma_start3A_138] : memref<8x16384xi32, #tpu.memory_space<hbm>> -> memref<1x8192xi32, #tpu.memory_space<hbm>>
      %dma_start3A_140 = tpu.memref_squeeze %dma_start3A_139 : memref<1x8192xi32, #tpu.memory_space<hbm>> -> memref<8192xi32, #tpu.memory_space<hbm>>
      tpu.enqueue_dma source(%dma_start3A_140 : memref<8192xi32, #tpu.memory_space<hbm>>) target(%arg6 : memref<8192xi32, #tpu.memory_space<vmem>>) target_semaphore(%run_scoped3A_135 : memref<!tpu.dma_semaphore, #tpu.memory_space<semaphore_mem>>)
      %dma_wait3A = arith.constant 0 : i32
      %dma_wait3A_141 = tpu.memref_slice %arg3[%run_scoped3A_119, %dma_wait3A] : memref<8x16384xi32, #tpu.memory_space<hbm>> -> memref<1x8192xi32, #tpu.memory_space<hbm>>
      %dma_wait3A_142 = tpu.memref_squeeze %dma_wait3A_141 : memref<1x8192xi32, #tpu.memory_space<hbm>> -> memref<8192xi32, #tpu.memory_space<hbm>>
      %dma_wait3A_143 = arith.constant 0 : i32
      %dma_wait3A_144 = tpu.memref_slice %arg3[%run_scoped3A_119, %dma_wait3A_143] : memref<8x16384xi32, #tpu.memory_space<hbm>> -> memref<1x8192xi32, #tpu.memory_space<hbm>>
      %dma_wait3A_145 = tpu.memref_squeeze %dma_wait3A_144 : memref<1x8192xi32, #tpu.memory_space<hbm>> -> memref<8192xi32, #tpu.memory_space<hbm>>
      tpu.wait_dma2 semaphore(%run_scoped3A_135 : memref<!tpu.dma_semaphore, #tpu.memory_space<semaphore_mem>>) src(%dma_wait3A_145 : memref<8192xi32, #tpu.memory_space<hbm>>) dst(%arg6 : memref<8192xi32, #tpu.memory_space<vmem>>)
      tpu.yield
    }) : () -> ()
    %scan3A_120 = arith.constant 0 : i32
    %scan3A_121 = arith.constant 0 : i32
    %scan3A_122 = arith.constant 64 : i32
    %scan3A_123 = arith.addi %scan3A_121, %scan3A_122 : i32
    %scan3A_124 = arith.constant 1 : i32
    %scan3A_125 = scf.for %scan3A_135 = %scan3A_121 to %scan3A_123 step %scan3A_124 iter_args(%scan3A_136 = %scan3A_120) -> (i32)  : i32 {
      %mul3A_137 = arith.constant 8 : i32
      %mul3A_138 = arith.muli %scan3A_135, %mul3A_137 : i32
      %add3A_139 = arith.constant 0 : i32
      %add3A_140 = arith.addi %mul3A_138, %add3A_139 : i32
      %mul3A_141 = arith.constant 16 : i32
      %mul3A_142 = arith.muli %add3A_140, %mul3A_141 : i32
      %get3A = arith.index_cast %mul3A_142 : i32 to index
      %get3A_143 = tpu.vector_load %arg6[%get3A] {strides = array<i32>} : memref<8192xi32, #tpu.memory_space<vmem>>, vector<16xi32>,
      %gather3A = tpu.vector_load_idx %arg5[%get3A_143] : memref<100000xf32, #tpu.memory_space<vmem>>[vector<16xi32>], vector<16xf32>,
      %mul3A_144 = arith.constant 16 : i32
      %mul3A_145 = arith.muli %add3A_140, %mul3A_144 : i32
      %add3A_146 = arith.constant 0 : i32
      %add3A_147 = arith.addi %add3A_146, %mul3A_145 : i32
      %get3A_148 = arith.index_cast %add3A_147 : i32 to index
      %get3A_149 = tpu.vector_load %arg7[%get3A_148] {strides = array<i32>} : memref<16384xf32, #tpu.memory_space<vmem>>, vector<16xf32>,
      %add3A_150 = arith.addf %get3A_149, %gather3A : vector<16xf32>
      %swap3A = arith.index_cast %add3A_147 : i32 to index
      %swap3A_151 = tpu.vector_load %arg7[%swap3A] {strides = array<i32>} : memref<16384xf32, #tpu.memory_space<vmem>>, vector<16xf32>,
      tpu.vector_store %arg7[%swap3A], %add3A_150 {strides = array<i32>} : memref<16384xf32, #tpu.memory_space<vmem>>, vector<16xf32>,
      %mul3A_152 = arith.constant 8 : i32
      %mul3A_153 = arith.muli %scan3A_135, %mul3A_152 : i32
      %add3A_154 = arith.constant 1 : i32
      %add3A_155 = arith.addi %mul3A_153, %add3A_154 : i32
      %mul3A_156 = arith.constant 16 : i32
      %mul3A_157 = arith.muli %add3A_155, %mul3A_156 : i32
      %get3A_158 = arith.index_cast %mul3A_157 : i32 to index
      %get3A_159 = tpu.vector_load %arg6[%get3A_158] {strides = array<i32>} : memref<8192xi32, #tpu.memory_space<vmem>>, vector<16xi32>,
      %gather3A_160 = tpu.vector_load_idx %arg5[%get3A_159] : memref<100000xf32, #tpu.memory_space<vmem>>[vector<16xi32>], vector<16xf32>,
      %mul3A_161 = arith.constant 16 : i32
      %mul3A_162 = arith.muli %add3A_155, %mul3A_161 : i32
      %add3A_163 = arith.constant 0 : i32
      %add3A_164 = arith.addi %add3A_163, %mul3A_162 : i32
      %get3A_165 = arith.index_cast %add3A_164 : i32 to index
      %get3A_166 = tpu.vector_load %arg7[%get3A_165] {strides = array<i32>} : memref<16384xf32, #tpu.memory_space<vmem>>, vector<16xf32>,
      %add3A_167 = arith.addf %get3A_166, %gather3A_160 : vector<16xf32>
      %swap3A_168 = arith.index_cast %add3A_164 : i32 to index
      %swap3A_169 = tpu.vector_load %arg7[%swap3A_168] {strides = array<i32>} : memref<16384xf32, #tpu.memory_space<vmem>>, vector<16xf32>,
      tpu.vector_store %arg7[%swap3A_168], %add3A_167 {strides = array<i32>} : memref<16384xf32, #tpu.memory_space<vmem>>, vector<16xf32>,
      %mul3A_170 = arith.constant 8 : i32
      %mul3A_171 = arith.muli %scan3A_135, %mul3A_170 : i32
      %add3A_172 = arith.constant 2 : i32
      %add3A_173 = arith.addi %mul3A_171, %add3A_172 : i32
      %mul3A_174 = arith.constant 16 : i32
      %mul3A_175 = arith.muli %add3A_173, %mul3A_174 : i32
      %get3A_176 = arith.index_cast %mul3A_175 : i32 to index
      %get3A_177 = tpu.vector_load %arg6[%get3A_176] {strides = array<i32>} : memref<8192xi32, #tpu.memory_space<vmem>>, vector<16xi32>,
      %gather3A_178 = tpu.vector_load_idx %arg5[%get3A_177] : memref<100000xf32, #tpu.memory_space<vmem>>[vector<16xi32>], vector<16xf32>,
      %mul3A_179 = arith.constant 16 : i32
      %mul3A_180 = arith.muli %add3A_173, %mul3A_179 : i32
      %add3A_181 = arith.constant 0 : i32
      %add3A_182 = arith.addi %add3A_181, %mul3A_180 : i32
      %get3A_183 = arith.index_cast %add3A_182 : i32 to index
      %get3A_184 = tpu.vector_load %arg7[%get3A_183] {strides = array<i32>} : memref<16384xf32, #tpu.memory_space<vmem>>, vector<16xf32>,
      %add3A_185 = arith.addf %get3A_184, %gather3A_178 : vector<16xf32>
      %swap3A_186 = arith.index_cast %add3A_182 : i32 to index
      %swap3A_187 = tpu.vector_load %arg7[%swap3A_186] {strides = array<i32>} : memref<16384xf32, #tpu.memory_space<vmem>>, vector<16xf32>,
      tpu.vector_store %arg7[%swap3A_186], %add3A_185 {strides = array<i32>} : memref<16384xf32, #tpu.memory_space<vmem>>, vector<16xf32>,
      %mul3A_188 = arith.constant 8 : i32
      %mul3A_189 = arith.muli %scan3A_135, %mul3A_188 : i32
      %add3A_190 = arith.constant 3 : i32
      %add3A_191 = arith.addi %mul3A_189, %add3A_190 : i32
      %mul3A_192 = arith.constant 16 : i32
      %mul3A_193 = arith.muli %add3A_191, %mul3A_192 : i32
      %get3A_194 = arith.index_cast %mul3A_193 : i32 to index
      %get3A_195 = tpu.vector_load %arg6[%get3A_194] {strides = array<i32>} : memref<8192xi32, #tpu.memory_space<vmem>>, vector<16xi32>,
      %gather3A_196 = tpu.vector_load_idx %arg5[%get3A_195] : memref<100000xf32, #tpu.memory_space<vmem>>[vector<16xi32>], vector<16xf32>,
      %mul3A_197 = arith.constant 16 : i32
      %mul3A_198 = arith.muli %add3A_191, %mul3A_197 : i32
      %add3A_199 = arith.constant 0 : i32
      %add3A_200 = arith.addi %add3A_199, %mul3A_198 : i32
      %get3A_201 = arith.index_cast %add3A_200 : i32 to index
      %get3A_202 = tpu.vector_load %arg7[%get3A_201] {strides = array<i32>} : memref<16384xf32, #tpu.memory_space<vmem>>, vector<16xf32>,
      %add3A_203 = arith.addf %get3A_202, %gather3A_196 : vector<16xf32>
      %swap3A_204 = arith.index_cast %add3A_200 : i32 to index
      %swap3A_205 = tpu.vector_load %arg7[%swap3A_204] {strides = array<i32>} : memref<16384xf32, #tpu.memory_space<vmem>>, vector<16xf32>,
      tpu.vector_store %arg7[%swap3A_204], %add3A_203 {strides = array<i32>} : memref<16384xf32, #tpu.memory_space<vmem>>, vector<16xf32>,
      %mul3A_206 = arith.constant 8 : i32
      %mul3A_207 = arith.muli %scan3A_135, %mul3A_206 : i32
      %add3A_208 = arith.constant 4 : i32
      %add3A_209 = arith.addi %mul3A_207, %add3A_208 : i32
      %mul3A_210 = arith.constant 16 : i32
      %mul3A_211 = arith.muli %add3A_209, %mul3A_210 : i32
      %get3A_212 = arith.index_cast %mul3A_211 : i32 to index
      %get3A_213 = tpu.vector_load %arg6[%get3A_212] {strides = array<i32>} : memref<8192xi32, #tpu.memory_space<vmem>>, vector<16xi32>,
      %gather3A_214 = tpu.vector_load_idx %arg5[%get3A_213] : memref<100000xf32, #tpu.memory_space<vmem>>[vector<16xi32>], vector<16xf32>,
      %mul3A_215 = arith.constant 16 : i32
      %mul3A_216 = arith.muli %add3A_209, %mul3A_215 : i32
      %add3A_217 = arith.constant 0 : i32
      %add3A_218 = arith.addi %add3A_217, %mul3A_216 : i32
      %get3A_219 = arith.index_cast %add3A_218 : i32 to index
      %get3A_220 = tpu.vector_load %arg7[%get3A_219] {strides = array<i32>} : memref<16384xf32, #tpu.memory_space<vmem>>, vector<16xf32>,
      %add3A_221 = arith.addf %get3A_220, %gather3A_214 : vector<16xf32>
      %swap3A_222 = arith.index_cast %add3A_218 : i32 to index
      %swap3A_223 = tpu.vector_load %arg7[%swap3A_222] {strides = array<i32>} : memref<16384xf32, #tpu.memory_space<vmem>>, vector<16xf32>,
      tpu.vector_store %arg7[%swap3A_222], %add3A_221 {strides = array<i32>} : memref<16384xf32, #tpu.memory_space<vmem>>, vector<16xf32>,
      %mul3A_224 = arith.constant 8 : i32
      %mul3A_225 = arith.muli %scan3A_135, %mul3A_224 : i32
      %add3A_226 = arith.constant 5 : i32
      %add3A_227 = arith.addi %mul3A_225, %add3A_226 : i32
      %mul3A_228 = arith.constant 16 : i32
      %mul3A_229 = arith.muli %add3A_227, %mul3A_228 : i32
      %get3A_230 = arith.index_cast %mul3A_229 : i32 to index
      %get3A_231 = tpu.vector_load %arg6[%get3A_230] {strides = array<i32>} : memref<8192xi32, #tpu.memory_space<vmem>>, vector<16xi32>,
      %gather3A_232 = tpu.vector_load_idx %arg5[%get3A_231] : memref<100000xf32, #tpu.memory_space<vmem>>[vector<16xi32>], vector<16xf32>,
      %mul3A_233 = arith.constant 16 : i32
      %mul3A_234 = arith.muli %add3A_227, %mul3A_233 : i32
      %add3A_235 = arith.constant 0 : i32
      %add3A_236 = arith.addi %add3A_235, %mul3A_234 : i32
      %get3A_237 = arith.index_cast %add3A_236 : i32 to index
      %get3A_238 = tpu.vector_load %arg7[%get3A_237] {strides = array<i32>} : memref<16384xf32, #tpu.memory_space<vmem>>, vector<16xf32>,
      %add3A_239 = arith.addf %get3A_238, %gather3A_232 : vector<16xf32>
      %swap3A_240 = arith.index_cast %add3A_236 : i32 to index
      %swap3A_241 = tpu.vector_load %arg7[%swap3A_240] {strides = array<i32>} : memref<16384xf32, #tpu.memory_space<vmem>>, vector<16xf32>,
      tpu.vector_store %arg7[%swap3A_240], %add3A_239 {strides = array<i32>} : memref<16384xf32, #tpu.memory_space<vmem>>, vector<16xf32>,
      %mul3A_242 = arith.constant 8 : i32
      %mul3A_243 = arith.muli %scan3A_135, %mul3A_242 : i32
      %add3A_244 = arith.constant 6 : i32
      %add3A_245 = arith.addi %mul3A_243, %add3A_244 : i32
      %mul3A_246 = arith.constant 16 : i32
      %mul3A_247 = arith.muli %add3A_245, %mul3A_246 : i32
      %get3A_248 = arith.index_cast %mul3A_247 : i32 to index
      %get3A_249 = tpu.vector_load %arg6[%get3A_248] {strides = array<i32>} : memref<8192xi32, #tpu.memory_space<vmem>>, vector<16xi32>,
      %gather3A_250 = tpu.vector_load_idx %arg5[%get3A_249] : memref<100000xf32, #tpu.memory_space<vmem>>[vector<16xi32>], vector<16xf32>,
      %mul3A_251 = arith.constant 16 : i32
      %mul3A_252 = arith.muli %add3A_245, %mul3A_251 : i32
      %add3A_253 = arith.constant 0 : i32
      %add3A_254 = arith.addi %add3A_253, %mul3A_252 : i32
      %get3A_255 = arith.index_cast %add3A_254 : i32 to index
      %get3A_256 = tpu.vector_load %arg7[%get3A_255] {strides = array<i32>} : memref<16384xf32, #tpu.memory_space<vmem>>, vector<16xf32>,
      %add3A_257 = arith.addf %get3A_256, %gather3A_250 : vector<16xf32>
      %swap3A_258 = arith.index_cast %add3A_254 : i32 to index
      %swap3A_259 = tpu.vector_load %arg7[%swap3A_258] {strides = array<i32>} : memref<16384xf32, #tpu.memory_space<vmem>>, vector<16xf32>,
      tpu.vector_store %arg7[%swap3A_258], %add3A_257 {strides = array<i32>} : memref<16384xf32, #tpu.memory_space<vmem>>, vector<16xf32>,
      %mul3A_260 = arith.constant 8 : i32
      %mul3A_261 = arith.muli %scan3A_135, %mul3A_260 : i32
      %add3A_262 = arith.constant 7 : i32
      %add3A_263 = arith.addi %mul3A_261, %add3A_262 : i32
      %mul3A_264 = arith.constant 16 : i32
      %mul3A_265 = arith.muli %add3A_263, %mul3A_264 : i32
      %get3A_266 = arith.index_cast %mul3A_265 : i32 to index
      %get3A_267 = tpu.vector_load %arg6[%get3A_266] {strides = array<i32>} : memref<8192xi32, #tpu.memory_space<vmem>>, vector<16xi32>,
      %gather3A_268 = tpu.vector_load_idx %arg5[%get3A_267] : memref<100000xf32, #tpu.memory_space<vmem>>[vector<16xi32>], vector<16xf32>,
      %mul3A_269 = arith.constant 16 : i32
      %mul3A_270 = arith.muli %add3A_263, %mul3A_269 : i32
      %add3A_271 = arith.constant 0 : i32
      %add3A_272 = arith.addi %add3A_271, %mul3A_270 : i32
      %get3A_273 = arith.index_cast %add3A_272 : i32 to index
      %get3A_274 = tpu.vector_load %arg7[%get3A_273] {strides = array<i32>} : memref<16384xf32, #tpu.memory_space<vmem>>, vector<16xf32>,
      %add3A_275 = arith.addf %get3A_274, %gather3A_268 : vector<16xf32>
      %swap3A_276 = arith.index_cast %add3A_272 : i32 to index
      %swap3A_277 = tpu.vector_load %arg7[%swap3A_276] {strides = array<i32>} : memref<16384xf32, #tpu.memory_space<vmem>>, vector<16xf32>,
      tpu.vector_store %arg7[%swap3A_276], %add3A_275 {strides = array<i32>} : memref<16384xf32, #tpu.memory_space<vmem>>, vector<16xf32>,
      %scan3A_278 = arith.constant 0 : i32
      scf.yield %scan3A_278 : i32
    }
    %scan3A_126 = arith.constant 64 : i32
    %run_scoped3A_127 = arith.constant 7 : i32
    "tpu.region"() ({
      %run_scoped3A_135 = tpu.sem_alloc : memref<!tpu.dma_semaphore, #tpu.memory_space<semaphore_mem>>
      %dma_start3A = arith.constant 8192 : i32
      %dma_start3A_136 = tpu.memref_slice %arg3[%run_scoped3A_127, %dma_start3A] : memref<8x16384xi32, #tpu.memory_space<hbm>> -> memref<1x8192xi32, #tpu.memory_space<hbm>>
      %dma_start3A_137 = tpu.memref_squeeze %dma_start3A_136 : memref<1x8192xi32, #tpu.memory_space<hbm>> -> memref<8192xi32, #tpu.memory_space<hbm>>
      %dma_start3A_138 = arith.constant 8192 : i32
      %dma_start3A_139 = tpu.memref_slice %arg3[%run_scoped3A_127, %dma_start3A_138] : memref<8x16384xi32, #tpu.memory_space<hbm>> -> memref<1x8192xi32, #tpu.memory_space<hbm>>
      %dma_start3A_140 = tpu.memref_squeeze %dma_start3A_139 : memref<1x8192xi32, #tpu.memory_space<hbm>> -> memref<8192xi32, #tpu.memory_space<hbm>>
      tpu.enqueue_dma source(%dma_start3A_140 : memref<8192xi32, #tpu.memory_space<hbm>>) target(%arg6 : memref<8192xi32, #tpu.memory_space<vmem>>) target_semaphore(%run_scoped3A_135 : memref<!tpu.dma_semaphore, #tpu.memory_space<semaphore_mem>>)
      %dma_wait3A = arith.constant 8192 : i32
      %dma_wait3A_141 = tpu.memref_slice %arg3[%run_scoped3A_127, %dma_wait3A] : memref<8x16384xi32, #tpu.memory_space<hbm>> -> memref<1x8192xi32, #tpu.memory_space<hbm>>
      %dma_wait3A_142 = tpu.memref_squeeze %dma_wait3A_141 : memref<1x8192xi32, #tpu.memory_space<hbm>> -> memref<8192xi32, #tpu.memory_space<hbm>>
      %dma_wait3A_143 = arith.constant 8192 : i32
      %dma_wait3A_144 = tpu.memref_slice %arg3[%run_scoped3A_127, %dma_wait3A_143] : memref<8x16384xi32, #tpu.memory_space<hbm>> -> memref<1x8192xi32, #tpu.memory_space<hbm>>
      %dma_wait3A_145 = tpu.memref_squeeze %dma_wait3A_144 : memref<1x8192xi32, #tpu.memory_space<hbm>> -> memref<8192xi32, #tpu.memory_space<hbm>>
      tpu.wait_dma2 semaphore(%run_scoped3A_135 : memref<!tpu.dma_semaphore, #tpu.memory_space<semaphore_mem>>) src(%dma_wait3A_145 : memref<8192xi32, #tpu.memory_space<hbm>>) dst(%arg6 : memref<8192xi32, #tpu.memory_space<vmem>>)
      tpu.yield
    }) : () -> ()
    %scan3A_128 = arith.constant 0 : i32
    %scan3A_129 = arith.constant 0 : i32
    %scan3A_130 = arith.constant 64 : i32
    %scan3A_131 = arith.addi %scan3A_129, %scan3A_130 : i32
    %scan3A_132 = arith.constant 1 : i32
    %scan3A_133 = scf.for %scan3A_135 = %scan3A_129 to %scan3A_131 step %scan3A_132 iter_args(%scan3A_136 = %scan3A_128) -> (i32)  : i32 {
      %mul3A_137 = arith.constant 8 : i32
      %mul3A_138 = arith.muli %scan3A_135, %mul3A_137 : i32
      %add3A_139 = arith.constant 0 : i32
      %add3A_140 = arith.addi %mul3A_138, %add3A_139 : i32
      %mul3A_141 = arith.constant 16 : i32
      %mul3A_142 = arith.muli %add3A_140, %mul3A_141 : i32
      %get3A = arith.index_cast %mul3A_142 : i32 to index
      %get3A_143 = tpu.vector_load %arg6[%get3A] {strides = array<i32>} : memref<8192xi32, #tpu.memory_space<vmem>>, vector<16xi32>,
      %gather3A = tpu.vector_load_idx %arg5[%get3A_143] : memref<100000xf32, #tpu.memory_space<vmem>>[vector<16xi32>], vector<16xf32>,
      %mul3A_144 = arith.constant 16 : i32
      %mul3A_145 = arith.muli %add3A_140, %mul3A_144 : i32
      %add3A_146 = arith.constant 8192 : i32
      %add3A_147 = arith.addi %add3A_146, %mul3A_145 : i32
      %get3A_148 = arith.index_cast %add3A_147 : i32 to index
      %get3A_149 = tpu.vector_load %arg7[%get3A_148] {strides = array<i32>} : memref<16384xf32, #tpu.memory_space<vmem>>, vector<16xf32>,
      %add3A_150 = arith.addf %get3A_149, %gather3A : vector<16xf32>
      %swap3A = arith.index_cast %add3A_147 : i32 to index
      %swap3A_151 = tpu.vector_load %arg7[%swap3A] {strides = array<i32>} : memref<16384xf32, #tpu.memory_space<vmem>>, vector<16xf32>,
      tpu.vector_store %arg7[%swap3A], %add3A_150 {strides = array<i32>} : memref<16384xf32, #tpu.memory_space<vmem>>, vector<16xf32>,
      %mul3A_152 = arith.constant 8 : i32
      %mul3A_153 = arith.muli %scan3A_135, %mul3A_152 : i32
      %add3A_154 = arith.constant 1 : i32
      %add3A_155 = arith.addi %mul3A_153, %add3A_154 : i32
      %mul3A_156 = arith.constant 16 : i32
      %mul3A_157 = arith.muli %add3A_155, %mul3A_156 : i32
      %get3A_158 = arith.index_cast %mul3A_157 : i32 to index
      %get3A_159 = tpu.vector_load %arg6[%get3A_158] {strides = array<i32>} : memref<8192xi32, #tpu.memory_space<vmem>>, vector<16xi32>,
      %gather3A_160 = tpu.vector_load_idx %arg5[%get3A_159] : memref<100000xf32, #tpu.memory_space<vmem>>[vector<16xi32>], vector<16xf32>,
      %mul3A_161 = arith.constant 16 : i32
      %mul3A_162 = arith.muli %add3A_155, %mul3A_161 : i32
      %add3A_163 = arith.constant 8192 : i32
      %add3A_164 = arith.addi %add3A_163, %mul3A_162 : i32
      %get3A_165 = arith.index_cast %add3A_164 : i32 to index
      %get3A_166 = tpu.vector_load %arg7[%get3A_165] {strides = array<i32>} : memref<16384xf32, #tpu.memory_space<vmem>>, vector<16xf32>,
      %add3A_167 = arith.addf %get3A_166, %gather3A_160 : vector<16xf32>
      %swap3A_168 = arith.index_cast %add3A_164 : i32 to index
      %swap3A_169 = tpu.vector_load %arg7[%swap3A_168] {strides = array<i32>} : memref<16384xf32, #tpu.memory_space<vmem>>, vector<16xf32>,
      tpu.vector_store %arg7[%swap3A_168], %add3A_167 {strides = array<i32>} : memref<16384xf32, #tpu.memory_space<vmem>>, vector<16xf32>,
      %mul3A_170 = arith.constant 8 : i32
      %mul3A_171 = arith.muli %scan3A_135, %mul3A_170 : i32
      %add3A_172 = arith.constant 2 : i32
      %add3A_173 = arith.addi %mul3A_171, %add3A_172 : i32
      %mul3A_174 = arith.constant 16 : i32
      %mul3A_175 = arith.muli %add3A_173, %mul3A_174 : i32
      %get3A_176 = arith.index_cast %mul3A_175 : i32 to index
      %get3A_177 = tpu.vector_load %arg6[%get3A_176] {strides = array<i32>} : memref<8192xi32, #tpu.memory_space<vmem>>, vector<16xi32>,
      %gather3A_178 = tpu.vector_load_idx %arg5[%get3A_177] : memref<100000xf32, #tpu.memory_space<vmem>>[vector<16xi32>], vector<16xf32>,
      %mul3A_179 = arith.constant 16 : i32
      %mul3A_180 = arith.muli %add3A_173, %mul3A_179 : i32
      %add3A_181 = arith.constant 8192 : i32
      %add3A_182 = arith.addi %add3A_181, %mul3A_180 : i32
      %get3A_183 = arith.index_cast %add3A_182 : i32 to index
      %get3A_184 = tpu.vector_load %arg7[%get3A_183] {strides = array<i32>} : memref<16384xf32, #tpu.memory_space<vmem>>, vector<16xf32>,
      %add3A_185 = arith.addf %get3A_184, %gather3A_178 : vector<16xf32>
      %swap3A_186 = arith.index_cast %add3A_182 : i32 to index
      %swap3A_187 = tpu.vector_load %arg7[%swap3A_186] {strides = array<i32>} : memref<16384xf32, #tpu.memory_space<vmem>>, vector<16xf32>,
      tpu.vector_store %arg7[%swap3A_186], %add3A_185 {strides = array<i32>} : memref<16384xf32, #tpu.memory_space<vmem>>, vector<16xf32>,
      %mul3A_188 = arith.constant 8 : i32
      %mul3A_189 = arith.muli %scan3A_135, %mul3A_188 : i32
      %add3A_190 = arith.constant 3 : i32
      %add3A_191 = arith.addi %mul3A_189, %add3A_190 : i32
      %mul3A_192 = arith.constant 16 : i32
      %mul3A_193 = arith.muli %add3A_191, %mul3A_192 : i32
      %get3A_194 = arith.index_cast %mul3A_193 : i32 to index
      %get3A_195 = tpu.vector_load %arg6[%get3A_194] {strides = array<i32>} : memref<8192xi32, #tpu.memory_space<vmem>>, vector<16xi32>,
      %gather3A_196 = tpu.vector_load_idx %arg5[%get3A_195] : memref<100000xf32, #tpu.memory_space<vmem>>[vector<16xi32>], vector<16xf32>,
      %mul3A_197 = arith.constant 16 : i32
      %mul3A_198 = arith.muli %add3A_191, %mul3A_197 : i32
      %add3A_199 = arith.constant 8192 : i32
      %add3A_200 = arith.addi %add3A_199, %mul3A_198 : i32
      %get3A_201 = arith.index_cast %add3A_200 : i32 to index
      %get3A_202 = tpu.vector_load %arg7[%get3A_201] {strides = array<i32>} : memref<16384xf32, #tpu.memory_space<vmem>>, vector<16xf32>,
      %add3A_203 = arith.addf %get3A_202, %gather3A_196 : vector<16xf32>
      %swap3A_204 = arith.index_cast %add3A_200 : i32 to index
      %swap3A_205 = tpu.vector_load %arg7[%swap3A_204] {strides = array<i32>} : memref<16384xf32, #tpu.memory_space<vmem>>, vector<16xf32>,
      tpu.vector_store %arg7[%swap3A_204], %add3A_203 {strides = array<i32>} : memref<16384xf32, #tpu.memory_space<vmem>>, vector<16xf32>,
      %mul3A_206 = arith.constant 8 : i32
      %mul3A_207 = arith.muli %scan3A_135, %mul3A_206 : i32
      %add3A_208 = arith.constant 4 : i32
      %add3A_209 = arith.addi %mul3A_207, %add3A_208 : i32
      %mul3A_210 = arith.constant 16 : i32
      %mul3A_211 = arith.muli %add3A_209, %mul3A_210 : i32
      %get3A_212 = arith.index_cast %mul3A_211 : i32 to index
      %get3A_213 = tpu.vector_load %arg6[%get3A_212] {strides = array<i32>} : memref<8192xi32, #tpu.memory_space<vmem>>, vector<16xi32>,
      %gather3A_214 = tpu.vector_load_idx %arg5[%get3A_213] : memref<100000xf32, #tpu.memory_space<vmem>>[vector<16xi32>], vector<16xf32>,
      %mul3A_215 = arith.constant 16 : i32
      %mul3A_216 = arith.muli %add3A_209, %mul3A_215 : i32
      %add3A_217 = arith.constant 8192 : i32
      %add3A_218 = arith.addi %add3A_217, %mul3A_216 : i32
      %get3A_219 = arith.index_cast %add3A_218 : i32 to index
      %get3A_220 = tpu.vector_load %arg7[%get3A_219] {strides = array<i32>} : memref<16384xf32, #tpu.memory_space<vmem>>, vector<16xf32>,
      %add3A_221 = arith.addf %get3A_220, %gather3A_214 : vector<16xf32>
      %swap3A_222 = arith.index_cast %add3A_218 : i32 to index
      %swap3A_223 = tpu.vector_load %arg7[%swap3A_222] {strides = array<i32>} : memref<16384xf32, #tpu.memory_space<vmem>>, vector<16xf32>,
      tpu.vector_store %arg7[%swap3A_222], %add3A_221 {strides = array<i32>} : memref<16384xf32, #tpu.memory_space<vmem>>, vector<16xf32>,
      %mul3A_224 = arith.constant 8 : i32
      %mul3A_225 = arith.muli %scan3A_135, %mul3A_224 : i32
      %add3A_226 = arith.constant 5 : i32
      %add3A_227 = arith.addi %mul3A_225, %add3A_226 : i32
      %mul3A_228 = arith.constant 16 : i32
      %mul3A_229 = arith.muli %add3A_227, %mul3A_228 : i32
      %get3A_230 = arith.index_cast %mul3A_229 : i32 to index
      %get3A_231 = tpu.vector_load %arg6[%get3A_230] {strides = array<i32>} : memref<8192xi32, #tpu.memory_space<vmem>>, vector<16xi32>,
      %gather3A_232 = tpu.vector_load_idx %arg5[%get3A_231] : memref<100000xf32, #tpu.memory_space<vmem>>[vector<16xi32>], vector<16xf32>,
      %mul3A_233 = arith.constant 16 : i32
      %mul3A_234 = arith.muli %add3A_227, %mul3A_233 : i32
      %add3A_235 = arith.constant 8192 : i32
      %add3A_236 = arith.addi %add3A_235, %mul3A_234 : i32
      %get3A_237 = arith.index_cast %add3A_236 : i32 to index
      %get3A_238 = tpu.vector_load %arg7[%get3A_237] {strides = array<i32>} : memref<16384xf32, #tpu.memory_space<vmem>>, vector<16xf32>,
      %add3A_239 = arith.addf %get3A_238, %gather3A_232 : vector<16xf32>
      %swap3A_240 = arith.index_cast %add3A_236 : i32 to index
      %swap3A_241 = tpu.vector_load %arg7[%swap3A_240] {strides = array<i32>} : memref<16384xf32, #tpu.memory_space<vmem>>, vector<16xf32>,
      tpu.vector_store %arg7[%swap3A_240], %add3A_239 {strides = array<i32>} : memref<16384xf32, #tpu.memory_space<vmem>>, vector<16xf32>,
      %mul3A_242 = arith.constant 8 : i32
      %mul3A_243 = arith.muli %scan3A_135, %mul3A_242 : i32
      %add3A_244 = arith.constant 6 : i32
      %add3A_245 = arith.addi %mul3A_243, %add3A_244 : i32
      %mul3A_246 = arith.constant 16 : i32
      %mul3A_247 = arith.muli %add3A_245, %mul3A_246 : i32
      %get3A_248 = arith.index_cast %mul3A_247 : i32 to index
      %get3A_249 = tpu.vector_load %arg6[%get3A_248] {strides = array<i32>} : memref<8192xi32, #tpu.memory_space<vmem>>, vector<16xi32>,
      %gather3A_250 = tpu.vector_load_idx %arg5[%get3A_249] : memref<100000xf32, #tpu.memory_space<vmem>>[vector<16xi32>], vector<16xf32>,
      %mul3A_251 = arith.constant 16 : i32
      %mul3A_252 = arith.muli %add3A_245, %mul3A_251 : i32
      %add3A_253 = arith.constant 8192 : i32
      %add3A_254 = arith.addi %add3A_253, %mul3A_252 : i32
      %get3A_255 = arith.index_cast %add3A_254 : i32 to index
      %get3A_256 = tpu.vector_load %arg7[%get3A_255] {strides = array<i32>} : memref<16384xf32, #tpu.memory_space<vmem>>, vector<16xf32>,
      %add3A_257 = arith.addf %get3A_256, %gather3A_250 : vector<16xf32>
      %swap3A_258 = arith.index_cast %add3A_254 : i32 to index
      %swap3A_259 = tpu.vector_load %arg7[%swap3A_258] {strides = array<i32>} : memref<16384xf32, #tpu.memory_space<vmem>>, vector<16xf32>,
      tpu.vector_store %arg7[%swap3A_258], %add3A_257 {strides = array<i32>} : memref<16384xf32, #tpu.memory_space<vmem>>, vector<16xf32>,
      %mul3A_260 = arith.constant 8 : i32
      %mul3A_261 = arith.muli %scan3A_135, %mul3A_260 : i32
      %add3A_262 = arith.constant 7 : i32
      %add3A_263 = arith.addi %mul3A_261, %add3A_262 : i32
      %mul3A_264 = arith.constant 16 : i32
      %mul3A_265 = arith.muli %add3A_263, %mul3A_264 : i32
      %get3A_266 = arith.index_cast %mul3A_265 : i32 to index
      %get3A_267 = tpu.vector_load %arg6[%get3A_266] {strides = array<i32>} : memref<8192xi32, #tpu.memory_space<vmem>>, vector<16xi32>,
      %gather3A_268 = tpu.vector_load_idx %arg5[%get3A_267] : memref<100000xf32, #tpu.memory_space<vmem>>[vector<16xi32>], vector<16xf32>,
      %mul3A_269 = arith.constant 16 : i32
      %mul3A_270 = arith.muli %add3A_263, %mul3A_269 : i32
      %add3A_271 = arith.constant 8192 : i32
      %add3A_272 = arith.addi %add3A_271, %mul3A_270 : i32
      %get3A_273 = arith.index_cast %add3A_272 : i32 to index
      %get3A_274 = tpu.vector_load %arg7[%get3A_273] {strides = array<i32>} : memref<16384xf32, #tpu.memory_space<vmem>>, vector<16xf32>,
      %add3A_275 = arith.addf %get3A_274, %gather3A_268 : vector<16xf32>
      %swap3A_276 = arith.index_cast %add3A_272 : i32 to index
      %swap3A_277 = tpu.vector_load %arg7[%swap3A_276] {strides = array<i32>} : memref<16384xf32, #tpu.memory_space<vmem>>, vector<16xf32>,
      tpu.vector_store %arg7[%swap3A_276], %add3A_275 {strides = array<i32>} : memref<16384xf32, #tpu.memory_space<vmem>>, vector<16xf32>,
      %scan3A_278 = arith.constant 0 : i32
      scf.yield %scan3A_278 : i32
    }
    %scan3A_134 = arith.constant 64 : i32
    "tpu.region"() ({
      %run_scoped3A_135 = tpu.sem_alloc : memref<!tpu.dma_semaphore, #tpu.memory_space<semaphore_mem>>
      %dma_start3A = arith.constant 0 : i32
      %dma_start3A_136 = tpu.memref_slice %arg4[%add3A, %dma_start3A] : memref<32x16384xf32, #tpu.memory_space<hbm>> -> memref<1x16384xf32, #tpu.memory_space<hbm>>
      %dma_start3A_137 = tpu.memref_squeeze %dma_start3A_136 : memref<1x16384xf32, #tpu.memory_space<hbm>> -> memref<16384xf32, #tpu.memory_space<hbm>>
      %dma_start3A_138 = arith.constant 0 : i32
      %dma_start3A_139 = tpu.memref_slice %arg4[%add3A, %dma_start3A_138] : memref<32x16384xf32, #tpu.memory_space<hbm>> -> memref<1x16384xf32, #tpu.memory_space<hbm>>
      %dma_start3A_140 = tpu.memref_squeeze %dma_start3A_139 : memref<1x16384xf32, #tpu.memory_space<hbm>> -> memref<16384xf32, #tpu.memory_space<hbm>>
      tpu.enqueue_dma source(%arg7 : memref<16384xf32, #tpu.memory_space<vmem>>) target(%dma_start3A_140 : memref<16384xf32, #tpu.memory_space<hbm>>) target_semaphore(%run_scoped3A_135 : memref<!tpu.dma_semaphore, #tpu.memory_space<semaphore_mem>>)
      %dma_wait3A = arith.constant 0 : i32
      %dma_wait3A_141 = tpu.memref_slice %arg4[%add3A, %dma_wait3A] : memref<32x16384xf32, #tpu.memory_space<hbm>> -> memref<1x16384xf32, #tpu.memory_space<hbm>>
      %dma_wait3A_142 = tpu.memref_squeeze %dma_wait3A_141 : memref<1x16384xf32, #tpu.memory_space<hbm>> -> memref<16384xf32, #tpu.memory_space<hbm>>
      %dma_wait3A_143 = arith.constant 0 : i32
      %dma_wait3A_144 = tpu.memref_slice %arg4[%add3A, %dma_wait3A_143] : memref<32x16384xf32, #tpu.memory_space<hbm>> -> memref<1x16384xf32, #tpu.memory_space<hbm>>
      %dma_wait3A_145 = tpu.memref_squeeze %dma_wait3A_144 : memref<1x16384xf32, #tpu.memory_space<hbm>> -> memref<16384xf32, #tpu.memory_space<hbm>>
      tpu.wait_dma2 semaphore(%run_scoped3A_135 : memref<!tpu.dma_semaphore, #tpu.memory_space<semaphore_mem>>) src(%arg7 : memref<16384xf32, #tpu.memory_space<vmem>>) dst(%dma_wait3A_145 : memref<16384xf32, #tpu.memory_space<hbm>>)
      tpu.yield
    }) : () -> ()
    return
  }
}

</mosaic_0001>

<sc_bundles>
// kernel: _gather_sum.3.cloned.1.call-start
scs
__scs_entry_jumppad:
0x0: {  	(pc) =	sbr.rel $0x88, $3  }
0x1: {  	(tag) =	ssettag $0x0;
	lr =	simm.s32 $0x1  }
0x2: {  	[smem:$0x3F9F] =	sst lr;
	_ =	strace $0xD0000000  }
0x3: {  	_ = 	snop  }
0x4: {  	_ = 	snop  }
0x5: {  	_ = 	snop  }
0x6: {  	_ = 	snop  }
0x7: {  	_ = 	snop  }
__scs_overlays_trampoline_lowered:
0x8: {  	[smem:$0x3FAE] =	sst s0  }
0x9: {  	[smem:$0x3FAF] =	sst s1  }
0xa: {  	[smem:$0x3FB0] =	sst s2  }
0xb: {  	[smem:$0x3FB1] =	sst s3  }
0xc: {  	[smem:$0x3FB2] =	sst s4  }
0xd: {  	[smem:$0x3FB3] =	sst s5  }
0xe: {  	[smem:$0x3FB4] =	sst s6  }
0xf: {  	[smem:$0x3FB5] =	sst s7  }
0x10: {  	[smem:$0x3FB6] =	sst s8  }
0x11: {  	[smem:$0x3FB7] =	sst s9;
	s0 =	simm.s32 @!p0 $0x0  }
0x12: {  	s1 =	sld [smem:$0x3F9D];
	s0 =	simm.s32 @p0 $0x1  }
0x13: {  	[smem:$0x3FB8] =	sst s0;
	s0 =	simm.s32 @!p1 $0x0  }
0x14: {  	s2 =	sld [smem:$0x3F9C];
	s0 =	simm.s32 @p1 $0x1  }
0x15: {  	[smem:$0x3FB9] =	sst s0;
	s0 =	simm.s32 @!p2 $0x0  }
0x16: {  	s3 =	sld [smem:$0x3FDB];
	s0 =	simm.s32 @p2 $0x1  }
0x17: {  	s4 =	simm.s32 $0x1BF5;
	[smem:$0x3FBB] =	sst s0  }
0x18: {  	s0 =	sld [smem:$0x3F9E];
	_ =	swait.ge [sflag:s4], $0x0  }
0x19: {  	s7 =	sld [smem:$0x3F9F]  }
0x1a: {  	s8 =	sadd.s32 $0xFFFFE003, lr  }
0x1b: {  	s9 =	sadd.s32 $0xFFFFFEF7, lr;
	s5 =	simm.s32 $0xFFFFFFFF;
	p2 =	slt.u32 s8, $0xFFFFF086  }
0x1c: {  	p1 =	slt.u32 s9, $0xF7A;
	s5 =	simm.s32 @!p2 $0x0  }
0x1d: {  	s5 =	simm.s32 @p1 $0x1;
	p0 =	seq.s32 s7, s2  }
0x1e: {  	s7 =	smul.u32 @!p0 $0xF7A, s2;
	p2 =	seq.s32 @!p0 s5, $0x0  }
0x1f: {  	s9 =	smul.u32 $0xF7A, s1;
	s8 =	simm.s32 @!p0 $0x1BF5;
	p2 =	por !p2, p0  }
0x20: {  	[sflag:s8] =	ssyncset.s32 @!p0 $0xFFFFF086;
	s6 =	sadd.s32 @!p0 s3, s7;
	s7 =	simm.s32 @!p0 $0x108  }
0x21: {  	s3 =	sadd.s32 s3, s9;
	s6 =	sadd.s32 @!p0 $0x88, s6;
	s7 =	simm.s32 @p2 $0x1082  }
0x22: {  	[simem:s7], [sflag:s8] =	dma.local @!p0 [hbm:s6], $0xF7A  }
0x23: {  	s9 =	sor.u32 $0xD0000000, s2;
	s6 =	simm.s32 $0x108;
	_ =	swait.ge @!p0 [sflag:s8], $0x0  }
0x24: {  	s3 =	sadd.s32 $0x88, s3;
	s6 =	simm.s32 @!p1 $0x1082;
	[sflag:s4] =	ssyncset.s32 $0xFFFFF086  }
0x25: {  	[simem:s6], [sflag:s4] =	dma.local [hbm:s3], $0xF7A  }
0x26: {  	[smem:$0x3F9F] =	sst s1;
	(tag) =	ssettag s2;
	_ =	strace s9  }
0x27: {  	s1 =	sld [smem:$0x3FAF]  }
0x28: {  	s2 =	sld [smem:$0x3FB0]  }
0x29: {  	s4 =	sld [smem:$0x3FB2]  }
0x2a: {  	p0 =	seq.s32 s5, $0x0;
	s5 =	sld [smem:$0x3FB3]  }
0x2b: {  	s6 =	sld [smem:$0x3FB4]  }
0x2c: {  	s7 =	sld [smem:$0x3FB5]  }
0x2d: {  	s3 =	simm.s32 $0x108;
	s8 =	sld [smem:$0x3FB6]  }
0x2e: {  	s3 =	simm.s32 @!p0 $0x1082;
	s9 =	sld [smem:$0x3FB7]  }
0x2f: {  	lr =	sadd.s32 s0, s3;
	s0 =	sld [smem:$0x3FAE]  }
0x30: {  	s3 =	sld [smem:$0x3FB1]  }
0x31: {  	[smem:$0x3FBA] =	sst s10  }
0x32: {  	s10 =	sld [smem:$0x3FB8];
	_ =	sdelay $0x3  }
0x33: {  	p0 =	seq.s32 s10, $0x1;
	s10 =	sld [smem:$0x3FBA];
	_ =	sdelay $0x3  }
0x34: {  	[smem:$0x3FBA] =	sst s10  }
0x35: {  	s10 =	sld [smem:$0x3FB9];
	_ =	sdelay $0x3  }
0x36: {  	p1 =	seq.s32 s10, $0x1;
	s10 =	sld [smem:$0x3FBA];
	_ =	sdelay $0x3  }
0x37: {  	[smem:$0x3FBA] =	sst s10  }
0x38: {  	s10 =	sld [smem:$0x3FBB]  }
0x39: {  	_ = 	snop;
	(pc) =	sbr.ind lr, $3  }
0x3a: {  	_ = 	snop  }
0x3b: {  	_ = 	snop  }
0x3c: {  	p2 =	seq.s32 s10, $0x1;
	s10 =	sld [smem:$0x3FBA]  }
0x3d: {  	_ =	shalt  }
0x3e: {  	_ =	shalt  }
0x3f: {  	_ =	shalt  }
0x40: {  	_ =	shalt  }
0x41: {  	_ =	shalt  }
0x42: {  	_ =	shalt  }
0x43: {  	_ =	shalt  }
0x44: {  	_ =	shalt  }
0x45: {  	_ =	shalt  }
0x46: {  	_ =	shalt  }
0x47: {  	_ =	shalt  }
0x48: {  	_ =	shalt  }
0x49: {  	_ =	shalt  }
0x4a: {  	_ =	shalt  }
0x4b: {  	_ =	shalt  }
0x4c: {  	_ =	shalt  }
0x4d: {  	_ =	shalt  }
0x4e: {  	_ =	shalt  }
0x4f: {  	_ =	shalt  }
0x50: {  	_ =	shalt  }
0x51: {  	_ =	shalt  }
0x52: {  	_ =	shalt  }
0x53: {  	_ =	shalt  }
0x54: {  	_ =	shalt  }
0x55: {  	_ =	shalt  }
0x56: {  	_ =	shalt  }
0x57: {  	_ =	shalt  }
0x58: {  	_ =	shalt  }
0x59: {  	_ =	shalt  }
0x5a: {  	_ =	shalt  }
0x5b: {  	_ =	shalt  }
0x5c: {  	_ =	shalt  }
0x5d: {  	_ =	shalt  }
0x5e: {  	_ =	shalt  }
0x5f: {  	_ =	shalt  }
0x60: {  	_ =	shalt  }
0x61: {  	_ =	shalt  }
0x62: {  	_ =	shalt  }
0x63: {  	_ =	shalt  }
0x64: {  	_ =	shalt  }
0x65: {  	_ =	shalt  }
0x66: {  	_ =	shalt  }
0x67: {  	_ =	shalt  }
0x68: {  	_ =	shalt  }
0x69: {  	_ =	shalt  }
0x6a: {  	_ =	shalt  }
0x6b: {  	_ =	shalt  }
0x6c: {  	_ =	shalt  }
0x6d: {  	_ =	shalt  }
0x6e: {  	_ =	shalt  }
0x6f: {  	_ =	shalt  }
0x70: {  	_ =	shalt  }
0x71: {  	_ =	shalt  }
0x72: {  	_ =	shalt  }
0x73: {  	_ =	shalt  }
0x74: {  	_ =	shalt  }
0x75: {  	_ =	shalt  }
0x76: {  	_ =	shalt  }
0x77: {  	_ =	shalt  }
0x78: {  	_ =	shalt  }
0x79: {  	_ =	shalt  }
0x7a: {  	_ =	shalt  }
0x7b: {  	_ =	shalt  }
0x7c: {  	_ =	shalt  }
0x7d: {  	_ =	shalt  }
0x7e: {  	_ =	shalt  }
0x7f: {  	_ =	shalt  }
0x80: {  	_ =	shalt  }
0x81: {  	_ =	shalt  }
0x82: {  	_ =	shalt  }
0x83: {  	_ =	shalt  }
0x84: {  	_ =	shalt  }
0x85: {  	_ =	shalt  }
0x86: {  	_ =	shalt  }
0x87: {  	_ =	shalt  }
.Lfunc_end0:
.L_simem_size_0:
called_computation_lowered:
.L_overlay_start_0:
0x88: {  	s2 =	sld [smem:$0x3FD9]  }
0x89: {  	s3 =	sld [smem:$0x3FFE];
	_ =	sdelay $0x1  }
0x8a: {  	s1 =	srdreg.scid  }
0x8b: {  	s0 =	sand.u32 $0x1, s1  }
0x8c: {  	s18 =	sshll.u32 s0, $0xA;
	s2 =	sadd.s32 s3, s2  }
0x8d: {  	s2 =	sadd.s32 s2, s18  }
0x8e: {  	[smem:$0x3FC6] =	sst s2  }
0x8f: {  	_ = 	snop  }
0x90: {  	s2 =	sld [smem:$0x3FC9]  }
0x91: {  	s19 =	sld [smem:$0x3FC8]  }
0x92: {  	s4 =	sld [smem:$0x3FD0];
	(tm) =	ssettm $0x1  }
0x93: {  	s5 =	sld [smem:$0x3FFB];
	_ =	sdelay $0x3  }
0x94: {  	_ =	strace s5  }
0x95: {  	s5 =	sld [smem:$0x3FFC];
	_ =	sdelay $0x3  }
0x96: {  	_ =	strace s5  }
0x97: {  	s5 =	sld [smem:$0x3FFD];
	_ =	sdelay $0x3  }
0x98: {  	_ =	strace s5  }
0x99: {  	_ =	strace $0x8FFFFFFF  }
0x9a: {  	s20 =	sld [smem:$0x3FDB];
	_ =	sdelay $0x1  }
0x9b: {  	s6 =	simm.s32 $_scs_section_size  }
0x9c: {  	s7 =	simm.s32 $_size__tile_overlayer_lowered;
	s8 =	simm.s32 $_tile_overlayer_lowered  }
0x9d: {  	s23 =	simm.s32 $0x1BFF;
	s22 =	sshll.u32 s8, $0x1;
	s5 =	sadd.s32 s6, s20  }
0x9e: {  	s9 =	simm.s32 $0x0;
	s21 =	sshll.u32 s7, $0x1;
	s7 =	sadd.s32 s22, s5  }
0x9f: {  	[timem:s9], [sflag:s23] =	dma.local [hbm:s7], s21  }
0xa0: {  	_ =	swait.ge [sflag:s23], s21  }
0xa1: {  	s6 =	ssub.s32 $0x0, s21;
	[sflag:s23] =	ssyncset.done $0x0  }
0xa2: {  	[sflag:s23] =	ssyncadd.s32 s6;
	_ =	sdelay $0x1  }
0xa3: {  	s24 =	simm.s32 $0x1B8B  }
0xa4: {  	_ =	swait.ge [sflag:s24], $0x1  }
0xa5: {  	[sflag:s24] =	ssyncset.done $0x0  }
0xa6: {  	s25 =	simm.s32 $0x1B8E;
	[sflag:s24] =	ssyncadd.s32 $0xFFFFFFFF  }
0xa7: {  	s26 =	simm.s32 $execute0_lowered;
	[smem:$0x3FD2] =	sst s25  }
0xa8: {  	s6 =	sshll.u32 s26, $0x1;
	_ =	strace $0x80000046;
	[dreg:$0x1] =	wrdreg $0xFFFFFFFF  }
0xa9: {  	s28 =	simm.s32 $_size_execute0_lowered;
	s5 =	sadd.s32 s5, s6;
	[dreg:$0x0] =	wrdreg $0x0  }
0xaa: {  	s6 =	sshll.u32 s28, $0x1;
	[dreg:$0x2] =	wrdreg s5  }
0xab: {  	[dreg:$0x3] =	wrdreg s6  }
0xac: {  	[dreg:$0x4] =	wrdreg $0xC0  }
0xad: {  	_ =	task [dreg:s9], $0x5FFFF  }
0xae: {  	[dreg:$0x1] =	wrdreg $0xFFFFFFFF  }
0xaf: {  	[dreg:$0x0] =	wrdreg $0x60  }
0xb0: {  	[dreg:$0x2] =	wrdreg s2  }
0xb1: {  	[dreg:$0x3] =	wrdreg s19  }
0xb2: {  	[dreg:$0x4] =	wrdreg s4  }
0xb3: {  	[dreg:$0x5] =	wrdreg $0x9  }
0xb4: {  	_ =	task.clear_ibuf [dreg:s9], $0x6FFFF;
	_ =	strace $0x90000046  }
0xb5: {  	s29 =	simm.s32 $0x9;
	_ =	strace $0x80000048  }
0xb6: {  	_ =	swait.ge [sflag:s29], $0x1  }
0xb7: {  	[sflag:s29] =	ssyncadd.s32 $0xFFFFFFFF  }
0xb8: {  	_ =	strace $0x90000048  }
0xb9: {  	_ =	sfence  }
0xba: {  	s30 =	sld [smem:$0x0];
	_ =	sdelay $0x2  }
0xbb: {  	s31 =	sshll.u32 s1, $0xD;
	s1 =	sshrl.u32 s1, $0x2  }
0xbc: {  	s3 =	sand.u32 $0x4000, s31;
	s1 =	sadd.s32 s1, s30  }
0xbd: {  	s0 =	sor.u32 s3, s0;
	s1 =	sshll.u32 s1, $0x11  }
0xbe: {  	s0 =	sor.u32 s1, s0  }
0xbf: {  	s0 =	sadd.s32 $0x8F2B, s0  }
0xc0: {  	[sflag:s0] =	ssyncadd.remote.s32 $0x1  }
0xc1: {  	_ =	sfence.sel $0xFFFF  }
0xc2: {  	[dreg:$0x0] =	wrdreg $0xFFFFFFFF;
	(pc) =	sbr.abs _section_cstart, $3  }
0xc3: {  	[dreg:$0x1] =	wrdreg $0xFFFFFFFF  }
0xc4: {  	_ =	task.clear_ibuf [dreg:s9], $0x2FFFF;
	_ =	strace $0x9FFFFFFF  }
0xc5: {  	(tm) =	ssettm $0x7FFFFFFF  }
tec
execute0_lowered:
.L_overlay_start_1:
0x0: {  	(tag) =	ssettag $0x1  }
0x1: {  	s0 =	rddreg [dreg:$0x0]  }
0x2: {  	s29 =	rddreg [dreg:$0x1]  }
0x3: {  	s1 =	rddreg [dreg:$0x2];
	s3 =	simm.s32 $0x0  }
0x4: {  	s2 =	srdreg.scid;
	s5 =	stileid.u32;
	s30 =	simm.s32 $0x80  }
0x5: {  	s31 =	simm.s32 $0x400;
	s2 =	sand.u32 $0x1, s2;
	s4 =	sshrl.u32 s5, $0x2  }
0x6: {  	s5 =	sshll.u32 s5, $0x8;
	[smem:$0x7FF] =	sst s3;
	s23 =	sadd.s32 $0x2000, s29  }
0x7: {  	s10 =	sadd.s32 $0x20, s29;
	s11 =	sadd.s32 $0x2020, s29;
	s13 =	sadd.s32 $0x30, s29  }
0x8: {  	s16 =	sadd.s32 $0x40, s29;
	s17 =	sadd.s32 $0x2040, s29;
	s28 =	sadd.s32 $0x70, s29  }
0x9: {  	s6 =	smul.u32 $0xC3800, s4;
	s7 =	sshll.u32 s2, $0x7;
	s5 =	sand.u32 $0x300, s5  }
0xa: {  	_ =	strace $0x80000047;
	s2 =	ssub.s32 $0x2, s2;
	[dreg:$0x5] =	wrdreg s23  }
0xb: {  	s4 =	sshll.u32 s4, $0x11;
	s5 =	sor.u32 s7, s5;
	s20 =	sshrl.u32 s2, $0x1  }
0xc: {  	s6 =	sor.u32 s6, s5;
	s2 =	ssub.s32 s2, s20;
	s4 =	sor.u32 s4, s5  }
0xd: {  	s8 =	sshrl.u32 s6, $0x3;
	s9 =	sadd.s32 $0x30E000, s6;
	s24 =	sadd.s32 $0x61C000, s6  }
0xe: {  	s12 =	sadd.s32 $0x92A000, s6;
	s14 =	sadd.s32 $0xC38000, s6;
	s18 =	sadd.s32 $0xF46000, s6  }
0xf: {  	s19 =	sadd.s32 $0x1254000, s6;
	s6 =	sadd.s32 $0x1562000, s6;
	s26 =	sshrl.u32 s4, $0x3  }
0x10: {  	s21 =	sadd.s32 s0, s8;
	s22 =	sshrl.u32 s9, $0x3;
	s8 =	sadd.s32 $0x2010, s29  }
0x11: {  	s9 =	sshrl.u32 s24, $0x3;
	s12 =	sshrl.u32 s12, $0x3;
	s15 =	sshrl.u32 s14, $0x3  }
0x12: {  	s14 =	sadd.s32 $0x2030, s29;
	s18 =	sshrl.u32 s18, $0x3;
	s20 =	sshrl.u32 s19, $0x3  }
0x13: {  	s19 =	sadd.s32 $0x50, s29;
	s25 =	sshrl.u32 s6, $0x3;
	s23 =	sadd.s32 s1, s26  }
0x14: {  	s24 =	sadd.s32 $0x60, s29;
	s26 =	sadd.s32 $0x2060, s29;
	s1 =	simm.s32 $0x0  }
0x15: {  	[dreg:$0x4] =	wrdreg s21;
	s7 =	sadd.s32 s0, s22;
	s9 =	sadd.s32 s0, s9  }
0x16: {  	s12 =	sadd.s32 s0, s12;
	s15 =	sadd.s32 s0, s15;
	s18 =	sadd.s32 s0, s18  }
0x17: {  	s20 =	sadd.s32 s0, s20;
	s21 =	sadd.s32 s0, s25;
	s22 =	sadd.s32 $0x2050, s29  }
0x18: {  	s25 =	smax.u32 s2, $0x1;
	s0 =	simm.s32 $0x1;
	s2 =	simm.s32 $0x18700  }
0x19: {  	[dreg:$0x6] =	wrdreg s7;
	s7 =	sadd.s32 $0x10, s29;
	s29 =	sadd.s32 $0x2070, s29  }
.LBB2_1:
0x1a: {  	s4 =	rddreg [dreg:$0x4]  }
0x1b: {  	[tilespmem:s3], [sflag:$0x1] =	stream.strided.gather [hbm4b:s4+s30], $0x18700, s31, s30, $0x38;
	[tilespmem:$0x1E700] =	vst v63  }
0x1c: {  	_ =	swait.ge [sflag:s0], $0x18700  }
0x1d: {  	[sflag:s0] =	ssyncset.done $0x0  }
0x1e: {  	[sflag:s0] =	ssyncadd.s32 $0xFFFE7900  }
0x1f: {  	s6 =	rddreg [dreg:$0x1]  }
0x20: {  	[tilespmem:s2], [sflag:$0x1] =	stream.strided.gather [hbm4b:s6+s30], $0x2000, s31, s30, $0x38;
	[tilespmem:$0x1E700] =	vst v63  }
0x21: {  	_ =	swait.ge [sflag:s0], $0x2000  }
0x22: {  	[sflag:s0] =	ssyncset.done $0x0  }
0x23: {  	s4 =	simm.s32 $0x0;
	[sflag:s0] =	ssyncadd.s32 $0xFFFFE000  }
0x24: {  	v0 =	vld [tilespmem:s4+$0x18700];
	_ =	sdelay $0x5  }
0x25: {  	v1 =	vld [tilespmem:s4+$0x18710];
	_ =	sdelay $0x1  }
0x26: {  	v0 =	vld.idx.msk [tilespmem:v0+s3+$0x0], $0xffff;
	_ =	sdelay $0x4  }
0x27: {  	[tilespmem:s4+$0x1A700] =	vst v0;
	v0 =	vld [tilespmem:s4+$0x18720]  }
0x28: {  	v1 =	vld.idx.msk [tilespmem:v1+s3+$0x0], $0xffff;
	_ =	sdelay $0x4  }
0x29: {  	[tilespmem:s4+$0x1A710] =	vst v1;
	v1 =	vld [tilespmem:s4+$0x18730];
	_ =	sdelay $0x1  }
0x2a: {  	v0 =	vld.idx.msk [tilespmem:v0+s3+$0x0], $0xffff;
	_ =	sdelay $0x4  }
0x2b: {  	[tilespmem:s4+$0x1A720] =	vst v0;
	v0 =	vld [tilespmem:s4+$0x18740]  }
0x2c: {  	v1 =	vld.idx.msk [tilespmem:v1+s3+$0x0], $0xffff;
	_ =	sdelay $0x4  }
0x2d: {  	[tilespmem:s4+$0x1A730] =	vst v1;
	v1 =	vld [tilespmem:s4+$0x18750];
	_ =	sdelay $0x1  }
0x2e: {  	v0 =	vld.idx.msk [tilespmem:v0+s3+$0x0], $0xffff;
	_ =	sdelay $0x4  }
0x2f: {  	v2 =	vld [tilespmem:s4+$0x18760];
	[tilespmem:s4+$0x1A740] =	vst v0  }
0x30: {  	v0 =	vld.idx.msk [tilespmem:v1+s3+$0x0], $0xffff;
	_ =	sdelay $0x4  }
0x31: {  	[tilespmem:s4+$0x1A750] =	vst v0;
	v0 =	vld [tilespmem:s4+$0x18770];
	_ =	sdelay $0x1  }
0x32: {  	v1 =	vld.idx.msk [tilespmem:v2+s3+$0x0], $0xffff;
	_ =	sdelay $0x3  }
0x33: {  	s5 =	simm.s32 $0x400;
	s6 =	simm.s32 $0x80  }
.LBB2_2:
0x34: {  	p0 =	sne.s32 s5, $0x7E00;
	v2 =	vld [tilespmem:s6+$0x18700];
	[tilespmem:s4+$0x1A760] =	vst v1  }
0x35: {  	v0 =	vld.idx.msk [tilespmem:v0+s3+$0x0], $0xffff;
	_ =	sdelay $0x5  }
0x36: {  	v1 =	vld [tilespmem:s6+$0x18710];
	[tilespmem:s4+$0x1A770] =	vst v0;
	s4 =	smov.u32 s6  }
0x37: {  	v0 =	vld.idx.msk [tilespmem:v2+s3+$0x0], $0xffff;
	_ =	sdelay $0x5  }
0x38: {  	[tilespmem:s4+$0x1A700] =	vst v0;
	v0 =	vld [tilespmem:s4+$0x18720]  }
0x39: {  	v1 =	vld.idx.msk [tilespmem:v1+s3+$0x0], $0xffff;
	_ =	sdelay $0x5  }
0x3a: {  	[tilespmem:s4+$0x1A710] =	vst v1;
	v1 =	vld [tilespmem:s4+$0x18730]  }
0x3b: {  	v0 =	vld.idx.msk [tilespmem:v0+s3+$0x0], $0xffff;
	_ =	sdelay $0x5  }
0x3c: {  	[tilespmem:s4+$0x1A720] =	vst v0;
	v0 =	vld [tilespmem:s4+$0x18740]  }
0x3d: {  	v1 =	vld.idx.msk [tilespmem:v1+s3+$0x0], $0xffff;
	_ =	sdelay $0x5  }
0x3e: {  	[tilespmem:s4+$0x1A730] =	vst v1;
	v1 =	vld [tilespmem:s4+$0x18750]  }
0x3f: {  	v0 =	vld.idx.msk [tilespmem:v0+s3+$0x0], $0xffff;
	_ =	sdelay $0x5  }
0x40: {  	[tilespmem:s4+$0x1A740] =	vst v0;
	v2 =	vld [tilespmem:s4+$0x18760]  }
0x41: {  	v0 =	vld.idx.msk [tilespmem:v1+s3+$0x0], $0xffff;
	_ =	sdelay $0x5  }
0x42: {  	[tilespmem:s4+$0x1A750] =	vst v0;
	v0 =	vld [tilespmem:s4+$0x18770]  }
0x43: {  	v1 =	vld.idx.msk [tilespmem:v2+s3+$0x0], $0xffff  }
.Ltmp0:
0x44: {  	(pc) =	sbr.rel @p0 .LBB2_2-.Ltmp0, $2  }
0x45: {  	_ =	sdelay $0x2  }
0x46: {  	s6 =	sshra.s32 s5, $0x2;
	s5 =	sadd.s32 $0x200, s5  }
0x47: {  	_ =	sdelay $0x1  }
0x48: {  	v2 =	vld [tilespmem:s6+$0x18700]  }
0x49: {  	[tilespmem:s4+$0x1A760] =	vst v1  }
0x4a: {  	v0 =	vld.idx.msk [tilespmem:v0+s3+$0x0], $0xffff;
	_ =	sdelay $0x3  }
0x4b: {  	v1 =	vld [tilespmem:s6+$0x18710]  }
0x4c: {  	[tilespmem:s4+$0x1A770] =	vst v0  }
0x4d: {  	v0 =	vld.idx.msk [tilespmem:v2+s3+$0x0], $0xffff;
	_ =	sdelay $0x4  }
0x4e: {  	[tilespmem:s6+$0x1A700] =	vst v0;
	v0 =	vld [tilespmem:s6+$0x18720]  }
0x4f: {  	v1 =	vld.idx.msk [tilespmem:v1+s3+$0x0], $0xffff;
	_ =	sdelay $0x4  }
0x50: {  	[tilespmem:s6+$0x1A710] =	vst v1;
	v1 =	vld [tilespmem:s6+$0x18730];
	_ =	sdelay $0x1  }
0x51: {  	v0 =	vld.idx.msk [tilespmem:v0+s3+$0x0], $0xffff;
	_ =	sdelay $0x4  }
0x52: {  	[tilespmem:s6+$0x1A720] =	vst v0;
	v0 =	vld [tilespmem:s6+$0x18740]  }
0x53: {  	v1 =	vld.idx.msk [tilespmem:v1+s3+$0x0], $0xffff;
	_ =	sdelay $0x4  }
0x54: {  	[tilespmem:s6+$0x1A730] =	vst v1;
	v1 =	vld [tilespmem:s6+$0x18750];
	_ =	sdelay $0x1  }
0x55: {  	v0 =	vld.idx.msk [tilespmem:v0+s3+$0x0], $0xffff;
	_ =	sdelay $0x4  }
0x56: {  	[tilespmem:s6+$0x1A740] =	vst v0;
	v0 =	vld [tilespmem:s6+$0x18760]  }
0x57: {  	v1 =	vld.idx.msk [tilespmem:v1+s3+$0x0], $0xffff;
	_ =	sdelay $0x4  }
0x58: {  	[tilespmem:s6+$0x1A750] =	vst v1;
	v1 =	vld [tilespmem:s6+$0x18770];
	_ =	sdelay $0x1  }
0x59: {  	v0 =	vld.idx.msk [tilespmem:v0+s3+$0x0], $0xffff;
	_ =	sdelay $0x4  }
0x5a: {  	[tilespmem:s6+$0x1A760] =	vst v0  }
0x5b: {  	v0 =	vld.idx.msk [tilespmem:v1+s3+$0x0], $0xffff;
	_ =	sdelay $0x4  }
0x5c: {  	[tilespmem:s6+$0x1A770] =	vst v0;
	s6 =	rddreg [dreg:$0x5]  }
0x5d: {  	[tilespmem:s2], [sflag:$0x1] =	stream.strided.gather [hbm4b:s6+s30], $0x2000, s31, s30, $0x38;
	[tilespmem:$0x1E700] =	vst v63  }
0x5e: {  	_ =	swait.ge [sflag:s0], $0x2000  }
0x5f: {  	[sflag:s0] =	ssyncset.done $0x0  }
0x60: {  	s4 =	simm.s32 $0x0;
	[sflag:s0] =	ssyncadd.s32 $0xFFFFE000  }
0x61: {  	v0 =	vld [tilespmem:s4+$0x18700];
	_ =	sdelay $0x5  }
0x62: {  	v1 =	vld [tilespmem:s4+$0x18710];
	_ =	sdelay $0x1  }
0x63: {  	v0 =	vld.idx.msk [tilespmem:v0+s3+$0x0], $0xffff;
	_ =	sdelay $0x4  }
0x64: {  	[tilespmem:s4+$0x1C700] =	vst v0;
	v0 =	vld [tilespmem:s4+$0x18720]  }
0x65: {  	v1 =	vld.idx.msk [tilespmem:v1+s3+$0x0], $0xffff;
	_ =	sdelay $0x4  }
0x66: {  	[tilespmem:s4+$0x1C710] =	vst v1;
	v1 =	vld [tilespmem:s4+$0x18730];
	_ =	sdelay $0x1  }
0x67: {  	v0 =	vld.idx.msk [tilespmem:v0+s3+$0x0], $0xffff;
	_ =	sdelay $0x4  }
0x68: {  	[tilespmem:s4+$0x1C720] =	vst v0;
	v0 =	vld [tilespmem:s4+$0x18740]  }
0x69: {  	v1 =	vld.idx.msk [tilespmem:v1+s3+$0x0], $0xffff;
	_ =	sdelay $0x4  }
0x6a: {  	[tilespmem:s4+$0x1C730] =	vst v1;
	v1 =	vld [tilespmem:s4+$0x18750];
	_ =	sdelay $0x1  }
0x6b: {  	v0 =	vld.idx.msk [tilespmem:v0+s3+$0x0], $0xffff;
	_ =	sdelay $0x4  }
0x6c: {  	v2 =	vld [tilespmem:s4+$0x18760];
	[tilespmem:s4+$0x1C740] =	vst v0  }
0x6d: {  	v0 =	vld.idx.msk [tilespmem:v1+s3+$0x0], $0xffff;
	_ =	sdelay $0x4  }
0x6e: {  	[tilespmem:s4+$0x1C750] =	vst v0;
	v0 =	vld [tilespmem:s4+$0x18770];
	_ =	sdelay $0x1  }
0x6f: {  	v1 =	vld.idx.msk [tilespmem:v2+s3+$0x0], $0xffff;
	_ =	sdelay $0x3  }
0x70: {  	s5 =	simm.s32 $0x400;
	s6 =	simm.s32 $0x80  }
.LBB2_4:
0x71: {  	p0 =	sne.s32 s5, $0x7E00;
	v2 =	vld [tilespmem:s6+$0x18700];
	[tilespmem:s4+$0x1C760] =	vst v1  }
0x72: {  	v0 =	vld.idx.msk [tilespmem:v0+s3+$0x0], $0xffff;
	_ =	sdelay $0x5  }
0x73: {  	v1 =	vld [tilespmem:s6+$0x18710];
	[tilespmem:s4+$0x1C770] =	vst v0;
	s4 =	smov.u32 s6  }
0x74: {  	v0 =	vld.idx.msk [tilespmem:v2+s3+$0x0], $0xffff;
	_ =	sdelay $0x5  }
0x75: {  	[tilespmem:s4+$0x1C700] =	vst v0;
	v0 =	vld [tilespmem:s4+$0x18720]  }
0x76: {  	v1 =	vld.idx.msk [tilespmem:v1+s3+$0x0], $0xffff;
	_ =	sdelay $0x5  }
0x77: {  	[tilespmem:s4+$0x1C710] =	vst v1;
	v1 =	vld [tilespmem:s4+$0x18730]  }
0x78: {  	v0 =	vld.idx.msk [tilespmem:v0+s3+$0x0], $0xffff;
	_ =	sdelay $0x5  }
0x79: {  	[tilespmem:s4+$0x1C720] =	vst v0;
	v0 =	vld [tilespmem:s4+$0x18740]  }
0x7a: {  	v1 =	vld.idx.msk [tilespmem:v1+s3+$0x0], $0xffff;
	_ =	sdelay $0x5  }
0x7b: {  	[tilespmem:s4+$0x1C730] =	vst v1;
	v1 =	vld [tilespmem:s4+$0x18750]  }
0x7c: {  	v0 =	vld.idx.msk [tilespmem:v0+s3+$0x0], $0xffff;
	_ =	sdelay $0x5  }
0x7d: {  	[tilespmem:s4+$0x1C740] =	vst v0;
	v2 =	vld [tilespmem:s4+$0x18760]  }
0x7e: {  	v0 =	vld.idx.msk [tilespmem:v1+s3+$0x0], $0xffff;
	_ =	sdelay $0x5  }
0x7f: {  	[tilespmem:s4+$0x1C750] =	vst v0;
	v0 =	vld [tilespmem:s4+$0x18770]  }
0x80: {  	v1 =	vld.idx.msk [tilespmem:v2+s3+$0x0], $0xffff  }
.Ltmp1:
0x81: {  	(pc) =	sbr.rel @p0 .LBB2_4-.Ltmp1, $2  }
0x82: {  	_ =	sdelay $0x2  }
0x83: {  	s6 =	sshra.s32 s5, $0x2;
	s5 =	sadd.s32 $0x200, s5  }
0x84: {  	_ =	sdelay $0x1  }
0x85: {  	v2 =	vld [tilespmem:s6+$0x18700]  }
0x86: {  	[tilespmem:s4+$0x1C760] =	vst v1  }
0x87: {  	v0 =	vld.idx.msk [tilespmem:v0+s3+$0x0], $0xffff;
	_ =	sdelay $0x3  }
0x88: {  	v1 =	vld [tilespmem:s6+$0x18710]  }
0x89: {  	[tilespmem:s4+$0x1C770] =	vst v0  }
0x8a: {  	v0 =	vld.idx.msk [tilespmem:v2+s3+$0x0], $0xffff;
	_ =	sdelay $0x4  }
0x8b: {  	[tilespmem:s6+$0x1C700] =	vst v0;
	v0 =	vld [tilespmem:s6+$0x18720]  }
0x8c: {  	v1 =	vld.idx.msk [tilespmem:v1+s3+$0x0], $0xffff;
	_ =	sdelay $0x4  }
0x8d: {  	[tilespmem:s6+$0x1C710] =	vst v1;
	v1 =	vld [tilespmem:s6+$0x18730];
	_ =	sdelay $0x1  }
0x8e: {  	v0 =	vld.idx.msk [tilespmem:v0+s3+$0x0], $0xffff;
	_ =	sdelay $0x4  }
0x8f: {  	[tilespmem:s6+$0x1C720] =	vst v0;
	v0 =	vld [tilespmem:s6+$0x18740]  }
0x90: {  	v1 =	vld.idx.msk [tilespmem:v1+s3+$0x0], $0xffff;
	_ =	sdelay $0x4  }
0x91: {  	[tilespmem:s6+$0x1C730] =	vst v1;
	v1 =	vld [tilespmem:s6+$0x18750];
	_ =	sdelay $0x1  }
0x92: {  	v0 =	vld.idx.msk [tilespmem:v0+s3+$0x0], $0xffff;
	_ =	sdelay $0x4  }
0x93: {  	[tilespmem:s6+$0x1C740] =	vst v0;
	v0 =	vld [tilespmem:s6+$0x18760]  }
0x94: {  	v1 =	vld.idx.msk [tilespmem:v1+s3+$0x0], $0xffff;
	_ =	sdelay $0x4  }
0x95: {  	[tilespmem:s6+$0x1C750] =	vst v1;
	v1 =	vld [tilespmem:s6+$0x18770];
	_ =	sdelay $0x1  }
0x96: {  	v0 =	vld.idx.msk [tilespmem:v0+s3+$0x0], $0xffff;
	_ =	sdelay $0x4  }
0x97: {  	[tilespmem:s6+$0x1C760] =	vst v0  }
0x98: {  	v0 =	vld.idx.msk [tilespmem:v1+s3+$0x0], $0xffff;
	_ =	sdelay $0x4  }
0x99: {  	s5 =	rddreg [dreg:$0x6];
	[tilespmem:s6+$0x1C770] =	vst v0;
	s6 =	simm.s32 $0x0  }
0x9a: {  	[tilespmem:s6], [sflag:$0x1] =	stream.strided.gather [hbm4b:s5+s30], $0x18700, s31, s30, $0x38;
	[tilespmem:$0x1E700] =	vst v63  }
0x9b: {  	_ =	swait.ge [sflag:s0], $0x18700  }
0x9c: {  	[sflag:s0] =	ssyncset.done $0x0  }
0x9d: {  	[sflag:s0] =	ssyncadd.s32 $0xFFFE7900  }
0x9e: {  	[tilespmem:s2], [sflag:$0x1] =	stream.strided.gather [hbm4b:s7+s30], $0x2000, s31, s30, $0x38;
	[tilespmem:$0x1E700] =	vst v63  }
0x9f: {  	_ =	swait.ge [sflag:s0], $0x2000  }
0xa0: {  	[sflag:s0] =	ssyncset.done $0x0  }
0xa1: {  	s4 =	simm.s32 $0x0;
	[sflag:s0] =	ssyncadd.s32 $0xFFFFE000  }
0xa2: {  	v0 =	vld [tilespmem:s4+$0x18700];
	_ =	sdelay $0x5  }
0xa3: {  	v1 =	vld [tilespmem:s4+$0x18710]  }
0xa4: {  	v2 =	vld [tilespmem:s4+$0x1A700]  }
0xa5: {  	v0 =	vld.idx.msk [tilespmem:v0+s3+$0x0], $0xffff;
	_ =	sdelay $0x4  }
0xa6: {  	v0 =	vadd.f32 v2, v0;
	_ =	sdelay $0x1  }
0xa7: {  	v2 =	vld [tilespmem:s4+$0x18720];
	[tilespmem:s4+$0x1A700] =	vst v0  }
0xa8: {  	v0 =	vld.idx.msk [tilespmem:v1+s3+$0x0], $0xffff  }
0xa9: {  	v1 =	vld [tilespmem:s4+$0x1A710];
	_ =	sdelay $0x4  }
0xaa: {  	v0 =	vadd.f32 v1, v0;
	_ =	sdelay $0x1  }
0xab: {  	[tilespmem:s4+$0x1A710] =	vst v0;
	v0 =	vld [tilespmem:s4+$0x18730]  }
0xac: {  	v1 =	vld.idx.msk [tilespmem:v2+s3+$0x0], $0xffff  }
0xad: {  	v2 =	vld [tilespmem:s4+$0x1A720];
	_ =	sdelay $0x4  }
0xae: {  	v1 =	vadd.f32 v2, v1  }
0xaf: {  	v2 =	vld [tilespmem:s4+$0x18740]  }
0xb0: {  	[tilespmem:s4+$0x1A720] =	vst v1;
	v1 =	vld [tilespmem:s4+$0x1A730]  }
0xb1: {  	v0 =	vld.idx.msk [tilespmem:v0+s3+$0x0], $0xffff;
	_ =	sdelay $0x4  }
0xb2: {  	v0 =	vadd.f32 v1, v0;
	_ =	sdelay $0x1  }
0xb3: {  	[tilespmem:s4+$0x1A730] =	vst v0;
	v0 =	vld [tilespmem:s4+$0x18750]  }
0xb4: {  	v1 =	vld.idx.msk [tilespmem:v2+s3+$0x0], $0xffff  }
0xb5: {  	v2 =	vld [tilespmem:s4+$0x1A740];
	_ =	sdelay $0x4  }
0xb6: {  	v1 =	vadd.f32 v2, v1  }
0xb7: {  	v2 =	vld [tilespmem:s4+$0x18760]  }
0xb8: {  	[tilespmem:s4+$0x1A740] =	vst v1;
	v1 =	vld [tilespmem:s4+$0x1A750]  }
0xb9: {  	v0 =	vld.idx.msk [tilespmem:v0+s3+$0x0], $0xffff;
	_ =	sdelay $0x4  }
0xba: {  	v0 =	vadd.f32 v1, v0;
	_ =	sdelay $0x1  }
0xbb: {  	v1 =	vld [tilespmem:s4+$0x18770];
	[tilespmem:s4+$0x1A750] =	vst v0  }
0xbc: {  	v0 =	vld.idx.msk [tilespmem:v2+s3+$0x0], $0xffff  }
0xbd: {  	v2 =	vld [tilespmem:s4+$0x1A760];
	_ =	sdelay $0x4  }
0xbe: {  	v2 =	vadd.f32 v2, v0  }
0xbf: {  	s6 =	simm.s32 $0x80  }
0xc0: {  	v0 =	vld [tilespmem:s6+$0x18700];
	[tilespmem:s4+$0x1A760] =	vst v2  }
0xc1: {  	s5 =	simm.s32 $0x400;
	v1 =	vld.idx.msk [tilespmem:v1+s3+$0x0], $0xffff  }
.LBB2_6:
0xc2: {  	p0 =	sne.s32 s5, $0x7E00;
	v2 =	vld [tilespmem:s4+$0x1A770];
	_ =	sdelay $0x4  }
0xc3: {  	v1 =	vadd.f32 v2, v1;
	_ =	sdelay $0x1  }
0xc4: {  	v2 =	vld [tilespmem:s6+$0x18710];
	[tilespmem:s4+$0x1A770] =	vst v1;
	s4 =	smov.u32 s6  }
0xc5: {  	v0 =	vld.idx.msk [tilespmem:v0+s3+$0x0], $0xffff  }
0xc6: {  	v1 =	vld [tilespmem:s4+$0x1A700];
	_ =	sdelay $0x4  }
0xc7: {  	v0 =	vadd.f32 v1, v0;
	_ =	sdelay $0x1  }
0xc8: {  	[tilespmem:s4+$0x1A700] =	vst v0;
	v0 =	vld [tilespmem:s4+$0x18720]  }
0xc9: {  	v1 =	vld.idx.msk [tilespmem:v2+s3+$0x0], $0xffff  }
0xca: {  	v2 =	vld [tilespmem:s4+$0x1A710];
	_ =	sdelay $0x4  }
0xcb: {  	v1 =	vadd.f32 v2, v1;
	_ =	sdelay $0x1  }
0xcc: {  	[tilespmem:s4+$0x1A710] =	vst v1;
	v1 =	vld [tilespmem:s4+$0x18730]  }
0xcd: {  	v0 =	vld.idx.msk [tilespmem:v0+s3+$0x0], $0xffff  }
0xce: {  	v2 =	vld [tilespmem:s4+$0x1A720];
	_ =	sdelay $0x4  }
0xcf: {  	v0 =	vadd.f32 v2, v0;
	_ =	sdelay $0x1  }
0xd0: {  	[tilespmem:s4+$0x1A720] =	vst v0;
	v0 =	vld [tilespmem:s4+$0x18740]  }
0xd1: {  	v1 =	vld.idx.msk [tilespmem:v1+s3+$0x0], $0xffff  }
0xd2: {  	v2 =	vld [tilespmem:s4+$0x1A730];
	_ =	sdelay $0x4  }
0xd3: {  	v1 =	vadd.f32 v2, v1;
	_ =	sdelay $0x1  }
0xd4: {  	[tilespmem:s4+$0x1A730] =	vst v1;
	v1 =	vld [tilespmem:s4+$0x18750]  }
0xd5: {  	v0 =	vld.idx.msk [tilespmem:v0+s3+$0x0], $0xffff  }
0xd6: {  	v2 =	vld [tilespmem:s4+$0x1A740];
	_ =	sdelay $0x4  }
0xd7: {  	v0 =	vadd.f32 v2, v0;
	_ =	sdelay $0x1  }
0xd8: {  	[tilespmem:s4+$0x1A740] =	vst v0;
	v0 =	vld [tilespmem:s4+$0x18760]  }
0xd9: {  	v1 =	vld.idx.msk [tilespmem:v1+s3+$0x0], $0xffff  }
0xda: {  	v2 =	vld [tilespmem:s4+$0x1A750];
	_ =	sdelay $0x4  }
0xdb: {  	v1 =	vadd.f32 v2, v1;
	_ =	sdelay $0x1  }
0xdc: {  	[tilespmem:s4+$0x1A750] =	vst v1;
	v1 =	vld [tilespmem:s4+$0x18770]  }
0xdd: {  	v0 =	vld.idx.msk [tilespmem:v0+s3+$0x0], $0xffff  }
0xde: {  	v2 =	vld [tilespmem:s4+$0x1A760];
	_ =	sdelay $0x3  }
.Ltmp2:
0xdf: {  	(pc) =	sbr.rel @p0 .LBB2_6-.Ltmp2, $4  }
0xe0: {  	v2 =	vadd.f32 v2, v0  }
0xe1: {  	s6 =	sshra.s32 s5, $0x2  }
0xe2: {  	v0 =	vld [tilespmem:s6+$0x18700];
	[tilespmem:s4+$0x1A760] =	vst v2  }
0xe3: {  	s5 =	sadd.s32 $0x200, s5;
	v1 =	vld.idx.msk [tilespmem:v1+s3+$0x0], $0xffff  }
0xe4: {  	v2 =	vld [tilespmem:s4+$0x1A770];
	_ =	sdelay $0x4  }
0xe5: {  	v1 =	vadd.f32 v2, v1;
	_ =	sdelay $0x1  }
0xe6: {  	v2 =	vld [tilespmem:s6+$0x18710];
	[tilespmem:s4+$0x1A770] =	vst v1  }
0xe7: {  	v0 =	vld.idx.msk [tilespmem:v0+s3+$0x0], $0xffff  }
0xe8: {  	v1 =	vld [tilespmem:s6+$0x1A700];
	_ =	sdelay $0x4  }
0xe9: {  	v0 =	vadd.f32 v1, v0;
	_ =	sdelay $0x1  }
0xea: {  	v1 =	vld [tilespmem:s6+$0x1A710];
	[tilespmem:s6+$0x1A700] =	vst v0  }
0xeb: {  	v0 =	vld.idx.msk [tilespmem:v2+s3+$0x0], $0xffff  }
0xec: {  	v2 =	vld [tilespmem:s6+$0x18720];
	_ =	sdelay $0x4  }
0xed: {  	v0 =	vadd.f32 v1, v0;
	_ =	sdelay $0x1  }
0xee: {  	[tilespmem:s6+$0x1A710] =	vst v0;
	v0 =	vld [tilespmem:s6+$0x18730]  }
0xef: {  	v1 =	vld.idx.msk [tilespmem:v2+s3+$0x0], $0xffff  }
0xf0: {  	v2 =	vld [tilespmem:s6+$0x1A720];
	_ =	sdelay $0x4  }
0xf1: {  	v1 =	vadd.f32 v2, v1  }
0xf2: {  	v2 =	vld [tilespmem:s6+$0x18740]  }
0xf3: {  	[tilespmem:s6+$0x1A720] =	vst v1;
	v1 =	vld [tilespmem:s6+$0x1A730]  }
0xf4: {  	v0 =	vld.idx.msk [tilespmem:v0+s3+$0x0], $0xffff;
	_ =	sdelay $0x4  }
0xf5: {  	v0 =	vadd.f32 v1, v0;
	_ =	sdelay $0x1  }
0xf6: {  	[tilespmem:s6+$0x1A730] =	vst v0;
	v0 =	vld [tilespmem:s6+$0x18750]  }
0xf7: {  	v1 =	vld.idx.msk [tilespmem:v2+s3+$0x0], $0xffff  }
0xf8: {  	v2 =	vld [tilespmem:s6+$0x1A740];
	_ =	sdelay $0x4  }
0xf9: {  	v1 =	vadd.f32 v2, v1  }
0xfa: {  	v2 =	vld [tilespmem:s6+$0x18760]  }
0xfb: {  	[tilespmem:s6+$0x1A740] =	vst v1;
	v1 =	vld [tilespmem:s6+$0x1A750]  }
0xfc: {  	v0 =	vld.idx.msk [tilespmem:v0+s3+$0x0], $0xffff;
	_ =	sdelay $0x4  }
0xfd: {  	v0 =	vadd.f32 v1, v0;
	_ =	sdelay $0x1  }
0xfe: {  	[tilespmem:s6+$0x1A750] =	vst v0;
	v0 =	vld [tilespmem:s6+$0x18770]  }
0xff: {  	v1 =	vld.idx.msk [tilespmem:v2+s3+$0x0], $0xffff  }
0x100: {  	v2 =	vld [tilespmem:s6+$0x1A760];
	_ =	sdelay $0x4  }
0x101: {  	v1 =	vadd.f32 v2, v1;
	_ =	sdelay $0x1  }
0x102: {  	[tilespmem:s6+$0x1A760] =	vst v1;
	v1 =	vld [tilespmem:s6+$0x1A770]  }
0x103: {  	v0 =	vld.idx.msk [tilespmem:v0+s3+$0x0], $0xffff;
	_ =	sdelay $0x4  }
0x104: {  	v0 =	vadd.f32 v1, v0;
	_ =	sdelay $0x1  }
0x105: {  	[tilespmem:s6+$0x1A770] =	vst v0  }
0x106: {  	[tilespmem:s2], [sflag:$0x1] =	stream.strided.gather [hbm4b:s8+s30], $0x2000, s31, s30, $0x38;
	[tilespmem:$0x1E700] =	vst v63  }
0x107: {  	_ =	swait.ge [sflag:s0], $0x2000  }
0x108: {  	[sflag:s0] =	ssyncset.done $0x0  }
0x109: {  	s4 =	simm.s32 $0x0;
	[sflag:s0] =	ssyncadd.s32 $0xFFFFE000  }
0x10a: {  	v0 =	vld [tilespmem:s4+$0x18700];
	_ =	sdelay $0x5  }
0x10b: {  	v1 =	vld [tilespmem:s4+$0x18710]  }
0x10c: {  	v2 =	vld [tilespmem:s4+$0x1C700]  }
0x10d: {  	v0 =	vld.idx.msk [tilespmem:v0+s3+$0x0], $0xffff;
	_ =	sdelay $0x4  }
0x10e: {  	v0 =	vadd.f32 v2, v0;
	_ =	sdelay $0x1  }
0x10f: {  	v2 =	vld [tilespmem:s4+$0x18720];
	[tilespmem:s4+$0x1C700] =	vst v0  }
0x110: {  	v0 =	vld.idx.msk [tilespmem:v1+s3+$0x0], $0xffff  }
0x111: {  	v1 =	vld [tilespmem:s4+$0x1C710];
	_ =	sdelay $0x4  }
0x112: {  	v0 =	vadd.f32 v1, v0;
	_ =	sdelay $0x1  }
0x113: {  	[tilespmem:s4+$0x1C710] =	vst v0;
	v0 =	vld [tilespmem:s4+$0x18730]  }
0x114: {  	v1 =	vld.idx.msk [tilespmem:v2+s3+$0x0], $0xffff  }
0x115: {  	v2 =	vld [tilespmem:s4+$0x1C720];
	_ =	sdelay $0x4  }
0x116: {  	v1 =	vadd.f32 v2, v1  }
0x117: {  	v2 =	vld [tilespmem:s4+$0x18740]  }
0x118: {  	[tilespmem:s4+$0x1C720] =	vst v1;
	v1 =	vld [tilespmem:s4+$0x1C730]  }
0x119: {  	v0 =	vld.idx.msk [tilespmem:v0+s3+$0x0], $0xffff;
	_ =	sdelay $0x4  }
0x11a: {  	v0 =	vadd.f32 v1, v0;
	_ =	sdelay $0x1  }
0x11b: {  	[tilespmem:s4+$0x1C730] =	vst v0;
	v0 =	vld [tilespmem:s4+$0x18750]  }
0x11c: {  	v1 =	vld.idx.msk [tilespmem:v2+s3+$0x0], $0xffff  }
0x11d: {  	v2 =	vld [tilespmem:s4+$0x1C740];
	_ =	sdelay $0x4  }
0x11e: {  	v1 =	vadd.f32 v2, v1  }
0x11f: {  	v2 =	vld [tilespmem:s4+$0x18760]  }
0x120: {  	[tilespmem:s4+$0x1C740] =	vst v1;
	v1 =	vld [tilespmem:s4+$0x1C750]  }
0x121: {  	v0 =	vld.idx.msk [tilespmem:v0+s3+$0x0], $0xffff;
	_ =	sdelay $0x4  }
0x122: {  	v0 =	vadd.f32 v1, v0;
	_ =	sdelay $0x1  }
0x123: {  	v1 =	vld [tilespmem:s4+$0x18770];
	[tilespmem:s4+$0x1C750] =	vst v0  }
0x124: {  	v0 =	vld.idx.msk [tilespmem:v2+s3+$0x0], $0xffff  }
0x125: {  	v2 =	vld [tilespmem:s4+$0x1C760];
	_ =	sdelay $0x4  }
0x126: {  	v2 =	vadd.f32 v2, v0  }
0x127: {  	s6 =	simm.s32 $0x80  }
0x128: {  	v0 =	vld [tilespmem:s6+$0x18700];
	[tilespmem:s4+$0x1C760] =	vst v2  }
0x129: {  	s5 =	simm.s32 $0x400;
	v1 =	vld.idx.msk [tilespmem:v1+s3+$0x0], $0xffff  }
.LBB2_8:
0x12a: {  	p0 =	sne.s32 s5, $0x7E00;
	v2 =	vld [tilespmem:s4+$0x1C770];
	_ =	sdelay $0x4  }
0x12b: {  	v1 =	vadd.f32 v2, v1;
	_ =	sdelay $0x1  }
0x12c: {  	v2 =	vld [tilespmem:s6+$0x18710];
	[tilespmem:s4+$0x1C770] =	vst v1;
	s4 =	smov.u32 s6  }
0x12d: {  	v0 =	vld.idx.msk [tilespmem:v0+s3+$0x0], $0xffff  }
0x12e: {  	v1 =	vld [tilespmem:s4+$0x1C700];
	_ =	sdelay $0x4  }
0x12f: {  	v0 =	vadd.f32 v1, v0;
	_ =	sdelay $0x1  }
0x130: {  	[tilespmem:s4+$0x1C700] =	vst v0;
	v0 =	vld [tilespmem:s4+$0x18720]  }
0x131: {  	v1 =	vld.idx.msk [tilespmem:v2+s3+$0x0], $0xffff  }
0x132: {  	v2 =	vld [tilespmem:s4+$0x1C710];
	_ =	sdelay $0x4  }
0x133: {  	v1 =	vadd.f32 v2, v1;
	_ =	sdelay $0x1  }
0x134: {  	[tilespmem:s4+$0x1C710] =	vst v1;
	v1 =	vld [tilespmem:s4+$0x18730]  }
0x135: {  	v0 =	vld.idx.msk [tilespmem:v0+s3+$0x0], $0xffff  }
0x136: {  	v2 =	vld [tilespmem:s4+$0x1C720];
	_ =	sdelay $0x4  }
0x137: {  	v0 =	vadd.f32 v2, v0;
	_ =	sdelay $0x1  }
0x138: {  	[tilespmem:s4+$0x1C720] =	vst v0;
	v0 =	vld [tilespmem:s4+$0x18740]  }
0x139: {  	v1 =	vld.idx.msk [tilespmem:v1+s3+$0x0], $0xffff  }
0x13a: {  	v2 =	vld [tilespmem:s4+$0x1C730];
	_ =	sdelay $0x4  }
0x13b: {  	v1 =	vadd.f32 v2, v1;
	_ =	sdelay $0x1  }
0x13c: {  	[tilespmem:s4+$0x1C730] =	vst v1;
	v1 =	vld [tilespmem:s4+$0x18750]  }
0x13d: {  	v0 =	vld.idx.msk [tilespmem:v0+s3+$0x0], $0xffff  }
0x13e: {  	v2 =	vld [tilespmem:s4+$0x1C740];
	_ =	sdelay $0x4  }
0x13f: {  	v0 =	vadd.f32 v2, v0;
	_ =	sdelay $0x1  }
0x140: {  	[tilespmem:s4+$0x1C740] =	vst v0;
	v0 =	vld [tilespmem:s4+$0x18760]  }
0x141: {  	v1 =	vld.idx.msk [tilespmem:v1+s3+$0x0], $0xffff  }
0x142: {  	v2 =	vld [tilespmem:s4+$0x1C750];
	_ =	sdelay $0x4  }
0x143: {  	v1 =	vadd.f32 v2, v1;
	_ =	sdelay $0x1  }
0x144: {  	[tilespmem:s4+$0x1C750] =	vst v1;
	v1 =	vld [tilespmem:s4+$0x18770]  }
0x145: {  	v0 =	vld.idx.msk [tilespmem:v0+s3+$0x0], $0xffff  }
0x146: {  	v2 =	vld [tilespmem:s4+$0x1C760];
	_ =	sdelay $0x3  }
.Ltmp3:
0x147: {  	(pc) =	sbr.rel @p0 .LBB2_8-.Ltmp3, $4  }
0x148: {  	v2 =	vadd.f32 v2, v0  }
0x149: {  	s6 =	sshra.s32 s5, $0x2  }
0x14a: {  	v0 =	vld [tilespmem:s6+$0x18700];
	[tilespmem:s4+$0x1C760] =	vst v2  }
0x14b: {  	s5 =	sadd.s32 $0x200, s5;
	v1 =	vld.idx.msk [tilespmem:v1+s3+$0x0], $0xffff  }
0x14c: {  	v2 =	vld [tilespmem:s4+$0x1C770];
	_ =	sdelay $0x4  }
0x14d: {  	v1 =	vadd.f32 v2, v1;
	_ =	sdelay $0x1  }
0x14e: {  	v2 =	vld [tilespmem:s6+$0x18710];
	[tilespmem:s4+$0x1C770] =	vst v1  }
0x14f: {  	v0 =	vld.idx.msk [tilespmem:v0+s3+$0x0], $0xffff  }
0x150: {  	v1 =	vld [tilespmem:s6+$0x1C700];
	_ =	sdelay $0x4  }
0x151: {  	v0 =	vadd.f32 v1, v0;
	_ =	sdelay $0x1  }
0x152: {  	v1 =	vld [tilespmem:s6+$0x1C710];
	[tilespmem:s6+$0x1C700] =	vst v0  }
0x153: {  	v0 =	vld.idx.msk [tilespmem:v2+s3+$0x0], $0xffff  }
0x154: {  	v2 =	vld [tilespmem:s6+$0x18720];
	_ =	sdelay $0x4  }
0x155: {  	v0 =	vadd.f32 v1, v0;
	_ =	sdelay $0x1  }
0x156: {  	[tilespmem:s6+$0x1C710] =	vst v0;
	v0 =	vld [tilespmem:s6+$0x18730]  }
0x157: {  	v1 =	vld.idx.msk [tilespmem:v2+s3+$0x0], $0xffff  }
0x158: {  	v2 =	vld [tilespmem:s6+$0x1C720];
	_ =	sdelay $0x4  }
0x159: {  	v1 =	vadd.f32 v2, v1  }
0x15a: {  	v2 =	vld [tilespmem:s6+$0x18740]  }
0x15b: {  	[tilespmem:s6+$0x1C720] =	vst v1;
	v1 =	vld [tilespmem:s6+$0x1C730]  }
0x15c: {  	v0 =	vld.idx.msk [tilespmem:v0+s3+$0x0], $0xffff;
	_ =	sdelay $0x4  }
0x15d: {  	v0 =	vadd.f32 v1, v0;
	_ =	sdelay $0x1  }
0x15e: {  	[tilespmem:s6+$0x1C730] =	vst v0;
	v0 =	vld [tilespmem:s6+$0x18750]  }
0x15f: {  	v1 =	vld.idx.msk [tilespmem:v2+s3+$0x0], $0xffff  }
0x160: {  	v2 =	vld [tilespmem:s6+$0x1C740];
	_ =	sdelay $0x4  }
0x161: {  	v1 =	vadd.f32 v2, v1  }
0x162: {  	v2 =	vld [tilespmem:s6+$0x18760]  }
0x163: {  	[tilespmem:s6+$0x1C740] =	vst v1;
	v1 =	vld [tilespmem:s6+$0x1C750]  }
0x164: {  	v0 =	vld.idx.msk [tilespmem:v0+s3+$0x0], $0xffff;
	_ =	sdelay $0x4  }
0x165: {  	v0 =	vadd.f32 v1, v0;
	_ =	sdelay $0x1  }
0x166: {  	[tilespmem:s6+$0x1C750] =	vst v0;
	v0 =	vld [tilespmem:s6+$0x18770]  }
0x167: {  	v1 =	vld.idx.msk [tilespmem:v2+s3+$0x0], $0xffff  }
0x168: {  	v2 =	vld [tilespmem:s6+$0x1C760];
	_ =	sdelay $0x4  }
0x169: {  	v1 =	vadd.f32 v2, v1;
	_ =	sdelay $0x1  }
0x16a: {  	[tilespmem:s6+$0x1C760] =	vst v1;
	v1 =	vld [tilespmem:s6+$0x1C770]  }
0x16b: {  	v0 =	vld.idx.msk [tilespmem:v0+s3+$0x0], $0xffff;
	_ =	sdelay $0x4  }
0x16c: {  	v0 =	vadd.f32 v1, v0;
	_ =	sdelay $0x1  }
0x16d: {  	[tilespmem:s6+$0x1C770] =	vst v0;
	s6 =	simm.s32 $0x0  }
0x16e: {  	[tilespmem:s6], [sflag:$0x1] =	stream.strided.gather [hbm4b:s9+s30], $0x18700, s31, s30, $0x38;
	[tilespmem:$0x1E700] =	vst v63  }
0x16f: {  	_ =	swait.ge [sflag:s0], $0x18700  }
0x170: {  	[sflag:s0] =	ssyncset.done $0x0  }
0x171: {  	[sflag:s0] =	ssyncadd.s32 $0xFFFE7900  }
0x172: {  	[tilespmem:s2], [sflag:$0x1] =	stream.strided.gather [hbm4b:s10+s30], $0x2000, s31, s30, $0x38;
	[tilespmem:$0x1E700] =	vst v63  }
0x173: {  	_ =	swait.ge [sflag:s0], $0x2000  }
0x174: {  	[sflag:s0] =	ssyncset.done $0x0  }
0x175: {  	s4 =	simm.s32 $0x0;
	[sflag:s0] =	ssyncadd.s32 $0xFFFFE000  }
0x176: {  	v0 =	vld [tilespmem:s4+$0x18700];
	_ =	sdelay $0x5  }
0x177: {  	v1 =	vld [tilespmem:s4+$0x18710]  }
0x178: {  	v2 =	vld [tilespmem:s4+$0x1A700]  }
0x179: {  	v0 =	vld.idx.msk [tilespmem:v0+s3+$0x0], $0xffff;
	_ =	sdelay $0x4  }
0x17a: {  	v0 =	vadd.f32 v2, v0;
	_ =	sdelay $0x1  }
0x17b: {  	v2 =	vld [tilespmem:s4+$0x18720];
	[tilespmem:s4+$0x1A700] =	vst v0  }
0x17c: {  	v0 =	vld.idx.msk [tilespmem:v1+s3+$0x0], $0xffff  }
0x17d: {  	v1 =	vld [tilespmem:s4+$0x1A710];
	_ =	sdelay $0x4  }
0x17e: {  	v0 =	vadd.f32 v1, v0;
	_ =	sdelay $0x1  }
0x17f: {  	[tilespmem:s4+$0x1A710] =	vst v0;
	v0 =	vld [tilespmem:s4+$0x18730]  }
0x180: {  	v1 =	vld.idx.msk [tilespmem:v2+s3+$0x0], $0xffff  }
0x181: {  	v2 =	vld [tilespmem:s4+$0x1A720];
	_ =	sdelay $0x4  }
0x182: {  	v1 =	vadd.f32 v2, v1  }
0x183: {  	v2 =	vld [tilespmem:s4+$0x18740]  }
0x184: {  	[tilespmem:s4+$0x1A720] =	vst v1;
	v1 =	vld [tilespmem:s4+$0x1A730]  }
0x185: {  	v0 =	vld.idx.msk [tilespmem:v0+s3+$0x0], $0xffff;
	_ =	sdelay $0x4  }
0x186: {  	v0 =	vadd.f32 v1, v0;
	_ =	sdelay $0x1  }
0x187: {  	[tilespmem:s4+$0x1A730] =	vst v0;
	v0 =	vld [tilespmem:s4+$0x18750]  }
0x188: {  	v1 =	vld.idx.msk [tilespmem:v2+s3+$0x0], $0xffff  }
0x189: {  	v2 =	vld [tilespmem:s4+$0x1A740];
	_ =	sdelay $0x4  }
0x18a: {  	v1 =	vadd.f32 v2, v1  }
0x18b: {  	v2 =	vld [tilespmem:s4+$0x18760]  }
0x18c: {  	[tilespmem:s4+$0x1A740] =	vst v1;
	v1 =	vld [tilespmem:s4+$0x1A750]  }
0x18d: {  	v0 =	vld.idx.msk [tilespmem:v0+s3+$0x0], $0xffff;
	_ =	sdelay $0x4  }
0x18e: {  	v0 =	vadd.f32 v1, v0;
	_ =	sdelay $0x1  }
0x18f: {  	v1 =	vld [tilespmem:s4+$0x18770];
	[tilespmem:s4+$0x1A750] =	vst v0  }
0x190: {  	v0 =	vld.idx.msk [tilespmem:v2+s3+$0x0], $0xffff  }
0x191: {  	v2 =	vld [tilespmem:s4+$0x1A760];
	_ =	sdelay $0x4  }
0x192: {  	v2 =	vadd.f32 v2, v0  }
0x193: {  	s6 =	simm.s32 $0x80  }
0x194: {  	v0 =	vld [tilespmem:s6+$0x18700];
	[tilespmem:s4+$0x1A760] =	vst v2  }
0x195: {  	s5 =	simm.s32 $0x400;
	v1 =	vld.idx.msk [tilespmem:v1+s3+$0x0], $0xffff  }
.LBB2_10:
0x196: {  	p0 =	sne.s32 s5, $0x7E00;
	v2 =	vld [tilespmem:s4+$0x1A770];
	_ =	sdelay $0x4  }
0x197: {  	v1 =	vadd.f32 v2, v1;
	_ =	sdelay $0x1  }
0x198: {  	v2 =	vld [tilespmem:s6+$0x18710];
	[tilespmem:s4+$0x1A770] =	vst v1;
	s4 =	smov.u32 s6  }
0x199: {  	v0 =	vld.idx.msk [tilespmem:v0+s3+$0x0], $0xffff  }
0x19a: {  	v1 =	vld [tilespmem:s4+$0x1A700];
	_ =	sdelay $0x4  }
0x19b: {  	v0 =	vadd.f32 v1, v0;
	_ =	sdelay $0x1  }
0x19c: {  	[tilespmem:s4+$0x1A700] =	vst v0;
	v0 =	vld [tilespmem:s4+$0x18720]  }
0x19d: {  	v1 =	vld.idx.msk [tilespmem:v2+s3+$0x0], $0xffff  }
0x19e: {  	v2 =	vld [tilespmem:s4+$0x1A710];
	_ =	sdelay $0x4  }
0x19f: {  	v1 =	vadd.f32 v2, v1;
	_ =	sdelay $0x1  }
0x1a0: {  	[tilespmem:s4+$0x1A710] =	vst v1;
	v1 =	vld [tilespmem:s4+$0x18730]  }
0x1a1: {  	v0 =	vld.idx.msk [tilespmem:v0+s3+$0x0], $0xffff  }
0x1a2: {  	v2 =	vld [tilespmem:s4+$0x1A720];
	_ =	sdelay $0x4  }
0x1a3: {  	v0 =	vadd.f32 v2, v0;
	_ =	sdelay $0x1  }
0x1a4: {  	[tilespmem:s4+$0x1A720] =	vst v0;
	v0 =	vld [tilespmem:s4+$0x18740]  }
0x1a5: {  	v1 =	vld.idx.msk [tilespmem:v1+s3+$0x0], $0xffff  }
0x1a6: {  	v2 =	vld [tilespmem:s4+$0x1A730];
	_ =	sdelay $0x4  }
0x1a7: {  	v1 =	vadd.f32 v2, v1;
	_ =	sdelay $0x1  }
0x1a8: {  	[tilespmem:s4+$0x1A730] =	vst v1;
	v1 =	vld [tilespmem:s4+$0x18750]  }
0x1a9: {  	v0 =	vld.idx.msk [tilespmem:v0+s3+$0x0], $0xffff  }
0x1aa: {  	v2 =	vld [tilespmem:s4+$0x1A740];
	_ =	sdelay $0x4  }
0x1ab: {  	v0 =	vadd.f32 v2, v0;
	_ =	sdelay $0x1  }
0x1ac: {  	[tilespmem:s4+$0x1A740] =	vst v0;
	v0 =	vld [tilespmem:s4+$0x18760]  }
0x1ad: {  	v1 =	vld.idx.msk [tilespmem:v1+s3+$0x0], $0xffff  }
0x1ae: {  	v2 =	vld [tilespmem:s4+$0x1A750];
	_ =	sdelay $0x4  }
0x1af: {  	v1 =	vadd.f32 v2, v1;
	_ =	sdelay $0x1  }
0x1b0: {  	[tilespmem:s4+$0x1A750] =	vst v1;
	v1 =	vld [tilespmem:s4+$0x18770]  }
0x1b1: {  	v0 =	vld.idx.msk [tilespmem:v0+s3+$0x0], $0xffff  }
0x1b2: {  	v2 =	vld [tilespmem:s4+$0x1A760];
	_ =	sdelay $0x3  }
.Ltmp4:
0x1b3: {  	(pc) =	sbr.rel @p0 .LBB2_10-.Ltmp4, $4  }
0x1b4: {  	v2 =	vadd.f32 v2, v0  }
0x1b5: {  	s6 =	sshra.s32 s5, $0x2  }
0x1b6: {  	v0 =	vld [tilespmem:s6+$0x18700];
	[tilespmem:s4+$0x1A760] =	vst v2  }
0x1b7: {  	s5 =	sadd.s32 $0x200, s5;
	v1 =	vld.idx.msk [tilespmem:v1+s3+$0x0], $0xffff  }
0x1b8: {  	v2 =	vld [tilespmem:s4+$0x1A770];
	_ =	sdelay $0x4  }
0x1b9: {  	v1 =	vadd.f32 v2, v1;
	_ =	sdelay $0x1  }
0x1ba: {  	v2 =	vld [tilespmem:s6+$0x18710];
	[tilespmem:s4+$0x1A770] =	vst v1  }
0x1bb: {  	v0 =	vld.idx.msk [tilespmem:v0+s3+$0x0], $0xffff  }
0x1bc: {  	v1 =	vld [tilespmem:s6+$0x1A700];
	_ =	sdelay $0x4  }
0x1bd: {  	v0 =	vadd.f32 v1, v0;
	_ =	sdelay $0x1  }
0x1be: {  	v1 =	vld [tilespmem:s6+$0x1A710];
	[tilespmem:s6+$0x1A700] =	vst v0  }
0x1bf: {  	v0 =	vld.idx.msk [tilespmem:v2+s3+$0x0], $0xffff  }
0x1c0: {  	v2 =	vld [tilespmem:s6+$0x18720];
	_ =	sdelay $0x4  }
0x1c1: {  	v0 =	vadd.f32 v1, v0;
	_ =	sdelay $0x1  }
0x1c2: {  	[tilespmem:s6+$0x1A710] =	vst v0;
	v0 =	vld [tilespmem:s6+$0x18730]  }
0x1c3: {  	v1 =	vld.idx.msk [tilespmem:v2+s3+$0x0], $0xffff  }
0x1c4: {  	v2 =	vld [tilespmem:s6+$0x1A720];
	_ =	sdelay $0x4  }
0x1c5: {  	v1 =	vadd.f32 v2, v1  }
0x1c6: {  	v2 =	vld [tilespmem:s6+$0x18740]  }
0x1c7: {  	[tilespmem:s6+$0x1A720] =	vst v1;
	v1 =	vld [tilespmem:s6+$0x1A730]  }
0x1c8: {  	v0 =	vld.idx.msk [tilespmem:v0+s3+$0x0], $0xffff;
	_ =	sdelay $0x4  }
0x1c9: {  	v0 =	vadd.f32 v1, v0;
	_ =	sdelay $0x1  }
0x1ca: {  	[tilespmem:s6+$0x1A730] =	vst v0;
	v0 =	vld [tilespmem:s6+$0x18750]  }
0x1cb: {  	v1 =	vld.idx.msk [tilespmem:v2+s3+$0x0], $0xffff  }
0x1cc: {  	v2 =	vld [tilespmem:s6+$0x1A740];
	_ =	sdelay $0x4  }
0x1cd: {  	v1 =	vadd.f32 v2, v1  }
0x1ce: {  	v2 =	vld [tilespmem:s6+$0x18760]  }
0x1cf: {  	[tilespmem:s6+$0x1A740] =	vst v1;
	v1 =	vld [tilespmem:s6+$0x1A750]  }
0x1d0: {  	v0 =	vld.idx.msk [tilespmem:v0+s3+$0x0], $0xffff;
	_ =	sdelay $0x4  }
0x1d1: {  	v0 =	vadd.f32 v1, v0;
	_ =	sdelay $0x1  }
0x1d2: {  	[tilespmem:s6+$0x1A750] =	vst v0;
	v0 =	vld [tilespmem:s6+$0x18770]  }
0x1d3: {  	v1 =	vld.idx.msk [tilespmem:v2+s3+$0x0], $0xffff  }
0x1d4: {  	v2 =	vld [tilespmem:s6+$0x1A760];
	_ =	sdelay $0x4  }
0x1d5: {  	v1 =	vadd.f32 v2, v1;
	_ =	sdelay $0x1  }
0x1d6: {  	[tilespmem:s6+$0x1A760] =	vst v1;
	v1 =	vld [tilespmem:s6+$0x1A770]  }
0x1d7: {  	v0 =	vld.idx.msk [tilespmem:v0+s3+$0x0], $0xffff;
	_ =	sdelay $0x4  }
0x1d8: {  	v0 =	vadd.f32 v1, v0;
	_ =	sdelay $0x1  }
0x1d9: {  	[tilespmem:s6+$0x1A770] =	vst v0  }
0x1da: {  	[tilespmem:s2], [sflag:$0x1] =	stream.strided.gather [hbm4b:s11+s30], $0x2000, s31, s30, $0x38;
	[tilespmem:$0x1E700] =	vst v63  }
0x1db: {  	_ =	swait.ge [sflag:s0], $0x2000  }
0x1dc: {  	[sflag:s0] =	ssyncset.done $0x0  }
0x1dd: {  	s4 =	simm.s32 $0x0;
	[sflag:s0] =	ssyncadd.s32 $0xFFFFE000  }
0x1de: {  	v0 =	vld [tilespmem:s4+$0x18700];
	_ =	sdelay $0x5  }
0x1df: {  	v1 =	vld [tilespmem:s4+$0x18710]  }
0x1e0: {  	v2 =	vld [tilespmem:s4+$0x1C700]  }
0x1e1: {  	v0 =	vld.idx.msk [tilespmem:v0+s3+$0x0], $0xffff;
	_ =	sdelay $0x4  }
0x1e2: {  	v0 =	vadd.f32 v2, v0;
	_ =	sdelay $0x1  }
0x1e3: {  	v2 =	vld [tilespmem:s4+$0x18720];
	[tilespmem:s4+$0x1C700] =	vst v0  }
0x1e4: {  	v0 =	vld.idx.msk [tilespmem:v1+s3+$0x0], $0xffff  }
0x1e5: {  	v1 =	vld [tilespmem:s4+$0x1C710];
	_ =	sdelay $0x4  }
0x1e6: {  	v0 =	vadd.f32 v1, v0;
	_ =	sdelay $0x1  }
0x1e7: {  	[tilespmem:s4+$0x1C710] =	vst v0;
	v0 =	vld [tilespmem:s4+$0x18730]  }
0x1e8: {  	v1 =	vld.idx.msk [tilespmem:v2+s3+$0x0], $0xffff  }
0x1e9: {  	v2 =	vld [tilespmem:s4+$0x1C720];
	_ =	sdelay $0x4  }
0x1ea: {  	v1 =	vadd.f32 v2, v1  }
0x1eb: {  	v2 =	vld [tilespmem:s4+$0x18740]  }
0x1ec: {  	[tilespmem:s4+$0x1C720] =	vst v1;
	v1 =	vld [tilespmem:s4+$0x1C730]  }
0x1ed: {  	v0 =	vld.idx.msk [tilespmem:v0+s3+$0x0], $0xffff;
	_ =	sdelay $0x4  }
0x1ee: {  	v0 =	vadd.f32 v1, v0;
	_ =	sdelay $0x1  }
0x1ef: {  	[tilespmem:s4+$0x1C730] =	vst v0;
	v0 =	vld [tilespmem:s4+$0x18750]  }
0x1f0: {  	v1 =	vld.idx.msk [tilespmem:v2+s3+$0x0], $0xffff  }
0x1f1: {  	v2 =	vld [tilespmem:s4+$0x1C740];
	_ =	sdelay $0x4  }
0x1f2: {  	v1 =	vadd.f32 v2, v1  }
0x1f3: {  	v2 =	vld [tilespmem:s4+$0x18760]  }
0x1f4: {  	[tilespmem:s4+$0x1C740] =	vst v1;
	v1 =	vld [tilespmem:s4+$0x1C750]  }
0x1f5: {  	v0 =	vld.idx.msk [tilespmem:v0+s3+$0x0], $0xffff;
	_ =	sdelay $0x4  }
0x1f6: {  	v0 =	vadd.f32 v1, v0;
	_ =	sdelay $0x1  }
0x1f7: {  	v1 =	vld [tilespmem:s4+$0x18770];
	[tilespmem:s4+$0x1C750] =	vst v0  }
0x1f8: {  	v0 =	vld.idx.msk [tilespmem:v2+s3+$0x0], $0xffff  }
0x1f9: {  	v2 =	vld [tilespmem:s4+$0x1C760];
	_ =	sdelay $0x4  }
0x1fa: {  	v2 =	vadd.f32 v2, v0  }
0x1fb: {  	s6 =	simm.s32 $0x80  }
0x1fc: {  	v0 =	vld [tilespmem:s6+$0x18700];
	[tilespmem:s4+$0x1C760] =	vst v2  }
0x1fd: {  	s5 =	simm.s32 $0x400;
	v1 =	vld.idx.msk [tilespmem:v1+s3+$0x0], $0xffff  }
.LBB2_12:
0x1fe: {  	p0 =	sne.s32 s5, $0x7E00;
	v2 =	vld [tilespmem:s4+$0x1C770];
	_ =	sdelay $0x4  }
0x1ff: {  	v1 =	vadd.f32 v2, v1;
	_ =	sdelay $0x1  }
0x200: {  	v2 =	vld [tilespmem:s6+$0x18710];
	[tilespmem:s4+$0x1C770] =	vst v1;
	s4 =	smov.u32 s6  }
0x201: {  	v0 =	vld.idx.msk [tilespmem:v0+s3+$0x0], $0xffff  }
0x202: {  	v1 =	vld [tilespmem:s4+$0x1C700];
	_ =	sdelay $0x4  }
0x203: {  	v0 =	vadd.f32 v1, v0;
	_ =	sdelay $0x1  }
0x204: {  	[tilespmem:s4+$0x1C700] =	vst v0;
	v0 =	vld [tilespmem:s4+$0x18720]  }
0x205: {  	v1 =	vld.idx.msk [tilespmem:v2+s3+$0x0], $0xffff  }
0x206: {  	v2 =	vld [tilespmem:s4+$0x1C710];
	_ =	sdelay $0x4  }
0x207: {  	v1 =	vadd.f32 v2, v1;
	_ =	sdelay $0x1  }
0x208: {  	[tilespmem:s4+$0x1C710] =	vst v1;
	v1 =	vld [tilespmem:s4+$0x18730]  }
0x209: {  	v0 =	vld.idx.msk [tilespmem:v0+s3+$0x0], $0xffff  }
0x20a: {  	v2 =	vld [tilespmem:s4+$0x1C720];
	_ =	sdelay $0x4  }
0x20b: {  	v0 =	vadd.f32 v2, v0;
	_ =	sdelay $0x1  }
0x20c: {  	[tilespmem:s4+$0x1C720] =	vst v0;
	v0 =	vld [tilespmem:s4+$0x18740]  }
0x20d: {  	v1 =	vld.idx.msk [tilespmem:v1+s3+$0x0], $0xffff  }
0x20e: {  	v2 =	vld [tilespmem:s4+$0x1C730];
	_ =	sdelay $0x4  }
0x20f: {  	v1 =	vadd.f32 v2, v1;
	_ =	sdelay $0x1  }
0x210: {  	[tilespmem:s4+$0x1C730] =	vst v1;
	v1 =	vld [tilespmem:s4+$0x18750]  }
0x211: {  	v0 =	vld.idx.msk [tilespmem:v0+s3+$0x0], $0xffff  }
0x212: {  	v2 =	vld [tilespmem:s4+$0x1C740];
	_ =	sdelay $0x4  }
0x213: {  	v0 =	vadd.f32 v2, v0;
	_ =	sdelay $0x1  }
0x214: {  	[tilespmem:s4+$0x1C740] =	vst v0;
	v0 =	vld [tilespmem:s4+$0x18760]  }
0x215: {  	v1 =	vld.idx.msk [tilespmem:v1+s3+$0x0], $0xffff  }
0x216: {  	v2 =	vld [tilespmem:s4+$0x1C750];
	_ =	sdelay $0x4  }
0x217: {  	v1 =	vadd.f32 v2, v1;
	_ =	sdelay $0x1  }
0x218: {  	[tilespmem:s4+$0x1C750] =	vst v1;
	v1 =	vld [tilespmem:s4+$0x18770]  }
0x219: {  	v0 =	vld.idx.msk [tilespmem:v0+s3+$0x0], $0xffff  }
0x21a: {  	v2 =	vld [tilespmem:s4+$0x1C760];
	_ =	sdelay $0x3  }
.Ltmp5:
0x21b: {  	(pc) =	sbr.rel @p0 .LBB2_12-.Ltmp5, $4  }
0x21c: {  	v2 =	vadd.f32 v2, v0  }
0x21d: {  	s6 =	sshra.s32 s5, $0x2  }
0x21e: {  	v0 =	vld [tilespmem:s6+$0x18700];
	[tilespmem:s4+$0x1C760] =	vst v2  }
0x21f: {  	s5 =	sadd.s32 $0x200, s5;
	v1 =	vld.idx.msk [tilespmem:v1+s3+$0x0], $0xffff  }
0x220: {  	v2 =	vld [tilespmem:s4+$0x1C770];
	_ =	sdelay $0x4  }
0x221: {  	v1 =	vadd.f32 v2, v1;
	_ =	sdelay $0x1  }
0x222: {  	v2 =	vld [tilespmem:s6+$0x18710];
	[tilespmem:s4+$0x1C770] =	vst v1  }
0x223: {  	v0 =	vld.idx.msk [tilespmem:v0+s3+$0x0], $0xffff  }
0x224: {  	v1 =	vld [tilespmem:s6+$0x1C700];
	_ =	sdelay $0x4  }
0x225: {  	v0 =	vadd.f32 v1, v0;
	_ =	sdelay $0x1  }
0x226: {  	v1 =	vld [tilespmem:s6+$0x1C710];
	[tilespmem:s6+$0x1C700] =	vst v0  }
0x227: {  	v0 =	vld.idx.msk [tilespmem:v2+s3+$0x0], $0xffff  }
0x228: {  	v2 =	vld [tilespmem:s6+$0x18720];
	_ =	sdelay $0x4  }
0x229: {  	v0 =	vadd.f32 v1, v0;
	_ =	sdelay $0x1  }
0x22a: {  	[tilespmem:s6+$0x1C710] =	vst v0;
	v0 =	vld [tilespmem:s6+$0x18730]  }
0x22b: {  	v1 =	vld.idx.msk [tilespmem:v2+s3+$0x0], $0xffff  }
0x22c: {  	v2 =	vld [tilespmem:s6+$0x1C720];
	_ =	sdelay $0x4  }
0x22d: {  	v1 =	vadd.f32 v2, v1  }
0x22e: {  	v2 =	vld [tilespmem:s6+$0x18740]  }
0x22f: {  	[tilespmem:s6+$0x1C720] =	vst v1;
	v1 =	vld [tilespmem:s6+$0x1C730]  }
0x230: {  	v0 =	vld.idx.msk [tilespmem:v0+s3+$0x0], $0xffff;
	_ =	sdelay $0x4  }
0x231: {  	v0 =	vadd.f32 v1, v0;
	_ =	sdelay $0x1  }
0x232: {  	[tilespmem:s6+$0x1C730] =	vst v0;
	v0 =	vld [tilespmem:s6+$0x18750]  }
0x233: {  	v1 =	vld.idx.msk [tilespmem:v2+s3+$0x0], $0xffff  }
0x234: {  	v2 =	vld [tilespmem:s6+$0x1C740];
	_ =	sdelay $0x4  }
0x235: {  	v1 =	vadd.f32 v2, v1  }
0x236: {  	v2 =	vld [tilespmem:s6+$0x18760]  }
0x237: {  	[tilespmem:s6+$0x1C740] =	vst v1;
	v1 =	vld [tilespmem:s6+$0x1C750]  }
0x238: {  	v0 =	vld.idx.msk [tilespmem:v0+s3+$0x0], $0xffff;
	_ =	sdelay $0x4  }
0x239: {  	v0 =	vadd.f32 v1, v0;
	_ =	sdelay $0x1  }
0x23a: {  	[tilespmem:s6+$0x1C750] =	vst v0;
	v0 =	vld [tilespmem:s6+$0x18770]  }
0x23b: {  	v1 =	vld.idx.msk [tilespmem:v2+s3+$0x0], $0xffff  }
0x23c: {  	v2 =	vld [tilespmem:s6+$0x1C760];
	_ =	sdelay $0x4  }
0x23d: {  	v1 =	vadd.f32 v2, v1;
	_ =	sdelay $0x1  }
0x23e: {  	[tilespmem:s6+$0x1C760] =	vst v1;
	v1 =	vld [tilespmem:s6+$0x1C770]  }
0x23f: {  	v0 =	vld.idx.msk [tilespmem:v0+s3+$0x0], $0xffff;
	_ =	sdelay $0x4  }
0x240: {  	v0 =	vadd.f32 v1, v0;
	_ =	sdelay $0x1  }
0x241: {  	[tilespmem:s6+$0x1C770] =	vst v0;
	s6 =	simm.s32 $0x0  }
0x242: {  	[tilespmem:s6], [sflag:$0x1] =	stream.strided.gather [hbm4b:s12+s30], $0x18700, s31, s30, $0x38;
	[tilespmem:$0x1E700] =	vst v63  }
0x243: {  	_ =	swait.ge [sflag:s0], $0x18700  }
0x244: {  	[sflag:s0] =	ssyncset.done $0x0  }
0x245: {  	[sflag:s0] =	ssyncadd.s32 $0xFFFE7900  }
0x246: {  	[tilespmem:s2], [sflag:$0x1] =	stream.strided.gather [hbm4b:s13+s30], $0x2000, s31, s30, $0x38;
	[tilespmem:$0x1E700] =	vst v63  }
0x247: {  	_ =	swait.ge [sflag:s0], $0x2000  }
0x248: {  	[sflag:s0] =	ssyncset.done $0x0  }
0x249: {  	s4 =	simm.s32 $0x0;
	[sflag:s0] =	ssyncadd.s32 $0xFFFFE000  }
0x24a: {  	v0 =	vld [tilespmem:s4+$0x18700];
	_ =	sdelay $0x5  }
0x24b: {  	v1 =	vld [tilespmem:s4+$0x18710]  }
0x24c: {  	v2 =	vld [tilespmem:s4+$0x1A700]  }
0x24d: {  	v0 =	vld.idx.msk [tilespmem:v0+s3+$0x0], $0xffff;
	_ =	sdelay $0x4  }
0x24e: {  	v0 =	vadd.f32 v2, v0;
	_ =	sdelay $0x1  }
0x24f: {  	v2 =	vld [tilespmem:s4+$0x18720];
	[tilespmem:s4+$0x1A700] =	vst v0  }
0x250: {  	v0 =	vld.idx.msk [tilespmem:v1+s3+$0x0], $0xffff  }
0x251: {  	v1 =	vld [tilespmem:s4+$0x1A710];
	_ =	sdelay $0x4  }
0x252: {  	v0 =	vadd.f32 v1, v0;
	_ =	sdelay $0x1  }
0x253: {  	[tilespmem:s4+$0x1A710] =	vst v0;
	v0 =	vld [tilespmem:s4+$0x18730]  }
0x254: {  	v1 =	vld.idx.msk [tilespmem:v2+s3+$0x0], $0xffff  }
0x255: {  	v2 =	vld [tilespmem:s4+$0x1A720];
	_ =	sdelay $0x4  }
0x256: {  	v1 =	vadd.f32 v2, v1  }
0x257: {  	v2 =	vld [tilespmem:s4+$0x18740]  }
0x258: {  	[tilespmem:s4+$0x1A720] =	vst v1;
	v1 =	vld [tilespmem:s4+$0x1A730]  }
0x259: {  	v0 =	vld.idx.msk [tilespmem:v0+s3+$0x0], $0xffff;
	_ =	sdelay $0x4  }
0x25a: {  	v0 =	vadd.f32 v1, v0;
	_ =	sdelay $0x1  }
0x25b: {  	[tilespmem:s4+$0x1A730] =	vst v0;
	v0 =	vld [tilespmem:s4+$0x18750]  }
0x25c: {  	v1 =	vld.idx.msk [tilespmem:v2+s3+$0x0], $0xffff  }
0x25d: {  	v2 =	vld [tilespmem:s4+$0x1A740];
	_ =	sdelay $0x4  }
0x25e: {  	v1 =	vadd.f32 v2, v1  }
0x25f: {  	v2 =	vld [tilespmem:s4+$0x18760]  }
0x260: {  	[tilespmem:s4+$0x1A740] =	vst v1;
	v1 =	vld [tilespmem:s4+$0x1A750]  }
0x261: {  	v0 =	vld.idx.msk [tilespmem:v0+s3+$0x0], $0xffff;
	_ =	sdelay $0x4  }
0x262: {  	v0 =	vadd.f32 v1, v0;
	_ =	sdelay $0x1  }
0x263: {  	v1 =	vld [tilespmem:s4+$0x18770];
	[tilespmem:s4+$0x1A750] =	vst v0  }
0x264: {  	v0 =	vld.idx.msk [tilespmem:v2+s3+$0x0], $0xffff  }
0x265: {  	v2 =	vld [tilespmem:s4+$0x1A760];
	_ =	sdelay $0x4  }
0x266: {  	v2 =	vadd.f32 v2, v0  }
0x267: {  	s6 =	simm.s32 $0x80  }
0x268: {  	v0 =	vld [tilespmem:s6+$0x18700];
	[tilespmem:s4+$0x1A760] =	vst v2  }
0x269: {  	s5 =	simm.s32 $0x400;
	v1 =	vld.idx.msk [tilespmem:v1+s3+$0x0], $0xffff  }
.LBB2_14:
0x26a: {  	p0 =	sne.s32 s5, $0x7E00;
	v2 =	vld [tilespmem:s4+$0x1A770];
	_ =	sdelay $0x4  }
0x26b: {  	v1 =	vadd.f32 v2, v1;
	_ =	sdelay $0x1  }
0x26c: {  	v2 =	vld [tilespmem:s6+$0x18710];
	[tilespmem:s4+$0x1A770] =	vst v1;
	s4 =	smov.u32 s6  }
0x26d: {  	v0 =	vld.idx.msk [tilespmem:v0+s3+$0x0], $0xffff  }
0x26e: {  	v1 =	vld [tilespmem:s4+$0x1A700];
	_ =	sdelay $0x4  }
0x26f: {  	v0 =	vadd.f32 v1, v0;
	_ =	sdelay $0x1  }
0x270: {  	[tilespmem:s4+$0x1A700] =	vst v0;
	v0 =	vld [tilespmem:s4+$0x18720]  }
0x271: {  	v1 =	vld.idx.msk [tilespmem:v2+s3+$0x0], $0xffff  }
0x272: {  	v2 =	vld [tilespmem:s4+$0x1A710];
	_ =	sdelay $0x4  }
0x273: {  	v1 =	vadd.f32 v2, v1;
	_ =	sdelay $0x1  }
0x274: {  	[tilespmem:s4+$0x1A710] =	vst v1;
	v1 =	vld [tilespmem:s4+$0x18730]  }
0x275: {  	v0 =	vld.idx.msk [tilespmem:v0+s3+$0x0], $0xffff  }
0x276: {  	v2 =	vld [tilespmem:s4+$0x1A720];
	_ =	sdelay $0x4  }
0x277: {  	v0 =	vadd.f32 v2, v0;
	_ =	sdelay $0x1  }
0x278: {  	[tilespmem:s4+$0x1A720] =	vst v0;
	v0 =	vld [tilespmem:s4+$0x18740]  }
0x279: {  	v1 =	vld.idx.msk [tilespmem:v1+s3+$0x0], $0xffff  }
0x27a: {  	v2 =	vld [tilespmem:s4+$0x1A730];
	_ =	sdelay $0x4  }
0x27b: {  	v1 =	vadd.f32 v2, v1;
	_ =	sdelay $0x1  }
0x27c: {  	[tilespmem:s4+$0x1A730] =	vst v1;
	v1 =	vld [tilespmem:s4+$0x18750]  }
0x27d: {  	v0 =	vld.idx.msk [tilespmem:v0+s3+$0x0], $0xffff  }
0x27e: {  	v2 =	vld [tilespmem:s4+$0x1A740];
	_ =	sdelay $0x4  }
0x27f: {  	v0 =	vadd.f32 v2, v0;
	_ =	sdelay $0x1  }
0x280: {  	[tilespmem:s4+$0x1A740] =	vst v0;
	v0 =	vld [tilespmem:s4+$0x18760]  }
0x281: {  	v1 =	vld.idx.msk [tilespmem:v1+s3+$0x0], $0xffff  }
0x282: {  	v2 =	vld [tilespmem:s4+$0x1A750];
	_ =	sdelay $0x4  }
0x283: {  	v1 =	vadd.f32 v2, v1;
	_ =	sdelay $0x1  }
0x284: {  	[tilespmem:s4+$0x1A750] =	vst v1;
	v1 =	vld [tilespmem:s4+$0x18770]  }
0x285: {  	v0 =	vld.idx.msk [tilespmem:v0+s3+$0x0], $0xffff  }
0x286: {  	v2 =	vld [tilespmem:s4+$0x1A760];
	_ =	sdelay $0x3  }
.Ltmp6:
0x287: {  	(pc) =	sbr.rel @p0 .LBB2_14-.Ltmp6, $4  }
0x288: {  	v2 =	vadd.f32 v2, v0  }
0x289: {  	s6 =	sshra.s32 s5, $0x2  }
0x28a: {  	v0 =	vld [tilespmem:s6+$0x18700];
	[tilespmem:s4+$0x1A760] =	vst v2  }
0x28b: {  	s5 =	sadd.s32 $0x200, s5;
	v1 =	vld.idx.msk [tilespmem:v1+s3+$0x0], $0xffff  }
0x28c: {  	v2 =	vld [tilespmem:s4+$0x1A770];
	_ =	sdelay $0x4  }
0x28d: {  	v1 =	vadd.f32 v2, v1;
	_ =	sdelay $0x1  }
0x28e: {  	v2 =	vld [tilespmem:s6+$0x18710];
	[tilespmem:s4+$0x1A770] =	vst v1  }
0x28f: {  	v0 =	vld.idx.msk [tilespmem:v0+s3+$0x0], $0xffff  }
0x290: {  	v1 =	vld [tilespmem:s6+$0x1A700];
	_ =	sdelay $0x4  }
0x291: {  	v0 =	vadd.f32 v1, v0;
	_ =	sdelay $0x1  }
0x292: {  	v1 =	vld [tilespmem:s6+$0x1A710];
	[tilespmem:s6+$0x1A700] =	vst v0  }
0x293: {  	v0 =	vld.idx.msk [tilespmem:v2+s3+$0x0], $0xffff  }
0x294: {  	v2 =	vld [tilespmem:s6+$0x18720];
	_ =	sdelay $0x4  }
0x295: {  	v0 =	vadd.f32 v1, v0;
	_ =	sdelay $0x1  }
0x296: {  	[tilespmem:s6+$0x1A710] =	vst v0;
	v0 =	vld [tilespmem:s6+$0x18730]  }
0x297: {  	v1 =	vld.idx.msk [tilespmem:v2+s3+$0x0], $0xffff  }
0x298: {  	v2 =	vld [tilespmem:s6+$0x1A720];
	_ =	sdelay $0x4  }
0x299: {  	v1 =	vadd.f32 v2, v1  }
0x29a: {  	v2 =	vld [tilespmem:s6+$0x18740]  }
0x29b: {  	[tilespmem:s6+$0x1A720] =	vst v1;
	v1 =	vld [tilespmem:s6+$0x1A730]  }
0x29c: {  	v0 =	vld.idx.msk [tilespmem:v0+s3+$0x0], $0xffff;
	_ =	sdelay $0x4  }
0x29d: {  	v0 =	vadd.f32 v1, v0;
	_ =	sdelay $0x1  }
0x29e: {  	[tilespmem:s6+$0x1A730] =	vst v0;
	v0 =	vld [tilespmem:s6+$0x18750]  }
0x29f: {  	v1 =	vld.idx.msk [tilespmem:v2+s3+$0x0], $0xffff  }
0x2a0: {  	v2 =	vld [tilespmem:s6+$0x1A740];
	_ =	sdelay $0x4  }
0x2a1: {  	v1 =	vadd.f32 v2, v1  }
0x2a2: {  	v2 =	vld [tilespmem:s6+$0x18760]  }
0x2a3: {  	[tilespmem:s6+$0x1A740] =	vst v1;
	v1 =	vld [tilespmem:s6+$0x1A750]  }
0x2a4: {  	v0 =	vld.idx.msk [tilespmem:v0+s3+$0x0], $0xffff;
	_ =	sdelay $0x4  }
0x2a5: {  	v0 =	vadd.f32 v1, v0;
	_ =	sdelay $0x1  }
0x2a6: {  	[tilespmem:s6+$0x1A750] =	vst v0;
	v0 =	vld [tilespmem:s6+$0x18770]  }
0x2a7: {  	v1 =	vld.idx.msk [tilespmem:v2+s3+$0x0], $0xffff  }
0x2a8: {  	v2 =	vld [tilespmem:s6+$0x1A760];
	_ =	sdelay $0x4  }
0x2a9: {  	v1 =	vadd.f32 v2, v1;
	_ =	sdelay $0x1  }
0x2aa: {  	[tilespmem:s6+$0x1A760] =	vst v1;
	v1 =	vld [tilespmem:s6+$0x1A770]  }
0x2ab: {  	v0 =	vld.idx.msk [tilespmem:v0+s3+$0x0], $0xffff;
	_ =	sdelay $0x4  }
0x2ac: {  	v0 =	vadd.f32 v1, v0;
	_ =	sdelay $0x1  }
0x2ad: {  	[tilespmem:s6+$0x1A770] =	vst v0  }
0x2ae: {  	[tilespmem:s2], [sflag:$0x1] =	stream.strided.gather [hbm4b:s14+s30], $0x2000, s31, s30, $0x38;
	[tilespmem:$0x1E700] =	vst v63  }
0x2af: {  	_ =	swait.ge [sflag:s0], $0x2000  }
0x2b0: {  	[sflag:s0] =	ssyncset.done $0x0  }
0x2b1: {  	s4 =	simm.s32 $0x0;
	[sflag:s0] =	ssyncadd.s32 $0xFFFFE000  }
0x2b2: {  	v0 =	vld [tilespmem:s4+$0x18700];
	_ =	sdelay $0x5  }
0x2b3: {  	v1 =	vld [tilespmem:s4+$0x18710]  }
0x2b4: {  	v2 =	vld [tilespmem:s4+$0x1C700]  }
0x2b5: {  	v0 =	vld.idx.msk [tilespmem:v0+s3+$0x0], $0xffff;
	_ =	sdelay $0x4  }
0x2b6: {  	v0 =	vadd.f32 v2, v0;
	_ =	sdelay $0x1  }
0x2b7: {  	v2 =	vld [tilespmem:s4+$0x18720];
	[tilespmem:s4+$0x1C700] =	vst v0  }
0x2b8: {  	v0 =	vld.idx.msk [tilespmem:v1+s3+$0x0], $0xffff  }
0x2b9: {  	v1 =	vld [tilespmem:s4+$0x1C710];
	_ =	sdelay $0x4  }
0x2ba: {  	v0 =	vadd.f32 v1, v0;
	_ =	sdelay $0x1  }
0x2bb: {  	[tilespmem:s4+$0x1C710] =	vst v0;
	v0 =	vld [tilespmem:s4+$0x18730]  }
0x2bc: {  	v1 =	vld.idx.msk [tilespmem:v2+s3+$0x0], $0xffff  }
0x2bd: {  	v2 =	vld [tilespmem:s4+$0x1C720];
	_ =	sdelay $0x4  }
0x2be: {  	v1 =	vadd.f32 v2, v1  }
0x2bf: {  	v2 =	vld [tilespmem:s4+$0x18740]  }
0x2c0: {  	[tilespmem:s4+$0x1C720] =	vst v1;
	v1 =	vld [tilespmem:s4+$0x1C730]  }
0x2c1: {  	v0 =	vld.idx.msk [tilespmem:v0+s3+$0x0], $0xffff;
	_ =	sdelay $0x4  }
0x2c2: {  	v0 =	vadd.f32 v1, v0;
	_ =	sdelay $0x1  }
0x2c3: {  	[tilespmem:s4+$0x1C730] =	vst v0;
	v0 =	vld [tilespmem:s4+$0x18750]  }
0x2c4: {  	v1 =	vld.idx.msk [tilespmem:v2+s3+$0x0], $0xffff  }
0x2c5: {  	v2 =	vld [tilespmem:s4+$0x1C740];
	_ =	sdelay $0x4  }
0x2c6: {  	v1 =	vadd.f32 v2, v1  }
0x2c7: {  	v2 =	vld [tilespmem:s4+$0x18760]  }
0x2c8: {  	[tilespmem:s4+$0x1C740] =	vst v1;
	v1 =	vld [tilespmem:s4+$0x1C750]  }
0x2c9: {  	v0 =	vld.idx.msk [tilespmem:v0+s3+$0x0], $0xffff;
	_ =	sdelay $0x4  }
0x2ca: {  	v0 =	vadd.f32 v1, v0;
	_ =	sdelay $0x1  }
0x2cb: {  	v1 =	vld [tilespmem:s4+$0x18770];
	[tilespmem:s4+$0x1C750] =	vst v0  }
0x2cc: {  	v0 =	vld.idx.msk [tilespmem:v2+s3+$0x0], $0xffff  }
0x2cd: {  	v2 =	vld [tilespmem:s4+$0x1C760];
	_ =	sdelay $0x4  }
0x2ce: {  	v2 =	vadd.f32 v2, v0  }
0x2cf: {  	s6 =	simm.s32 $0x80  }
0x2d0: {  	v0 =	vld [tilespmem:s6+$0x18700];
	[tilespmem:s4+$0x1C760] =	vst v2  }
0x2d1: {  	s5 =	simm.s32 $0x400;
	v1 =	vld.idx.msk [tilespmem:v1+s3+$0x0], $0xffff  }
.LBB2_16:
0x2d2: {  	p0 =	sne.s32 s5, $0x7E00;
	v2 =	vld [tilespmem:s4+$0x1C770];
	_ =	sdelay $0x4  }
0x2d3: {  	v1 =	vadd.f32 v2, v1;
	_ =	sdelay $0x1  }
0x2d4: {  	v2 =	vld [tilespmem:s6+$0x18710];
	[tilespmem:s4+$0x1C770] =	vst v1;
	s4 =	smov.u32 s6  }
0x2d5: {  	v0 =	vld.idx.msk [tilespmem:v0+s3+$0x0], $0xffff  }
0x2d6: {  	v1 =	vld [tilespmem:s4+$0x1C700];
	_ =	sdelay $0x4  }
0x2d7: {  	v0 =	vadd.f32 v1, v0;
	_ =	sdelay $0x1  }
0x2d8: {  	[tilespmem:s4+$0x1C700] =	vst v0;
	v0 =	vld [tilespmem:s4+$0x18720]  }
0x2d9: {  	v1 =	vld.idx.msk [tilespmem:v2+s3+$0x0], $0xffff  }
0x2da: {  	v2 =	vld [tilespmem:s4+$0x1C710];
	_ =	sdelay $0x4  }
0x2db: {  	v1 =	vadd.f32 v2, v1;
	_ =	sdelay $0x1  }
0x2dc: {  	[tilespmem:s4+$0x1C710] =	vst v1;
	v1 =	vld [tilespmem:s4+$0x18730]  }
0x2dd: {  	v0 =	vld.idx.msk [tilespmem:v0+s3+$0x0], $0xffff  }
0x2de: {  	v2 =	vld [tilespmem:s4+$0x1C720];
	_ =	sdelay $0x4  }
0x2df: {  	v0 =	vadd.f32 v2, v0;
	_ =	sdelay $0x1  }
0x2e0: {  	[tilespmem:s4+$0x1C720] =	vst v0;
	v0 =	vld [tilespmem:s4+$0x18740]  }
0x2e1: {  	v1 =	vld.idx.msk [tilespmem:v1+s3+$0x0], $0xffff  }
0x2e2: {  	v2 =	vld [tilespmem:s4+$0x1C730];
	_ =	sdelay $0x4  }
0x2e3: {  	v1 =	vadd.f32 v2, v1;
	_ =	sdelay $0x1  }
0x2e4: {  	[tilespmem:s4+$0x1C730] =	vst v1;
	v1 =	vld [tilespmem:s4+$0x18750]  }
0x2e5: {  	v0 =	vld.idx.msk [tilespmem:v0+s3+$0x0], $0xffff  }
0x2e6: {  	v2 =	vld [tilespmem:s4+$0x1C740];
	_ =	sdelay $0x4  }
0x2e7: {  	v0 =	vadd.f32 v2, v0;
	_ =	sdelay $0x1  }
0x2e8: {  	[tilespmem:s4+$0x1C740] =	vst v0;
	v0 =	vld [tilespmem:s4+$0x18760]  }
0x2e9: {  	v1 =	vld.idx.msk [tilespmem:v1+s3+$0x0], $0xffff  }
0x2ea: {  	v2 =	vld [tilespmem:s4+$0x1C750];
	_ =	sdelay $0x4  }
0x2eb: {  	v1 =	vadd.f32 v2, v1;
	_ =	sdelay $0x1  }
0x2ec: {  	[tilespmem:s4+$0x1C750] =	vst v1;
	v1 =	vld [tilespmem:s4+$0x18770]  }
0x2ed: {  	v0 =	vld.idx.msk [tilespmem:v0+s3+$0x0], $0xffff  }
0x2ee: {  	v2 =	vld [tilespmem:s4+$0x1C760];
	_ =	sdelay $0x3  }
.Ltmp7:
0x2ef: {  	(pc) =	sbr.rel @p0 .LBB2_16-.Ltmp7, $4  }
0x2f0: {  	v2 =	vadd.f32 v2, v0  }
0x2f1: {  	s6 =	sshra.s32 s5, $0x2  }
0x2f2: {  	v0 =	vld [tilespmem:s6+$0x18700];
	[tilespmem:s4+$0x1C760] =	vst v2  }
0x2f3: {  	s5 =	sadd.s32 $0x200, s5;
	v1 =	vld.idx.msk [tilespmem:v1+s3+$0x0], $0xffff  }
0x2f4: {  	v2 =	vld [tilespmem:s4+$0x1C770];
	_ =	sdelay $0x4  }
0x2f5: {  	v1 =	vadd.f32 v2, v1;
	_ =	sdelay $0x1  }
0x2f6: {  	v2 =	vld [tilespmem:s6+$0x18710];
	[tilespmem:s4+$0x1C770] =	vst v1  }
0x2f7: {  	v0 =	vld.idx.msk [tilespmem:v0+s3+$0x0], $0xffff  }
0x2f8: {  	v1 =	vld [tilespmem:s6+$0x1C700];
	_ =	sdelay $0x4  }
0x2f9: {  	v0 =	vadd.f32 v1, v0;
	_ =	sdelay $0x1  }
0x2fa: {  	v1 =	vld [tilespmem:s6+$0x1C710];
	[tilespmem:s6+$0x1C700] =	vst v0  }
0x2fb: {  	v0 =	vld.idx.msk [tilespmem:v2+s3+$0x0], $0xffff  }
0x2fc: {  	v2 =	vld [tilespmem:s6+$0x18720];
	_ =	sdelay $0x4  }
0x2fd: {  	v0 =	vadd.f32 v1, v0;
	_ =	sdelay $0x1  }
0x2fe: {  	[tilespmem:s6+$0x1C710] =	vst v0;
	v0 =	vld [tilespmem:s6+$0x18730]  }
0x2ff: {  	v1 =	vld.idx.msk [tilespmem:v2+s3+$0x0], $0xffff  }
0x300: {  	v2 =	vld [tilespmem:s6+$0x1C720];
	_ =	sdelay $0x4  }
0x301: {  	v1 =	vadd.f32 v2, v1  }
0x302: {  	v2 =	vld [tilespmem:s6+$0x18740]  }
0x303: {  	[tilespmem:s6+$0x1C720] =	vst v1;
	v1 =	vld [tilespmem:s6+$0x1C730]  }
0x304: {  	v0 =	vld.idx.msk [tilespmem:v0+s3+$0x0], $0xffff;
	_ =	sdelay $0x4  }
0x305: {  	v0 =	vadd.f32 v1, v0;
	_ =	sdelay $0x1  }
0x306: {  	[tilespmem:s6+$0x1C730] =	vst v0;
	v0 =	vld [tilespmem:s6+$0x18750]  }
0x307: {  	v1 =	vld.idx.msk [tilespmem:v2+s3+$0x0], $0xffff  }
0x308: {  	v2 =	vld [tilespmem:s6+$0x1C740];
	_ =	sdelay $0x4  }
0x309: {  	v1 =	vadd.f32 v2, v1  }
0x30a: {  	v2 =	vld [tilespmem:s6+$0x18760]  }
0x30b: {  	[tilespmem:s6+$0x1C740] =	vst v1;
	v1 =	vld [tilespmem:s6+$0x1C750]  }
0x30c: {  	v0 =	vld.idx.msk [tilespmem:v0+s3+$0x0], $0xffff;
	_ =	sdelay $0x4  }
0x30d: {  	v0 =	vadd.f32 v1, v0;
	_ =	sdelay $0x1  }
0x30e: {  	[tilespmem:s6+$0x1C750] =	vst v0;
	v0 =	vld [tilespmem:s6+$0x18770]  }
0x30f: {  	v1 =	vld.idx.msk [tilespmem:v2+s3+$0x0], $0xffff  }
0x310: {  	v2 =	vld [tilespmem:s6+$0x1C760];
	_ =	sdelay $0x4  }
0x311: {  	v1 =	vadd.f32 v2, v1;
	_ =	sdelay $0x1  }
0x312: {  	[tilespmem:s6+$0x1C760] =	vst v1;
	v1 =	vld [tilespmem:s6+$0x1C770]  }
0x313: {  	v0 =	vld.idx.msk [tilespmem:v0+s3+$0x0], $0xffff;
	_ =	sdelay $0x4  }
0x314: {  	v0 =	vadd.f32 v1, v0;
	_ =	sdelay $0x1  }
0x315: {  	[tilespmem:s6+$0x1C770] =	vst v0;
	s6 =	simm.s32 $0x0  }
0x316: {  	[tilespmem:s6], [sflag:$0x1] =	stream.strided.gather [hbm4b:s15+s30], $0x18700, s31, s30, $0x38;
	[tilespmem:$0x1E700] =	vst v63  }
0x317: {  	_ =	swait.ge [sflag:s0], $0x18700  }
0x318: {  	[sflag:s0] =	ssyncset.done $0x0  }
0x319: {  	[sflag:s0] =	ssyncadd.s32 $0xFFFE7900  }
0x31a: {  	[tilespmem:s2], [sflag:$0x1] =	stream.strided.gather [hbm4b:s16+s30], $0x2000, s31, s30, $0x38;
	[tilespmem:$0x1E700] =	vst v63  }
0x31b: {  	_ =	swait.ge [sflag:s0], $0x2000  }
0x31c: {  	[sflag:s0] =	ssyncset.done $0x0  }
0x31d: {  	s4 =	simm.s32 $0x0;
	[sflag:s0] =	ssyncadd.s32 $0xFFFFE000  }
0x31e: {  	v0 =	vld [tilespmem:s4+$0x18700];
	_ =	sdelay $0x5  }
0x31f: {  	v1 =	vld [tilespmem:s4+$0x18710]  }
0x320: {  	v2 =	vld [tilespmem:s4+$0x1A700]  }
0x321: {  	v0 =	vld.idx.msk [tilespmem:v0+s3+$0x0], $0xffff;
	_ =	sdelay $0x4  }
0x322: {  	v0 =	vadd.f32 v2, v0;
	_ =	sdelay $0x1  }
0x323: {  	v2 =	vld [tilespmem:s4+$0x18720];
	[tilespmem:s4+$0x1A700] =	vst v0  }
0x324: {  	v0 =	vld.idx.msk [tilespmem:v1+s3+$0x0], $0xffff  }
0x325: {  	v1 =	vld [tilespmem:s4+$0x1A710];
	_ =	sdelay $0x4  }
0x326: {  	v0 =	vadd.f32 v1, v0;
	_ =	sdelay $0x1  }
0x327: {  	[tilespmem:s4+$0x1A710] =	vst v0;
	v0 =	vld [tilespmem:s4+$0x18730]  }
0x328: {  	v1 =	vld.idx.msk [tilespmem:v2+s3+$0x0], $0xffff  }
0x329: {  	v2 =	vld [tilespmem:s4+$0x1A720];
	_ =	sdelay $0x4  }
0x32a: {  	v1 =	vadd.f32 v2, v1  }
0x32b: {  	v2 =	vld [tilespmem:s4+$0x18740]  }
0x32c: {  	[tilespmem:s4+$0x1A720] =	vst v1;
	v1 =	vld [tilespmem:s4+$0x1A730]  }
0x32d: {  	v0 =	vld.idx.msk [tilespmem:v0+s3+$0x0], $0xffff;
	_ =	sdelay $0x4  }
0x32e: {  	v0 =	vadd.f32 v1, v0;
	_ =	sdelay $0x1  }
0x32f: {  	[tilespmem:s4+$0x1A730] =	vst v0;
	v0 =	vld [tilespmem:s4+$0x18750]  }
0x330: {  	v1 =	vld.idx.msk [tilespmem:v2+s3+$0x0], $0xffff  }
0x331: {  	v2 =	vld [tilespmem:s4+$0x1A740];
	_ =	sdelay $0x4  }
0x332: {  	v1 =	vadd.f32 v2, v1  }
0x333: {  	v2 =	vld [tilespmem:s4+$0x18760]  }
0x334: {  	[tilespmem:s4+$0x1A740] =	vst v1;
	v1 =	vld [tilespmem:s4+$0x1A750]  }
0x335: {  	v0 =	vld.idx.msk [tilespmem:v0+s3+$0x0], $0xffff;
	_ =	sdelay $0x4  }
0x336: {  	v0 =	vadd.f32 v1, v0;
	_ =	sdelay $0x1  }
0x337: {  	v1 =	vld [tilespmem:s4+$0x18770];
	[tilespmem:s4+$0x1A750] =	vst v0  }
0x338: {  	v0 =	vld.idx.msk [tilespmem:v2+s3+$0x0], $0xffff  }
0x339: {  	v2 =	vld [tilespmem:s4+$0x1A760];
	_ =	sdelay $0x4  }
0x33a: {  	v2 =	vadd.f32 v2, v0  }
0x33b: {  	s6 =	simm.s32 $0x80  }
0x33c: {  	v0 =	vld [tilespmem:s6+$0x18700];
	[tilespmem:s4+$0x1A760] =	vst v2  }
0x33d: {  	s5 =	simm.s32 $0x400;
	v1 =	vld.idx.msk [tilespmem:v1+s3+$0x0], $0xffff  }
.LBB2_18:
0x33e: {  	p0 =	sne.s32 s5, $0x7E00;
	v2 =	vld [tilespmem:s4+$0x1A770];
	_ =	sdelay $0x4  }
0x33f: {  	v1 =	vadd.f32 v2, v1;
	_ =	sdelay $0x1  }
0x340: {  	v2 =	vld [tilespmem:s6+$0x18710];
	[tilespmem:s4+$0x1A770] =	vst v1;
	s4 =	smov.u32 s6  }
0x341: {  	v0 =	vld.idx.msk [tilespmem:v0+s3+$0x0], $0xffff  }
0x342: {  	v1 =	vld [tilespmem:s4+$0x1A700];
	_ =	sdelay $0x4  }
0x343: {  	v0 =	vadd.f32 v1, v0;
	_ =	sdelay $0x1  }
0x344: {  	[tilespmem:s4+$0x1A700] =	vst v0;
	v0 =	vld [tilespmem:s4+$0x18720]  }
0x345: {  	v1 =	vld.idx.msk [tilespmem:v2+s3+$0x0], $0xffff  }
0x346: {  	v2 =	vld [tilespmem:s4+$0x1A710];
	_ =	sdelay $0x4  }
0x347: {  	v1 =	vadd.f32 v2, v1;
	_ =	sdelay $0x1  }
0x348: {  	[tilespmem:s4+$0x1A710] =	vst v1;
	v1 =	vld [tilespmem:s4+$0x18730]  }
0x349: {  	v0 =	vld.idx.msk [tilespmem:v0+s3+$0x0], $0xffff  }
0x34a: {  	v2 =	vld [tilespmem:s4+$0x1A720];
	_ =	sdelay $0x4  }
0x34b: {  	v0 =	vadd.f32 v2, v0;
	_ =	sdelay $0x1  }
0x34c: {  	[tilespmem:s4+$0x1A720] =	vst v0;
	v0 =	vld [tilespmem:s4+$0x18740]  }
0x34d: {  	v1 =	vld.idx.msk [tilespmem:v1+s3+$0x0], $0xffff  }
0x34e: {  	v2 =	vld [tilespmem:s4+$0x1A730];
	_ =	sdelay $0x4  }
0x34f: {  	v1 =	vadd.f32 v2, v1;
	_ =	sdelay $0x1  }
0x350: {  	[tilespmem:s4+$0x1A730] =	vst v1;
	v1 =	vld [tilespmem:s4+$0x18750]  }
0x351: {  	v0 =	vld.idx.msk [tilespmem:v0+s3+$0x0], $0xffff  }
0x352: {  	v2 =	vld [tilespmem:s4+$0x1A740];
	_ =	sdelay $0x4  }
0x353: {  	v0 =	vadd.f32 v2, v0;
	_ =	sdelay $0x1  }
0x354: {  	[tilespmem:s4+$0x1A740] =	vst v0;
	v0 =	vld [tilespmem:s4+$0x18760]  }
0x355: {  	v1 =	vld.idx.msk [tilespmem:v1+s3+$0x0], $0xffff  }
0x356: {  	v2 =	vld [tilespmem:s4+$0x1A750];
	_ =	sdelay $0x4  }
0x357: {  	v1 =	vadd.f32 v2, v1;
	_ =	sdelay $0x1  }
0x358: {  	[tilespmem:s4+$0x1A750] =	vst v1;
	v1 =	vld [tilespmem:s4+$0x18770]  }
0x359: {  	v0 =	vld.idx.msk [tilespmem:v0+s3+$0x0], $0xffff  }
0x35a: {  	v2 =	vld [tilespmem:s4+$0x1A760];
	_ =	sdelay $0x3  }
.Ltmp8:
0x35b: {  	(pc) =	sbr.rel @p0 .LBB2_18-.Ltmp8, $4  }
0x35c: {  	v2 =	vadd.f32 v2, v0  }
0x35d: {  	s6 =	sshra.s32 s5, $0x2  }
0x35e: {  	v0 =	vld [tilespmem:s6+$0x18700];
	[tilespmem:s4+$0x1A760] =	vst v2  }
0x35f: {  	s5 =	sadd.s32 $0x200, s5;
	v1 =	vld.idx.msk [tilespmem:v1+s3+$0x0], $0xffff  }
0x360: {  	v2 =	vld [tilespmem:s4+$0x1A770];
	_ =	sdelay $0x4  }
0x361: {  	v1 =	vadd.f32 v2, v1;
	_ =	sdelay $0x1  }
0x362: {  	v2 =	vld [tilespmem:s6+$0x18710];
	[tilespmem:s4+$0x1A770] =	vst v1  }
0x363: {  	v0 =	vld.idx.msk [tilespmem:v0+s3+$0x0], $0xffff  }
0x364: {  	v1 =	vld [tilespmem:s6+$0x1A700];
	_ =	sdelay $0x4  }
0x365: {  	v0 =	vadd.f32 v1, v0;
	_ =	sdelay $0x1  }
0x366: {  	v1 =	vld [tilespmem:s6+$0x1A710];
	[tilespmem:s6+$0x1A700] =	vst v0  }
0x367: {  	v0 =	vld.idx.msk [tilespmem:v2+s3+$0x0], $0xffff  }
0x368: {  	v2 =	vld [tilespmem:s6+$0x18720];
	_ =	sdelay $0x4  }
0x369: {  	v0 =	vadd.f32 v1, v0;
	_ =	sdelay $0x1  }
0x36a: {  	[tilespmem:s6+$0x1A710] =	vst v0;
	v0 =	vld [tilespmem:s6+$0x18730]  }
0x36b: {  	v1 =	vld.idx.msk [tilespmem:v2+s3+$0x0], $0xffff  }
0x36c: {  	v2 =	vld [tilespmem:s6+$0x1A720];
	_ =	sdelay $0x4  }
0x36d: {  	v1 =	vadd.f32 v2, v1  }
0x36e: {  	v2 =	vld [tilespmem:s6+$0x18740]  }
0x36f: {  	[tilespmem:s6+$0x1A720] =	vst v1;
	v1 =	vld [tilespmem:s6+$0x1A730]  }
0x370: {  	v0 =	vld.idx.msk [tilespmem:v0+s3+$0x0], $0xffff;
	_ =	sdelay $0x4  }
0x371: {  	v0 =	vadd.f32 v1, v0;
	_ =	sdelay $0x1  }
0x372: {  	[tilespmem:s6+$0x1A730] =	vst v0;
	v0 =	vld [tilespmem:s6+$0x18750]  }
0x373: {  	v1 =	vld.idx.msk [tilespmem:v2+s3+$0x0], $0xffff  }
0x374: {  	v2 =	vld [tilespmem:s6+$0x1A740];
	_ =	sdelay $0x4  }
0x375: {  	v1 =	vadd.f32 v2, v1  }
0x376: {  	v2 =	vld [tilespmem:s6+$0x18760]  }
0x377: {  	[tilespmem:s6+$0x1A740] =	vst v1;
	v1 =	vld [tilespmem:s6+$0x1A750]  }
0x378: {  	v0 =	vld.idx.msk [tilespmem:v0+s3+$0x0], $0xffff;
	_ =	sdelay $0x4  }
0x379: {  	v0 =	vadd.f32 v1, v0;
	_ =	sdelay $0x1  }
0x37a: {  	[tilespmem:s6+$0x1A750] =	vst v0;
	v0 =	vld [tilespmem:s6+$0x18770]  }
0x37b: {  	v1 =	vld.idx.msk [tilespmem:v2+s3+$0x0], $0xffff  }
0x37c: {  	v2 =	vld [tilespmem:s6+$0x1A760];
	_ =	sdelay $0x4  }
0x37d: {  	v1 =	vadd.f32 v2, v1;
	_ =	sdelay $0x1  }
0x37e: {  	[tilespmem:s6+$0x1A760] =	vst v1;
	v1 =	vld [tilespmem:s6+$0x1A770]  }
0x37f: {  	v0 =	vld.idx.msk [tilespmem:v0+s3+$0x0], $0xffff;
	_ =	sdelay $0x4  }
0x380: {  	v0 =	vadd.f32 v1, v0;
	_ =	sdelay $0x1  }
0x381: {  	[tilespmem:s6+$0x1A770] =	vst v0  }
0x382: {  	[tilespmem:s2], [sflag:$0x1] =	stream.strided.gather [hbm4b:s17+s30], $0x2000, s31, s30, $0x38;
	[tilespmem:$0x1E700] =	vst v63  }
0x383: {  	_ =	swait.ge [sflag:s0], $0x2000  }
0x384: {  	[sflag:s0] =	ssyncset.done $0x0  }
0x385: {  	s4 =	simm.s32 $0x0;
	[sflag:s0] =	ssyncadd.s32 $0xFFFFE000  }
0x386: {  	v0 =	vld [tilespmem:s4+$0x18700];
	_ =	sdelay $0x5  }
0x387: {  	v1 =	vld [tilespmem:s4+$0x18710]  }
0x388: {  	v2 =	vld [tilespmem:s4+$0x1C700]  }
0x389: {  	v0 =	vld.idx.msk [tilespmem:v0+s3+$0x0], $0xffff;
	_ =	sdelay $0x4  }
0x38a: {  	v0 =	vadd.f32 v2, v0;
	_ =	sdelay $0x1  }
0x38b: {  	v2 =	vld [tilespmem:s4+$0x18720];
	[tilespmem:s4+$0x1C700] =	vst v0  }
0x38c: {  	v0 =	vld.idx.msk [tilespmem:v1+s3+$0x0], $0xffff  }
0x38d: {  	v1 =	vld [tilespmem:s4+$0x1C710];
	_ =	sdelay $0x4  }
0x38e: {  	v0 =	vadd.f32 v1, v0;
	_ =	sdelay $0x1  }
0x38f: {  	[tilespmem:s4+$0x1C710] =	vst v0;
	v0 =	vld [tilespmem:s4+$0x18730]  }
0x390: {  	v1 =	vld.idx.msk [tilespmem:v2+s3+$0x0], $0xffff  }
0x391: {  	v2 =	vld [tilespmem:s4+$0x1C720];
	_ =	sdelay $0x4  }
0x392: {  	v1 =	vadd.f32 v2, v1  }
0x393: {  	v2 =	vld [tilespmem:s4+$0x18740]  }
0x394: {  	[tilespmem:s4+$0x1C720] =	vst v1;
	v1 =	vld [tilespmem:s4+$0x1C730]  }
0x395: {  	v0 =	vld.idx.msk [tilespmem:v0+s3+$0x0], $0xffff;
	_ =	sdelay $0x4  }
0x396: {  	v0 =	vadd.f32 v1, v0;
	_ =	sdelay $0x1  }
0x397: {  	[tilespmem:s4+$0x1C730] =	vst v0;
	v0 =	vld [tilespmem:s4+$0x18750]  }
0x398: {  	v1 =	vld.idx.msk [tilespmem:v2+s3+$0x0], $0xffff  }
0x399: {  	v2 =	vld [tilespmem:s4+$0x1C740];
	_ =	sdelay $0x4  }
0x39a: {  	v1 =	vadd.f32 v2, v1  }
0x39b: {  	v2 =	vld [tilespmem:s4+$0x18760]  }
0x39c: {  	[tilespmem:s4+$0x1C740] =	vst v1;
	v1 =	vld [tilespmem:s4+$0x1C750]  }
0x39d: {  	v0 =	vld.idx.msk [tilespmem:v0+s3+$0x0], $0xffff;
	_ =	sdelay $0x4  }
0x39e: {  	v0 =	vadd.f32 v1, v0;
	_ =	sdelay $0x1  }
0x39f: {  	v1 =	vld [tilespmem:s4+$0x18770];
	[tilespmem:s4+$0x1C750] =	vst v0  }
0x3a0: {  	v0 =	vld.idx.msk [tilespmem:v2+s3+$0x0], $0xffff  }
0x3a1: {  	v2 =	vld [tilespmem:s4+$0x1C760];
	_ =	sdelay $0x4  }
0x3a2: {  	v2 =	vadd.f32 v2, v0  }
0x3a3: {  	s6 =	simm.s32 $0x80  }
0x3a4: {  	v0 =	vld [tilespmem:s6+$0x18700];
	[tilespmem:s4+$0x1C760] =	vst v2  }
0x3a5: {  	s5 =	simm.s32 $0x400;
	v1 =	vld.idx.msk [tilespmem:v1+s3+$0x0], $0xffff  }
.LBB2_20:
0x3a6: {  	p0 =	sne.s32 s5, $0x7E00;
	v2 =	vld [tilespmem:s4+$0x1C770];
	_ =	sdelay $0x4  }
0x3a7: {  	v1 =	vadd.f32 v2, v1;
	_ =	sdelay $0x1  }
0x3a8: {  	v2 =	vld [tilespmem:s6+$0x18710];
	[tilespmem:s4+$0x1C770] =	vst v1;
	s4 =	smov.u32 s6  }
0x3a9: {  	v0 =	vld.idx.msk [tilespmem:v0+s3+$0x0], $0xffff  }
0x3aa: {  	v1 =	vld [tilespmem:s4+$0x1C700];
	_ =	sdelay $0x4  }
0x3ab: {  	v0 =	vadd.f32 v1, v0;
	_ =	sdelay $0x1  }
0x3ac: {  	[tilespmem:s4+$0x1C700] =	vst v0;
	v0 =	vld [tilespmem:s4+$0x18720]  }
0x3ad: {  	v1 =	vld.idx.msk [tilespmem:v2+s3+$0x0], $0xffff  }
0x3ae: {  	v2 =	vld [tilespmem:s4+$0x1C710];
	_ =	sdelay $0x4  }
0x3af: {  	v1 =	vadd.f32 v2, v1;
	_ =	sdelay $0x1  }
0x3b0: {  	[tilespmem:s4+$0x1C710] =	vst v1;
	v1 =	vld [tilespmem:s4+$0x18730]  }
0x3b1: {  	v0 =	vld.idx.msk [tilespmem:v0+s3+$0x0], $0xffff  }
0x3b2: {  	v2 =	vld [tilespmem:s4+$0x1C720];
	_ =	sdelay $0x4  }
0x3b3: {  	v0 =	vadd.f32 v2, v0;
	_ =	sdelay $0x1  }
0x3b4: {  	[tilespmem:s4+$0x1C720] =	vst v0;
	v0 =	vld [tilespmem:s4+$0x18740]  }
0x3b5: {  	v1 =	vld.idx.msk [tilespmem:v1+s3+$0x0], $0xffff  }
0x3b6: {  	v2 =	vld [tilespmem:s4+$0x1C730];
	_ =	sdelay $0x4  }
0x3b7: {  	v1 =	vadd.f32 v2, v1;
	_ =	sdelay $0x1  }
0x3b8: {  	[tilespmem:s4+$0x1C730] =	vst v1;
	v1 =	vld [tilespmem:s4+$0x18750]  }
0x3b9: {  	v0 =	vld.idx.msk [tilespmem:v0+s3+$0x0], $0xffff  }
0x3ba: {  	v2 =	vld [tilespmem:s4+$0x1C740];
	_ =	sdelay $0x4  }
0x3bb: {  	v0 =	vadd.f32 v2, v0;
	_ =	sdelay $0x1  }
0x3bc: {  	[tilespmem:s4+$0x1C740] =	vst v0;
	v0 =	vld [tilespmem:s4+$0x18760]  }
0x3bd: {  	v1 =	vld.idx.msk [tilespmem:v1+s3+$0x0], $0xffff  }
0x3be: {  	v2 =	vld [tilespmem:s4+$0x1C750];
	_ =	sdelay $0x4  }
0x3bf: {  	v1 =	vadd.f32 v2, v1;
	_ =	sdelay $0x1  }
0x3c0: {  	[tilespmem:s4+$0x1C750] =	vst v1;
	v1 =	vld [tilespmem:s4+$0x18770]  }
0x3c1: {  	v0 =	vld.idx.msk [tilespmem:v0+s3+$0x0], $0xffff  }
0x3c2: {  	v2 =	vld [tilespmem:s4+$0x1C760];
	_ =	sdelay $0x3  }
.Ltmp9:
0x3c3: {  	(pc) =	sbr.rel @p0 .LBB2_20-.Ltmp9, $4  }
0x3c4: {  	v2 =	vadd.f32 v2, v0  }
0x3c5: {  	s6 =	sshra.s32 s5, $0x2  }
0x3c6: {  	v0 =	vld [tilespmem:s6+$0x18700];
	[tilespmem:s4+$0x1C760] =	vst v2  }
0x3c7: {  	s5 =	sadd.s32 $0x200, s5;
	v1 =	vld.idx.msk [tilespmem:v1+s3+$0x0], $0xffff  }
0x3c8: {  	v2 =	vld [tilespmem:s4+$0x1C770];
	_ =	sdelay $0x4  }
0x3c9: {  	v1 =	vadd.f32 v2, v1;
	_ =	sdelay $0x1  }
0x3ca: {  	v2 =	vld [tilespmem:s6+$0x18710];
	[tilespmem:s4+$0x1C770] =	vst v1  }
0x3cb: {  	v0 =	vld.idx.msk [tilespmem:v0+s3+$0x0], $0xffff  }
0x3cc: {  	v1 =	vld [tilespmem:s6+$0x1C700];
	_ =	sdelay $0x4  }
0x3cd: {  	v0 =	vadd.f32 v1, v0;
	_ =	sdelay $0x1  }
0x3ce: {  	v1 =	vld [tilespmem:s6+$0x1C710];
	[tilespmem:s6+$0x1C700] =	vst v0  }
0x3cf: {  	v0 =	vld.idx.msk [tilespmem:v2+s3+$0x0], $0xffff  }
0x3d0: {  	v2 =	vld [tilespmem:s6+$0x18720];
	_ =	sdelay $0x4  }
0x3d1: {  	v0 =	vadd.f32 v1, v0;
	_ =	sdelay $0x1  }
0x3d2: {  	[tilespmem:s6+$0x1C710] =	vst v0;
	v0 =	vld [tilespmem:s6+$0x18730]  }
0x3d3: {  	v1 =	vld.idx.msk [tilespmem:v2+s3+$0x0], $0xffff  }
0x3d4: {  	v2 =	vld [tilespmem:s6+$0x1C720];
	_ =	sdelay $0x4  }
0x3d5: {  	v1 =	vadd.f32 v2, v1  }
0x3d6: {  	v2 =	vld [tilespmem:s6+$0x18740]  }
0x3d7: {  	[tilespmem:s6+$0x1C720] =	vst v1;
	v1 =	vld [tilespmem:s6+$0x1C730]  }
0x3d8: {  	v0 =	vld.idx.msk [tilespmem:v0+s3+$0x0], $0xffff;
	_ =	sdelay $0x4  }
0x3d9: {  	v0 =	vadd.f32 v1, v0;
	_ =	sdelay $0x1  }
0x3da: {  	[tilespmem:s6+$0x1C730] =	vst v0;
	v0 =	vld [tilespmem:s6+$0x18750]  }
0x3db: {  	v1 =	vld.idx.msk [tilespmem:v2+s3+$0x0], $0xffff  }
0x3dc: {  	v2 =	vld [tilespmem:s6+$0x1C740];
	_ =	sdelay $0x4  }
0x3dd: {  	v1 =	vadd.f32 v2, v1  }
0x3de: {  	v2 =	vld [tilespmem:s6+$0x18760]  }
0x3df: {  	[tilespmem:s6+$0x1C740] =	vst v1;
	v1 =	vld [tilespmem:s6+$0x1C750]  }
0x3e0: {  	v0 =	vld.idx.msk [tilespmem:v0+s3+$0x0], $0xffff;
	_ =	sdelay $0x4  }
0x3e1: {  	v0 =	vadd.f32 v1, v0;
	_ =	sdelay $0x1  }
0x3e2: {  	[tilespmem:s6+$0x1C750] =	vst v0;
	v0 =	vld [tilespmem:s6+$0x18770]  }
0x3e3: {  	v1 =	vld.idx.msk [tilespmem:v2+s3+$0x0], $0xffff  }
0x3e4: {  	v2 =	vld [tilespmem:s6+$0x1C760];
	_ =	sdelay $0x4  }
0x3e5: {  	v1 =	vadd.f32 v2, v1;
	_ =	sdelay $0x1  }
0x3e6: {  	[tilespmem:s6+$0x1C760] =	vst v1;
	v1 =	vld [tilespmem:s6+$0x1C770]  }
0x3e7: {  	v0 =	vld.idx.msk [tilespmem:v0+s3+$0x0], $0xffff;
	_ =	sdelay $0x4  }
0x3e8: {  	v0 =	vadd.f32 v1, v0;
	_ =	sdelay $0x1  }
0x3e9: {  	[tilespmem:s6+$0x1C770] =	vst v0;
	s6 =	simm.s32 $0x0  }
0x3ea: {  	[tilespmem:s6], [sflag:$0x1] =	stream.strided.gather [hbm4b:s18+s30], $0x18700, s31, s30, $0x38;
	[tilespmem:$0x1E700] =	vst v63  }
0x3eb: {  	_ =	swait.ge [sflag:s0], $0x18700  }
0x3ec: {  	[sflag:s0] =	ssyncset.done $0x0  }
0x3ed: {  	[sflag:s0] =	ssyncadd.s32 $0xFFFE7900  }
0x3ee: {  	[tilespmem:s2], [sflag:$0x1] =	stream.strided.gather [hbm4b:s19+s30], $0x2000, s31, s30, $0x38;
	[tilespmem:$0x1E700] =	vst v63  }
0x3ef: {  	_ =	swait.ge [sflag:s0], $0x2000  }
0x3f0: {  	[sflag:s0] =	ssyncset.done $0x0  }
0x3f1: {  	s4 =	simm.s32 $0x0;
	[sflag:s0] =	ssyncadd.s32 $0xFFFFE000  }
0x3f2: {  	v0 =	vld [tilespmem:s4+$0x18700];
	_ =	sdelay $0x5  }
0x3f3: {  	v1 =	vld [tilespmem:s4+$0x18710]  }
0x3f4: {  	v2 =	vld [tilespmem:s4+$0x1A700]  }
0x3f5: {  	v0 =	vld.idx.msk [tilespmem:v0+s3+$0x0], $0xffff;
	_ =	sdelay $0x4  }
0x3f6: {  	v0 =	vadd.f32 v2, v0;
	_ =	sdelay $0x1  }
0x3f7: {  	v2 =	vld [tilespmem:s4+$0x18720];
	[tilespmem:s4+$0x1A700] =	vst v0  }
0x3f8: {  	v0 =	vld.idx.msk [tilespmem:v1+s3+$0x0], $0xffff  }
0x3f9: {  	v1 =	vld [tilespmem:s4+$0x1A710];
	_ =	sdelay $0x4  }
0x3fa: {  	v0 =	vadd.f32 v1, v0;
	_ =	sdelay $0x1  }
0x3fb: {  	[tilespmem:s4+$0x1A710] =	vst v0;
	v0 =	vld [tilespmem:s4+$0x18730]  }
0x3fc: {  	v1 =	vld.idx.msk [tilespmem:v2+s3+$0x0], $0xffff  }
0x3fd: {  	v2 =	vld [tilespmem:s4+$0x1A720];
	_ =	sdelay $0x4  }
0x3fe: {  	v1 =	vadd.f32 v2, v1  }
0x3ff: {  	v2 =	vld [tilespmem:s4+$0x18740]  }
0x400: {  	[tilespmem:s4+$0x1A720] =	vst v1;
	v1 =	vld [tilespmem:s4+$0x1A730]  }
0x401: {  	v0 =	vld.idx.msk [tilespmem:v0+s3+$0x0], $0xffff;
	_ =	sdelay $0x4  }
0x402: {  	v0 =	vadd.f32 v1, v0;
	_ =	sdelay $0x1  }
0x403: {  	[tilespmem:s4+$0x1A730] =	vst v0;
	v0 =	vld [tilespmem:s4+$0x18750]  }
0x404: {  	v1 =	vld.idx.msk [tilespmem:v2+s3+$0x0], $0xffff  }
0x405: {  	v2 =	vld [tilespmem:s4+$0x1A740];
	_ =	sdelay $0x4  }
0x406: {  	v1 =	vadd.f32 v2, v1  }
0x407: {  	v2 =	vld [tilespmem:s4+$0x18760]  }
0x408: {  	[tilespmem:s4+$0x1A740] =	vst v1;
	v1 =	vld [tilespmem:s4+$0x1A750]  }
0x409: {  	v0 =	vld.idx.msk [tilespmem:v0+s3+$0x0], $0xffff;
	_ =	sdelay $0x4  }
0x40a: {  	v0 =	vadd.f32 v1, v0;
	_ =	sdelay $0x1  }
0x40b: {  	v1 =	vld [tilespmem:s4+$0x18770];
	[tilespmem:s4+$0x1A750] =	vst v0  }
0x40c: {  	v0 =	vld.idx.msk [tilespmem:v2+s3+$0x0], $0xffff  }
0x40d: {  	v2 =	vld [tilespmem:s4+$0x1A760];
	_ =	sdelay $0x4  }
0x40e: {  	v2 =	vadd.f32 v2, v0  }
0x40f: {  	s6 =	simm.s32 $0x80  }
0x410: {  	v0 =	vld [tilespmem:s6+$0x18700];
	[tilespmem:s4+$0x1A760] =	vst v2  }
0x411: {  	s5 =	simm.s32 $0x400;
	v1 =	vld.idx.msk [tilespmem:v1+s3+$0x0], $0xffff  }
.LBB2_22:
0x412: {  	p0 =	sne.s32 s5, $0x7E00;
	v2 =	vld [tilespmem:s4+$0x1A770];
	_ =	sdelay $0x4  }
0x413: {  	v1 =	vadd.f32 v2, v1;
	_ =	sdelay $0x1  }
0x414: {  	v2 =	vld [tilespmem:s6+$0x18710];
	[tilespmem:s4+$0x1A770] =	vst v1;
	s4 =	smov.u32 s6  }
0x415: {  	v0 =	vld.idx.msk [tilespmem:v0+s3+$0x0], $0xffff  }
0x416: {  	v1 =	vld [tilespmem:s4+$0x1A700];
	_ =	sdelay $0x4  }
0x417: {  	v0 =	vadd.f32 v1, v0;
	_ =	sdelay $0x1  }
0x418: {  	[tilespmem:s4+$0x1A700] =	vst v0;
	v0 =	vld [tilespmem:s4+$0x18720]  }
0x419: {  	v1 =	vld.idx.msk [tilespmem:v2+s3+$0x0], $0xffff  }
0x41a: {  	v2 =	vld [tilespmem:s4+$0x1A710];
	_ =	sdelay $0x4  }
0x41b: {  	v1 =	vadd.f32 v2, v1;
	_ =	sdelay $0x1  }
0x41c: {  	[tilespmem:s4+$0x1A710] =	vst v1;
	v1 =	vld [tilespmem:s4+$0x18730]  }
0x41d: {  	v0 =	vld.idx.msk [tilespmem:v0+s3+$0x0], $0xffff  }
0x41e: {  	v2 =	vld [tilespmem:s4+$0x1A720];
	_ =	sdelay $0x4  }
0x41f: {  	v0 =	vadd.f32 v2, v0;
	_ =	sdelay $0x1  }
0x420: {  	[tilespmem:s4+$0x1A720] =	vst v0;
	v0 =	vld [tilespmem:s4+$0x18740]  }
0x421: {  	v1 =	vld.idx.msk [tilespmem:v1+s3+$0x0], $0xffff  }
0x422: {  	v2 =	vld [tilespmem:s4+$0x1A730];
	_ =	sdelay $0x4  }
0x423: {  	v1 =	vadd.f32 v2, v1;
	_ =	sdelay $0x1  }
0x424: {  	[tilespmem:s4+$0x1A730] =	vst v1;
	v1 =	vld [tilespmem:s4+$0x18750]  }
0x425: {  	v0 =	vld.idx.msk [tilespmem:v0+s3+$0x0], $0xffff  }
0x426: {  	v2 =	vld [tilespmem:s4+$0x1A740];
	_ =	sdelay $0x4  }
0x427: {  	v0 =	vadd.f32 v2, v0;
	_ =	sdelay $0x1  }
0x428: {  	[tilespmem:s4+$0x1A740] =	vst v0;
	v0 =	vld [tilespmem:s4+$0x18760]  }
0x429: {  	v1 =	vld.idx.msk [tilespmem:v1+s3+$0x0], $0xffff  }
0x42a: {  	v2 =	vld [tilespmem:s4+$0x1A750];
	_ =	sdelay $0x4  }
0x42b: {  	v1 =	vadd.f32 v2, v1;
	_ =	sdelay $0x1  }
0x42c: {  	[tilespmem:s4+$0x1A750] =	vst v1;
	v1 =	vld [tilespmem:s4+$0x18770]  }
0x42d: {  	v0 =	vld.idx.msk [tilespmem:v0+s3+$0x0], $0xffff  }
0x42e: {  	v2 =	vld [tilespmem:s4+$0x1A760];
	_ =	sdelay $0x3  }
.Ltmp10:
0x42f: {  	(pc) =	sbr.rel @p0 .LBB2_22-.Ltmp10, $4  }
0x430: {  	v2 =	vadd.f32 v2, v0  }
0x431: {  	s6 =	sshra.s32 s5, $0x2  }
0x432: {  	v0 =	vld [tilespmem:s6+$0x18700];
	[tilespmem:s4+$0x1A760] =	vst v2  }
0x433: {  	s5 =	sadd.s32 $0x200, s5;
	v1 =	vld.idx.msk [tilespmem:v1+s3+$0x0], $0xffff  }
0x434: {  	v2 =	vld [tilespmem:s4+$0x1A770];
	_ =	sdelay $0x4  }
0x435: {  	v1 =	vadd.f32 v2, v1;
	_ =	sdelay $0x1  }
0x436: {  	v2 =	vld [tilespmem:s6+$0x18710];
	[tilespmem:s4+$0x1A770] =	vst v1  }
0x437: {  	v0 =	vld.idx.msk [tilespmem:v0+s3+$0x0], $0xffff  }
0x438: {  	v1 =	vld [tilespmem:s6+$0x1A700];
	_ =	sdelay $0x4  }
0x439: {  	v0 =	vadd.f32 v1, v0;
	_ =	sdelay $0x1  }
0x43a: {  	v1 =	vld [tilespmem:s6+$0x1A710];
	[tilespmem:s6+$0x1A700] =	vst v0  }
0x43b: {  	v0 =	vld.idx.msk [tilespmem:v2+s3+$0x0], $0xffff  }
0x43c: {  	v2 =	vld [tilespmem:s6+$0x18720];
	_ =	sdelay $0x4  }
0x43d: {  	v0 =	vadd.f32 v1, v0;
	_ =	sdelay $0x1  }
0x43e: {  	[tilespmem:s6+$0x1A710] =	vst v0;
	v0 =	vld [tilespmem:s6+$0x18730]  }
0x43f: {  	v1 =	vld.idx.msk [tilespmem:v2+s3+$0x0], $0xffff  }
0x440: {  	v2 =	vld [tilespmem:s6+$0x1A720];
	_ =	sdelay $0x4  }
0x441: {  	v1 =	vadd.f32 v2, v1  }
0x442: {  	v2 =	vld [tilespmem:s6+$0x18740]  }
0x443: {  	[tilespmem:s6+$0x1A720] =	vst v1;
	v1 =	vld [tilespmem:s6+$0x1A730]  }
0x444: {  	v0 =	vld.idx.msk [tilespmem:v0+s3+$0x0], $0xffff;
	_ =	sdelay $0x4  }
0x445: {  	v0 =	vadd.f32 v1, v0;
	_ =	sdelay $0x1  }
0x446: {  	[tilespmem:s6+$0x1A730] =	vst v0;
	v0 =	vld [tilespmem:s6+$0x18750]  }
0x447: {  	v1 =	vld.idx.msk [tilespmem:v2+s3+$0x0], $0xffff  }
0x448: {  	v2 =	vld [tilespmem:s6+$0x1A740];
	_ =	sdelay $0x4  }
0x449: {  	v1 =	vadd.f32 v2, v1  }
0x44a: {  	v2 =	vld [tilespmem:s6+$0x18760]  }
0x44b: {  	[tilespmem:s6+$0x1A740] =	vst v1;
	v1 =	vld [tilespmem:s6+$0x1A750]  }
0x44c: {  	v0 =	vld.idx.msk [tilespmem:v0+s3+$0x0], $0xffff;
	_ =	sdelay $0x4  }
0x44d: {  	v0 =	vadd.f32 v1, v0;
	_ =	sdelay $0x1  }
0x44e: {  	[tilespmem:s6+$0x1A750] =	vst v0;
	v0 =	vld [tilespmem:s6+$0x18770]  }
0x44f: {  	v1 =	vld.idx.msk [tilespmem:v2+s3+$0x0], $0xffff  }
0x450: {  	v2 =	vld [tilespmem:s6+$0x1A760];
	_ =	sdelay $0x4  }
0x451: {  	v1 =	vadd.f32 v2, v1;
	_ =	sdelay $0x1  }
0x452: {  	[tilespmem:s6+$0x1A760] =	vst v1;
	v1 =	vld [tilespmem:s6+$0x1A770]  }
0x453: {  	v0 =	vld.idx.msk [tilespmem:v0+s3+$0x0], $0xffff;
	_ =	sdelay $0x4  }
0x454: {  	v0 =	vadd.f32 v1, v0;
	_ =	sdelay $0x1  }
0x455: {  	[tilespmem:s6+$0x1A770] =	vst v0  }
0x456: {  	[tilespmem:s2], [sflag:$0x1] =	stream.strided.gather [hbm4b:s22+s30], $0x2000, s31, s30, $0x38;
	[tilespmem:$0x1E700] =	vst v63  }
0x457: {  	_ =	swait.ge [sflag:s0], $0x2000  }
0x458: {  	[sflag:s0] =	ssyncset.done $0x0  }
0x459: {  	s4 =	simm.s32 $0x0;
	[sflag:s0] =	ssyncadd.s32 $0xFFFFE000  }
0x45a: {  	v0 =	vld [tilespmem:s4+$0x18700];
	_ =	sdelay $0x5  }
0x45b: {  	v1 =	vld [tilespmem:s4+$0x18710]  }
0x45c: {  	v2 =	vld [tilespmem:s4+$0x1C700]  }
0x45d: {  	v0 =	vld.idx.msk [tilespmem:v0+s3+$0x0], $0xffff;
	_ =	sdelay $0x4  }
0x45e: {  	v0 =	vadd.f32 v2, v0;
	_ =	sdelay $0x1  }
0x45f: {  	v2 =	vld [tilespmem:s4+$0x18720];
	[tilespmem:s4+$0x1C700] =	vst v0  }
0x460: {  	v0 =	vld.idx.msk [tilespmem:v1+s3+$0x0], $0xffff  }
0x461: {  	v1 =	vld [tilespmem:s4+$0x1C710];
	_ =	sdelay $0x4  }
0x462: {  	v0 =	vadd.f32 v1, v0;
	_ =	sdelay $0x1  }
0x463: {  	[tilespmem:s4+$0x1C710] =	vst v0;
	v0 =	vld [tilespmem:s4+$0x18730]  }
0x464: {  	v1 =	vld.idx.msk [tilespmem:v2+s3+$0x0], $0xffff  }
0x465: {  	v2 =	vld [tilespmem:s4+$0x1C720];
	_ =	sdelay $0x4  }
0x466: {  	v1 =	vadd.f32 v2, v1  }
0x467: {  	v2 =	vld [tilespmem:s4+$0x18740]  }
0x468: {  	[tilespmem:s4+$0x1C720] =	vst v1;
	v1 =	vld [tilespmem:s4+$0x1C730]  }
0x469: {  	v0 =	vld.idx.msk [tilespmem:v0+s3+$0x0], $0xffff;
	_ =	sdelay $0x4  }
0x46a: {  	v0 =	vadd.f32 v1, v0;
	_ =	sdelay $0x1  }
0x46b: {  	[tilespmem:s4+$0x1C730] =	vst v0;
	v0 =	vld [tilespmem:s4+$0x18750]  }
0x46c: {  	v1 =	vld.idx.msk [tilespmem:v2+s3+$0x0], $0xffff  }
0x46d: {  	v2 =	vld [tilespmem:s4+$0x1C740];
	_ =	sdelay $0x4  }
0x46e: {  	v1 =	vadd.f32 v2, v1  }
0x46f: {  	v2 =	vld [tilespmem:s4+$0x18760]  }
0x470: {  	[tilespmem:s4+$0x1C740] =	vst v1;
	v1 =	vld [tilespmem:s4+$0x1C750]  }
0x471: {  	v0 =	vld.idx.msk [tilespmem:v0+s3+$0x0], $0xffff;
	_ =	sdelay $0x4  }
0x472: {  	v0 =	vadd.f32 v1, v0;
	_ =	sdelay $0x1  }
0x473: {  	v1 =	vld [tilespmem:s4+$0x18770];
	[tilespmem:s4+$0x1C750] =	vst v0  }
0x474: {  	v0 =	vld.idx.msk [tilespmem:v2+s3+$0x0], $0xffff  }
0x475: {  	v2 =	vld [tilespmem:s4+$0x1C760];
	_ =	sdelay $0x4  }
0x476: {  	v2 =	vadd.f32 v2, v0  }
0x477: {  	s6 =	simm.s32 $0x80  }
0x478: {  	v0 =	vld [tilespmem:s6+$0x18700];
	[tilespmem:s4+$0x1C760] =	vst v2  }
0x479: {  	s5 =	simm.s32 $0x400;
	v1 =	vld.idx.msk [tilespmem:v1+s3+$0x0], $0xffff  }
.LBB2_24:
0x47a: {  	p0 =	sne.s32 s5, $0x7E00;
	v2 =	vld [tilespmem:s4+$0x1C770];
	_ =	sdelay $0x4  }
0x47b: {  	v1 =	vadd.f32 v2, v1;
	_ =	sdelay $0x1  }
0x47c: {  	v2 =	vld [tilespmem:s6+$0x18710];
	[tilespmem:s4+$0x1C770] =	vst v1;
	s4 =	smov.u32 s6  }
0x47d: {  	v0 =	vld.idx.msk [tilespmem:v0+s3+$0x0], $0xffff  }
0x47e: {  	v1 =	vld [tilespmem:s4+$0x1C700];
	_ =	sdelay $0x4  }
0x47f: {  	v0 =	vadd.f32 v1, v0;
	_ =	sdelay $0x1  }
0x480: {  	[tilespmem:s4+$0x1C700] =	vst v0;
	v0 =	vld [tilespmem:s4+$0x18720]  }
0x481: {  	v1 =	vld.idx.msk [tilespmem:v2+s3+$0x0], $0xffff  }
0x482: {  	v2 =	vld [tilespmem:s4+$0x1C710];
	_ =	sdelay $0x4  }
0x483: {  	v1 =	vadd.f32 v2, v1;
	_ =	sdelay $0x1  }
0x484: {  	[tilespmem:s4+$0x1C710] =	vst v1;
	v1 =	vld [tilespmem:s4+$0x18730]  }
0x485: {  	v0 =	vld.idx.msk [tilespmem:v0+s3+$0x0], $0xffff  }
0x486: {  	v2 =	vld [tilespmem:s4+$0x1C720];
	_ =	sdelay $0x4  }
0x487: {  	v0 =	vadd.f32 v2, v0;
	_ =	sdelay $0x1  }
0x488: {  	[tilespmem:s4+$0x1C720] =	vst v0;
	v0 =	vld [tilespmem:s4+$0x18740]  }
0x489: {  	v1 =	vld.idx.msk [tilespmem:v1+s3+$0x0], $0xffff  }
0x48a: {  	v2 =	vld [tilespmem:s4+$0x1C730];
	_ =	sdelay $0x4  }
0x48b: {  	v1 =	vadd.f32 v2, v1;
	_ =	sdelay $0x1  }
0x48c: {  	[tilespmem:s4+$0x1C730] =	vst v1;
	v1 =	vld [tilespmem:s4+$0x18750]  }
0x48d: {  	v0 =	vld.idx.msk [tilespmem:v0+s3+$0x0], $0xffff  }
0x48e: {  	v2 =	vld [tilespmem:s4+$0x1C740];
	_ =	sdelay $0x4  }
0x48f: {  	v0 =	vadd.f32 v2, v0;
	_ =	sdelay $0x1  }
0x490: {  	[tilespmem:s4+$0x1C740] =	vst v0;
	v0 =	vld [tilespmem:s4+$0x18760]  }
0x491: {  	v1 =	vld.idx.msk [tilespmem:v1+s3+$0x0], $0xffff  }
0x492: {  	v2 =	vld [tilespmem:s4+$0x1C750];
	_ =	sdelay $0x4  }
0x493: {  	v1 =	vadd.f32 v2, v1;
	_ =	sdelay $0x1  }
0x494: {  	[tilespmem:s4+$0x1C750] =	vst v1;
	v1 =	vld [tilespmem:s4+$0x18770]  }
0x495: {  	v0 =	vld.idx.msk [tilespmem:v0+s3+$0x0], $0xffff  }
0x496: {  	v2 =	vld [tilespmem:s4+$0x1C760];
	_ =	sdelay $0x3  }
.Ltmp11:
0x497: {  	(pc) =	sbr.rel @p0 .LBB2_24-.Ltmp11, $4  }
0x498: {  	v2 =	vadd.f32 v2, v0  }
0x499: {  	s6 =	sshra.s32 s5, $0x2  }
0x49a: {  	v0 =	vld [tilespmem:s6+$0x18700];
	[tilespmem:s4+$0x1C760] =	vst v2  }
0x49b: {  	s5 =	sadd.s32 $0x200, s5;
	v1 =	vld.idx.msk [tilespmem:v1+s3+$0x0], $0xffff  }
0x49c: {  	v2 =	vld [tilespmem:s4+$0x1C770];
	_ =	sdelay $0x4  }
0x49d: {  	v1 =	vadd.f32 v2, v1;
	_ =	sdelay $0x1  }
0x49e: {  	v2 =	vld [tilespmem:s6+$0x18710];
	[tilespmem:s4+$0x1C770] =	vst v1  }
0x49f: {  	v0 =	vld.idx.msk [tilespmem:v0+s3+$0x0], $0xffff  }
0x4a0: {  	v1 =	vld [tilespmem:s6+$0x1C700];
	_ =	sdelay $0x4  }
0x4a1: {  	v0 =	vadd.f32 v1, v0;
	_ =	sdelay $0x1  }
0x4a2: {  	v1 =	vld [tilespmem:s6+$0x1C710];
	[tilespmem:s6+$0x1C700] =	vst v0  }
0x4a3: {  	v0 =	vld.idx.msk [tilespmem:v2+s3+$0x0], $0xffff  }
0x4a4: {  	v2 =	vld [tilespmem:s6+$0x18720];
	_ =	sdelay $0x4  }
0x4a5: {  	v0 =	vadd.f32 v1, v0;
	_ =	sdelay $0x1  }
0x4a6: {  	[tilespmem:s6+$0x1C710] =	vst v0;
	v0 =	vld [tilespmem:s6+$0x18730]  }
0x4a7: {  	v1 =	vld.idx.msk [tilespmem:v2+s3+$0x0], $0xffff  }
0x4a8: {  	v2 =	vld [tilespmem:s6+$0x1C720];
	_ =	sdelay $0x4  }
0x4a9: {  	v1 =	vadd.f32 v2, v1  }
0x4aa: {  	v2 =	vld [tilespmem:s6+$0x18740]  }
0x4ab: {  	[tilespmem:s6+$0x1C720] =	vst v1;
	v1 =	vld [tilespmem:s6+$0x1C730]  }
0x4ac: {  	v0 =	vld.idx.msk [tilespmem:v0+s3+$0x0], $0xffff;
	_ =	sdelay $0x4  }
0x4ad: {  	v0 =	vadd.f32 v1, v0;
	_ =	sdelay $0x1  }
0x4ae: {  	[tilespmem:s6+$0x1C730] =	vst v0;
	v0 =	vld [tilespmem:s6+$0x18750]  }
0x4af: {  	v1 =	vld.idx.msk [tilespmem:v2+s3+$0x0], $0xffff  }
0x4b0: {  	v2 =	vld [tilespmem:s6+$0x1C740];
	_ =	sdelay $0x4  }
0x4b1: {  	v1 =	vadd.f32 v2, v1  }
0x4b2: {  	v2 =	vld [tilespmem:s6+$0x18760]  }
0x4b3: {  	[tilespmem:s6+$0x1C740] =	vst v1;
	v1 =	vld [tilespmem:s6+$0x1C750]  }
0x4b4: {  	v0 =	vld.idx.msk [tilespmem:v0+s3+$0x0], $0xffff;
	_ =	sdelay $0x4  }
0x4b5: {  	v0 =	vadd.f32 v1, v0;
	_ =	sdelay $0x1  }
0x4b6: {  	[tilespmem:s6+$0x1C750] =	vst v0;
	v0 =	vld [tilespmem:s6+$0x18770]  }
0x4b7: {  	v1 =	vld.idx.msk [tilespmem:v2+s3+$0x0], $0xffff  }
0x4b8: {  	v2 =	vld [tilespmem:s6+$0x1C760];
	_ =	sdelay $0x4  }
0x4b9: {  	v1 =	vadd.f32 v2, v1;
	_ =	sdelay $0x1  }
0x4ba: {  	[tilespmem:s6+$0x1C760] =	vst v1;
	v1 =	vld [tilespmem:s6+$0x1C770]  }
0x4bb: {  	v0 =	vld.idx.msk [tilespmem:v0+s3+$0x0], $0xffff;
	_ =	sdelay $0x4  }
0x4bc: {  	v0 =	vadd.f32 v1, v0;
	_ =	sdelay $0x1  }
0x4bd: {  	[tilespmem:s6+$0x1C770] =	vst v0;
	s6 =	simm.s32 $0x0  }
0x4be: {  	[tilespmem:s6], [sflag:$0x1] =	stream.strided.gather [hbm4b:s20+s30], $0x18700, s31, s30, $0x38;
	[tilespmem:$0x1E700] =	vst v63  }
0x4bf: {  	_ =	swait.ge [sflag:s0], $0x18700  }
0x4c0: {  	[sflag:s0] =	ssyncset.done $0x0  }
0x4c1: {  	[sflag:s0] =	ssyncadd.s32 $0xFFFE7900  }
0x4c2: {  	[tilespmem:s2], [sflag:$0x1] =	stream.strided.gather [hbm4b:s24+s30], $0x2000, s31, s30, $0x38;
	[tilespmem:$0x1E700] =	vst v63  }
0x4c3: {  	_ =	swait.ge [sflag:s0], $0x2000  }
0x4c4: {  	[sflag:s0] =	ssyncset.done $0x0  }
0x4c5: {  	s4 =	simm.s32 $0x0;
	[sflag:s0] =	ssyncadd.s32 $0xFFFFE000  }
0x4c6: {  	v0 =	vld [tilespmem:s4+$0x18700];
	_ =	sdelay $0x5  }
0x4c7: {  	v1 =	vld [tilespmem:s4+$0x18710]  }
0x4c8: {  	v2 =	vld [tilespmem:s4+$0x1A700]  }
0x4c9: {  	v0 =	vld.idx.msk [tilespmem:v0+s3+$0x0], $0xffff;
	_ =	sdelay $0x4  }
0x4ca: {  	v0 =	vadd.f32 v2, v0;
	_ =	sdelay $0x1  }
0x4cb: {  	v2 =	vld [tilespmem:s4+$0x18720];
	[tilespmem:s4+$0x1A700] =	vst v0  }
0x4cc: {  	v0 =	vld.idx.msk [tilespmem:v1+s3+$0x0], $0xffff  }
0x4cd: {  	v1 =	vld [tilespmem:s4+$0x1A710];
	_ =	sdelay $0x4  }
0x4ce: {  	v0 =	vadd.f32 v1, v0;
	_ =	sdelay $0x1  }
0x4cf: {  	[tilespmem:s4+$0x1A710] =	vst v0;
	v0 =	vld [tilespmem:s4+$0x18730]  }
0x4d0: {  	v1 =	vld.idx.msk [tilespmem:v2+s3+$0x0], $0xffff  }
0x4d1: {  	v2 =	vld [tilespmem:s4+$0x1A720];
	_ =	sdelay $0x4  }
0x4d2: {  	v1 =	vadd.f32 v2, v1  }
0x4d3: {  	v2 =	vld [tilespmem:s4+$0x18740]  }
0x4d4: {  	[tilespmem:s4+$0x1A720] =	vst v1;
	v1 =	vld [tilespmem:s4+$0x1A730]  }
0x4d5: {  	v0 =	vld.idx.msk [tilespmem:v0+s3+$0x0], $0xffff;
	_ =	sdelay $0x4  }
0x4d6: {  	v0 =	vadd.f32 v1, v0;
	_ =	sdelay $0x1  }
0x4d7: {  	[tilespmem:s4+$0x1A730] =	vst v0;
	v0 =	vld [tilespmem:s4+$0x18750]  }
0x4d8: {  	v1 =	vld.idx.msk [tilespmem:v2+s3+$0x0], $0xffff  }
0x4d9: {  	v2 =	vld [tilespmem:s4+$0x1A740];
	_ =	sdelay $0x4  }
0x4da: {  	v1 =	vadd.f32 v2, v1  }
0x4db: {  	v2 =	vld [tilespmem:s4+$0x18760]  }
0x4dc: {  	[tilespmem:s4+$0x1A740] =	vst v1;
	v1 =	vld [tilespmem:s4+$0x1A750]  }
0x4dd: {  	v0 =	vld.idx.msk [tilespmem:v0+s3+$0x0], $0xffff;
	_ =	sdelay $0x4  }
0x4de: {  	v0 =	vadd.f32 v1, v0;
	_ =	sdelay $0x1  }
0x4df: {  	v1 =	vld [tilespmem:s4+$0x18770];
	[tilespmem:s4+$0x1A750] =	vst v0  }
0x4e0: {  	v0 =	vld.idx.msk [tilespmem:v2+s3+$0x0], $0xffff  }
0x4e1: {  	v2 =	vld [tilespmem:s4+$0x1A760];
	_ =	sdelay $0x4  }
0x4e2: {  	v2 =	vadd.f32 v2, v0  }
0x4e3: {  	s6 =	simm.s32 $0x80  }
0x4e4: {  	v0 =	vld [tilespmem:s6+$0x18700];
	[tilespmem:s4+$0x1A760] =	vst v2  }
0x4e5: {  	s5 =	simm.s32 $0x400;
	v1 =	vld.idx.msk [tilespmem:v1+s3+$0x0], $0xffff  }
.LBB2_26:
0x4e6: {  	p0 =	sne.s32 s5, $0x7E00;
	v2 =	vld [tilespmem:s4+$0x1A770];
	_ =	sdelay $0x4  }
0x4e7: {  	v1 =	vadd.f32 v2, v1;
	_ =	sdelay $0x1  }
0x4e8: {  	v2 =	vld [tilespmem:s6+$0x18710];
	[tilespmem:s4+$0x1A770] =	vst v1;
	s4 =	smov.u32 s6  }
0x4e9: {  	v0 =	vld.idx.msk [tilespmem:v0+s3+$0x0], $0xffff  }
0x4ea: {  	v1 =	vld [tilespmem:s4+$0x1A700];
	_ =	sdelay $0x4  }
0x4eb: {  	v0 =	vadd.f32 v1, v0;
	_ =	sdelay $0x1  }
0x4ec: {  	[tilespmem:s4+$0x1A700] =	vst v0;
	v0 =	vld [tilespmem:s4+$0x18720]  }
0x4ed: {  	v1 =	vld.idx.msk [tilespmem:v2+s3+$0x0], $0xffff  }
0x4ee: {  	v2 =	vld [tilespmem:s4+$0x1A710];
	_ =	sdelay $0x4  }
0x4ef: {  	v1 =	vadd.f32 v2, v1;
	_ =	sdelay $0x1  }
0x4f0: {  	[tilespmem:s4+$0x1A710] =	vst v1;
	v1 =	vld [tilespmem:s4+$0x18730]  }
0x4f1: {  	v0 =	vld.idx.msk [tilespmem:v0+s3+$0x0], $0xffff  }
0x4f2: {  	v2 =	vld [tilespmem:s4+$0x1A720];
	_ =	sdelay $0x4  }
0x4f3: {  	v0 =	vadd.f32 v2, v0;
	_ =	sdelay $0x1  }
0x4f4: {  	[tilespmem:s4+$0x1A720] =	vst v0;
	v0 =	vld [tilespmem:s4+$0x18740]  }
0x4f5: {  	v1 =	vld.idx.msk [tilespmem:v1+s3+$0x0], $0xffff  }
0x4f6: {  	v2 =	vld [tilespmem:s4+$0x1A730];
	_ =	sdelay $0x4  }
0x4f7: {  	v1 =	vadd.f32 v2, v1;
	_ =	sdelay $0x1  }
0x4f8: {  	[tilespmem:s4+$0x1A730] =	vst v1;
	v1 =	vld [tilespmem:s4+$0x18750]  }
0x4f9: {  	v0 =	vld.idx.msk [tilespmem:v0+s3+$0x0], $0xffff  }
0x4fa: {  	v2 =	vld [tilespmem:s4+$0x1A740];
	_ =	sdelay $0x4  }
0x4fb: {  	v0 =	vadd.f32 v2, v0;
	_ =	sdelay $0x1  }
0x4fc: {  	[tilespmem:s4+$0x1A740] =	vst v0;
	v0 =	vld [tilespmem:s4+$0x18760]  }
0x4fd: {  	v1 =	vld.idx.msk [tilespmem:v1+s3+$0x0], $0xffff  }
0x4fe: {  	v2 =	vld [tilespmem:s4+$0x1A750];
	_ =	sdelay $0x4  }
0x4ff: {  	v1 =	vadd.f32 v2, v1;
	_ =	sdelay $0x1  }
0x500: {  	[tilespmem:s4+$0x1A750] =	vst v1;
	v1 =	vld [tilespmem:s4+$0x18770]  }
0x501: {  	v0 =	vld.idx.msk [tilespmem:v0+s3+$0x0], $0xffff  }
0x502: {  	v2 =	vld [tilespmem:s4+$0x1A760];
	_ =	sdelay $0x3  }
.Ltmp12:
0x503: {  	(pc) =	sbr.rel @p0 .LBB2_26-.Ltmp12, $4  }
0x504: {  	v2 =	vadd.f32 v2, v0  }
0x505: {  	s6 =	sshra.s32 s5, $0x2  }
0x506: {  	v0 =	vld [tilespmem:s6+$0x18700];
	[tilespmem:s4+$0x1A760] =	vst v2  }
0x507: {  	s5 =	sadd.s32 $0x200, s5;
	v1 =	vld.idx.msk [tilespmem:v1+s3+$0x0], $0xffff  }
0x508: {  	v2 =	vld [tilespmem:s4+$0x1A770];
	_ =	sdelay $0x4  }
0x509: {  	v1 =	vadd.f32 v2, v1;
	_ =	sdelay $0x1  }
0x50a: {  	v2 =	vld [tilespmem:s6+$0x18710];
	[tilespmem:s4+$0x1A770] =	vst v1  }
0x50b: {  	v0 =	vld.idx.msk [tilespmem:v0+s3+$0x0], $0xffff  }
0x50c: {  	v1 =	vld [tilespmem:s6+$0x1A700];
	_ =	sdelay $0x4  }
0x50d: {  	v0 =	vadd.f32 v1, v0;
	_ =	sdelay $0x1  }
0x50e: {  	v1 =	vld [tilespmem:s6+$0x1A710];
	[tilespmem:s6+$0x1A700] =	vst v0  }
0x50f: {  	v0 =	vld.idx.msk [tilespmem:v2+s3+$0x0], $0xffff  }
0x510: {  	v2 =	vld [tilespmem:s6+$0x18720];
	_ =	sdelay $0x4  }
0x511: {  	v0 =	vadd.f32 v1, v0;
	_ =	sdelay $0x1  }
0x512: {  	[tilespmem:s6+$0x1A710] =	vst v0;
	v0 =	vld [tilespmem:s6+$0x18730]  }
0x513: {  	v1 =	vld.idx.msk [tilespmem:v2+s3+$0x0], $0xffff  }
0x514: {  	v2 =	vld [tilespmem:s6+$0x1A720];
	_ =	sdelay $0x4  }
0x515: {  	v1 =	vadd.f32 v2, v1  }
0x516: {  	v2 =	vld [tilespmem:s6+$0x18740]  }
0x517: {  	[tilespmem:s6+$0x1A720] =	vst v1;
	v1 =	vld [tilespmem:s6+$0x1A730]  }
0x518: {  	v0 =	vld.idx.msk [tilespmem:v0+s3+$0x0], $0xffff;
	_ =	sdelay $0x4  }
0x519: {  	v0 =	vadd.f32 v1, v0;
	_ =	sdelay $0x1  }
0x51a: {  	[tilespmem:s6+$0x1A730] =	vst v0;
	v0 =	vld [tilespmem:s6+$0x18750]  }
0x51b: {  	v1 =	vld.idx.msk [tilespmem:v2+s3+$0x0], $0xffff  }
0x51c: {  	v2 =	vld [tilespmem:s6+$0x1A740];
	_ =	sdelay $0x4  }
0x51d: {  	v1 =	vadd.f32 v2, v1  }
0x51e: {  	v2 =	vld [tilespmem:s6+$0x18760]  }
0x51f: {  	[tilespmem:s6+$0x1A740] =	vst v1;
	v1 =	vld [tilespmem:s6+$0x1A750]  }
0x520: {  	v0 =	vld.idx.msk [tilespmem:v0+s3+$0x0], $0xffff;
	_ =	sdelay $0x4  }
0x521: {  	v0 =	vadd.f32 v1, v0;
	_ =	sdelay $0x1  }
0x522: {  	[tilespmem:s6+$0x1A750] =	vst v0;
	v0 =	vld [tilespmem:s6+$0x18770]  }
0x523: {  	v1 =	vld.idx.msk [tilespmem:v2+s3+$0x0], $0xffff  }
0x524: {  	v2 =	vld [tilespmem:s6+$0x1A760];
	_ =	sdelay $0x4  }
0x525: {  	v1 =	vadd.f32 v2, v1;
	_ =	sdelay $0x1  }
0x526: {  	[tilespmem:s6+$0x1A760] =	vst v1;
	v1 =	vld [tilespmem:s6+$0x1A770]  }
0x527: {  	v0 =	vld.idx.msk [tilespmem:v0+s3+$0x0], $0xffff;
	_ =	sdelay $0x4  }
0x528: {  	v0 =	vadd.f32 v1, v0;
	_ =	sdelay $0x1  }
0x529: {  	[tilespmem:s6+$0x1A770] =	vst v0  }
0x52a: {  	[tilespmem:s2], [sflag:$0x1] =	stream.strided.gather [hbm4b:s26+s30], $0x2000, s31, s30, $0x38;
	[tilespmem:$0x1E700] =	vst v63  }
0x52b: {  	_ =	swait.ge [sflag:s0], $0x2000  }
0x52c: {  	[sflag:s0] =	ssyncset.done $0x0  }
0x52d: {  	s4 =	simm.s32 $0x0;
	[sflag:s0] =	ssyncadd.s32 $0xFFFFE000  }
0x52e: {  	v0 =	vld [tilespmem:s4+$0x18700];
	_ =	sdelay $0x5  }
0x52f: {  	v1 =	vld [tilespmem:s4+$0x18710]  }
0x530: {  	v2 =	vld [tilespmem:s4+$0x1C700]  }
0x531: {  	v0 =	vld.idx.msk [tilespmem:v0+s3+$0x0], $0xffff;
	_ =	sdelay $0x4  }
0x532: {  	v0 =	vadd.f32 v2, v0;
	_ =	sdelay $0x1  }
0x533: {  	v2 =	vld [tilespmem:s4+$0x18720];
	[tilespmem:s4+$0x1C700] =	vst v0  }
0x534: {  	v0 =	vld.idx.msk [tilespmem:v1+s3+$0x0], $0xffff  }
0x535: {  	v1 =	vld [tilespmem:s4+$0x1C710];
	_ =	sdelay $0x4  }
0x536: {  	v0 =	vadd.f32 v1, v0;
	_ =	sdelay $0x1  }
0x537: {  	[tilespmem:s4+$0x1C710] =	vst v0;
	v0 =	vld [tilespmem:s4+$0x18730]  }
0x538: {  	v1 =	vld.idx.msk [tilespmem:v2+s3+$0x0], $0xffff  }
0x539: {  	v2 =	vld [tilespmem:s4+$0x1C720];
	_ =	sdelay $0x4  }
0x53a: {  	v1 =	vadd.f32 v2, v1  }
0x53b: {  	v2 =	vld [tilespmem:s4+$0x18740]  }
0x53c: {  	[tilespmem:s4+$0x1C720] =	vst v1;
	v1 =	vld [tilespmem:s4+$0x1C730]  }
0x53d: {  	v0 =	vld.idx.msk [tilespmem:v0+s3+$0x0], $0xffff;
	_ =	sdelay $0x4  }
0x53e: {  	v0 =	vadd.f32 v1, v0;
	_ =	sdelay $0x1  }
0x53f: {  	[tilespmem:s4+$0x1C730] =	vst v0;
	v0 =	vld [tilespmem:s4+$0x18750]  }
0x540: {  	v1 =	vld.idx.msk [tilespmem:v2+s3+$0x0], $0xffff  }
0x541: {  	v2 =	vld [tilespmem:s4+$0x1C740];
	_ =	sdelay $0x4  }
0x542: {  	v1 =	vadd.f32 v2, v1  }
0x543: {  	v2 =	vld [tilespmem:s4+$0x18760]  }
0x544: {  	[tilespmem:s4+$0x1C740] =	vst v1;
	v1 =	vld [tilespmem:s4+$0x1C750]  }
0x545: {  	v0 =	vld.idx.msk [tilespmem:v0+s3+$0x0], $0xffff;
	_ =	sdelay $0x4  }
0x546: {  	v0 =	vadd.f32 v1, v0;
	_ =	sdelay $0x1  }
0x547: {  	v1 =	vld [tilespmem:s4+$0x18770];
	[tilespmem:s4+$0x1C750] =	vst v0  }
0x548: {  	v0 =	vld.idx.msk [tilespmem:v2+s3+$0x0], $0xffff  }
0x549: {  	v2 =	vld [tilespmem:s4+$0x1C760];
	_ =	sdelay $0x4  }
0x54a: {  	v2 =	vadd.f32 v2, v0  }
0x54b: {  	s6 =	simm.s32 $0x80  }
0x54c: {  	v0 =	vld [tilespmem:s6+$0x18700];
	[tilespmem:s4+$0x1C760] =	vst v2  }
0x54d: {  	s5 =	simm.s32 $0x400;
	v1 =	vld.idx.msk [tilespmem:v1+s3+$0x0], $0xffff  }
.LBB2_28:
0x54e: {  	p0 =	sne.s32 s5, $0x7E00;
	v2 =	vld [tilespmem:s4+$0x1C770];
	_ =	sdelay $0x4  }
0x54f: {  	v1 =	vadd.f32 v2, v1;
	_ =	sdelay $0x1  }
0x550: {  	v2 =	vld [tilespmem:s6+$0x18710];
	[tilespmem:s4+$0x1C770] =	vst v1;
	s4 =	smov.u32 s6  }
0x551: {  	v0 =	vld.idx.msk [tilespmem:v0+s3+$0x0], $0xffff  }
0x552: {  	v1 =	vld [tilespmem:s4+$0x1C700];
	_ =	sdelay $0x4  }
0x553: {  	v0 =	vadd.f32 v1, v0;
	_ =	sdelay $0x1  }
0x554: {  	[tilespmem:s4+$0x1C700] =	vst v0;
	v0 =	vld [tilespmem:s4+$0x18720]  }
0x555: {  	v1 =	vld.idx.msk [tilespmem:v2+s3+$0x0], $0xffff  }
0x556: {  	v2 =	vld [tilespmem:s4+$0x1C710];
	_ =	sdelay $0x4  }
0x557: {  	v1 =	vadd.f32 v2, v1;
	_ =	sdelay $0x1  }
0x558: {  	[tilespmem:s4+$0x1C710] =	vst v1;
	v1 =	vld [tilespmem:s4+$0x18730]  }
0x559: {  	v0 =	vld.idx.msk [tilespmem:v0+s3+$0x0], $0xffff  }
0x55a: {  	v2 =	vld [tilespmem:s4+$0x1C720];
	_ =	sdelay $0x4  }
0x55b: {  	v0 =	vadd.f32 v2, v0;
	_ =	sdelay $0x1  }
0x55c: {  	[tilespmem:s4+$0x1C720] =	vst v0;
	v0 =	vld [tilespmem:s4+$0x18740]  }
0x55d: {  	v1 =	vld.idx.msk [tilespmem:v1+s3+$0x0], $0xffff  }
0x55e: {  	v2 =	vld [tilespmem:s4+$0x1C730];
	_ =	sdelay $0x4  }
0x55f: {  	v1 =	vadd.f32 v2, v1;
	_ =	sdelay $0x1  }
0x560: {  	[tilespmem:s4+$0x1C730] =	vst v1;
	v1 =	vld [tilespmem:s4+$0x18750]  }
0x561: {  	v0 =	vld.idx.msk [tilespmem:v0+s3+$0x0], $0xffff  }
0x562: {  	v2 =	vld [tilespmem:s4+$0x1C740];
	_ =	sdelay $0x4  }
0x563: {  	v0 =	vadd.f32 v2, v0;
	_ =	sdelay $0x1  }
0x564: {  	[tilespmem:s4+$0x1C740] =	vst v0;
	v0 =	vld [tilespmem:s4+$0x18760]  }
0x565: {  	v1 =	vld.idx.msk [tilespmem:v1+s3+$0x0], $0xffff  }
0x566: {  	v2 =	vld [tilespmem:s4+$0x1C750];
	_ =	sdelay $0x4  }
0x567: {  	v1 =	vadd.f32 v2, v1;
	_ =	sdelay $0x1  }
0x568: {  	[tilespmem:s4+$0x1C750] =	vst v1;
	v1 =	vld [tilespmem:s4+$0x18770]  }
0x569: {  	v0 =	vld.idx.msk [tilespmem:v0+s3+$0x0], $0xffff  }
0x56a: {  	v2 =	vld [tilespmem:s4+$0x1C760];
	_ =	sdelay $0x3  }
.Ltmp13:
0x56b: {  	(pc) =	sbr.rel @p0 .LBB2_28-.Ltmp13, $4  }
0x56c: {  	v2 =	vadd.f32 v2, v0  }
0x56d: {  	s6 =	sshra.s32 s5, $0x2  }
0x56e: {  	v0 =	vld [tilespmem:s6+$0x18700];
	[tilespmem:s4+$0x1C760] =	vst v2  }
0x56f: {  	s5 =	sadd.s32 $0x200, s5;
	v1 =	vld.idx.msk [tilespmem:v1+s3+$0x0], $0xffff  }
0x570: {  	v2 =	vld [tilespmem:s4+$0x1C770];
	_ =	sdelay $0x4  }
0x571: {  	v1 =	vadd.f32 v2, v1;
	_ =	sdelay $0x1  }
0x572: {  	v2 =	vld [tilespmem:s6+$0x18710];
	[tilespmem:s4+$0x1C770] =	vst v1  }
0x573: {  	v0 =	vld.idx.msk [tilespmem:v0+s3+$0x0], $0xffff  }
0x574: {  	v1 =	vld [tilespmem:s6+$0x1C700];
	_ =	sdelay $0x4  }
0x575: {  	v0 =	vadd.f32 v1, v0;
	_ =	sdelay $0x1  }
0x576: {  	v1 =	vld [tilespmem:s6+$0x1C710];
	[tilespmem:s6+$0x1C700] =	vst v0  }
0x577: {  	v0 =	vld.idx.msk [tilespmem:v2+s3+$0x0], $0xffff  }
0x578: {  	v2 =	vld [tilespmem:s6+$0x18720];
	_ =	sdelay $0x4  }
0x579: {  	v0 =	vadd.f32 v1, v0;
	_ =	sdelay $0x1  }
0x57a: {  	[tilespmem:s6+$0x1C710] =	vst v0;
	v0 =	vld [tilespmem:s6+$0x18730]  }
0x57b: {  	v1 =	vld.idx.msk [tilespmem:v2+s3+$0x0], $0xffff  }
0x57c: {  	v2 =	vld [tilespmem:s6+$0x1C720];
	_ =	sdelay $0x4  }
0x57d: {  	v1 =	vadd.f32 v2, v1  }
0x57e: {  	v2 =	vld [tilespmem:s6+$0x18740]  }
0x57f: {  	[tilespmem:s6+$0x1C720] =	vst v1;
	v1 =	vld [tilespmem:s6+$0x1C730]  }
0x580: {  	v0 =	vld.idx.msk [tilespmem:v0+s3+$0x0], $0xffff;
	_ =	sdelay $0x4  }
0x581: {  	v0 =	vadd.f32 v1, v0;
	_ =	sdelay $0x1  }
0x582: {  	[tilespmem:s6+$0x1C730] =	vst v0;
	v0 =	vld [tilespmem:s6+$0x18750]  }
0x583: {  	v1 =	vld.idx.msk [tilespmem:v2+s3+$0x0], $0xffff  }
0x584: {  	v2 =	vld [tilespmem:s6+$0x1C740];
	_ =	sdelay $0x4  }
0x585: {  	v1 =	vadd.f32 v2, v1  }
0x586: {  	v2 =	vld [tilespmem:s6+$0x18760]  }
0x587: {  	[tilespmem:s6+$0x1C740] =	vst v1;
	v1 =	vld [tilespmem:s6+$0x1C750]  }
0x588: {  	v0 =	vld.idx.msk [tilespmem:v0+s3+$0x0], $0xffff;
	_ =	sdelay $0x4  }
0x589: {  	v0 =	vadd.f32 v1, v0;
	_ =	sdelay $0x1  }
0x58a: {  	[tilespmem:s6+$0x1C750] =	vst v0;
	v0 =	vld [tilespmem:s6+$0x18770]  }
0x58b: {  	v1 =	vld.idx.msk [tilespmem:v2+s3+$0x0], $0xffff  }
0x58c: {  	v2 =	vld [tilespmem:s6+$0x1C760];
	_ =	sdelay $0x4  }
0x58d: {  	v1 =	vadd.f32 v2, v1;
	_ =	sdelay $0x1  }
0x58e: {  	[tilespmem:s6+$0x1C760] =	vst v1;
	v1 =	vld [tilespmem:s6+$0x1C770]  }
0x58f: {  	v0 =	vld.idx.msk [tilespmem:v0+s3+$0x0], $0xffff;
	_ =	sdelay $0x4  }
0x590: {  	v0 =	vadd.f32 v1, v0;
	_ =	sdelay $0x1  }
0x591: {  	[tilespmem:s6+$0x1C770] =	vst v0;
	s6 =	simm.s32 $0x0  }
0x592: {  	[tilespmem:s6], [sflag:$0x1] =	stream.strided.gather [hbm4b:s21+s30], $0x18700, s31, s30, $0x38;
	[tilespmem:$0x1E700] =	vst v63  }
0x593: {  	_ =	swait.ge [sflag:s0], $0x18700  }
0x594: {  	[sflag:s0] =	ssyncset.done $0x0  }
0x595: {  	[sflag:s0] =	ssyncadd.s32 $0xFFFE7900  }
0x596: {  	[tilespmem:s2], [sflag:$0x1] =	stream.strided.gather [hbm4b:s28+s30], $0x2000, s31, s30, $0x38;
	[tilespmem:$0x1E700] =	vst v63  }
0x597: {  	_ =	swait.ge [sflag:s0], $0x2000  }
0x598: {  	[sflag:s0] =	ssyncset.done $0x0  }
0x599: {  	s4 =	simm.s32 $0x0;
	[sflag:s0] =	ssyncadd.s32 $0xFFFFE000  }
0x59a: {  	v0 =	vld [tilespmem:s4+$0x18700];
	_ =	sdelay $0x5  }
0x59b: {  	v1 =	vld [tilespmem:s4+$0x18710]  }
0x59c: {  	v2 =	vld [tilespmem:s4+$0x1A700]  }
0x59d: {  	v0 =	vld.idx.msk [tilespmem:v0+s3+$0x0], $0xffff;
	_ =	sdelay $0x4  }
0x59e: {  	v0 =	vadd.f32 v2, v0;
	_ =	sdelay $0x1  }
0x59f: {  	v2 =	vld [tilespmem:s4+$0x18720];
	[tilespmem:s4+$0x1A700] =	vst v0  }
0x5a0: {  	v0 =	vld.idx.msk [tilespmem:v1+s3+$0x0], $0xffff  }
0x5a1: {  	v1 =	vld [tilespmem:s4+$0x1A710];
	_ =	sdelay $0x4  }
0x5a2: {  	v0 =	vadd.f32 v1, v0;
	_ =	sdelay $0x1  }
0x5a3: {  	[tilespmem:s4+$0x1A710] =	vst v0;
	v0 =	vld [tilespmem:s4+$0x18730]  }
0x5a4: {  	v1 =	vld.idx.msk [tilespmem:v2+s3+$0x0], $0xffff  }
0x5a5: {  	v2 =	vld [tilespmem:s4+$0x1A720];
	_ =	sdelay $0x4  }
0x5a6: {  	v1 =	vadd.f32 v2, v1  }
0x5a7: {  	v2 =	vld [tilespmem:s4+$0x18740]  }
0x5a8: {  	[tilespmem:s4+$0x1A720] =	vst v1;
	v1 =	vld [tilespmem:s4+$0x1A730]  }
0x5a9: {  	v0 =	vld.idx.msk [tilespmem:v0+s3+$0x0], $0xffff;
	_ =	sdelay $0x4  }
0x5aa: {  	v0 =	vadd.f32 v1, v0;
	_ =	sdelay $0x1  }
0x5ab: {  	[tilespmem:s4+$0x1A730] =	vst v0;
	v0 =	vld [tilespmem:s4+$0x18750]  }
0x5ac: {  	v1 =	vld.idx.msk [tilespmem:v2+s3+$0x0], $0xffff  }
0x5ad: {  	v2 =	vld [tilespmem:s4+$0x1A740];
	_ =	sdelay $0x4  }
0x5ae: {  	v1 =	vadd.f32 v2, v1  }
0x5af: {  	v2 =	vld [tilespmem:s4+$0x18760]  }
0x5b0: {  	[tilespmem:s4+$0x1A740] =	vst v1;
	v1 =	vld [tilespmem:s4+$0x1A750]  }
0x5b1: {  	v0 =	vld.idx.msk [tilespmem:v0+s3+$0x0], $0xffff;
	_ =	sdelay $0x4  }
0x5b2: {  	v0 =	vadd.f32 v1, v0;
	_ =	sdelay $0x1  }
0x5b3: {  	v1 =	vld [tilespmem:s4+$0x18770];
	[tilespmem:s4+$0x1A750] =	vst v0  }
0x5b4: {  	v0 =	vld.idx.msk [tilespmem:v2+s3+$0x0], $0xffff  }
0x5b5: {  	v2 =	vld [tilespmem:s4+$0x1A760];
	_ =	sdelay $0x4  }
0x5b6: {  	v2 =	vadd.f32 v2, v0  }
0x5b7: {  	s6 =	simm.s32 $0x80  }
0x5b8: {  	v0 =	vld [tilespmem:s6+$0x18700];
	[tilespmem:s4+$0x1A760] =	vst v2  }
0x5b9: {  	s5 =	simm.s32 $0x400;
	v1 =	vld.idx.msk [tilespmem:v1+s3+$0x0], $0xffff  }
.LBB2_30:
0x5ba: {  	p0 =	sne.s32 s5, $0x7E00;
	v2 =	vld [tilespmem:s4+$0x1A770];
	_ =	sdelay $0x4  }
0x5bb: {  	v1 =	vadd.f32 v2, v1;
	_ =	sdelay $0x1  }
0x5bc: {  	v2 =	vld [tilespmem:s6+$0x18710];
	[tilespmem:s4+$0x1A770] =	vst v1;
	s4 =	smov.u32 s6  }
0x5bd: {  	v0 =	vld.idx.msk [tilespmem:v0+s3+$0x0], $0xffff  }
0x5be: {  	v1 =	vld [tilespmem:s4+$0x1A700];
	_ =	sdelay $0x4  }
0x5bf: {  	v0 =	vadd.f32 v1, v0;
	_ =	sdelay $0x1  }
0x5c0: {  	[tilespmem:s4+$0x1A700] =	vst v0;
	v0 =	vld [tilespmem:s4+$0x18720]  }
0x5c1: {  	v1 =	vld.idx.msk [tilespmem:v2+s3+$0x0], $0xffff  }
0x5c2: {  	v2 =	vld [tilespmem:s4+$0x1A710];
	_ =	sdelay $0x4  }
0x5c3: {  	v1 =	vadd.f32 v2, v1;
	_ =	sdelay $0x1  }
0x5c4: {  	[tilespmem:s4+$0x1A710] =	vst v1;
	v1 =	vld [tilespmem:s4+$0x18730]  }
0x5c5: {  	v0 =	vld.idx.msk [tilespmem:v0+s3+$0x0], $0xffff  }
0x5c6: {  	v2 =	vld [tilespmem:s4+$0x1A720];
	_ =	sdelay $0x4  }
0x5c7: {  	v0 =	vadd.f32 v2, v0;
	_ =	sdelay $0x1  }
0x5c8: {  	[tilespmem:s4+$0x1A720] =	vst v0;
	v0 =	vld [tilespmem:s4+$0x18740]  }
0x5c9: {  	v1 =	vld.idx.msk [tilespmem:v1+s3+$0x0], $0xffff  }
0x5ca: {  	v2 =	vld [tilespmem:s4+$0x1A730];
	_ =	sdelay $0x4  }
0x5cb: {  	v1 =	vadd.f32 v2, v1;
	_ =	sdelay $0x1  }
0x5cc: {  	[tilespmem:s4+$0x1A730] =	vst v1;
	v1 =	vld [tilespmem:s4+$0x18750]  }
0x5cd: {  	v0 =	vld.idx.msk [tilespmem:v0+s3+$0x0], $0xffff  }
0x5ce: {  	v2 =	vld [tilespmem:s4+$0x1A740];
	_ =	sdelay $0x4  }
0x5cf: {  	v0 =	vadd.f32 v2, v0;
	_ =	sdelay $0x1  }
0x5d0: {  	[tilespmem:s4+$0x1A740] =	vst v0;
	v0 =	vld [tilespmem:s4+$0x18760]  }
0x5d1: {  	v1 =	vld.idx.msk [tilespmem:v1+s3+$0x0], $0xffff  }
0x5d2: {  	v2 =	vld [tilespmem:s4+$0x1A750];
	_ =	sdelay $0x4  }
0x5d3: {  	v1 =	vadd.f32 v2, v1;
	_ =	sdelay $0x1  }
0x5d4: {  	[tilespmem:s4+$0x1A750] =	vst v1;
	v1 =	vld [tilespmem:s4+$0x18770]  }
0x5d5: {  	v0 =	vld.idx.msk [tilespmem:v0+s3+$0x0], $0xffff  }
0x5d6: {  	v2 =	vld [tilespmem:s4+$0x1A760];
	_ =	sdelay $0x3  }
.Ltmp14:
0x5d7: {  	(pc) =	sbr.rel @p0 .LBB2_30-.Ltmp14, $4  }
0x5d8: {  	v2 =	vadd.f32 v2, v0  }
0x5d9: {  	s6 =	sshra.s32 s5, $0x2  }
0x5da: {  	v0 =	vld [tilespmem:s6+$0x18700];
	[tilespmem:s4+$0x1A760] =	vst v2  }
0x5db: {  	s5 =	sadd.s32 $0x200, s5;
	v1 =	vld.idx.msk [tilespmem:v1+s3+$0x0], $0xffff  }
0x5dc: {  	v2 =	vld [tilespmem:s4+$0x1A770];
	_ =	sdelay $0x4  }
0x5dd: {  	v1 =	vadd.f32 v2, v1;
	_ =	sdelay $0x1  }
0x5de: {  	v2 =	vld [tilespmem:s6+$0x18710];
	[tilespmem:s4+$0x1A770] =	vst v1  }
0x5df: {  	v0 =	vld.idx.msk [tilespmem:v0+s3+$0x0], $0xffff  }
0x5e0: {  	v1 =	vld [tilespmem:s6+$0x1A700];
	_ =	sdelay $0x4  }
0x5e1: {  	v0 =	vadd.f32 v1, v0;
	_ =	sdelay $0x1  }
0x5e2: {  	v1 =	vld [tilespmem:s6+$0x1A710];
	[tilespmem:s6+$0x1A700] =	vst v0  }
0x5e3: {  	v0 =	vld.idx.msk [tilespmem:v2+s3+$0x0], $0xffff  }
0x5e4: {  	v2 =	vld [tilespmem:s6+$0x18720];
	_ =	sdelay $0x4  }
0x5e5: {  	v0 =	vadd.f32 v1, v0;
	_ =	sdelay $0x1  }
0x5e6: {  	[tilespmem:s6+$0x1A710] =	vst v0;
	v0 =	vld [tilespmem:s6+$0x18730]  }
0x5e7: {  	v1 =	vld.idx.msk [tilespmem:v2+s3+$0x0], $0xffff  }
0x5e8: {  	v2 =	vld [tilespmem:s6+$0x1A720];
	_ =	sdelay $0x4  }
0x5e9: {  	v1 =	vadd.f32 v2, v1  }
0x5ea: {  	v2 =	vld [tilespmem:s6+$0x18740]  }
0x5eb: {  	[tilespmem:s6+$0x1A720] =	vst v1;
	v1 =	vld [tilespmem:s6+$0x1A730]  }
0x5ec: {  	v0 =	vld.idx.msk [tilespmem:v0+s3+$0x0], $0xffff;
	_ =	sdelay $0x4  }
0x5ed: {  	v0 =	vadd.f32 v1, v0;
	_ =	sdelay $0x1  }
0x5ee: {  	[tilespmem:s6+$0x1A730] =	vst v0;
	v0 =	vld [tilespmem:s6+$0x18750]  }
0x5ef: {  	v1 =	vld.idx.msk [tilespmem:v2+s3+$0x0], $0xffff  }
0x5f0: {  	v2 =	vld [tilespmem:s6+$0x1A740];
	_ =	sdelay $0x4  }
0x5f1: {  	v1 =	vadd.f32 v2, v1  }
0x5f2: {  	v2 =	vld [tilespmem:s6+$0x18760]  }
0x5f3: {  	[tilespmem:s6+$0x1A740] =	vst v1;
	v1 =	vld [tilespmem:s6+$0x1A750]  }
0x5f4: {  	v0 =	vld.idx.msk [tilespmem:v0+s3+$0x0], $0xffff;
	_ =	sdelay $0x4  }
0x5f5: {  	v0 =	vadd.f32 v1, v0;
	_ =	sdelay $0x1  }
0x5f6: {  	[tilespmem:s6+$0x1A750] =	vst v0;
	v0 =	vld [tilespmem:s6+$0x18770]  }
0x5f7: {  	v1 =	vld.idx.msk [tilespmem:v2+s3+$0x0], $0xffff  }
0x5f8: {  	v2 =	vld [tilespmem:s6+$0x1A760];
	_ =	sdelay $0x4  }
0x5f9: {  	v1 =	vadd.f32 v2, v1;
	_ =	sdelay $0x1  }
0x5fa: {  	[tilespmem:s6+$0x1A760] =	vst v1;
	v1 =	vld [tilespmem:s6+$0x1A770]  }
0x5fb: {  	v0 =	vld.idx.msk [tilespmem:v0+s3+$0x0], $0xffff;
	_ =	sdelay $0x4  }
0x5fc: {  	v0 =	vadd.f32 v1, v0;
	_ =	sdelay $0x1  }
0x5fd: {  	[tilespmem:s6+$0x1A770] =	vst v0  }
0x5fe: {  	[tilespmem:s2], [sflag:$0x1] =	stream.strided.gather [hbm4b:s29+s30], $0x2000, s31, s30, $0x38;
	[tilespmem:$0x1E700] =	vst v63  }
0x5ff: {  	_ =	swait.ge [sflag:s0], $0x2000  }
0x600: {  	[sflag:s0] =	ssyncset.done $0x0  }
0x601: {  	s4 =	simm.s32 $0x0;
	[sflag:s0] =	ssyncadd.s32 $0xFFFFE000  }
0x602: {  	v0 =	vld [tilespmem:s4+$0x18700];
	_ =	sdelay $0x5  }
0x603: {  	v1 =	vld [tilespmem:s4+$0x18710]  }
0x604: {  	v2 =	vld [tilespmem:s4+$0x1C700]  }
0x605: {  	v0 =	vld.idx.msk [tilespmem:v0+s3+$0x0], $0xffff;
	_ =	sdelay $0x4  }
0x606: {  	v0 =	vadd.f32 v2, v0;
	_ =	sdelay $0x1  }
0x607: {  	v2 =	vld [tilespmem:s4+$0x18720];
	[tilespmem:s4+$0x1C700] =	vst v0  }
0x608: {  	v0 =	vld.idx.msk [tilespmem:v1+s3+$0x0], $0xffff  }
0x609: {  	v1 =	vld [tilespmem:s4+$0x1C710];
	_ =	sdelay $0x4  }
0x60a: {  	v0 =	vadd.f32 v1, v0;
	_ =	sdelay $0x1  }
0x60b: {  	[tilespmem:s4+$0x1C710] =	vst v0;
	v0 =	vld [tilespmem:s4+$0x18730]  }
0x60c: {  	v1 =	vld.idx.msk [tilespmem:v2+s3+$0x0], $0xffff  }
0x60d: {  	v2 =	vld [tilespmem:s4+$0x1C720];
	_ =	sdelay $0x4  }
0x60e: {  	v1 =	vadd.f32 v2, v1  }
0x60f: {  	v2 =	vld [tilespmem:s4+$0x18740]  }
0x610: {  	[tilespmem:s4+$0x1C720] =	vst v1;
	v1 =	vld [tilespmem:s4+$0x1C730]  }
0x611: {  	v0 =	vld.idx.msk [tilespmem:v0+s3+$0x0], $0xffff;
	_ =	sdelay $0x4  }
0x612: {  	v0 =	vadd.f32 v1, v0;
	_ =	sdelay $0x1  }
0x613: {  	[tilespmem:s4+$0x1C730] =	vst v0;
	v0 =	vld [tilespmem:s4+$0x18750]  }
0x614: {  	v1 =	vld.idx.msk [tilespmem:v2+s3+$0x0], $0xffff  }
0x615: {  	v2 =	vld [tilespmem:s4+$0x1C740];
	_ =	sdelay $0x4  }
0x616: {  	v1 =	vadd.f32 v2, v1  }
0x617: {  	v2 =	vld [tilespmem:s4+$0x18760]  }
0x618: {  	[tilespmem:s4+$0x1C740] =	vst v1;
	v1 =	vld [tilespmem:s4+$0x1C750]  }
0x619: {  	v0 =	vld.idx.msk [tilespmem:v0+s3+$0x0], $0xffff;
	_ =	sdelay $0x4  }
0x61a: {  	v0 =	vadd.f32 v1, v0;
	_ =	sdelay $0x1  }
0x61b: {  	v1 =	vld [tilespmem:s4+$0x18770];
	[tilespmem:s4+$0x1C750] =	vst v0  }
0x61c: {  	v0 =	vld.idx.msk [tilespmem:v2+s3+$0x0], $0xffff  }
0x61d: {  	v2 =	vld [tilespmem:s4+$0x1C760];
	_ =	sdelay $0x4  }
0x61e: {  	v2 =	vadd.f32 v2, v0  }
0x61f: {  	s6 =	simm.s32 $0x80  }
0x620: {  	v0 =	vld [tilespmem:s6+$0x18700];
	[tilespmem:s4+$0x1C760] =	vst v2  }
0x621: {  	s5 =	simm.s32 $0x400;
	v1 =	vld.idx.msk [tilespmem:v1+s3+$0x0], $0xffff  }
.LBB2_32:
0x622: {  	p0 =	sne.s32 s5, $0x7E00;
	v2 =	vld [tilespmem:s4+$0x1C770];
	_ =	sdelay $0x4  }
0x623: {  	v1 =	vadd.f32 v2, v1;
	_ =	sdelay $0x1  }
0x624: {  	v2 =	vld [tilespmem:s6+$0x18710];
	[tilespmem:s4+$0x1C770] =	vst v1;
	s4 =	smov.u32 s6  }
0x625: {  	v0 =	vld.idx.msk [tilespmem:v0+s3+$0x0], $0xffff  }
0x626: {  	v1 =	vld [tilespmem:s4+$0x1C700];
	_ =	sdelay $0x4  }
0x627: {  	v0 =	vadd.f32 v1, v0;
	_ =	sdelay $0x1  }
0x628: {  	[tilespmem:s4+$0x1C700] =	vst v0;
	v0 =	vld [tilespmem:s4+$0x18720]  }
0x629: {  	v1 =	vld.idx.msk [tilespmem:v2+s3+$0x0], $0xffff  }
0x62a: {  	v2 =	vld [tilespmem:s4+$0x1C710];
	_ =	sdelay $0x4  }
0x62b: {  	v1 =	vadd.f32 v2, v1;
	_ =	sdelay $0x1  }
0x62c: {  	[tilespmem:s4+$0x1C710] =	vst v1;
	v1 =	vld [tilespmem:s4+$0x18730]  }
0x62d: {  	v0 =	vld.idx.msk [tilespmem:v0+s3+$0x0], $0xffff  }
0x62e: {  	v2 =	vld [tilespmem:s4+$0x1C720];
	_ =	sdelay $0x4  }
0x62f: {  	v0 =	vadd.f32 v2, v0;
	_ =	sdelay $0x1  }
0x630: {  	[tilespmem:s4+$0x1C720] =	vst v0;
	v0 =	vld [tilespmem:s4+$0x18740]  }
0x631: {  	v1 =	vld.idx.msk [tilespmem:v1+s3+$0x0], $0xffff  }
0x632: {  	v2 =	vld [tilespmem:s4+$0x1C730];
	_ =	sdelay $0x4  }
0x633: {  	v1 =	vadd.f32 v2, v1;
	_ =	sdelay $0x1  }
0x634: {  	[tilespmem:s4+$0x1C730] =	vst v1;
	v1 =	vld [tilespmem:s4+$0x18750]  }
0x635: {  	v0 =	vld.idx.msk [tilespmem:v0+s3+$0x0], $0xffff  }
0x636: {  	v2 =	vld [tilespmem:s4+$0x1C740];
	_ =	sdelay $0x4  }
0x637: {  	v0 =	vadd.f32 v2, v0;
	_ =	sdelay $0x1  }
0x638: {  	[tilespmem:s4+$0x1C740] =	vst v0;
	v0 =	vld [tilespmem:s4+$0x18760]  }
0x639: {  	v1 =	vld.idx.msk [tilespmem:v1+s3+$0x0], $0xffff  }
0x63a: {  	v2 =	vld [tilespmem:s4+$0x1C750];
	_ =	sdelay $0x4  }
0x63b: {  	v1 =	vadd.f32 v2, v1;
	_ =	sdelay $0x1  }
0x63c: {  	[tilespmem:s4+$0x1C750] =	vst v1;
	v1 =	vld [tilespmem:s4+$0x18770]  }
0x63d: {  	v0 =	vld.idx.msk [tilespmem:v0+s3+$0x0], $0xffff  }
0x63e: {  	v2 =	vld [tilespmem:s4+$0x1C760];
	_ =	sdelay $0x3  }
.Ltmp15:
0x63f: {  	(pc) =	sbr.rel @p0 .LBB2_32-.Ltmp15, $4  }
0x640: {  	v2 =	vadd.f32 v2, v0  }
0x641: {  	s6 =	sshra.s32 s5, $0x2  }
0x642: {  	v0 =	vld [tilespmem:s6+$0x18700];
	[tilespmem:s4+$0x1C760] =	vst v2  }
0x643: {  	s5 =	sadd.s32 $0x200, s5;
	v1 =	vld.idx.msk [tilespmem:v1+s3+$0x0], $0xffff  }
0x644: {  	v2 =	vld [tilespmem:s4+$0x1C770];
	_ =	sdelay $0x4  }
0x645: {  	v1 =	vadd.f32 v2, v1;
	_ =	sdelay $0x1  }
0x646: {  	v47 =	vld [tilespmem:s6+$0x18710];
	[tilespmem:s4+$0x1C770] =	vst v1  }
0x647: {  	v0 =	vld.idx.msk [tilespmem:v0+s3+$0x0], $0xffff  }
0x648: {  	v1 =	vld [tilespmem:s6+$0x1C700];
	_ =	sdelay $0x4  }
0x649: {  	v0 =	vadd.f32 v1, v0  }
0x64a: {  	v48 =	vld [tilespmem:s6+$0x1C710]  }
0x64b: {  	v49 =	vld [tilespmem:s6+$0x18720];
	[tilespmem:s6+$0x1C700] =	vst v0  }
0x64c: {  	v0 =	vld.idx.msk [tilespmem:v47+s3+$0x0], $0xffff;
	_ =	sdelay $0x4  }
0x64d: {  	v0 =	vadd.f32 v48, v0  }
0x64e: {  	v50 =	vld [tilespmem:s6+$0x18730]  }
0x64f: {  	v52 =	vld [tilespmem:s6+$0x1C720];
	[tilespmem:s6+$0x1C710] =	vst v0  }
0x650: {  	v51 =	vld.idx.msk [tilespmem:v49+s3+$0x0], $0xffff;
	_ =	sdelay $0x4  }
0x651: {  	v1 =	vadd.f32 v52, v51  }
0x652: {  	v53 =	vld [tilespmem:s6+$0x1C730]  }
0x653: {  	v54 =	vld [tilespmem:s6+$0x18740];
	[tilespmem:s6+$0x1C720] =	vst v1  }
0x654: {  	v0 =	vld.idx.msk [tilespmem:v50+s3+$0x0], $0xffff;
	_ =	sdelay $0x4  }
0x655: {  	v0 =	vadd.f32 v53, v0  }
0x656: {  	v55 =	vld [tilespmem:s6+$0x18750]  }
0x657: {  	v57 =	vld [tilespmem:s6+$0x1C740];
	[tilespmem:s6+$0x1C730] =	vst v0  }
0x658: {  	v56 =	vld.idx.msk [tilespmem:v54+s3+$0x0], $0xffff;
	_ =	sdelay $0x4  }
0x659: {  	v1 =	vadd.f32 v57, v56  }
0x65a: {  	v58 =	vld [tilespmem:s6+$0x1C750]  }
0x65b: {  	v59 =	vld [tilespmem:s6+$0x18760];
	[tilespmem:s6+$0x1C740] =	vst v1  }
0x65c: {  	v0 =	vld.idx.msk [tilespmem:v55+s3+$0x0], $0xffff;
	_ =	sdelay $0x4  }
0x65d: {  	v0 =	vadd.f32 v58, v0  }
0x65e: {  	v60 =	vld [tilespmem:s6+$0x18770]  }
0x65f: {  	v62 =	vld [tilespmem:s6+$0x1C760];
	[tilespmem:s6+$0x1C750] =	vst v0  }
0x660: {  	v61 =	vld.idx.msk [tilespmem:v59+s3+$0x0], $0xffff;
	_ =	sdelay $0x4  }
0x661: {  	v1 =	vadd.f32 v62, v61;
	_ =	sdelay $0x1  }
0x662: {  	v63 =	vld [tilespmem:s6+$0x1C770];
	[tilespmem:s6+$0x1C760] =	vst v1  }
0x663: {  	v0 =	vld.idx.msk [tilespmem:v60+s3+$0x0], $0xffff;
	_ =	sdelay $0x4  }
0x664: {  	s1 =	sadd.s32 $0x1, s1;
	v0 =	vadd.f32 v63, v0  }
0x665: {  	p0 =	sne.s32 s1, s25  }
.Ltmp16:
0x666: {  	[tilespmem:s6+$0x1C770] =	vst v0;
	s6 =	simm.s32 $0x1A700;
	(pc) =	sbr.rel @p0 .LBB2_1-.Ltmp16, $4  }
0x667: {  	[hbm4b:s23+s30] =	stream.strided.scatter [tilespmem:s6], [sflag:$0x1], $0x4000, s31, s30, $0x38;
	[tilespmem:$0x1E700] =	vst v63  }
0x668: {  	_ =	swait.ge [sflag:s0], $0x4000  }
0x669: {  	[sflag:s0] =	ssyncset.done $0x0  }
0x66a: {  	[sflag:s0] =	ssyncadd.s32 $0xFFFFC000  }
0x66b: {  	_ =	sfence.sel $0x180000  }
0x66c: {  	[bflag:$0x0] =	sbarrier.arrive $0xFFFF  }
0x66d: {  	_ =	strace $0x90000047  }
0x66e: {  	s0 =	stileid.u32;
	[bflag:$0x2] =	sbarrier.arrive $0xFFFF  }
0x66f: {  	p0 =	sne.s32 s0, $0x0;
	s0 =	rddreg [dreg:$0x3]  }
0x670: {  	s0 =	sadd.s32 @!p0 $0x100000, s0  }
0x671: {  	[sflag:s0] =	ssyncadd.tile.s32 @!p0 $0x1;
	_ =	shalt  }
.Lfunc_end2:
_tile_overlayer_lowered:
.L_overlay_start_2:
0x672: {  	(tag) =	ssettag $0x2  }
0x673: {  	s0 =	rddreg [dreg:$0x0];
	s2 =	stileid.u32  }
0x674: {  	s1 =	rddreg [dreg:$0x1];
	p0 =	sne.s32 s2, $0x0  }
0x675: {  	s3 =	rddreg [dreg:$0x2];
	[bflag:$0x3] =	sbarrier.arrive $0xFFFF;
	s2 =	simm.s32 @!p0 $0x1C01  }
0x676: {  	[timem:s3], [sflag:s2] =	dma.local @!p0 [hbm:s0], s1  }
0x677: {  	s0 =	simm.s32 @!p0 $0x1  }
0x678: {  	_ =	swait.ge @!p0 [sflag:s0], s1  }
0x679: {  	s1 =	ssub.s32 @!p0 $0x0, s1;
	[sflag:s0] =	ssyncset.done @!p0 $0x0  }
0x67a: {  	[sflag:s0] =	ssyncadd.s32 @!p0 s1  }
0x67b: {  	[bflag:$0x3] =	sbarrier.arrive $0xFFFF  }
0x67c: {  	_ =	shalt  }

</sc_bundles>
